<compile_context>
chip_gen: v7x
topology: tpu7x:2x2x1
jax: 0.10.2.dev20260603
libtpu: 0.0.44.dev20260713+nightly
codegen_flags: <defaults>
</compile_context>

<pallas_src>
import functools
import math

import jax
import jax.numpy as jnp
from jax import lax
from jax.experimental import pallas as pl
from jax.experimental.pallas import tpu as pltpu
from jax.experimental.pallas import tpu_sc as plsc

N = 10000
NP = 10240
E = 320000
CH = 128
NWIN = E // CH
WBASE = 80
NLAST = NWIN - 31 * WBASE
PHW = 40
PH = WBASE // PHW
RPT = NP // 16
D = 128
BLK = 512
GRID = NP // BLK
BN_C = 1.0 / math.sqrt(1.0 + 1e-5)

_MESH = plsc.VectorSubcoreMesh(core_axis_name="c", subcore_axis_name="s")



def _stage_windows(edge_hbm, buf, w, p):

    @pl.when(w < 31)
    def _():
        pltpu.sync_copy(edge_hbm.at[pl.ds(w * WBASE + p * PHW, PHW)], buf)

    if p == 0:

        @pl.when(w == 31)
        def _():
            pltpu.sync_copy(edge_hbm.at[pl.ds(31 * WBASE, NLAST)],
                            buf.at[pl.ds(0, NLAST)])


def _zero_rows(zbuf, acc, base):
    width = zbuf.shape[1]

    @pl.loop(0, CH)
    def _(r):
        row = zbuf.at[r]
        for k in range(width // 16):
            row[pl.ds(k * 16, 16)] = jnp.zeros((16,), jnp.float32)

    for t in range(RPT // CH):
        pltpu.sync_copy(zbuf, acc.at[pl.ds(base + t * CH, CH)])


@functools.partial(
    pl.kernel,
    out_type=jax.ShapeDtypeStruct((2, NP, D), jnp.float32),
    mesh=_MESH,
    scratch_types=[
        pltpu.VMEM((PHW, CH), jnp.int32),
        pltpu.VMEM((PHW, CH), jnp.int32),
        pltpu.VMEM((2, CH, D), jnp.float32),
        pltpu.VMEM_SHARED((NP, D), jnp.float32),
        pltpu.SemaphoreType.DMA,
    ],
)
def _agg(edge_hbm, tab_hbm, out_hbm, src_v, dst_v, gbuf, acc, gsem):
    c = lax.axis_index("c")
    s = lax.axis_index("s")
    w = s * 2 + c
    nw = jnp.where(w < 31, WBASE, NLAST)
    base = s * RPT
    _zero_rows(gbuf.at[0], acc, base)
    plsc.subcore_barrier()

    for p in range(PH):
        _stage_windows(edge_hbm.at[0], src_v, w, p)
        _stage_windows(edge_hbm.at[1], dst_v, w, p)
        nph = jnp.clip(nw - p * PHW, 0, PHW)

        @pl.when(nph > 0)
        def _(nph=nph):
            pltpu.async_copy(tab_hbm.at[src_v.at[0]], gbuf.at[0], gsem)

            @pl.when(nph > 1)
            def _():
                pltpu.async_copy(tab_hbm.at[src_v.at[1]], gbuf.at[1], gsem)

            @pl.loop(0, nph)
            def _(j):
                b = j % 2
                pltpu.make_async_copy(tab_hbm.at[src_v.at[j]], gbuf.at[b],
                                      gsem).wait()
                pltpu.sync_copy(gbuf.at[b], acc.at[dst_v.at[j]], add=True)

                @pl.when(j + 2 < nph)
                def _():
                    pltpu.async_copy(tab_hbm.at[src_v.at[j + 2]],
                                     gbuf.at[b], gsem)

    plsc.subcore_barrier()
    pltpu.sync_copy(acc.at[pl.ds(base, RPT)],
                    out_hbm.at[c].at[pl.ds(base, RPT)])


@functools.partial(
    pl.kernel,
    out_type=jax.ShapeDtypeStruct((2, NP, D), jnp.float32),
    mesh=_MESH,
    scratch_types=[
        pltpu.VMEM((PHW, CH), jnp.int32),
        pltpu.VMEM((2, CH, D), jnp.float32),
        pltpu.VMEM_SHARED((NP, D), jnp.float32),
    ],
)
def _deg_kernel(edge_hbm, out_hbm, dst_v, obuf, acc):
    c = lax.axis_index("c")
    s = lax.axis_index("s")
    w = s * 2 + c
    nw = jnp.where(w < 31, WBASE, NLAST)
    base = s * RPT

    @pl.loop(0, CH)
    def _(r):
        for k in range(D // 16):
            obuf.at[0].at[r][pl.ds(k * 16, 16)] = jnp.zeros((16,), jnp.float32)
            obuf.at[1].at[r][pl.ds(k * 16, 16)] = jnp.ones((16,), jnp.float32)

    for t in range(RPT // CH):
        pltpu.sync_copy(obuf.at[0], acc.at[pl.ds(base + t * CH, CH)])
    plsc.subcore_barrier()

    ones = obuf.at[1]
    for p in range(PH):
        _stage_windows(edge_hbm.at[1], dst_v, w, p)
        nph = jnp.clip(nw - p * PHW, 0, PHW)

        @pl.loop(0, nph)
        def _(j):
            pltpu.sync_copy(ones, acc.at[dst_v.at[j]], add=True)

    plsc.subcore_barrier()
    pltpu.sync_copy(acc.at[pl.ds(base, RPT)],
                    out_hbm.at[c].at[pl.ds(base, RPT)])



def _dinv_block(deg_ref, i):
    deg = deg_ref[0, :, :] + deg_ref[1, :, :] + 1.0
    rows = i * BLK + lax.broadcasted_iota(jnp.int32, (BLK, D), 0)
    dinv = jnp.where(rows < N, lax.rsqrt(deg), 0.0)
    return dinv[:, 0:1]


def _tc1_body(deg_ref, x_ref, w_ref, p_ref):
    i = pl.program_id(0)
    dinv = _dinv_block(deg_ref, i)
    h = jnp.dot(x_ref[...], w_ref[...], preferred_element_type=jnp.float32)
    rows = i * BLK + lax.broadcasted_iota(jnp.int32, (BLK, 1), 0)
    p_ref[...] = jnp.where(rows < N, h * dinv, 0.0)


def _tc_mid_body(deg_ref, s_ref, p_ref, w_ref, b_ref, g_ref, be_ref, o_ref):
    dinv = _dinv_block(deg_ref, pl.program_id(0))
    conv = (s_ref[0] + s_ref[1] + p_ref[...]) * dinv + b_ref[...]
    a = jnp.maximum(conv * (g_ref[...] * BN_C) + be_ref[...], 0.0)
    o_ref[...] = jnp.dot(a, w_ref[...],
                         preferred_element_type=jnp.float32) * dinv


def _tc3_body(deg_ref, s_ref, p_ref, b_ref, g_ref, be_ref, o_ref):
    dinv = _dinv_block(deg_ref, pl.program_id(0))
    conv = (s_ref[0] + s_ref[1] + p_ref[...]) * dinv + b_ref[...]
    a = jnp.maximum(conv * (g_ref[...] * BN_C) + be_ref[...], 0.0)
    o_ref[...] = a * dinv


def _tc_out_body(deg_ref, s_ref, p_ref, w_ref, b_ref, o_ref):
    dinv = _dinv_block(deg_ref, pl.program_id(0))
    agg = (s_ref[0] + s_ref[1] + p_ref[...]) * dinv
    conv = jnp.dot(agg, w_ref[...],
                   preferred_element_type=jnp.float32) + b_ref[...]
    m = jnp.max(conv, axis=1, keepdims=True)
    lse = jnp.log(jnp.sum(jnp.exp(conv - m), axis=1, keepdims=True)) + m
    o_ref[...] = conv - lse


def _deg_spec():
    return pl.BlockSpec((2, BLK, D), lambda i: (0, i, 0))


def _s_spec():
    return pl.BlockSpec((2, BLK, D), lambda i: (0, i, 0))


def _p_spec():
    return pl.BlockSpec((BLK, D), lambda i: (i, 0))


def _full_spec(r, c):
    return pl.BlockSpec((r, c), lambda i: (0, 0))


def _tc1(degp, x, w1):
    return pl.pallas_call(
        _tc1_body,
        grid=(GRID,),
        in_specs=[_deg_spec(), _p_spec(), _full_spec(D, D)],
        out_specs=_p_spec(),
        out_shape=jax.ShapeDtypeStruct((NP, D), jnp.float32),
    )(degp, x, w1)


def _tc_mid(degp, s_in, p_in, w, b, g, be):
    return pl.pallas_call(
        _tc_mid_body,
        grid=(GRID,),
        in_specs=[_deg_spec(), _s_spec(), _p_spec(), _full_spec(D, D),
                  _full_spec(1, D), _full_spec(1, D), _full_spec(1, D)],
        out_specs=_p_spec(),
        out_shape=jax.ShapeDtypeStruct((NP, D), jnp.float32),
    )(degp, s_in, p_in, w, b, g, be)


def _tc3(degp, s_in, p_in, b, g, be):
    return pl.pallas_call(
        _tc3_body,
        grid=(GRID,),
        in_specs=[_deg_spec(), _s_spec(), _p_spec(),
                  _full_spec(1, D), _full_spec(1, D), _full_spec(1, D)],
        out_specs=_p_spec(),
        out_shape=jax.ShapeDtypeStruct((NP, D), jnp.float32),
    )(degp, s_in, p_in, b, g, be)


def _tc_out(degp, s_in, p_in, w3, b3):
    return pl.pallas_call(
        _tc_out_body,
        grid=(GRID,),
        in_specs=[_deg_spec(), _s_spec(), _p_spec(), _full_spec(D, 64),
                  _full_spec(1, 64)],
        out_specs=pl.BlockSpec((BLK, 64), lambda i: (i, 0)),
        out_shape=jax.ShapeDtypeStruct((N, 64), jnp.float32),
    )(degp, s_in, p_in, w3, b3)



def kernel(x, edge_index, W1, b1, g1, be1, W2, b2, g2, be2, W3, b3):
    edges = edge_index.astype(jnp.int32).reshape(2, NWIN, CH)
    b1r, g1r, be1r = b1.reshape(1, -1), g1.reshape(1, -1), be1.reshape(1, -1)
    b2r, g2r, be2r = b2.reshape(1, -1), g2.reshape(1, -1), be2.reshape(1, -1)
    b3r = b3.reshape(1, -1)

    degp = _deg_kernel(edges)
    p1 = _tc1(degp, x, W1)
    s1 = _agg(edges, p1)
    p2 = _tc_mid(degp, s1, p1, W2, b1r, g1r, be1r)
    s2 = _agg(edges, p2)
    p3 = _tc3(degp, s2, p2, b2r, g2r, be2r)
    s3 = _agg(edges, p3)
    out = _tc_out(degp, s3, p3, W3, b3r)
    return out

# --- scband reference (transcript-rebuilt; emitter-appended) ---
"""Pipeline reference for scband-gcn-19859928777021 (READ-ONLY COPY).

The authoritative reference and input builder live on the scoring server;
editing this copy changes nothing except your own understanding.
"""

import jax, jax.numpy as jnp
import numpy as np

N_NODES = 10000
N_EDGES = 320000
D_IN = 128
D_HID = 128
D_OUT = 64


def setup_inputs(seed: int = 0) -> dict:
    key = jax.random.key(seed)
    ks = jax.random.split(key, 16)
    x = jax.random.normal(ks[0], (N_NODES, D_IN), dtype=jnp.float32)
    edge_index = jax.random.randint(ks[1], (2, N_EDGES), 0, N_NODES, dtype=jnp.int64) if jax.config.jax_enable_x64 else jax.random.randint(ks[1], (2, N_EDGES), 0, N_NODES, dtype=jnp.int32)
    W1 = jax.random.normal(ks[2], (D_IN, D_HID), dtype=jnp.float32) * 0.05
    b1 = jnp.zeros((D_HID,), dtype=jnp.float32)
    g1 = jnp.ones((D_HID,), dtype=jnp.float32)
    be1 = jnp.zeros((D_HID,), dtype=jnp.float32)
    W2 = jax.random.normal(ks[3], (D_HID, D_HID), dtype=jnp.float32) * 0.05
    b2 = jnp.zeros((D_HID,), dtype=jnp.float32)
    g2 = jnp.ones((D_HID,), dtype=jnp.float32)
    be2 = jnp.zeros((D_HID,), dtype=jnp.float32)
    W3 = jax.random.normal(ks[4], (D_HID, D_OUT), dtype=jnp.float32) * 0.05
    b3 = jnp.zeros((D_OUT,), dtype=jnp.float32)
    return {"x": x, "edge_index": edge_index, "W1": W1, "b1": b1, "g1": g1, "be1": be1, "W2": W2, "b2": b2, "g2": g2, "be2": be2, "W3": W3, "b3": b3}


def _gcn_conv(x, src, dst, W, b, n):
    # PyG GCNConv with add_self_loops (already appended to src/dst) and symmetric normalization
    deg = jnp.zeros((n,), x.dtype).at[dst].add(1.0)
    dinv = jnp.where(deg > 0, 1.0 / jnp.sqrt(deg), 0.0)
    norm = dinv[src] * dinv[dst]
    h = x @ W
    msg = h[src] * norm[:, None]
    out = jnp.zeros((n, W.shape[1]), x.dtype).at[dst].add(msg)
    return out + b


def _bn_eval(h, g, be):
    # BatchNorm in eval mode with running_mean=0, running_var=1 (PyG BatchNorm defaults), eps=1e-5
    return h / jnp.sqrt(1.0 + 1e-5) * g + be


def reference(x, edge_index, W1, b1, g1, be1, W2, b2, g2, be2, W3, b3):
    n = x.shape[0]
    loop = jnp.arange(n, dtype=edge_index.dtype)
    src = jnp.concatenate([edge_index[0], loop])
    dst = jnp.concatenate([edge_index[1], loop])
    h = _gcn_conv(x, src, dst, W1, b1, n)
    h = jax.nn.relu(_bn_eval(h, g1, be1))
    # dropout: identity in eval mode
    h = _gcn_conv(h, src, dst, W2, b2, n)
    h = jax.nn.relu(_bn_eval(h, g2, be2))
    h = _gcn_conv(h, src, dst, W3, b3, n)
    return jax.nn.log_softmax(h, axis=1)

if __name__ == "__main__":
    import jax
    _d = setup_inputs()
    print(jax.jit(kernel)(*tuple(_d.values())))

</pallas_src>

<mosaic_0001>
#map = affine_map<(d0, d1) -> (0, 0, 0)>
#map1 = affine_map<(d0, d1) -> (0, 0)>
module attributes {stable_mosaic.version = 14 : i64} {
  func.func @_agg(%arg0: i32, %arg1: i32, %arg2: memref<2x2500x128xi32, #tpu.memory_space<hbm>>, %arg3: memref<10240x128xf32, #tpu.memory_space<hbm>>, %arg4: memref<2x10240x128xf32, #tpu.memory_space<hbm>>, %arg5: memref<40x128xi32, #tpu.memory_space<vmem>>, %arg6: memref<40x128xi32, #tpu.memory_space<vmem>>, %arg7: memref<2x128x128xf32, #tpu.memory_space<vmem>>, %arg8: memref<10240x128xf32, #tpu.memory_space<vmem_shared>>, %arg9: memref<!tpu.dma_semaphore, #tpu.memory_space<semaphore_mem>>) attributes {dimension_semantics = [#tpu.dimension_semantics<core_parallel>, #tpu.dimension_semantics<subcore_parallel>], iteration_bounds = array<i64: 2, 16>, scalar_prefetch = 0 : i64, scratch_operands = 5 : i64, tpu.core_type = #tpu.core_type<sc_vector_subcore>, window_params = [{transform_indices = #map}, {transform_indices = #map1}, {transform_indices = #map}]} {
    %mul3A = arith.constant 2 : i32
    %mul3A_0 = arith.muli %arg1, %mul3A : i32
    %add3A = arith.addi %mul3A_0, %arg0 : i32
    %lt3A = arith.constant 31 : i32
    %lt3A_1 = arith.cmpi slt, %add3A, %lt3A : i32
    %jit3A = arith.constant 80 : i32
    %jit3A_2 = arith.constant 20 : i32
    %select_n3A = arith.select %lt3A_1, %jit3A, %jit3A_2 : i32
    %mul3A_3 = arith.constant 640 : i32
    %mul3A_4 = arith.muli %arg1, %mul3A_3 : i32
    %scan3A = arith.constant 0 : i32
    %scan3A_5 = arith.constant 0 : i32
    %scan3A_6 = arith.constant 128 : i32
    %scan3A_7 = arith.addi %scan3A_5, %scan3A_6 : i32
    %scan3A_8 = arith.constant 1 : i32
    scf.for %scan3A_76 = %scan3A_5 to %scan3A_7 step %scan3A_8  : i32 {
      %mul3A_77 = arith.constant 1 : i32
      %mul3A_78 = arith.muli %scan3A_76, %mul3A_77 : i32
      %add3A_79 = arith.constant 0 : i32
      %add3A_80 = arith.addi %add3A_79, %mul3A_78 : i32
      %broadcast_in_dim3A = arith.constant 0.000000e+00 : f32
      %broadcast_in_dim3A_81 = vector.broadcast %broadcast_in_dim3A : f32 to vector<16xf32>
      %swap3A = arith.constant 0 : i32
      %swap3A_82 = arith.constant 0 : i32
      %swap3A_83 = tpu.memref_slice %arg7[%scan3A, %swap3A, %swap3A_82] : memref<2x128x128xf32, #tpu.memory_space<vmem>> -> memref<1x128x128xf32, #tpu.memory_space<vmem>>
      %swap3A_84 = tpu.memref_squeeze %swap3A_83 : memref<1x128x128xf32, #tpu.memory_space<vmem>> -> memref<128x128xf32, #tpu.memory_space<vmem>>
      %swap3A_85 = arith.constant 0 : i32
      %swap3A_86 = tpu.memref_slice %swap3A_84[%add3A_80, %swap3A_85] : memref<128x128xf32, #tpu.memory_space<vmem>> -> memref<1x128xf32, #tpu.memory_space<vmem>>
      %swap3A_87 = tpu.memref_squeeze %swap3A_86 : memref<1x128xf32, #tpu.memory_space<vmem>> -> memref<128xf32, #tpu.memory_space<vmem>>
      %swap3A_88 = arith.constant 0 : index
      %swap3A_89 = tpu.vector_load %swap3A_87[%swap3A_88] {strides = array<i32>} : memref<128xf32, #tpu.memory_space<vmem>>, vector<16xf32>,
      %swap3A_90 = vector.shape_cast %swap3A_89 : vector<16xf32> to vector<16xf32>
      %swap3A_91 = vector.shape_cast %broadcast_in_dim3A_81 : vector<16xf32> to vector<16xf32>
      tpu.vector_store %swap3A_87[%swap3A_88], %swap3A_91 {strides = array<i32>} : memref<128xf32, #tpu.memory_space<vmem>>, vector<16xf32>,
      %broadcast_in_dim3A_92 = arith.constant 0.000000e+00 : f32
      %broadcast_in_dim3A_93 = vector.broadcast %broadcast_in_dim3A_92 : f32 to vector<16xf32>
      %swap3A_94 = arith.constant 0 : i32
      %swap3A_95 = arith.constant 0 : i32
      %swap3A_96 = tpu.memref_slice %arg7[%scan3A, %swap3A_94, %swap3A_95] : memref<2x128x128xf32, #tpu.memory_space<vmem>> -> memref<1x128x128xf32, #tpu.memory_space<vmem>>
      %swap3A_97 = tpu.memref_squeeze %swap3A_96 : memref<1x128x128xf32, #tpu.memory_space<vmem>> -> memref<128x128xf32, #tpu.memory_space<vmem>>
      %swap3A_98 = arith.constant 0 : i32
      %swap3A_99 = tpu.memref_slice %swap3A_97[%add3A_80, %swap3A_98] : memref<128x128xf32, #tpu.memory_space<vmem>> -> memref<1x128xf32, #tpu.memory_space<vmem>>
      %swap3A_100 = tpu.memref_squeeze %swap3A_99 : memref<1x128xf32, #tpu.memory_space<vmem>> -> memref<128xf32, #tpu.memory_space<vmem>>
      %swap3A_101 = arith.constant 16 : index
      %swap3A_102 = tpu.vector_load %swap3A_100[%swap3A_101] {strides = array<i32>} : memref<128xf32, #tpu.memory_space<vmem>>, vector<16xf32>,
      %swap3A_103 = vector.shape_cast %swap3A_102 : vector<16xf32> to vector<16xf32>
      %swap3A_104 = vector.shape_cast %broadcast_in_dim3A_93 : vector<16xf32> to vector<16xf32>
      tpu.vector_store %swap3A_100[%swap3A_101], %swap3A_104 {strides = array<i32>} : memref<128xf32, #tpu.memory_space<vmem>>, vector<16xf32>,
      %broadcast_in_dim3A_105 = arith.constant 0.000000e+00 : f32
      %broadcast_in_dim3A_106 = vector.broadcast %broadcast_in_dim3A_105 : f32 to vector<16xf32>
      %swap3A_107 = arith.constant 0 : i32
      %swap3A_108 = arith.constant 0 : i32
      %swap3A_109 = tpu.memref_slice %arg7[%scan3A, %swap3A_107, %swap3A_108] : memref<2x128x128xf32, #tpu.memory_space<vmem>> -> memref<1x128x128xf32, #tpu.memory_space<vmem>>
      %swap3A_110 = tpu.memref_squeeze %swap3A_109 : memref<1x128x128xf32, #tpu.memory_space<vmem>> -> memref<128x128xf32, #tpu.memory_space<vmem>>
      %swap3A_111 = arith.constant 0 : i32
      %swap3A_112 = tpu.memref_slice %swap3A_110[%add3A_80, %swap3A_111] : memref<128x128xf32, #tpu.memory_space<vmem>> -> memref<1x128xf32, #tpu.memory_space<vmem>>
      %swap3A_113 = tpu.memref_squeeze %swap3A_112 : memref<1x128xf32, #tpu.memory_space<vmem>> -> memref<128xf32, #tpu.memory_space<vmem>>
      %swap3A_114 = arith.constant 32 : index
      %swap3A_115 = tpu.vector_load %swap3A_113[%swap3A_114] {strides = array<i32>} : memref<128xf32, #tpu.memory_space<vmem>>, vector<16xf32>,
      %swap3A_116 = vector.shape_cast %swap3A_115 : vector<16xf32> to vector<16xf32>
      %swap3A_117 = vector.shape_cast %broadcast_in_dim3A_106 : vector<16xf32> to vector<16xf32>
      tpu.vector_store %swap3A_113[%swap3A_114], %swap3A_117 {strides = array<i32>} : memref<128xf32, #tpu.memory_space<vmem>>, vector<16xf32>,
      %broadcast_in_dim3A_118 = arith.constant 0.000000e+00 : f32
      %broadcast_in_dim3A_119 = vector.broadcast %broadcast_in_dim3A_118 : f32 to vector<16xf32>
      %swap3A_120 = arith.constant 0 : i32
      %swap3A_121 = arith.constant 0 : i32
      %swap3A_122 = tpu.memref_slice %arg7[%scan3A, %swap3A_120, %swap3A_121] : memref<2x128x128xf32, #tpu.memory_space<vmem>> -> memref<1x128x128xf32, #tpu.memory_space<vmem>>
      %swap3A_123 = tpu.memref_squeeze %swap3A_122 : memref<1x128x128xf32, #tpu.memory_space<vmem>> -> memref<128x128xf32, #tpu.memory_space<vmem>>
      %swap3A_124 = arith.constant 0 : i32
      %swap3A_125 = tpu.memref_slice %swap3A_123[%add3A_80, %swap3A_124] : memref<128x128xf32, #tpu.memory_space<vmem>> -> memref<1x128xf32, #tpu.memory_space<vmem>>
      %swap3A_126 = tpu.memref_squeeze %swap3A_125 : memref<1x128xf32, #tpu.memory_space<vmem>> -> memref<128xf32, #tpu.memory_space<vmem>>
      %swap3A_127 = arith.constant 48 : index
      %swap3A_128 = tpu.vector_load %swap3A_126[%swap3A_127] {strides = array<i32>} : memref<128xf32, #tpu.memory_space<vmem>>, vector<16xf32>,
      %swap3A_129 = vector.shape_cast %swap3A_128 : vector<16xf32> to vector<16xf32>
      %swap3A_130 = vector.shape_cast %broadcast_in_dim3A_119 : vector<16xf32> to vector<16xf32>
      tpu.vector_store %swap3A_126[%swap3A_127], %swap3A_130 {strides = array<i32>} : memref<128xf32, #tpu.memory_space<vmem>>, vector<16xf32>,
      %broadcast_in_dim3A_131 = arith.constant 0.000000e+00 : f32
      %broadcast_in_dim3A_132 = vector.broadcast %broadcast_in_dim3A_131 : f32 to vector<16xf32>
      %swap3A_133 = arith.constant 0 : i32
      %swap3A_134 = arith.constant 0 : i32
      %swap3A_135 = tpu.memref_slice %arg7[%scan3A, %swap3A_133, %swap3A_134] : memref<2x128x128xf32, #tpu.memory_space<vmem>> -> memref<1x128x128xf32, #tpu.memory_space<vmem>>
      %swap3A_136 = tpu.memref_squeeze %swap3A_135 : memref<1x128x128xf32, #tpu.memory_space<vmem>> -> memref<128x128xf32, #tpu.memory_space<vmem>>
      %swap3A_137 = arith.constant 0 : i32
      %swap3A_138 = tpu.memref_slice %swap3A_136[%add3A_80, %swap3A_137] : memref<128x128xf32, #tpu.memory_space<vmem>> -> memref<1x128xf32, #tpu.memory_space<vmem>>
      %swap3A_139 = tpu.memref_squeeze %swap3A_138 : memref<1x128xf32, #tpu.memory_space<vmem>> -> memref<128xf32, #tpu.memory_space<vmem>>
      %swap3A_140 = arith.constant 64 : index
      %swap3A_141 = tpu.vector_load %swap3A_139[%swap3A_140] {strides = array<i32>} : memref<128xf32, #tpu.memory_space<vmem>>, vector<16xf32>,
      %swap3A_142 = vector.shape_cast %swap3A_141 : vector<16xf32> to vector<16xf32>
      %swap3A_143 = vector.shape_cast %broadcast_in_dim3A_132 : vector<16xf32> to vector<16xf32>
      tpu.vector_store %swap3A_139[%swap3A_140], %swap3A_143 {strides = array<i32>} : memref<128xf32, #tpu.memory_space<vmem>>, vector<16xf32>,
      %broadcast_in_dim3A_144 = arith.constant 0.000000e+00 : f32
      %broadcast_in_dim3A_145 = vector.broadcast %broadcast_in_dim3A_144 : f32 to vector<16xf32>
      %swap3A_146 = arith.constant 0 : i32
      %swap3A_147 = arith.constant 0 : i32
      %swap3A_148 = tpu.memref_slice %arg7[%scan3A, %swap3A_146, %swap3A_147] : memref<2x128x128xf32, #tpu.memory_space<vmem>> -> memref<1x128x128xf32, #tpu.memory_space<vmem>>
      %swap3A_149 = tpu.memref_squeeze %swap3A_148 : memref<1x128x128xf32, #tpu.memory_space<vmem>> -> memref<128x128xf32, #tpu.memory_space<vmem>>
      %swap3A_150 = arith.constant 0 : i32
      %swap3A_151 = tpu.memref_slice %swap3A_149[%add3A_80, %swap3A_150] : memref<128x128xf32, #tpu.memory_space<vmem>> -> memref<1x128xf32, #tpu.memory_space<vmem>>
      %swap3A_152 = tpu.memref_squeeze %swap3A_151 : memref<1x128xf32, #tpu.memory_space<vmem>> -> memref<128xf32, #tpu.memory_space<vmem>>
      %swap3A_153 = arith.constant 80 : index
      %swap3A_154 = tpu.vector_load %swap3A_152[%swap3A_153] {strides = array<i32>} : memref<128xf32, #tpu.memory_space<vmem>>, vector<16xf32>,
      %swap3A_155 = vector.shape_cast %swap3A_154 : vector<16xf32> to vector<16xf32>
      %swap3A_156 = vector.shape_cast %broadcast_in_dim3A_145 : vector<16xf32> to vector<16xf32>
      tpu.vector_store %swap3A_152[%swap3A_153], %swap3A_156 {strides = array<i32>} : memref<128xf32, #tpu.memory_space<vmem>>, vector<16xf32>,
      %broadcast_in_dim3A_157 = arith.constant 0.000000e+00 : f32
      %broadcast_in_dim3A_158 = vector.broadcast %broadcast_in_dim3A_157 : f32 to vector<16xf32>
      %swap3A_159 = arith.constant 0 : i32
      %swap3A_160 = arith.constant 0 : i32
      %swap3A_161 = tpu.memref_slice %arg7[%scan3A, %swap3A_159, %swap3A_160] : memref<2x128x128xf32, #tpu.memory_space<vmem>> -> memref<1x128x128xf32, #tpu.memory_space<vmem>>
      %swap3A_162 = tpu.memref_squeeze %swap3A_161 : memref<1x128x128xf32, #tpu.memory_space<vmem>> -> memref<128x128xf32, #tpu.memory_space<vmem>>
      %swap3A_163 = arith.constant 0 : i32
      %swap3A_164 = tpu.memref_slice %swap3A_162[%add3A_80, %swap3A_163] : memref<128x128xf32, #tpu.memory_space<vmem>> -> memref<1x128xf32, #tpu.memory_space<vmem>>
      %swap3A_165 = tpu.memref_squeeze %swap3A_164 : memref<1x128xf32, #tpu.memory_space<vmem>> -> memref<128xf32, #tpu.memory_space<vmem>>
      %swap3A_166 = arith.constant 96 : index
      %swap3A_167 = tpu.vector_load %swap3A_165[%swap3A_166] {strides = array<i32>} : memref<128xf32, #tpu.memory_space<vmem>>, vector<16xf32>,
      %swap3A_168 = vector.shape_cast %swap3A_167 : vector<16xf32> to vector<16xf32>
      %swap3A_169 = vector.shape_cast %broadcast_in_dim3A_158 : vector<16xf32> to vector<16xf32>
      tpu.vector_store %swap3A_165[%swap3A_166], %swap3A_169 {strides = array<i32>} : memref<128xf32, #tpu.memory_space<vmem>>, vector<16xf32>,
      %broadcast_in_dim3A_170 = arith.constant 0.000000e+00 : f32
      %broadcast_in_dim3A_171 = vector.broadcast %broadcast_in_dim3A_170 : f32 to vector<16xf32>
      %swap3A_172 = arith.constant 0 : i32
      %swap3A_173 = arith.constant 0 : i32
      %swap3A_174 = tpu.memref_slice %arg7[%scan3A, %swap3A_172, %swap3A_173] : memref<2x128x128xf32, #tpu.memory_space<vmem>> -> memref<1x128x128xf32, #tpu.memory_space<vmem>>
      %swap3A_175 = tpu.memref_squeeze %swap3A_174 : memref<1x128x128xf32, #tpu.memory_space<vmem>> -> memref<128x128xf32, #tpu.memory_space<vmem>>
      %swap3A_176 = arith.constant 0 : i32
      %swap3A_177 = tpu.memref_slice %swap3A_175[%add3A_80, %swap3A_176] : memref<128x128xf32, #tpu.memory_space<vmem>> -> memref<1x128xf32, #tpu.memory_space<vmem>>
      %swap3A_178 = tpu.memref_squeeze %swap3A_177 : memref<1x128xf32, #tpu.memory_space<vmem>> -> memref<128xf32, #tpu.memory_space<vmem>>
      %swap3A_179 = arith.constant 112 : index
      %swap3A_180 = tpu.vector_load %swap3A_178[%swap3A_179] {strides = array<i32>} : memref<128xf32, #tpu.memory_space<vmem>>, vector<16xf32>,
      %swap3A_181 = vector.shape_cast %swap3A_180 : vector<16xf32> to vector<16xf32>
      %swap3A_182 = vector.shape_cast %broadcast_in_dim3A_171 : vector<16xf32> to vector<16xf32>
      tpu.vector_store %swap3A_178[%swap3A_179], %swap3A_182 {strides = array<i32>} : memref<128xf32, #tpu.memory_space<vmem>>, vector<16xf32>,
    }
    %scan3A_9 = arith.constant 128 : i32
    %add3A_10 = arith.constant 0 : i32
    %add3A_11 = arith.addi %mul3A_4, %add3A_10 : i32
    %run_scoped3A = arith.constant 0 : i32
    "tpu.region"() ({
      %run_scoped3A_76 = tpu.sem_alloc : memref<!tpu.dma_semaphore, #tpu.memory_space<semaphore_mem>>
      %dma_start3A = arith.constant 0 : i32
      %dma_start3A_77 = arith.constant 0 : i32
      %dma_start3A_78 = tpu.memref_slice %arg7[%run_scoped3A, %dma_start3A, %dma_start3A_77] : memref<2x128x128xf32, #tpu.memory_space<vmem>> -> memref<1x128x128xf32, #tpu.memory_space<vmem>>
      %dma_start3A_79 = tpu.memref_squeeze %dma_start3A_78 : memref<1x128x128xf32, #tpu.memory_space<vmem>> -> memref<128x128xf32, #tpu.memory_space<vmem>>
      %dma_start3A_80 = arith.constant 0 : i32
      %dma_start3A_81 = tpu.memref_slice %arg8[%add3A_11, %dma_start3A_80] : memref<10240x128xf32, #tpu.memory_space<vmem_shared>> -> memref<128x128xf32, #tpu.memory_space<vmem_shared>>
      %dma_start3A_82 = arith.constant 0 : i32
      %dma_start3A_83 = tpu.memref_slice %arg8[%add3A_11, %dma_start3A_82] : memref<10240x128xf32, #tpu.memory_space<vmem_shared>> -> memref<128x128xf32, #tpu.memory_space<vmem_shared>>
      %dma_start3A_84 = arith.constant 0 : i32
      %dma_start3A_85 = arith.constant 0 : i32
      %dma_start3A_86 = tpu.memref_slice %arg7[%run_scoped3A, %dma_start3A_84, %dma_start3A_85] : memref<2x128x128xf32, #tpu.memory_space<vmem>> -> memref<1x128x128xf32, #tpu.memory_space<vmem>>
      %dma_start3A_87 = tpu.memref_squeeze %dma_start3A_86 : memref<1x128x128xf32, #tpu.memory_space<vmem>> -> memref<128x128xf32, #tpu.memory_space<vmem>>
      tpu.enqueue_dma source(%dma_start3A_87 : memref<128x128xf32, #tpu.memory_space<vmem>>) target(%dma_start3A_83 : memref<128x128xf32, #tpu.memory_space<vmem_shared>>) target_semaphore(%run_scoped3A_76 : memref<!tpu.dma_semaphore, #tpu.memory_space<semaphore_mem>>)
      %dma_wait3A = arith.constant 0 : i32
      %dma_wait3A_88 = arith.constant 0 : i32
      %dma_wait3A_89 = tpu.memref_slice %arg7[%run_scoped3A, %dma_wait3A, %dma_wait3A_88] : memref<2x128x128xf32, #tpu.memory_space<vmem>> -> memref<1x128x128xf32, #tpu.memory_space<vmem>>
      %dma_wait3A_90 = tpu.memref_squeeze %dma_wait3A_89 : memref<1x128x128xf32, #tpu.memory_space<vmem>> -> memref<128x128xf32, #tpu.memory_space<vmem>>
      %dma_wait3A_91 = arith.constant 0 : i32
      %dma_wait3A_92 = tpu.memref_slice %arg8[%add3A_11, %dma_wait3A_91] : memref<10240x128xf32, #tpu.memory_space<vmem_shared>> -> memref<128x128xf32, #tpu.memory_space<vmem_shared>>
      %dma_wait3A_93 = arith.constant 0 : i32
      %dma_wait3A_94 = tpu.memref_slice %arg8[%add3A_11, %dma_wait3A_93] : memref<10240x128xf32, #tpu.memory_space<vmem_shared>> -> memref<128x128xf32, #tpu.memory_space<vmem_shared>>
      %dma_wait3A_95 = arith.constant 0 : i32
      %dma_wait3A_96 = arith.constant 0 : i32
      %dma_wait3A_97 = tpu.memref_slice %arg7[%run_scoped3A, %dma_wait3A_95, %dma_wait3A_96] : memref<2x128x128xf32, #tpu.memory_space<vmem>> -> memref<1x128x128xf32, #tpu.memory_space<vmem>>
      %dma_wait3A_98 = tpu.memref_squeeze %dma_wait3A_97 : memref<1x128x128xf32, #tpu.memory_space<vmem>> -> memref<128x128xf32, #tpu.memory_space<vmem>>
      tpu.wait_dma2 semaphore(%run_scoped3A_76 : memref<!tpu.dma_semaphore, #tpu.memory_space<semaphore_mem>>) src(%dma_wait3A_98 : memref<128x128xf32, #tpu.memory_space<vmem>>) dst(%dma_wait3A_94 : memref<128x128xf32, #tpu.memory_space<vmem_shared>>)
      tpu.yield
    }) : () -> ()
    %add3A_12 = arith.constant 128 : i32
    %add3A_13 = arith.addi %mul3A_4, %add3A_12 : i32
    %run_scoped3A_14 = arith.constant 0 : i32
    "tpu.region"() ({
      %run_scoped3A_76 = tpu.sem_alloc : memref<!tpu.dma_semaphore, #tpu.memory_space<semaphore_mem>>
      %dma_start3A = arith.constant 0 : i32
      %dma_start3A_77 = arith.constant 0 : i32
      %dma_start3A_78 = tpu.memref_slice %arg7[%run_scoped3A_14, %dma_start3A, %dma_start3A_77] : memref<2x128x128xf32, #tpu.memory_space<vmem>> -> memref<1x128x128xf32, #tpu.memory_space<vmem>>
      %dma_start3A_79 = tpu.memref_squeeze %dma_start3A_78 : memref<1x128x128xf32, #tpu.memory_space<vmem>> -> memref<128x128xf32, #tpu.memory_space<vmem>>
      %dma_start3A_80 = arith.constant 0 : i32
      %dma_start3A_81 = tpu.memref_slice %arg8[%add3A_13, %dma_start3A_80] : memref<10240x128xf32, #tpu.memory_space<vmem_shared>> -> memref<128x128xf32, #tpu.memory_space<vmem_shared>>
      %dma_start3A_82 = arith.constant 0 : i32
      %dma_start3A_83 = tpu.memref_slice %arg8[%add3A_13, %dma_start3A_82] : memref<10240x128xf32, #tpu.memory_space<vmem_shared>> -> memref<128x128xf32, #tpu.memory_space<vmem_shared>>
      %dma_start3A_84 = arith.constant 0 : i32
      %dma_start3A_85 = arith.constant 0 : i32
      %dma_start3A_86 = tpu.memref_slice %arg7[%run_scoped3A_14, %dma_start3A_84, %dma_start3A_85] : memref<2x128x128xf32, #tpu.memory_space<vmem>> -> memref<1x128x128xf32, #tpu.memory_space<vmem>>
      %dma_start3A_87 = tpu.memref_squeeze %dma_start3A_86 : memref<1x128x128xf32, #tpu.memory_space<vmem>> -> memref<128x128xf32, #tpu.memory_space<vmem>>
      tpu.enqueue_dma source(%dma_start3A_87 : memref<128x128xf32, #tpu.memory_space<vmem>>) target(%dma_start3A_83 : memref<128x128xf32, #tpu.memory_space<vmem_shared>>) target_semaphore(%run_scoped3A_76 : memref<!tpu.dma_semaphore, #tpu.memory_space<semaphore_mem>>)
      %dma_wait3A = arith.constant 0 : i32
      %dma_wait3A_88 = arith.constant 0 : i32
      %dma_wait3A_89 = tpu.memref_slice %arg7[%run_scoped3A_14, %dma_wait3A, %dma_wait3A_88] : memref<2x128x128xf32, #tpu.memory_space<vmem>> -> memref<1x128x128xf32, #tpu.memory_space<vmem>>
      %dma_wait3A_90 = tpu.memref_squeeze %dma_wait3A_89 : memref<1x128x128xf32, #tpu.memory_space<vmem>> -> memref<128x128xf32, #tpu.memory_space<vmem>>
      %dma_wait3A_91 = arith.constant 0 : i32
      %dma_wait3A_92 = tpu.memref_slice %arg8[%add3A_13, %dma_wait3A_91] : memref<10240x128xf32, #tpu.memory_space<vmem_shared>> -> memref<128x128xf32, #tpu.memory_space<vmem_shared>>
      %dma_wait3A_93 = arith.constant 0 : i32
      %dma_wait3A_94 = tpu.memref_slice %arg8[%add3A_13, %dma_wait3A_93] : memref<10240x128xf32, #tpu.memory_space<vmem_shared>> -> memref<128x128xf32, #tpu.memory_space<vmem_shared>>
      %dma_wait3A_95 = arith.constant 0 : i32
      %dma_wait3A_96 = arith.constant 0 : i32
      %dma_wait3A_97 = tpu.memref_slice %arg7[%run_scoped3A_14, %dma_wait3A_95, %dma_wait3A_96] : memref<2x128x128xf32, #tpu.memory_space<vmem>> -> memref<1x128x128xf32, #tpu.memory_space<vmem>>
      %dma_wait3A_98 = tpu.memref_squeeze %dma_wait3A_97 : memref<1x128x128xf32, #tpu.memory_space<vmem>> -> memref<128x128xf32, #tpu.memory_space<vmem>>
      tpu.wait_dma2 semaphore(%run_scoped3A_76 : memref<!tpu.dma_semaphore, #tpu.memory_space<semaphore_mem>>) src(%dma_wait3A_98 : memref<128x128xf32, #tpu.memory_space<vmem>>) dst(%dma_wait3A_94 : memref<128x128xf32, #tpu.memory_space<vmem_shared>>)
      tpu.yield
    }) : () -> ()
    %add3A_15 = arith.constant 256 : i32
    %add3A_16 = arith.addi %mul3A_4, %add3A_15 : i32
    %run_scoped3A_17 = arith.constant 0 : i32
    "tpu.region"() ({
      %run_scoped3A_76 = tpu.sem_alloc : memref<!tpu.dma_semaphore, #tpu.memory_space<semaphore_mem>>
      %dma_start3A = arith.constant 0 : i32
      %dma_start3A_77 = arith.constant 0 : i32
      %dma_start3A_78 = tpu.memref_slice %arg7[%run_scoped3A_17, %dma_start3A, %dma_start3A_77] : memref<2x128x128xf32, #tpu.memory_space<vmem>> -> memref<1x128x128xf32, #tpu.memory_space<vmem>>
      %dma_start3A_79 = tpu.memref_squeeze %dma_start3A_78 : memref<1x128x128xf32, #tpu.memory_space<vmem>> -> memref<128x128xf32, #tpu.memory_space<vmem>>
      %dma_start3A_80 = arith.constant 0 : i32
      %dma_start3A_81 = tpu.memref_slice %arg8[%add3A_16, %dma_start3A_80] : memref<10240x128xf32, #tpu.memory_space<vmem_shared>> -> memref<128x128xf32, #tpu.memory_space<vmem_shared>>
      %dma_start3A_82 = arith.constant 0 : i32
      %dma_start3A_83 = tpu.memref_slice %arg8[%add3A_16, %dma_start3A_82] : memref<10240x128xf32, #tpu.memory_space<vmem_shared>> -> memref<128x128xf32, #tpu.memory_space<vmem_shared>>
      %dma_start3A_84 = arith.constant 0 : i32
      %dma_start3A_85 = arith.constant 0 : i32
      %dma_start3A_86 = tpu.memref_slice %arg7[%run_scoped3A_17, %dma_start3A_84, %dma_start3A_85] : memref<2x128x128xf32, #tpu.memory_space<vmem>> -> memref<1x128x128xf32, #tpu.memory_space<vmem>>
      %dma_start3A_87 = tpu.memref_squeeze %dma_start3A_86 : memref<1x128x128xf32, #tpu.memory_space<vmem>> -> memref<128x128xf32, #tpu.memory_space<vmem>>
      tpu.enqueue_dma source(%dma_start3A_87 : memref<128x128xf32, #tpu.memory_space<vmem>>) target(%dma_start3A_83 : memref<128x128xf32, #tpu.memory_space<vmem_shared>>) target_semaphore(%run_scoped3A_76 : memref<!tpu.dma_semaphore, #tpu.memory_space<semaphore_mem>>)
      %dma_wait3A = arith.constant 0 : i32
      %dma_wait3A_88 = arith.constant 0 : i32
      %dma_wait3A_89 = tpu.memref_slice %arg7[%run_scoped3A_17, %dma_wait3A, %dma_wait3A_88] : memref<2x128x128xf32, #tpu.memory_space<vmem>> -> memref<1x128x128xf32, #tpu.memory_space<vmem>>
      %dma_wait3A_90 = tpu.memref_squeeze %dma_wait3A_89 : memref<1x128x128xf32, #tpu.memory_space<vmem>> -> memref<128x128xf32, #tpu.memory_space<vmem>>
      %dma_wait3A_91 = arith.constant 0 : i32
      %dma_wait3A_92 = tpu.memref_slice %arg8[%add3A_16, %dma_wait3A_91] : memref<10240x128xf32, #tpu.memory_space<vmem_shared>> -> memref<128x128xf32, #tpu.memory_space<vmem_shared>>
      %dma_wait3A_93 = arith.constant 0 : i32
      %dma_wait3A_94 = tpu.memref_slice %arg8[%add3A_16, %dma_wait3A_93] : memref<10240x128xf32, #tpu.memory_space<vmem_shared>> -> memref<128x128xf32, #tpu.memory_space<vmem_shared>>
      %dma_wait3A_95 = arith.constant 0 : i32
      %dma_wait3A_96 = arith.constant 0 : i32
      %dma_wait3A_97 = tpu.memref_slice %arg7[%run_scoped3A_17, %dma_wait3A_95, %dma_wait3A_96] : memref<2x128x128xf32, #tpu.memory_space<vmem>> -> memref<1x128x128xf32, #tpu.memory_space<vmem>>
      %dma_wait3A_98 = tpu.memref_squeeze %dma_wait3A_97 : memref<1x128x128xf32, #tpu.memory_space<vmem>> -> memref<128x128xf32, #tpu.memory_space<vmem>>
      tpu.wait_dma2 semaphore(%run_scoped3A_76 : memref<!tpu.dma_semaphore, #tpu.memory_space<semaphore_mem>>) src(%dma_wait3A_98 : memref<128x128xf32, #tpu.memory_space<vmem>>) dst(%dma_wait3A_94 : memref<128x128xf32, #tpu.memory_space<vmem_shared>>)
      tpu.yield
    }) : () -> ()
    %add3A_18 = arith.constant 384 : i32
    %add3A_19 = arith.addi %mul3A_4, %add3A_18 : i32
    %run_scoped3A_20 = arith.constant 0 : i32
    "tpu.region"() ({
      %run_scoped3A_76 = tpu.sem_alloc : memref<!tpu.dma_semaphore, #tpu.memory_space<semaphore_mem>>
      %dma_start3A = arith.constant 0 : i32
      %dma_start3A_77 = arith.constant 0 : i32
      %dma_start3A_78 = tpu.memref_slice %arg7[%run_scoped3A_20, %dma_start3A, %dma_start3A_77] : memref<2x128x128xf32, #tpu.memory_space<vmem>> -> memref<1x128x128xf32, #tpu.memory_space<vmem>>
      %dma_start3A_79 = tpu.memref_squeeze %dma_start3A_78 : memref<1x128x128xf32, #tpu.memory_space<vmem>> -> memref<128x128xf32, #tpu.memory_space<vmem>>
      %dma_start3A_80 = arith.constant 0 : i32
      %dma_start3A_81 = tpu.memref_slice %arg8[%add3A_19, %dma_start3A_80] : memref<10240x128xf32, #tpu.memory_space<vmem_shared>> -> memref<128x128xf32, #tpu.memory_space<vmem_shared>>
      %dma_start3A_82 = arith.constant 0 : i32
      %dma_start3A_83 = tpu.memref_slice %arg8[%add3A_19, %dma_start3A_82] : memref<10240x128xf32, #tpu.memory_space<vmem_shared>> -> memref<128x128xf32, #tpu.memory_space<vmem_shared>>
      %dma_start3A_84 = arith.constant 0 : i32
      %dma_start3A_85 = arith.constant 0 : i32
      %dma_start3A_86 = tpu.memref_slice %arg7[%run_scoped3A_20, %dma_start3A_84, %dma_start3A_85] : memref<2x128x128xf32, #tpu.memory_space<vmem>> -> memref<1x128x128xf32, #tpu.memory_space<vmem>>
      %dma_start3A_87 = tpu.memref_squeeze %dma_start3A_86 : memref<1x128x128xf32, #tpu.memory_space<vmem>> -> memref<128x128xf32, #tpu.memory_space<vmem>>
      tpu.enqueue_dma source(%dma_start3A_87 : memref<128x128xf32, #tpu.memory_space<vmem>>) target(%dma_start3A_83 : memref<128x128xf32, #tpu.memory_space<vmem_shared>>) target_semaphore(%run_scoped3A_76 : memref<!tpu.dma_semaphore, #tpu.memory_space<semaphore_mem>>)
      %dma_wait3A = arith.constant 0 : i32
      %dma_wait3A_88 = arith.constant 0 : i32
      %dma_wait3A_89 = tpu.memref_slice %arg7[%run_scoped3A_20, %dma_wait3A, %dma_wait3A_88] : memref<2x128x128xf32, #tpu.memory_space<vmem>> -> memref<1x128x128xf32, #tpu.memory_space<vmem>>
      %dma_wait3A_90 = tpu.memref_squeeze %dma_wait3A_89 : memref<1x128x128xf32, #tpu.memory_space<vmem>> -> memref<128x128xf32, #tpu.memory_space<vmem>>
      %dma_wait3A_91 = arith.constant 0 : i32
      %dma_wait3A_92 = tpu.memref_slice %arg8[%add3A_19, %dma_wait3A_91] : memref<10240x128xf32, #tpu.memory_space<vmem_shared>> -> memref<128x128xf32, #tpu.memory_space<vmem_shared>>
      %dma_wait3A_93 = arith.constant 0 : i32
      %dma_wait3A_94 = tpu.memref_slice %arg8[%add3A_19, %dma_wait3A_93] : memref<10240x128xf32, #tpu.memory_space<vmem_shared>> -> memref<128x128xf32, #tpu.memory_space<vmem_shared>>
      %dma_wait3A_95 = arith.constant 0 : i32
      %dma_wait3A_96 = arith.constant 0 : i32
      %dma_wait3A_97 = tpu.memref_slice %arg7[%run_scoped3A_20, %dma_wait3A_95, %dma_wait3A_96] : memref<2x128x128xf32, #tpu.memory_space<vmem>> -> memref<1x128x128xf32, #tpu.memory_space<vmem>>
      %dma_wait3A_98 = tpu.memref_squeeze %dma_wait3A_97 : memref<1x128x128xf32, #tpu.memory_space<vmem>> -> memref<128x128xf32, #tpu.memory_space<vmem>>
      tpu.wait_dma2 semaphore(%run_scoped3A_76 : memref<!tpu.dma_semaphore, #tpu.memory_space<semaphore_mem>>) src(%dma_wait3A_98 : memref<128x128xf32, #tpu.memory_space<vmem>>) dst(%dma_wait3A_94 : memref<128x128xf32, #tpu.memory_space<vmem_shared>>)
      tpu.yield
    }) : () -> ()
    %add3A_21 = arith.constant 512 : i32
    %add3A_22 = arith.addi %mul3A_4, %add3A_21 : i32
    %run_scoped3A_23 = arith.constant 0 : i32
    "tpu.region"() ({
      %run_scoped3A_76 = tpu.sem_alloc : memref<!tpu.dma_semaphore, #tpu.memory_space<semaphore_mem>>
      %dma_start3A = arith.constant 0 : i32
      %dma_start3A_77 = arith.constant 0 : i32
      %dma_start3A_78 = tpu.memref_slice %arg7[%run_scoped3A_23, %dma_start3A, %dma_start3A_77] : memref<2x128x128xf32, #tpu.memory_space<vmem>> -> memref<1x128x128xf32, #tpu.memory_space<vmem>>
      %dma_start3A_79 = tpu.memref_squeeze %dma_start3A_78 : memref<1x128x128xf32, #tpu.memory_space<vmem>> -> memref<128x128xf32, #tpu.memory_space<vmem>>
      %dma_start3A_80 = arith.constant 0 : i32
      %dma_start3A_81 = tpu.memref_slice %arg8[%add3A_22, %dma_start3A_80] : memref<10240x128xf32, #tpu.memory_space<vmem_shared>> -> memref<128x128xf32, #tpu.memory_space<vmem_shared>>
      %dma_start3A_82 = arith.constant 0 : i32
      %dma_start3A_83 = tpu.memref_slice %arg8[%add3A_22, %dma_start3A_82] : memref<10240x128xf32, #tpu.memory_space<vmem_shared>> -> memref<128x128xf32, #tpu.memory_space<vmem_shared>>
      %dma_start3A_84 = arith.constant 0 : i32
      %dma_start3A_85 = arith.constant 0 : i32
      %dma_start3A_86 = tpu.memref_slice %arg7[%run_scoped3A_23, %dma_start3A_84, %dma_start3A_85] : memref<2x128x128xf32, #tpu.memory_space<vmem>> -> memref<1x128x128xf32, #tpu.memory_space<vmem>>
      %dma_start3A_87 = tpu.memref_squeeze %dma_start3A_86 : memref<1x128x128xf32, #tpu.memory_space<vmem>> -> memref<128x128xf32, #tpu.memory_space<vmem>>
      tpu.enqueue_dma source(%dma_start3A_87 : memref<128x128xf32, #tpu.memory_space<vmem>>) target(%dma_start3A_83 : memref<128x128xf32, #tpu.memory_space<vmem_shared>>) target_semaphore(%run_scoped3A_76 : memref<!tpu.dma_semaphore, #tpu.memory_space<semaphore_mem>>)
      %dma_wait3A = arith.constant 0 : i32
      %dma_wait3A_88 = arith.constant 0 : i32
      %dma_wait3A_89 = tpu.memref_slice %arg7[%run_scoped3A_23, %dma_wait3A, %dma_wait3A_88] : memref<2x128x128xf32, #tpu.memory_space<vmem>> -> memref<1x128x128xf32, #tpu.memory_space<vmem>>
      %dma_wait3A_90 = tpu.memref_squeeze %dma_wait3A_89 : memref<1x128x128xf32, #tpu.memory_space<vmem>> -> memref<128x128xf32, #tpu.memory_space<vmem>>
      %dma_wait3A_91 = arith.constant 0 : i32
      %dma_wait3A_92 = tpu.memref_slice %arg8[%add3A_22, %dma_wait3A_91] : memref<10240x128xf32, #tpu.memory_space<vmem_shared>> -> memref<128x128xf32, #tpu.memory_space<vmem_shared>>
      %dma_wait3A_93 = arith.constant 0 : i32
      %dma_wait3A_94 = tpu.memref_slice %arg8[%add3A_22, %dma_wait3A_93] : memref<10240x128xf32, #tpu.memory_space<vmem_shared>> -> memref<128x128xf32, #tpu.memory_space<vmem_shared>>
      %dma_wait3A_95 = arith.constant 0 : i32
      %dma_wait3A_96 = arith.constant 0 : i32
      %dma_wait3A_97 = tpu.memref_slice %arg7[%run_scoped3A_23, %dma_wait3A_95, %dma_wait3A_96] : memref<2x128x128xf32, #tpu.memory_space<vmem>> -> memref<1x128x128xf32, #tpu.memory_space<vmem>>
      %dma_wait3A_98 = tpu.memref_squeeze %dma_wait3A_97 : memref<1x128x128xf32, #tpu.memory_space<vmem>> -> memref<128x128xf32, #tpu.memory_space<vmem>>
      tpu.wait_dma2 semaphore(%run_scoped3A_76 : memref<!tpu.dma_semaphore, #tpu.memory_space<semaphore_mem>>) src(%dma_wait3A_98 : memref<128x128xf32, #tpu.memory_space<vmem>>) dst(%dma_wait3A_94 : memref<128x128xf32, #tpu.memory_space<vmem_shared>>)
      tpu.yield
    }) : () -> ()
    %barrier3A = arith.constant 0 : index
    tpu.barrier barrier_id(%barrier3A)
    %lt3A_24 = arith.constant 31 : i32
    %lt3A_25 = arith.cmpi slt, %add3A, %lt3A_24 : i32
    %convert_element_type3A = arith.extui %lt3A_25 : i1 to i32
    %cond3A = arith.constant 0 : i32
    %cond3A_26 = arith.constant 0 : i32
    %cond3A_27 = arith.cmpi ne, %convert_element_type3A, %cond3A_26 : i32
    scf.if %cond3A_27 {
      %mul3A_76 = arith.constant 80 : i32
      %mul3A_77 = arith.muli %add3A, %mul3A_76 : i32
      %add3A_78 = arith.constant 0 : i32
      %add3A_79 = arith.addi %mul3A_77, %add3A_78 : i32
      "tpu.region"() ({
        %run_scoped3A_80 = tpu.sem_alloc : memref<!tpu.dma_semaphore, #tpu.memory_space<semaphore_mem>>
        %dma_start3A = arith.constant 0 : i32
        %dma_start3A_81 = arith.constant 0 : i32
        %dma_start3A_82 = tpu.memref_slice %arg2[%cond3A, %dma_start3A, %dma_start3A_81] : memref<2x2500x128xi32, #tpu.memory_space<hbm>> -> memref<1x2500x128xi32, #tpu.memory_space<hbm>>
        %dma_start3A_83 = tpu.memref_squeeze %dma_start3A_82 : memref<1x2500x128xi32, #tpu.memory_space<hbm>> -> memref<2500x128xi32, #tpu.memory_space<hbm>>
        %dma_start3A_84 = arith.constant 0 : i32
        %dma_start3A_85 = tpu.memref_slice %dma_start3A_83[%add3A_79, %dma_start3A_84] : memref<2500x128xi32, #tpu.memory_space<hbm>> -> memref<40x128xi32, #tpu.memory_space<hbm>>
        %dma_start3A_86 = arith.constant 0 : i32
        %dma_start3A_87 = arith.constant 0 : i32
        %dma_start3A_88 = tpu.memref_slice %arg2[%cond3A, %dma_start3A_86, %dma_start3A_87] : memref<2x2500x128xi32, #tpu.memory_space<hbm>> -> memref<1x2500x128xi32, #tpu.memory_space<hbm>>
        %dma_start3A_89 = tpu.memref_squeeze %dma_start3A_88 : memref<1x2500x128xi32, #tpu.memory_space<hbm>> -> memref<2500x128xi32, #tpu.memory_space<hbm>>
        %dma_start3A_90 = arith.constant 0 : i32
        %dma_start3A_91 = tpu.memref_slice %dma_start3A_89[%add3A_79, %dma_start3A_90] : memref<2500x128xi32, #tpu.memory_space<hbm>> -> memref<40x128xi32, #tpu.memory_space<hbm>>
        tpu.enqueue_dma source(%dma_start3A_91 : memref<40x128xi32, #tpu.memory_space<hbm>>) target(%arg5 : memref<40x128xi32, #tpu.memory_space<vmem>>) target_semaphore(%run_scoped3A_80 : memref<!tpu.dma_semaphore, #tpu.memory_space<semaphore_mem>>)
        %dma_wait3A = arith.constant 0 : i32
        %dma_wait3A_92 = arith.constant 0 : i32
        %dma_wait3A_93 = tpu.memref_slice %arg2[%cond3A, %dma_wait3A, %dma_wait3A_92] : memref<2x2500x128xi32, #tpu.memory_space<hbm>> -> memref<1x2500x128xi32, #tpu.memory_space<hbm>>
        %dma_wait3A_94 = tpu.memref_squeeze %dma_wait3A_93 : memref<1x2500x128xi32, #tpu.memory_space<hbm>> -> memref<2500x128xi32, #tpu.memory_space<hbm>>
        %dma_wait3A_95 = arith.constant 0 : i32
        %dma_wait3A_96 = tpu.memref_slice %dma_wait3A_94[%add3A_79, %dma_wait3A_95] : memref<2500x128xi32, #tpu.memory_space<hbm>> -> memref<40x128xi32, #tpu.memory_space<hbm>>
        %dma_wait3A_97 = arith.constant 0 : i32
        %dma_wait3A_98 = arith.constant 0 : i32
        %dma_wait3A_99 = tpu.memref_slice %arg2[%cond3A, %dma_wait3A_97, %dma_wait3A_98] : memref<2x2500x128xi32, #tpu.memory_space<hbm>> -> memref<1x2500x128xi32, #tpu.memory_space<hbm>>
        %dma_wait3A_100 = tpu.memref_squeeze %dma_wait3A_99 : memref<1x2500x128xi32, #tpu.memory_space<hbm>> -> memref<2500x128xi32, #tpu.memory_space<hbm>>
        %dma_wait3A_101 = arith.constant 0 : i32
        %dma_wait3A_102 = tpu.memref_slice %dma_wait3A_100[%add3A_79, %dma_wait3A_101] : memref<2500x128xi32, #tpu.memory_space<hbm>> -> memref<40x128xi32, #tpu.memory_space<hbm>>
        tpu.wait_dma2 semaphore(%run_scoped3A_80 : memref<!tpu.dma_semaphore, #tpu.memory_space<semaphore_mem>>) src(%dma_wait3A_102 : memref<40x128xi32, #tpu.memory_space<hbm>>) dst(%arg5 : memref<40x128xi32, #tpu.memory_space<vmem>>)
        tpu.yield
      }) : () -> ()
    } else {
    }
    %eq3A = arith.constant 31 : i32
    %eq3A_28 = arith.cmpi eq, %add3A, %eq3A : i32
    %convert_element_type3A_29 = arith.extui %eq3A_28 : i1 to i32
    %cond3A_30 = arith.constant 0 : i32
    %cond3A_31 = arith.constant 0 : i32
    %cond3A_32 = arith.cmpi ne, %convert_element_type3A_29, %cond3A_31 : i32
    scf.if %cond3A_32 {
      "tpu.region"() ({
        %run_scoped3A_76 = tpu.sem_alloc : memref<!tpu.dma_semaphore, #tpu.memory_space<semaphore_mem>>
        %dma_start3A = arith.constant 0 : i32
        %dma_start3A_77 = arith.constant 0 : i32
        %dma_start3A_78 = tpu.memref_slice %arg5[%dma_start3A, %dma_start3A_77] : memref<40x128xi32, #tpu.memory_space<vmem>> -> memref<20x128xi32, #tpu.memory_space<vmem>>
        %dma_start3A_79 = arith.constant 0 : i32
        %dma_start3A_80 = arith.constant 0 : i32
        %dma_start3A_81 = tpu.memref_slice %arg2[%cond3A_30, %dma_start3A_79, %dma_start3A_80] : memref<2x2500x128xi32, #tpu.memory_space<hbm>> -> memref<1x2500x128xi32, #tpu.memory_space<hbm>>
        %dma_start3A_82 = tpu.memref_squeeze %dma_start3A_81 : memref<1x2500x128xi32, #tpu.memory_space<hbm>> -> memref<2500x128xi32, #tpu.memory_space<hbm>>
        %dma_start3A_83 = arith.constant 2480 : i32
        %dma_start3A_84 = arith.constant 0 : i32
        %dma_start3A_85 = tpu.memref_slice %dma_start3A_82[%dma_start3A_83, %dma_start3A_84] : memref<2500x128xi32, #tpu.memory_space<hbm>> -> memref<20x128xi32, #tpu.memory_space<hbm>>
        %dma_start3A_86 = arith.constant 0 : i32
        %dma_start3A_87 = arith.constant 0 : i32
        %dma_start3A_88 = tpu.memref_slice %arg5[%dma_start3A_86, %dma_start3A_87] : memref<40x128xi32, #tpu.memory_space<vmem>> -> memref<20x128xi32, #tpu.memory_space<vmem>>
        %dma_start3A_89 = arith.constant 0 : i32
        %dma_start3A_90 = arith.constant 0 : i32
        %dma_start3A_91 = tpu.memref_slice %arg2[%cond3A_30, %dma_start3A_89, %dma_start3A_90] : memref<2x2500x128xi32, #tpu.memory_space<hbm>> -> memref<1x2500x128xi32, #tpu.memory_space<hbm>>
        %dma_start3A_92 = tpu.memref_squeeze %dma_start3A_91 : memref<1x2500x128xi32, #tpu.memory_space<hbm>> -> memref<2500x128xi32, #tpu.memory_space<hbm>>
        %dma_start3A_93 = arith.constant 2480 : i32
        %dma_start3A_94 = arith.constant 0 : i32
        %dma_start3A_95 = tpu.memref_slice %dma_start3A_92[%dma_start3A_93, %dma_start3A_94] : memref<2500x128xi32, #tpu.memory_space<hbm>> -> memref<20x128xi32, #tpu.memory_space<hbm>>
        tpu.enqueue_dma source(%dma_start3A_95 : memref<20x128xi32, #tpu.memory_space<hbm>>) target(%dma_start3A_88 : memref<20x128xi32, #tpu.memory_space<vmem>>) target_semaphore(%run_scoped3A_76 : memref<!tpu.dma_semaphore, #tpu.memory_space<semaphore_mem>>)
        %dma_wait3A = arith.constant 0 : i32
        %dma_wait3A_96 = arith.constant 0 : i32
        %dma_wait3A_97 = tpu.memref_slice %arg5[%dma_wait3A, %dma_wait3A_96] : memref<40x128xi32, #tpu.memory_space<vmem>> -> memref<20x128xi32, #tpu.memory_space<vmem>>
        %dma_wait3A_98 = arith.constant 0 : i32
        %dma_wait3A_99 = arith.constant 0 : i32
        %dma_wait3A_100 = tpu.memref_slice %arg2[%cond3A_30, %dma_wait3A_98, %dma_wait3A_99] : memref<2x2500x128xi32, #tpu.memory_space<hbm>> -> memref<1x2500x128xi32, #tpu.memory_space<hbm>>
        %dma_wait3A_101 = tpu.memref_squeeze %dma_wait3A_100 : memref<1x2500x128xi32, #tpu.memory_space<hbm>> -> memref<2500x128xi32, #tpu.memory_space<hbm>>
        %dma_wait3A_102 = arith.constant 2480 : i32
        %dma_wait3A_103 = arith.constant 0 : i32
        %dma_wait3A_104 = tpu.memref_slice %dma_wait3A_101[%dma_wait3A_102, %dma_wait3A_103] : memref<2500x128xi32, #tpu.memory_space<hbm>> -> memref<20x128xi32, #tpu.memory_space<hbm>>
        %dma_wait3A_105 = arith.constant 0 : i32
        %dma_wait3A_106 = arith.constant 0 : i32
        %dma_wait3A_107 = tpu.memref_slice %arg5[%dma_wait3A_105, %dma_wait3A_106] : memref<40x128xi32, #tpu.memory_space<vmem>> -> memref<20x128xi32, #tpu.memory_space<vmem>>
        %dma_wait3A_108 = arith.constant 0 : i32
        %dma_wait3A_109 = arith.constant 0 : i32
        %dma_wait3A_110 = tpu.memref_slice %arg2[%cond3A_30, %dma_wait3A_108, %dma_wait3A_109] : memref<2x2500x128xi32, #tpu.memory_space<hbm>> -> memref<1x2500x128xi32, #tpu.memory_space<hbm>>
        %dma_wait3A_111 = tpu.memref_squeeze %dma_wait3A_110 : memref<1x2500x128xi32, #tpu.memory_space<hbm>> -> memref<2500x128xi32, #tpu.memory_space<hbm>>
        %dma_wait3A_112 = arith.constant 2480 : i32
        %dma_wait3A_113 = arith.constant 0 : i32
        %dma_wait3A_114 = tpu.memref_slice %dma_wait3A_111[%dma_wait3A_112, %dma_wait3A_113] : memref<2500x128xi32, #tpu.memory_space<hbm>> -> memref<20x128xi32, #tpu.memory_space<hbm>>
        tpu.wait_dma2 semaphore(%run_scoped3A_76 : memref<!tpu.dma_semaphore, #tpu.memory_space<semaphore_mem>>) src(%dma_wait3A_114 : memref<20x128xi32, #tpu.memory_space<hbm>>) dst(%dma_wait3A_107 : memref<20x128xi32, #tpu.memory_space<vmem>>)
        tpu.yield
      }) : () -> ()
    } else {
    }
    %lt3A_33 = arith.constant 31 : i32
    %lt3A_34 = arith.cmpi slt, %add3A, %lt3A_33 : i32
    %convert_element_type3A_35 = arith.extui %lt3A_34 : i1 to i32
    %cond3A_36 = arith.constant 1 : i32
    %cond3A_37 = arith.constant 0 : i32
    %cond3A_38 = arith.cmpi ne, %convert_element_type3A_35, %cond3A_37 : i32
    scf.if %cond3A_38 {
      %mul3A_76 = arith.constant 80 : i32
      %mul3A_77 = arith.muli %add3A, %mul3A_76 : i32
      %add3A_78 = arith.constant 0 : i32
      %add3A_79 = arith.addi %mul3A_77, %add3A_78 : i32
      "tpu.region"() ({
        %run_scoped3A_80 = tpu.sem_alloc : memref<!tpu.dma_semaphore, #tpu.memory_space<semaphore_mem>>
        %dma_start3A = arith.constant 0 : i32
        %dma_start3A_81 = arith.constant 0 : i32
        %dma_start3A_82 = tpu.memref_slice %arg2[%cond3A_36, %dma_start3A, %dma_start3A_81] : memref<2x2500x128xi32, #tpu.memory_space<hbm>> -> memref<1x2500x128xi32, #tpu.memory_space<hbm>>
        %dma_start3A_83 = tpu.memref_squeeze %dma_start3A_82 : memref<1x2500x128xi32, #tpu.memory_space<hbm>> -> memref<2500x128xi32, #tpu.memory_space<hbm>>
        %dma_start3A_84 = arith.constant 0 : i32
        %dma_start3A_85 = tpu.memref_slice %dma_start3A_83[%add3A_79, %dma_start3A_84] : memref<2500x128xi32, #tpu.memory_space<hbm>> -> memref<40x128xi32, #tpu.memory_space<hbm>>
        %dma_start3A_86 = arith.constant 0 : i32
        %dma_start3A_87 = arith.constant 0 : i32
        %dma_start3A_88 = tpu.memref_slice %arg2[%cond3A_36, %dma_start3A_86, %dma_start3A_87] : memref<2x2500x128xi32, #tpu.memory_space<hbm>> -> memref<1x2500x128xi32, #tpu.memory_space<hbm>>
        %dma_start3A_89 = tpu.memref_squeeze %dma_start3A_88 : memref<1x2500x128xi32, #tpu.memory_space<hbm>> -> memref<2500x128xi32, #tpu.memory_space<hbm>>
        %dma_start3A_90 = arith.constant 0 : i32
        %dma_start3A_91 = tpu.memref_slice %dma_start3A_89[%add3A_79, %dma_start3A_90] : memref<2500x128xi32, #tpu.memory_space<hbm>> -> memref<40x128xi32, #tpu.memory_space<hbm>>
        tpu.enqueue_dma source(%dma_start3A_91 : memref<40x128xi32, #tpu.memory_space<hbm>>) target(%arg6 : memref<40x128xi32, #tpu.memory_space<vmem>>) target_semaphore(%run_scoped3A_80 : memref<!tpu.dma_semaphore, #tpu.memory_space<semaphore_mem>>)
        %dma_wait3A = arith.constant 0 : i32
        %dma_wait3A_92 = arith.constant 0 : i32
        %dma_wait3A_93 = tpu.memref_slice %arg2[%cond3A_36, %dma_wait3A, %dma_wait3A_92] : memref<2x2500x128xi32, #tpu.memory_space<hbm>> -> memref<1x2500x128xi32, #tpu.memory_space<hbm>>
        %dma_wait3A_94 = tpu.memref_squeeze %dma_wait3A_93 : memref<1x2500x128xi32, #tpu.memory_space<hbm>> -> memref<2500x128xi32, #tpu.memory_space<hbm>>
        %dma_wait3A_95 = arith.constant 0 : i32
        %dma_wait3A_96 = tpu.memref_slice %dma_wait3A_94[%add3A_79, %dma_wait3A_95] : memref<2500x128xi32, #tpu.memory_space<hbm>> -> memref<40x128xi32, #tpu.memory_space<hbm>>
        %dma_wait3A_97 = arith.constant 0 : i32
        %dma_wait3A_98 = arith.constant 0 : i32
        %dma_wait3A_99 = tpu.memref_slice %arg2[%cond3A_36, %dma_wait3A_97, %dma_wait3A_98] : memref<2x2500x128xi32, #tpu.memory_space<hbm>> -> memref<1x2500x128xi32, #tpu.memory_space<hbm>>
        %dma_wait3A_100 = tpu.memref_squeeze %dma_wait3A_99 : memref<1x2500x128xi32, #tpu.memory_space<hbm>> -> memref<2500x128xi32, #tpu.memory_space<hbm>>
        %dma_wait3A_101 = arith.constant 0 : i32
        %dma_wait3A_102 = tpu.memref_slice %dma_wait3A_100[%add3A_79, %dma_wait3A_101] : memref<2500x128xi32, #tpu.memory_space<hbm>> -> memref<40x128xi32, #tpu.memory_space<hbm>>
        tpu.wait_dma2 semaphore(%run_scoped3A_80 : memref<!tpu.dma_semaphore, #tpu.memory_space<semaphore_mem>>) src(%dma_wait3A_102 : memref<40x128xi32, #tpu.memory_space<hbm>>) dst(%arg6 : memref<40x128xi32, #tpu.memory_space<vmem>>)
        tpu.yield
      }) : () -> ()
    } else {
    }
    %eq3A_39 = arith.constant 31 : i32
    %eq3A_40 = arith.cmpi eq, %add3A, %eq3A_39 : i32
    %convert_element_type3A_41 = arith.extui %eq3A_40 : i1 to i32
    %cond3A_42 = arith.constant 1 : i32
    %cond3A_43 = arith.constant 0 : i32
    %cond3A_44 = arith.cmpi ne, %convert_element_type3A_41, %cond3A_43 : i32
    scf.if %cond3A_44 {
      "tpu.region"() ({
        %run_scoped3A_76 = tpu.sem_alloc : memref<!tpu.dma_semaphore, #tpu.memory_space<semaphore_mem>>
        %dma_start3A = arith.constant 0 : i32
        %dma_start3A_77 = arith.constant 0 : i32
        %dma_start3A_78 = tpu.memref_slice %arg6[%dma_start3A, %dma_start3A_77] : memref<40x128xi32, #tpu.memory_space<vmem>> -> memref<20x128xi32, #tpu.memory_space<vmem>>
        %dma_start3A_79 = arith.constant 0 : i32
        %dma_start3A_80 = arith.constant 0 : i32
        %dma_start3A_81 = tpu.memref_slice %arg2[%cond3A_42, %dma_start3A_79, %dma_start3A_80] : memref<2x2500x128xi32, #tpu.memory_space<hbm>> -> memref<1x2500x128xi32, #tpu.memory_space<hbm>>
        %dma_start3A_82 = tpu.memref_squeeze %dma_start3A_81 : memref<1x2500x128xi32, #tpu.memory_space<hbm>> -> memref<2500x128xi32, #tpu.memory_space<hbm>>
        %dma_start3A_83 = arith.constant 2480 : i32
        %dma_start3A_84 = arith.constant 0 : i32
        %dma_start3A_85 = tpu.memref_slice %dma_start3A_82[%dma_start3A_83, %dma_start3A_84] : memref<2500x128xi32, #tpu.memory_space<hbm>> -> memref<20x128xi32, #tpu.memory_space<hbm>>
        %dma_start3A_86 = arith.constant 0 : i32
        %dma_start3A_87 = arith.constant 0 : i32
        %dma_start3A_88 = tpu.memref_slice %arg6[%dma_start3A_86, %dma_start3A_87] : memref<40x128xi32, #tpu.memory_space<vmem>> -> memref<20x128xi32, #tpu.memory_space<vmem>>
        %dma_start3A_89 = arith.constant 0 : i32
        %dma_start3A_90 = arith.constant 0 : i32
        %dma_start3A_91 = tpu.memref_slice %arg2[%cond3A_42, %dma_start3A_89, %dma_start3A_90] : memref<2x2500x128xi32, #tpu.memory_space<hbm>> -> memref<1x2500x128xi32, #tpu.memory_space<hbm>>
        %dma_start3A_92 = tpu.memref_squeeze %dma_start3A_91 : memref<1x2500x128xi32, #tpu.memory_space<hbm>> -> memref<2500x128xi32, #tpu.memory_space<hbm>>
        %dma_start3A_93 = arith.constant 2480 : i32
        %dma_start3A_94 = arith.constant 0 : i32
        %dma_start3A_95 = tpu.memref_slice %dma_start3A_92[%dma_start3A_93, %dma_start3A_94] : memref<2500x128xi32, #tpu.memory_space<hbm>> -> memref<20x128xi32, #tpu.memory_space<hbm>>
        tpu.enqueue_dma source(%dma_start3A_95 : memref<20x128xi32, #tpu.memory_space<hbm>>) target(%dma_start3A_88 : memref<20x128xi32, #tpu.memory_space<vmem>>) target_semaphore(%run_scoped3A_76 : memref<!tpu.dma_semaphore, #tpu.memory_space<semaphore_mem>>)
        %dma_wait3A = arith.constant 0 : i32
        %dma_wait3A_96 = arith.constant 0 : i32
        %dma_wait3A_97 = tpu.memref_slice %arg6[%dma_wait3A, %dma_wait3A_96] : memref<40x128xi32, #tpu.memory_space<vmem>> -> memref<20x128xi32, #tpu.memory_space<vmem>>
        %dma_wait3A_98 = arith.constant 0 : i32
        %dma_wait3A_99 = arith.constant 0 : i32
        %dma_wait3A_100 = tpu.memref_slice %arg2[%cond3A_42, %dma_wait3A_98, %dma_wait3A_99] : memref<2x2500x128xi32, #tpu.memory_space<hbm>> -> memref<1x2500x128xi32, #tpu.memory_space<hbm>>
        %dma_wait3A_101 = tpu.memref_squeeze %dma_wait3A_100 : memref<1x2500x128xi32, #tpu.memory_space<hbm>> -> memref<2500x128xi32, #tpu.memory_space<hbm>>
        %dma_wait3A_102 = arith.constant 2480 : i32
        %dma_wait3A_103 = arith.constant 0 : i32
        %dma_wait3A_104 = tpu.memref_slice %dma_wait3A_101[%dma_wait3A_102, %dma_wait3A_103] : memref<2500x128xi32, #tpu.memory_space<hbm>> -> memref<20x128xi32, #tpu.memory_space<hbm>>
        %dma_wait3A_105 = arith.constant 0 : i32
        %dma_wait3A_106 = arith.constant 0 : i32
        %dma_wait3A_107 = tpu.memref_slice %arg6[%dma_wait3A_105, %dma_wait3A_106] : memref<40x128xi32, #tpu.memory_space<vmem>> -> memref<20x128xi32, #tpu.memory_space<vmem>>
        %dma_wait3A_108 = arith.constant 0 : i32
        %dma_wait3A_109 = arith.constant 0 : i32
        %dma_wait3A_110 = tpu.memref_slice %arg2[%cond3A_42, %dma_wait3A_108, %dma_wait3A_109] : memref<2x2500x128xi32, #tpu.memory_space<hbm>> -> memref<1x2500x128xi32, #tpu.memory_space<hbm>>
        %dma_wait3A_111 = tpu.memref_squeeze %dma_wait3A_110 : memref<1x2500x128xi32, #tpu.memory_space<hbm>> -> memref<2500x128xi32, #tpu.memory_space<hbm>>
        %dma_wait3A_112 = arith.constant 2480 : i32
        %dma_wait3A_113 = arith.constant 0 : i32
        %dma_wait3A_114 = tpu.memref_slice %dma_wait3A_111[%dma_wait3A_112, %dma_wait3A_113] : memref<2500x128xi32, #tpu.memory_space<hbm>> -> memref<20x128xi32, #tpu.memory_space<hbm>>
        tpu.wait_dma2 semaphore(%run_scoped3A_76 : memref<!tpu.dma_semaphore, #tpu.memory_space<semaphore_mem>>) src(%dma_wait3A_114 : memref<20x128xi32, #tpu.memory_space<hbm>>) dst(%dma_wait3A_107 : memref<20x128xi32, #tpu.memory_space<vmem>>)
        tpu.yield
      }) : () -> ()
    } else {
    }
    %sub3A = arith.constant 0 : i32
    %sub3A_45 = arith.subi %select_n3A, %sub3A : i32
    %jit3A_46 = arith.constant 0 : i32
    %jit3A_47 = arith.constant 40 : i32
    %max3A = arith.maxsi %jit3A_46, %sub3A_45 : i32
    %min3A = arith.minsi %jit3A_47, %max3A : i32
    %gt3A = arith.constant 0 : i32
    %gt3A_48 = arith.cmpi sgt, %min3A, %gt3A : i32
    %convert_element_type3A_49 = arith.extui %gt3A_48 : i1 to i32
    %cond3A_50 = arith.constant 0 : i32
    %cond3A_51 = arith.cmpi ne, %convert_element_type3A_49, %cond3A_50 : i32
    scf.if %cond3A_51 {
      %dma_start3A = arith.constant 0 : i32
      %dma_start3A_76 = arith.constant 0 : i32
      %dma_start3A_77 = arith.constant 0 : i32
      %dma_start3A_78 = arith.constant 0 : i32
      %dma_start3A_79 = tpu.memref_slice %arg7[%dma_start3A_76, %dma_start3A_77, %dma_start3A_78] : memref<2x128x128xf32, #tpu.memory_space<vmem>> -> memref<1x128x128xf32, #tpu.memory_space<vmem>>
      %dma_start3A_80 = tpu.memref_squeeze %dma_start3A_79 : memref<1x128x128xf32, #tpu.memory_space<vmem>> -> memref<128x128xf32, #tpu.memory_space<vmem>>
      %dma_start3A_81 = arith.constant 0 : i32
      %dma_start3A_82 = tpu.memref_slice %arg5[%dma_start3A, %dma_start3A_81] : memref<40x128xi32, #tpu.memory_space<vmem>> -> memref<1x128xi32, #tpu.memory_space<vmem>>
      %dma_start3A_83 = tpu.memref_squeeze %dma_start3A_82 : memref<1x128xi32, #tpu.memory_space<vmem>> -> memref<128xi32, #tpu.memory_space<vmem>>
      %dma_start3A_84 = arith.constant 0 : i32
      %dma_start3A_85 = arith.constant 0 : i32
      %dma_start3A_86 = tpu.memref_slice %arg3[%dma_start3A_84, %dma_start3A_85] : memref<10240x128xf32, #tpu.memory_space<hbm>> -> memref<10240x128xf32, #tpu.memory_space<hbm>>
      tpu.enqueue_indirect_dma source(%dma_start3A_86 : memref<10240x128xf32, #tpu.memory_space<hbm>>) target(%dma_start3A_80 : memref<128x128xf32, #tpu.memory_space<vmem>>) offsets(%dma_start3A_83 : memref<128xi32, #tpu.memory_space<vmem>>) semaphore(%arg9 : memref<!tpu.dma_semaphore, #tpu.memory_space<semaphore_mem>>)
      %gt3A_87 = arith.constant 1 : i32
      %gt3A_88 = arith.cmpi sgt, %min3A, %gt3A_87 : i32
      %convert_element_type3A_89 = arith.extui %gt3A_88 : i1 to i32
      %cond3A_90 = arith.constant 0 : i32
      %cond3A_91 = arith.cmpi ne, %convert_element_type3A_89, %cond3A_90 : i32
      scf.if %cond3A_91 {
        %dma_start3A_109 = arith.constant 1 : i32
        %dma_start3A_110 = arith.constant 1 : i32
        %dma_start3A_111 = arith.constant 0 : i32
        %dma_start3A_112 = arith.constant 0 : i32
        %dma_start3A_113 = tpu.memref_slice %arg7[%dma_start3A_110, %dma_start3A_111, %dma_start3A_112] : memref<2x128x128xf32, #tpu.memory_space<vmem>> -> memref<1x128x128xf32, #tpu.memory_space<vmem>>
        %dma_start3A_114 = tpu.memref_squeeze %dma_start3A_113 : memref<1x128x128xf32, #tpu.memory_space<vmem>> -> memref<128x128xf32, #tpu.memory_space<vmem>>
        %dma_start3A_115 = arith.constant 0 : i32
        %dma_start3A_116 = tpu.memref_slice %arg5[%dma_start3A_109, %dma_start3A_115] : memref<40x128xi32, #tpu.memory_space<vmem>> -> memref<1x128xi32, #tpu.memory_space<vmem>>
        %dma_start3A_117 = tpu.memref_squeeze %dma_start3A_116 : memref<1x128xi32, #tpu.memory_space<vmem>> -> memref<128xi32, #tpu.memory_space<vmem>>
        %dma_start3A_118 = arith.constant 0 : i32
        %dma_start3A_119 = arith.constant 0 : i32
        %dma_start3A_120 = tpu.memref_slice %arg3[%dma_start3A_118, %dma_start3A_119] : memref<10240x128xf32, #tpu.memory_space<hbm>> -> memref<10240x128xf32, #tpu.memory_space<hbm>>
        tpu.enqueue_indirect_dma source(%dma_start3A_120 : memref<10240x128xf32, #tpu.memory_space<hbm>>) target(%dma_start3A_114 : memref<128x128xf32, #tpu.memory_space<vmem>>) offsets(%dma_start3A_117 : memref<128xi32, #tpu.memory_space<vmem>>) semaphore(%arg9 : memref<!tpu.dma_semaphore, #tpu.memory_space<semaphore_mem>>)
      } else {
      }
      %sub3A_92 = arith.constant 0 : i32
      %sub3A_93 = arith.subi %min3A, %sub3A_92 : i32
      %sub3A_94 = arith.constant 1 : i32
      %sub3A_95 = arith.constant 1 : i32
      %sub3A_96 = arith.subi %sub3A_94, %sub3A_95 : i32
      %add3A_97 = arith.addi %sub3A_93, %sub3A_96 : i32
      %div3A = arith.constant 1 : i32
      %div3A_98 = arith.divsi %add3A_97, %div3A : i32
      %while3A = arith.constant 1 : i32
      %while3A_99 = arith.constant 0 : i32
      %while3A_100 = arith.constant 0 : i32
      %while3A_101 = arith.subi %div3A_98, %while3A_100 : i32
      %while3A_102 = arith.addi %while3A_100, %while3A_101 : i32
      %while3A_103 = arith.constant 1 : i32
      %while3A_104 = arith.divsi %while3A_101, %while3A_103 : i32
      %while3A_105 = arith.muli %while3A_104, %while3A_103 : i32
      %while3A_106 = arith.addi %while3A_100, %while3A_105 : i32
      %while3A_107 = arith.constant 1 : i32
      scf.for %while3A_109 = %while3A_100 to %while3A_106 step %while3A_107  : i32 {
        %mul3A_110 = arith.muli %while3A_109, %while3A : i32
        %add3A_111 = arith.addi %while3A_99, %mul3A_110 : i32
        %jit3A_112 = arith.constant 2 : i32
        %eq3A_113 = arith.constant 0 : i32
        %eq3A_114 = arith.cmpi eq, %jit3A_112, %eq3A_113 : i32
        %jit3A_115 = arith.constant 1 : i32
        %select_n3A_116 = arith.select %eq3A_114, %jit3A_115, %jit3A_112 : i32
        %rem3A = arith.remsi %add3A_111, %select_n3A_116 : i32
        %ne3A = arith.constant 0 : i32
        %ne3A_117 = arith.cmpi ne, %rem3A, %ne3A : i32
        %lt3A_118 = arith.constant 0 : i32
        %lt3A_119 = arith.cmpi slt, %rem3A, %lt3A_118 : i32
        %lt3A_120 = arith.constant 0 : i32
        %lt3A_121 = arith.cmpi slt, %select_n3A_116, %lt3A_120 : i32
        %ne3A_122 = arith.xori %lt3A_119, %lt3A_121 : i1
        %and3A = arith.andi %ne3A_122, %ne3A_117 : i1
        %add3A_123 = arith.addi %rem3A, %select_n3A_116 : i32
        %select_n3A_124 = arith.select %and3A, %add3A_123, %rem3A : i32
        %dma_wait3A = arith.constant 0 : i32
        %dma_wait3A_125 = arith.constant 0 : i32
        %dma_wait3A_126 = tpu.memref_slice %arg7[%select_n3A_124, %dma_wait3A, %dma_wait3A_125] : memref<2x128x128xf32, #tpu.memory_space<vmem>> -> memref<1x128x128xf32, #tpu.memory_space<vmem>>
        %dma_wait3A_127 = tpu.memref_squeeze %dma_wait3A_126 : memref<1x128x128xf32, #tpu.memory_space<vmem>> -> memref<128x128xf32, #tpu.memory_space<vmem>>
        %dma_wait3A_128 = arith.constant 0 : i32
        %dma_wait3A_129 = tpu.memref_slice %arg5[%add3A_111, %dma_wait3A_128] : memref<40x128xi32, #tpu.memory_space<vmem>> -> memref<1x128xi32, #tpu.memory_space<vmem>>
        %dma_wait3A_130 = tpu.memref_squeeze %dma_wait3A_129 : memref<1x128xi32, #tpu.memory_space<vmem>> -> memref<128xi32, #tpu.memory_space<vmem>>
        %dma_wait3A_131 = arith.constant 0 : i32
        %dma_wait3A_132 = arith.constant 0 : i32
        %dma_wait3A_133 = tpu.memref_slice %arg3[%dma_wait3A_131, %dma_wait3A_132] : memref<10240x128xf32, #tpu.memory_space<hbm>> -> memref<10240x128xf32, #tpu.memory_space<hbm>>
        tpu.wait_indirect_dma semaphore(%arg9 : memref<!tpu.dma_semaphore, #tpu.memory_space<semaphore_mem>>) src(%dma_wait3A_133 : memref<10240x128xf32, #tpu.memory_space<hbm>>) dst(%dma_wait3A_127 : memref<128x128xf32, #tpu.memory_space<vmem>>)
        "tpu.region"() ({
          %run_scoped3A_140 = tpu.sem_alloc : memref<!tpu.dma_semaphore, #tpu.memory_space<semaphore_mem>>
          %dma_start3A_141 = arith.constant 0 : i32
          %dma_start3A_142 = arith.constant 0 : i32
          %dma_start3A_143 = tpu.memref_slice %arg7[%select_n3A_124, %dma_start3A_141, %dma_start3A_142] : memref<2x128x128xf32, #tpu.memory_space<vmem>> -> memref<1x128x128xf32, #tpu.memory_space<vmem>>
          %dma_start3A_144 = tpu.memref_squeeze %dma_start3A_143 : memref<1x128x128xf32, #tpu.memory_space<vmem>> -> memref<128x128xf32, #tpu.memory_space<vmem>>
          %dma_start3A_145 = arith.constant 0 : i32
          %dma_start3A_146 = tpu.memref_slice %arg6[%add3A_111, %dma_start3A_145] : memref<40x128xi32, #tpu.memory_space<vmem>> -> memref<1x128xi32, #tpu.memory_space<vmem>>
          %dma_start3A_147 = tpu.memref_squeeze %dma_start3A_146 : memref<1x128xi32, #tpu.memory_space<vmem>> -> memref<128xi32, #tpu.memory_space<vmem>>
          %dma_start3A_148 = arith.constant 0 : i32
          %dma_start3A_149 = arith.constant 0 : i32
          %dma_start3A_150 = tpu.memref_slice %arg8[%dma_start3A_148, %dma_start3A_149] : memref<10240x128xf32, #tpu.memory_space<vmem_shared>> -> memref<10240x128xf32, #tpu.memory_space<vmem_shared>>
          tpu.enqueue_indirect_dma source(%dma_start3A_144 : memref<128x128xf32, #tpu.memory_space<vmem>>) target(%dma_start3A_150 : memref<10240x128xf32, #tpu.memory_space<vmem_shared>>) offsets(%dma_start3A_147 : memref<128xi32, #tpu.memory_space<vmem>>) semaphore(%run_scoped3A_140 : memref<!tpu.dma_semaphore, #tpu.memory_space<semaphore_mem>>) {add = true}
          %dma_wait3A_151 = arith.constant 0 : i32
          %dma_wait3A_152 = arith.constant 0 : i32
          %dma_wait3A_153 = tpu.memref_slice %arg7[%select_n3A_124, %dma_wait3A_151, %dma_wait3A_152] : memref<2x128x128xf32, #tpu.memory_space<vmem>> -> memref<1x128x128xf32, #tpu.memory_space<vmem>>
          %dma_wait3A_154 = tpu.memref_squeeze %dma_wait3A_153 : memref<1x128x128xf32, #tpu.memory_space<vmem>> -> memref<128x128xf32, #tpu.memory_space<vmem>>
          %dma_wait3A_155 = arith.constant 0 : i32
          %dma_wait3A_156 = tpu.memref_slice %arg6[%add3A_111, %dma_wait3A_155] : memref<40x128xi32, #tpu.memory_space<vmem>> -> memref<1x128xi32, #tpu.memory_space<vmem>>
          %dma_wait3A_157 = tpu.memref_squeeze %dma_wait3A_156 : memref<1x128xi32, #tpu.memory_space<vmem>> -> memref<128xi32, #tpu.memory_space<vmem>>
          %dma_wait3A_158 = arith.constant 0 : i32
          %dma_wait3A_159 = arith.constant 0 : i32
          %dma_wait3A_160 = tpu.memref_slice %arg8[%dma_wait3A_158, %dma_wait3A_159] : memref<10240x128xf32, #tpu.memory_space<vmem_shared>> -> memref<10240x128xf32, #tpu.memory_space<vmem_shared>>
          tpu.wait_indirect_dma semaphore(%run_scoped3A_140 : memref<!tpu.dma_semaphore, #tpu.memory_space<semaphore_mem>>) src(%dma_wait3A_154 : memref<128x128xf32, #tpu.memory_space<vmem>>) dst(%dma_wait3A_160 : memref<10240x128xf32, #tpu.memory_space<vmem_shared>>)
          tpu.yield
        }) : () -> ()
        %add3A_134 = arith.constant 2 : i32
        %add3A_135 = arith.addi %add3A_111, %add3A_134 : i32
        %lt3A_136 = arith.cmpi slt, %add3A_135, %min3A : i32
        %convert_element_type3A_137 = arith.extui %lt3A_136 : i1 to i32
        %cond3A_138 = arith.constant 0 : i32
        %cond3A_139 = arith.cmpi ne, %convert_element_type3A_137, %cond3A_138 : i32
        scf.if %cond3A_139 {
          %add3A_140 = arith.constant 2 : i32
          %add3A_141 = arith.addi %add3A_111, %add3A_140 : i32
          %dma_start3A_142 = arith.constant 0 : i32
          %dma_start3A_143 = arith.constant 0 : i32
          %dma_start3A_144 = tpu.memref_slice %arg7[%select_n3A_124, %dma_start3A_142, %dma_start3A_143] : memref<2x128x128xf32, #tpu.memory_space<vmem>> -> memref<1x128x128xf32, #tpu.memory_space<vmem>>
          %dma_start3A_145 = tpu.memref_squeeze %dma_start3A_144 : memref<1x128x128xf32, #tpu.memory_space<vmem>> -> memref<128x128xf32, #tpu.memory_space<vmem>>
          %dma_start3A_146 = arith.constant 0 : i32
          %dma_start3A_147 = tpu.memref_slice %arg5[%add3A_141, %dma_start3A_146] : memref<40x128xi32, #tpu.memory_space<vmem>> -> memref<1x128xi32, #tpu.memory_space<vmem>>
          %dma_start3A_148 = tpu.memref_squeeze %dma_start3A_147 : memref<1x128xi32, #tpu.memory_space<vmem>> -> memref<128xi32, #tpu.memory_space<vmem>>
          %dma_start3A_149 = arith.constant 0 : i32
          %dma_start3A_150 = arith.constant 0 : i32
          %dma_start3A_151 = tpu.memref_slice %arg3[%dma_start3A_149, %dma_start3A_150] : memref<10240x128xf32, #tpu.memory_space<hbm>> -> memref<10240x128xf32, #tpu.memory_space<hbm>>
          tpu.enqueue_indirect_dma source(%dma_start3A_151 : memref<10240x128xf32, #tpu.memory_space<hbm>>) target(%dma_start3A_145 : memref<128x128xf32, #tpu.memory_space<vmem>>) offsets(%dma_start3A_148 : memref<128xi32, #tpu.memory_space<vmem>>) semaphore(%arg9 : memref<!tpu.dma_semaphore, #tpu.memory_space<semaphore_mem>>)
        } else {
        }
      }
      %while3A_108 = arith.constant 1 : i32
      scf.for %while3A_109 = %while3A_106 to %while3A_102 step %while3A_108  : i32 {
        %mul3A_110 = arith.muli %while3A_109, %while3A : i32
        %add3A_111 = arith.addi %while3A_99, %mul3A_110 : i32
        %jit3A_112 = arith.constant 2 : i32
        %eq3A_113 = arith.constant 0 : i32
        %eq3A_114 = arith.cmpi eq, %jit3A_112, %eq3A_113 : i32
        %jit3A_115 = arith.constant 1 : i32
        %select_n3A_116 = arith.select %eq3A_114, %jit3A_115, %jit3A_112 : i32
        %rem3A = arith.remsi %add3A_111, %select_n3A_116 : i32
        %ne3A = arith.constant 0 : i32
        %ne3A_117 = arith.cmpi ne, %rem3A, %ne3A : i32
        %lt3A_118 = arith.constant 0 : i32
        %lt3A_119 = arith.cmpi slt, %rem3A, %lt3A_118 : i32
        %lt3A_120 = arith.constant 0 : i32
        %lt3A_121 = arith.cmpi slt, %select_n3A_116, %lt3A_120 : i32
        %ne3A_122 = arith.xori %lt3A_119, %lt3A_121 : i1
        %and3A = arith.andi %ne3A_122, %ne3A_117 : i1
        %add3A_123 = arith.addi %rem3A, %select_n3A_116 : i32
        %select_n3A_124 = arith.select %and3A, %add3A_123, %rem3A : i32
        %dma_wait3A = arith.constant 0 : i32
        %dma_wait3A_125 = arith.constant 0 : i32
        %dma_wait3A_126 = tpu.memref_slice %arg7[%select_n3A_124, %dma_wait3A, %dma_wait3A_125] : memref<2x128x128xf32, #tpu.memory_space<vmem>> -> memref<1x128x128xf32, #tpu.memory_space<vmem>>
        %dma_wait3A_127 = tpu.memref_squeeze %dma_wait3A_126 : memref<1x128x128xf32, #tpu.memory_space<vmem>> -> memref<128x128xf32, #tpu.memory_space<vmem>>
        %dma_wait3A_128 = arith.constant 0 : i32
        %dma_wait3A_129 = tpu.memref_slice %arg5[%add3A_111, %dma_wait3A_128] : memref<40x128xi32, #tpu.memory_space<vmem>> -> memref<1x128xi32, #tpu.memory_space<vmem>>
        %dma_wait3A_130 = tpu.memref_squeeze %dma_wait3A_129 : memref<1x128xi32, #tpu.memory_space<vmem>> -> memref<128xi32, #tpu.memory_space<vmem>>
        %dma_wait3A_131 = arith.constant 0 : i32
        %dma_wait3A_132 = arith.constant 0 : i32
        %dma_wait3A_133 = tpu.memref_slice %arg3[%dma_wait3A_131, %dma_wait3A_132] : memref<10240x128xf32, #tpu.memory_space<hbm>> -> memref<10240x128xf32, #tpu.memory_space<hbm>>
        tpu.wait_indirect_dma semaphore(%arg9 : memref<!tpu.dma_semaphore, #tpu.memory_space<semaphore_mem>>) src(%dma_wait3A_133 : memref<10240x128xf32, #tpu.memory_space<hbm>>) dst(%dma_wait3A_127 : memref<128x128xf32, #tpu.memory_space<vmem>>)
        "tpu.region"() ({
          %run_scoped3A_140 = tpu.sem_alloc : memref<!tpu.dma_semaphore, #tpu.memory_space<semaphore_mem>>
          %dma_start3A_141 = arith.constant 0 : i32
          %dma_start3A_142 = arith.constant 0 : i32
          %dma_start3A_143 = tpu.memref_slice %arg7[%select_n3A_124, %dma_start3A_141, %dma_start3A_142] : memref<2x128x128xf32, #tpu.memory_space<vmem>> -> memref<1x128x128xf32, #tpu.memory_space<vmem>>
          %dma_start3A_144 = tpu.memref_squeeze %dma_start3A_143 : memref<1x128x128xf32, #tpu.memory_space<vmem>> -> memref<128x128xf32, #tpu.memory_space<vmem>>
          %dma_start3A_145 = arith.constant 0 : i32
          %dma_start3A_146 = tpu.memref_slice %arg6[%add3A_111, %dma_start3A_145] : memref<40x128xi32, #tpu.memory_space<vmem>> -> memref<1x128xi32, #tpu.memory_space<vmem>>
          %dma_start3A_147 = tpu.memref_squeeze %dma_start3A_146 : memref<1x128xi32, #tpu.memory_space<vmem>> -> memref<128xi32, #tpu.memory_space<vmem>>
          %dma_start3A_148 = arith.constant 0 : i32
          %dma_start3A_149 = arith.constant 0 : i32
          %dma_start3A_150 = tpu.memref_slice %arg8[%dma_start3A_148, %dma_start3A_149] : memref<10240x128xf32, #tpu.memory_space<vmem_shared>> -> memref<10240x128xf32, #tpu.memory_space<vmem_shared>>
          tpu.enqueue_indirect_dma source(%dma_start3A_144 : memref<128x128xf32, #tpu.memory_space<vmem>>) target(%dma_start3A_150 : memref<10240x128xf32, #tpu.memory_space<vmem_shared>>) offsets(%dma_start3A_147 : memref<128xi32, #tpu.memory_space<vmem>>) semaphore(%run_scoped3A_140 : memref<!tpu.dma_semaphore, #tpu.memory_space<semaphore_mem>>) {add = true}
          %dma_wait3A_151 = arith.constant 0 : i32
          %dma_wait3A_152 = arith.constant 0 : i32
          %dma_wait3A_153 = tpu.memref_slice %arg7[%select_n3A_124, %dma_wait3A_151, %dma_wait3A_152] : memref<2x128x128xf32, #tpu.memory_space<vmem>> -> memref<1x128x128xf32, #tpu.memory_space<vmem>>
          %dma_wait3A_154 = tpu.memref_squeeze %dma_wait3A_153 : memref<1x128x128xf32, #tpu.memory_space<vmem>> -> memref<128x128xf32, #tpu.memory_space<vmem>>
          %dma_wait3A_155 = arith.constant 0 : i32
          %dma_wait3A_156 = tpu.memref_slice %arg6[%add3A_111, %dma_wait3A_155] : memref<40x128xi32, #tpu.memory_space<vmem>> -> memref<1x128xi32, #tpu.memory_space<vmem>>
          %dma_wait3A_157 = tpu.memref_squeeze %dma_wait3A_156 : memref<1x128xi32, #tpu.memory_space<vmem>> -> memref<128xi32, #tpu.memory_space<vmem>>
          %dma_wait3A_158 = arith.constant 0 : i32
          %dma_wait3A_159 = arith.constant 0 : i32
          %dma_wait3A_160 = tpu.memref_slice %arg8[%dma_wait3A_158, %dma_wait3A_159] : memref<10240x128xf32, #tpu.memory_space<vmem_shared>> -> memref<10240x128xf32, #tpu.memory_space<vmem_shared>>
          tpu.wait_indirect_dma semaphore(%run_scoped3A_140 : memref<!tpu.dma_semaphore, #tpu.memory_space<semaphore_mem>>) src(%dma_wait3A_154 : memref<128x128xf32, #tpu.memory_space<vmem>>) dst(%dma_wait3A_160 : memref<10240x128xf32, #tpu.memory_space<vmem_shared>>)
          tpu.yield
        }) : () -> ()
        %add3A_134 = arith.constant 2 : i32
        %add3A_135 = arith.addi %add3A_111, %add3A_134 : i32
        %lt3A_136 = arith.cmpi slt, %add3A_135, %min3A : i32
        %convert_element_type3A_137 = arith.extui %lt3A_136 : i1 to i32
        %cond3A_138 = arith.constant 0 : i32
        %cond3A_139 = arith.cmpi ne, %convert_element_type3A_137, %cond3A_138 : i32
        scf.if %cond3A_139 {
          %add3A_140 = arith.constant 2 : i32
          %add3A_141 = arith.addi %add3A_111, %add3A_140 : i32
          %dma_start3A_142 = arith.constant 0 : i32
          %dma_start3A_143 = arith.constant 0 : i32
          %dma_start3A_144 = tpu.memref_slice %arg7[%select_n3A_124, %dma_start3A_142, %dma_start3A_143] : memref<2x128x128xf32, #tpu.memory_space<vmem>> -> memref<1x128x128xf32, #tpu.memory_space<vmem>>
          %dma_start3A_145 = tpu.memref_squeeze %dma_start3A_144 : memref<1x128x128xf32, #tpu.memory_space<vmem>> -> memref<128x128xf32, #tpu.memory_space<vmem>>
          %dma_start3A_146 = arith.constant 0 : i32
          %dma_start3A_147 = tpu.memref_slice %arg5[%add3A_141, %dma_start3A_146] : memref<40x128xi32, #tpu.memory_space<vmem>> -> memref<1x128xi32, #tpu.memory_space<vmem>>
          %dma_start3A_148 = tpu.memref_squeeze %dma_start3A_147 : memref<1x128xi32, #tpu.memory_space<vmem>> -> memref<128xi32, #tpu.memory_space<vmem>>
          %dma_start3A_149 = arith.constant 0 : i32
          %dma_start3A_150 = arith.constant 0 : i32
          %dma_start3A_151 = tpu.memref_slice %arg3[%dma_start3A_149, %dma_start3A_150] : memref<10240x128xf32, #tpu.memory_space<hbm>> -> memref<10240x128xf32, #tpu.memory_space<hbm>>
          tpu.enqueue_indirect_dma source(%dma_start3A_151 : memref<10240x128xf32, #tpu.memory_space<hbm>>) target(%dma_start3A_145 : memref<128x128xf32, #tpu.memory_space<vmem>>) offsets(%dma_start3A_148 : memref<128xi32, #tpu.memory_space<vmem>>) semaphore(%arg9 : memref<!tpu.dma_semaphore, #tpu.memory_space<semaphore_mem>>)
        } else {
        }
      }
    } else {
    }
    %lt3A_52 = arith.constant 31 : i32
    %lt3A_53 = arith.cmpi slt, %add3A, %lt3A_52 : i32
    %convert_element_type3A_54 = arith.extui %lt3A_53 : i1 to i32
    %cond3A_55 = arith.constant 0 : i32
    %cond3A_56 = arith.constant 0 : i32
    %cond3A_57 = arith.cmpi ne, %convert_element_type3A_54, %cond3A_56 : i32
    scf.if %cond3A_57 {
      %mul3A_76 = arith.constant 80 : i32
      %mul3A_77 = arith.muli %add3A, %mul3A_76 : i32
      %add3A_78 = arith.constant 40 : i32
      %add3A_79 = arith.addi %mul3A_77, %add3A_78 : i32
      "tpu.region"() ({
        %run_scoped3A_80 = tpu.sem_alloc : memref<!tpu.dma_semaphore, #tpu.memory_space<semaphore_mem>>
        %dma_start3A = arith.constant 0 : i32
        %dma_start3A_81 = arith.constant 0 : i32
        %dma_start3A_82 = tpu.memref_slice %arg2[%cond3A_55, %dma_start3A, %dma_start3A_81] : memref<2x2500x128xi32, #tpu.memory_space<hbm>> -> memref<1x2500x128xi32, #tpu.memory_space<hbm>>
        %dma_start3A_83 = tpu.memref_squeeze %dma_start3A_82 : memref<1x2500x128xi32, #tpu.memory_space<hbm>> -> memref<2500x128xi32, #tpu.memory_space<hbm>>
        %dma_start3A_84 = arith.constant 0 : i32
        %dma_start3A_85 = tpu.memref_slice %dma_start3A_83[%add3A_79, %dma_start3A_84] : memref<2500x128xi32, #tpu.memory_space<hbm>> -> memref<40x128xi32, #tpu.memory_space<hbm>>
        %dma_start3A_86 = arith.constant 0 : i32
        %dma_start3A_87 = arith.constant 0 : i32
        %dma_start3A_88 = tpu.memref_slice %arg2[%cond3A_55, %dma_start3A_86, %dma_start3A_87] : memref<2x2500x128xi32, #tpu.memory_space<hbm>> -> memref<1x2500x128xi32, #tpu.memory_space<hbm>>
        %dma_start3A_89 = tpu.memref_squeeze %dma_start3A_88 : memref<1x2500x128xi32, #tpu.memory_space<hbm>> -> memref<2500x128xi32, #tpu.memory_space<hbm>>
        %dma_start3A_90 = arith.constant 0 : i32
        %dma_start3A_91 = tpu.memref_slice %dma_start3A_89[%add3A_79, %dma_start3A_90] : memref<2500x128xi32, #tpu.memory_space<hbm>> -> memref<40x128xi32, #tpu.memory_space<hbm>>
        tpu.enqueue_dma source(%dma_start3A_91 : memref<40x128xi32, #tpu.memory_space<hbm>>) target(%arg5 : memref<40x128xi32, #tpu.memory_space<vmem>>) target_semaphore(%run_scoped3A_80 : memref<!tpu.dma_semaphore, #tpu.memory_space<semaphore_mem>>)
        %dma_wait3A = arith.constant 0 : i32
        %dma_wait3A_92 = arith.constant 0 : i32
        %dma_wait3A_93 = tpu.memref_slice %arg2[%cond3A_55, %dma_wait3A, %dma_wait3A_92] : memref<2x2500x128xi32, #tpu.memory_space<hbm>> -> memref<1x2500x128xi32, #tpu.memory_space<hbm>>
        %dma_wait3A_94 = tpu.memref_squeeze %dma_wait3A_93 : memref<1x2500x128xi32, #tpu.memory_space<hbm>> -> memref<2500x128xi32, #tpu.memory_space<hbm>>
        %dma_wait3A_95 = arith.constant 0 : i32
        %dma_wait3A_96 = tpu.memref_slice %dma_wait3A_94[%add3A_79, %dma_wait3A_95] : memref<2500x128xi32, #tpu.memory_space<hbm>> -> memref<40x128xi32, #tpu.memory_space<hbm>>
        %dma_wait3A_97 = arith.constant 0 : i32
        %dma_wait3A_98 = arith.constant 0 : i32
        %dma_wait3A_99 = tpu.memref_slice %arg2[%cond3A_55, %dma_wait3A_97, %dma_wait3A_98] : memref<2x2500x128xi32, #tpu.memory_space<hbm>> -> memref<1x2500x128xi32, #tpu.memory_space<hbm>>
        %dma_wait3A_100 = tpu.memref_squeeze %dma_wait3A_99 : memref<1x2500x128xi32, #tpu.memory_space<hbm>> -> memref<2500x128xi32, #tpu.memory_space<hbm>>
        %dma_wait3A_101 = arith.constant 0 : i32
        %dma_wait3A_102 = tpu.memref_slice %dma_wait3A_100[%add3A_79, %dma_wait3A_101] : memref<2500x128xi32, #tpu.memory_space<hbm>> -> memref<40x128xi32, #tpu.memory_space<hbm>>
        tpu.wait_dma2 semaphore(%run_scoped3A_80 : memref<!tpu.dma_semaphore, #tpu.memory_space<semaphore_mem>>) src(%dma_wait3A_102 : memref<40x128xi32, #tpu.memory_space<hbm>>) dst(%arg5 : memref<40x128xi32, #tpu.memory_space<vmem>>)
        tpu.yield
      }) : () -> ()
    } else {
    }
    %lt3A_58 = arith.constant 31 : i32
    %lt3A_59 = arith.cmpi slt, %add3A, %lt3A_58 : i32
    %convert_element_type3A_60 = arith.extui %lt3A_59 : i1 to i32
    %cond3A_61 = arith.constant 1 : i32
    %cond3A_62 = arith.constant 0 : i32
    %cond3A_63 = arith.cmpi ne, %convert_element_type3A_60, %cond3A_62 : i32
    scf.if %cond3A_63 {
      %mul3A_76 = arith.constant 80 : i32
      %mul3A_77 = arith.muli %add3A, %mul3A_76 : i32
      %add3A_78 = arith.constant 40 : i32
      %add3A_79 = arith.addi %mul3A_77, %add3A_78 : i32
      "tpu.region"() ({
        %run_scoped3A_80 = tpu.sem_alloc : memref<!tpu.dma_semaphore, #tpu.memory_space<semaphore_mem>>
        %dma_start3A = arith.constant 0 : i32
        %dma_start3A_81 = arith.constant 0 : i32
        %dma_start3A_82 = tpu.memref_slice %arg2[%cond3A_61, %dma_start3A, %dma_start3A_81] : memref<2x2500x128xi32, #tpu.memory_space<hbm>> -> memref<1x2500x128xi32, #tpu.memory_space<hbm>>
        %dma_start3A_83 = tpu.memref_squeeze %dma_start3A_82 : memref<1x2500x128xi32, #tpu.memory_space<hbm>> -> memref<2500x128xi32, #tpu.memory_space<hbm>>
        %dma_start3A_84 = arith.constant 0 : i32
        %dma_start3A_85 = tpu.memref_slice %dma_start3A_83[%add3A_79, %dma_start3A_84] : memref<2500x128xi32, #tpu.memory_space<hbm>> -> memref<40x128xi32, #tpu.memory_space<hbm>>
        %dma_start3A_86 = arith.constant 0 : i32
        %dma_start3A_87 = arith.constant 0 : i32
        %dma_start3A_88 = tpu.memref_slice %arg2[%cond3A_61, %dma_start3A_86, %dma_start3A_87] : memref<2x2500x128xi32, #tpu.memory_space<hbm>> -> memref<1x2500x128xi32, #tpu.memory_space<hbm>>
        %dma_start3A_89 = tpu.memref_squeeze %dma_start3A_88 : memref<1x2500x128xi32, #tpu.memory_space<hbm>> -> memref<2500x128xi32, #tpu.memory_space<hbm>>
        %dma_start3A_90 = arith.constant 0 : i32
        %dma_start3A_91 = tpu.memref_slice %dma_start3A_89[%add3A_79, %dma_start3A_90] : memref<2500x128xi32, #tpu.memory_space<hbm>> -> memref<40x128xi32, #tpu.memory_space<hbm>>
        tpu.enqueue_dma source(%dma_start3A_91 : memref<40x128xi32, #tpu.memory_space<hbm>>) target(%arg6 : memref<40x128xi32, #tpu.memory_space<vmem>>) target_semaphore(%run_scoped3A_80 : memref<!tpu.dma_semaphore, #tpu.memory_space<semaphore_mem>>)
        %dma_wait3A = arith.constant 0 : i32
        %dma_wait3A_92 = arith.constant 0 : i32
        %dma_wait3A_93 = tpu.memref_slice %arg2[%cond3A_61, %dma_wait3A, %dma_wait3A_92] : memref<2x2500x128xi32, #tpu.memory_space<hbm>> -> memref<1x2500x128xi32, #tpu.memory_space<hbm>>
        %dma_wait3A_94 = tpu.memref_squeeze %dma_wait3A_93 : memref<1x2500x128xi32, #tpu.memory_space<hbm>> -> memref<2500x128xi32, #tpu.memory_space<hbm>>
        %dma_wait3A_95 = arith.constant 0 : i32
        %dma_wait3A_96 = tpu.memref_slice %dma_wait3A_94[%add3A_79, %dma_wait3A_95] : memref<2500x128xi32, #tpu.memory_space<hbm>> -> memref<40x128xi32, #tpu.memory_space<hbm>>
        %dma_wait3A_97 = arith.constant 0 : i32
        %dma_wait3A_98 = arith.constant 0 : i32
        %dma_wait3A_99 = tpu.memref_slice %arg2[%cond3A_61, %dma_wait3A_97, %dma_wait3A_98] : memref<2x2500x128xi32, #tpu.memory_space<hbm>> -> memref<1x2500x128xi32, #tpu.memory_space<hbm>>
        %dma_wait3A_100 = tpu.memref_squeeze %dma_wait3A_99 : memref<1x2500x128xi32, #tpu.memory_space<hbm>> -> memref<2500x128xi32, #tpu.memory_space<hbm>>
        %dma_wait3A_101 = arith.constant 0 : i32
        %dma_wait3A_102 = tpu.memref_slice %dma_wait3A_100[%add3A_79, %dma_wait3A_101] : memref<2500x128xi32, #tpu.memory_space<hbm>> -> memref<40x128xi32, #tpu.memory_space<hbm>>
        tpu.wait_dma2 semaphore(%run_scoped3A_80 : memref<!tpu.dma_semaphore, #tpu.memory_space<semaphore_mem>>) src(%dma_wait3A_102 : memref<40x128xi32, #tpu.memory_space<hbm>>) dst(%arg6 : memref<40x128xi32, #tpu.memory_space<vmem>>)
        tpu.yield
      }) : () -> ()
    } else {
    }
    %sub3A_64 = arith.constant 40 : i32
    %sub3A_65 = arith.subi %select_n3A, %sub3A_64 : i32
    %jit3A_66 = arith.constant 0 : i32
    %jit3A_67 = arith.constant 40 : i32
    %max3A_68 = arith.maxsi %jit3A_66, %sub3A_65 : i32
    %min3A_69 = arith.minsi %jit3A_67, %max3A_68 : i32
    %gt3A_70 = arith.constant 0 : i32
    %gt3A_71 = arith.cmpi sgt, %min3A_69, %gt3A_70 : i32
    %convert_element_type3A_72 = arith.extui %gt3A_71 : i1 to i32
    %cond3A_73 = arith.constant 0 : i32
    %cond3A_74 = arith.cmpi ne, %convert_element_type3A_72, %cond3A_73 : i32
    scf.if %cond3A_74 {
      %dma_start3A = arith.constant 0 : i32
      %dma_start3A_76 = arith.constant 0 : i32
      %dma_start3A_77 = arith.constant 0 : i32
      %dma_start3A_78 = arith.constant 0 : i32
      %dma_start3A_79 = tpu.memref_slice %arg7[%dma_start3A_76, %dma_start3A_77, %dma_start3A_78] : memref<2x128x128xf32, #tpu.memory_space<vmem>> -> memref<1x128x128xf32, #tpu.memory_space<vmem>>
      %dma_start3A_80 = tpu.memref_squeeze %dma_start3A_79 : memref<1x128x128xf32, #tpu.memory_space<vmem>> -> memref<128x128xf32, #tpu.memory_space<vmem>>
      %dma_start3A_81 = arith.constant 0 : i32
      %dma_start3A_82 = tpu.memref_slice %arg5[%dma_start3A, %dma_start3A_81] : memref<40x128xi32, #tpu.memory_space<vmem>> -> memref<1x128xi32, #tpu.memory_space<vmem>>
      %dma_start3A_83 = tpu.memref_squeeze %dma_start3A_82 : memref<1x128xi32, #tpu.memory_space<vmem>> -> memref<128xi32, #tpu.memory_space<vmem>>
      %dma_start3A_84 = arith.constant 0 : i32
      %dma_start3A_85 = arith.constant 0 : i32
      %dma_start3A_86 = tpu.memref_slice %arg3[%dma_start3A_84, %dma_start3A_85] : memref<10240x128xf32, #tpu.memory_space<hbm>> -> memref<10240x128xf32, #tpu.memory_space<hbm>>
      tpu.enqueue_indirect_dma source(%dma_start3A_86 : memref<10240x128xf32, #tpu.memory_space<hbm>>) target(%dma_start3A_80 : memref<128x128xf32, #tpu.memory_space<vmem>>) offsets(%dma_start3A_83 : memref<128xi32, #tpu.memory_space<vmem>>) semaphore(%arg9 : memref<!tpu.dma_semaphore, #tpu.memory_space<semaphore_mem>>)
      %gt3A_87 = arith.constant 1 : i32
      %gt3A_88 = arith.cmpi sgt, %min3A_69, %gt3A_87 : i32
      %convert_element_type3A_89 = arith.extui %gt3A_88 : i1 to i32
      %cond3A_90 = arith.constant 0 : i32
      %cond3A_91 = arith.cmpi ne, %convert_element_type3A_89, %cond3A_90 : i32
      scf.if %cond3A_91 {
        %dma_start3A_109 = arith.constant 1 : i32
        %dma_start3A_110 = arith.constant 1 : i32
        %dma_start3A_111 = arith.constant 0 : i32
        %dma_start3A_112 = arith.constant 0 : i32
        %dma_start3A_113 = tpu.memref_slice %arg7[%dma_start3A_110, %dma_start3A_111, %dma_start3A_112] : memref<2x128x128xf32, #tpu.memory_space<vmem>> -> memref<1x128x128xf32, #tpu.memory_space<vmem>>
        %dma_start3A_114 = tpu.memref_squeeze %dma_start3A_113 : memref<1x128x128xf32, #tpu.memory_space<vmem>> -> memref<128x128xf32, #tpu.memory_space<vmem>>
        %dma_start3A_115 = arith.constant 0 : i32
        %dma_start3A_116 = tpu.memref_slice %arg5[%dma_start3A_109, %dma_start3A_115] : memref<40x128xi32, #tpu.memory_space<vmem>> -> memref<1x128xi32, #tpu.memory_space<vmem>>
        %dma_start3A_117 = tpu.memref_squeeze %dma_start3A_116 : memref<1x128xi32, #tpu.memory_space<vmem>> -> memref<128xi32, #tpu.memory_space<vmem>>
        %dma_start3A_118 = arith.constant 0 : i32
        %dma_start3A_119 = arith.constant 0 : i32
        %dma_start3A_120 = tpu.memref_slice %arg3[%dma_start3A_118, %dma_start3A_119] : memref<10240x128xf32, #tpu.memory_space<hbm>> -> memref<10240x128xf32, #tpu.memory_space<hbm>>
        tpu.enqueue_indirect_dma source(%dma_start3A_120 : memref<10240x128xf32, #tpu.memory_space<hbm>>) target(%dma_start3A_114 : memref<128x128xf32, #tpu.memory_space<vmem>>) offsets(%dma_start3A_117 : memref<128xi32, #tpu.memory_space<vmem>>) semaphore(%arg9 : memref<!tpu.dma_semaphore, #tpu.memory_space<semaphore_mem>>)
      } else {
      }
      %sub3A_92 = arith.constant 0 : i32
      %sub3A_93 = arith.subi %min3A_69, %sub3A_92 : i32
      %sub3A_94 = arith.constant 1 : i32
      %sub3A_95 = arith.constant 1 : i32
      %sub3A_96 = arith.subi %sub3A_94, %sub3A_95 : i32
      %add3A_97 = arith.addi %sub3A_93, %sub3A_96 : i32
      %div3A = arith.constant 1 : i32
      %div3A_98 = arith.divsi %add3A_97, %div3A : i32
      %while3A = arith.constant 1 : i32
      %while3A_99 = arith.constant 0 : i32
      %while3A_100 = arith.constant 0 : i32
      %while3A_101 = arith.subi %div3A_98, %while3A_100 : i32
      %while3A_102 = arith.addi %while3A_100, %while3A_101 : i32
      %while3A_103 = arith.constant 1 : i32
      %while3A_104 = arith.divsi %while3A_101, %while3A_103 : i32
      %while3A_105 = arith.muli %while3A_104, %while3A_103 : i32
      %while3A_106 = arith.addi %while3A_100, %while3A_105 : i32
      %while3A_107 = arith.constant 1 : i32
      scf.for %while3A_109 = %while3A_100 to %while3A_106 step %while3A_107  : i32 {
        %mul3A_110 = arith.muli %while3A_109, %while3A : i32
        %add3A_111 = arith.addi %while3A_99, %mul3A_110 : i32
        %jit3A_112 = arith.constant 2 : i32
        %eq3A_113 = arith.constant 0 : i32
        %eq3A_114 = arith.cmpi eq, %jit3A_112, %eq3A_113 : i32
        %jit3A_115 = arith.constant 1 : i32
        %select_n3A_116 = arith.select %eq3A_114, %jit3A_115, %jit3A_112 : i32
        %rem3A = arith.remsi %add3A_111, %select_n3A_116 : i32
        %ne3A = arith.constant 0 : i32
        %ne3A_117 = arith.cmpi ne, %rem3A, %ne3A : i32
        %lt3A_118 = arith.constant 0 : i32
        %lt3A_119 = arith.cmpi slt, %rem3A, %lt3A_118 : i32
        %lt3A_120 = arith.constant 0 : i32
        %lt3A_121 = arith.cmpi slt, %select_n3A_116, %lt3A_120 : i32
        %ne3A_122 = arith.xori %lt3A_119, %lt3A_121 : i1
        %and3A = arith.andi %ne3A_122, %ne3A_117 : i1
        %add3A_123 = arith.addi %rem3A, %select_n3A_116 : i32
        %select_n3A_124 = arith.select %and3A, %add3A_123, %rem3A : i32
        %dma_wait3A = arith.constant 0 : i32
        %dma_wait3A_125 = arith.constant 0 : i32
        %dma_wait3A_126 = tpu.memref_slice %arg7[%select_n3A_124, %dma_wait3A, %dma_wait3A_125] : memref<2x128x128xf32, #tpu.memory_space<vmem>> -> memref<1x128x128xf32, #tpu.memory_space<vmem>>
        %dma_wait3A_127 = tpu.memref_squeeze %dma_wait3A_126 : memref<1x128x128xf32, #tpu.memory_space<vmem>> -> memref<128x128xf32, #tpu.memory_space<vmem>>
        %dma_wait3A_128 = arith.constant 0 : i32
        %dma_wait3A_129 = tpu.memref_slice %arg5[%add3A_111, %dma_wait3A_128] : memref<40x128xi32, #tpu.memory_space<vmem>> -> memref<1x128xi32, #tpu.memory_space<vmem>>
        %dma_wait3A_130 = tpu.memref_squeeze %dma_wait3A_129 : memref<1x128xi32, #tpu.memory_space<vmem>> -> memref<128xi32, #tpu.memory_space<vmem>>
        %dma_wait3A_131 = arith.constant 0 : i32
        %dma_wait3A_132 = arith.constant 0 : i32
        %dma_wait3A_133 = tpu.memref_slice %arg3[%dma_wait3A_131, %dma_wait3A_132] : memref<10240x128xf32, #tpu.memory_space<hbm>> -> memref<10240x128xf32, #tpu.memory_space<hbm>>
        tpu.wait_indirect_dma semaphore(%arg9 : memref<!tpu.dma_semaphore, #tpu.memory_space<semaphore_mem>>) src(%dma_wait3A_133 : memref<10240x128xf32, #tpu.memory_space<hbm>>) dst(%dma_wait3A_127 : memref<128x128xf32, #tpu.memory_space<vmem>>)
        "tpu.region"() ({
          %run_scoped3A_140 = tpu.sem_alloc : memref<!tpu.dma_semaphore, #tpu.memory_space<semaphore_mem>>
          %dma_start3A_141 = arith.constant 0 : i32
          %dma_start3A_142 = arith.constant 0 : i32
          %dma_start3A_143 = tpu.memref_slice %arg7[%select_n3A_124, %dma_start3A_141, %dma_start3A_142] : memref<2x128x128xf32, #tpu.memory_space<vmem>> -> memref<1x128x128xf32, #tpu.memory_space<vmem>>
          %dma_start3A_144 = tpu.memref_squeeze %dma_start3A_143 : memref<1x128x128xf32, #tpu.memory_space<vmem>> -> memref<128x128xf32, #tpu.memory_space<vmem>>
          %dma_start3A_145 = arith.constant 0 : i32
          %dma_start3A_146 = tpu.memref_slice %arg6[%add3A_111, %dma_start3A_145] : memref<40x128xi32, #tpu.memory_space<vmem>> -> memref<1x128xi32, #tpu.memory_space<vmem>>
          %dma_start3A_147 = tpu.memref_squeeze %dma_start3A_146 : memref<1x128xi32, #tpu.memory_space<vmem>> -> memref<128xi32, #tpu.memory_space<vmem>>
          %dma_start3A_148 = arith.constant 0 : i32
          %dma_start3A_149 = arith.constant 0 : i32
          %dma_start3A_150 = tpu.memref_slice %arg8[%dma_start3A_148, %dma_start3A_149] : memref<10240x128xf32, #tpu.memory_space<vmem_shared>> -> memref<10240x128xf32, #tpu.memory_space<vmem_shared>>
          tpu.enqueue_indirect_dma source(%dma_start3A_144 : memref<128x128xf32, #tpu.memory_space<vmem>>) target(%dma_start3A_150 : memref<10240x128xf32, #tpu.memory_space<vmem_shared>>) offsets(%dma_start3A_147 : memref<128xi32, #tpu.memory_space<vmem>>) semaphore(%run_scoped3A_140 : memref<!tpu.dma_semaphore, #tpu.memory_space<semaphore_mem>>) {add = true}
          %dma_wait3A_151 = arith.constant 0 : i32
          %dma_wait3A_152 = arith.constant 0 : i32
          %dma_wait3A_153 = tpu.memref_slice %arg7[%select_n3A_124, %dma_wait3A_151, %dma_wait3A_152] : memref<2x128x128xf32, #tpu.memory_space<vmem>> -> memref<1x128x128xf32, #tpu.memory_space<vmem>>
          %dma_wait3A_154 = tpu.memref_squeeze %dma_wait3A_153 : memref<1x128x128xf32, #tpu.memory_space<vmem>> -> memref<128x128xf32, #tpu.memory_space<vmem>>
          %dma_wait3A_155 = arith.constant 0 : i32
          %dma_wait3A_156 = tpu.memref_slice %arg6[%add3A_111, %dma_wait3A_155] : memref<40x128xi32, #tpu.memory_space<vmem>> -> memref<1x128xi32, #tpu.memory_space<vmem>>
          %dma_wait3A_157 = tpu.memref_squeeze %dma_wait3A_156 : memref<1x128xi32, #tpu.memory_space<vmem>> -> memref<128xi32, #tpu.memory_space<vmem>>
          %dma_wait3A_158 = arith.constant 0 : i32
          %dma_wait3A_159 = arith.constant 0 : i32
          %dma_wait3A_160 = tpu.memref_slice %arg8[%dma_wait3A_158, %dma_wait3A_159] : memref<10240x128xf32, #tpu.memory_space<vmem_shared>> -> memref<10240x128xf32, #tpu.memory_space<vmem_shared>>
          tpu.wait_indirect_dma semaphore(%run_scoped3A_140 : memref<!tpu.dma_semaphore, #tpu.memory_space<semaphore_mem>>) src(%dma_wait3A_154 : memref<128x128xf32, #tpu.memory_space<vmem>>) dst(%dma_wait3A_160 : memref<10240x128xf32, #tpu.memory_space<vmem_shared>>)
          tpu.yield
        }) : () -> ()
        %add3A_134 = arith.constant 2 : i32
        %add3A_135 = arith.addi %add3A_111, %add3A_134 : i32
        %lt3A_136 = arith.cmpi slt, %add3A_135, %min3A_69 : i32
        %convert_element_type3A_137 = arith.extui %lt3A_136 : i1 to i32
        %cond3A_138 = arith.constant 0 : i32
        %cond3A_139 = arith.cmpi ne, %convert_element_type3A_137, %cond3A_138 : i32
        scf.if %cond3A_139 {
          %add3A_140 = arith.constant 2 : i32
          %add3A_141 = arith.addi %add3A_111, %add3A_140 : i32
          %dma_start3A_142 = arith.constant 0 : i32
          %dma_start3A_143 = arith.constant 0 : i32
          %dma_start3A_144 = tpu.memref_slice %arg7[%select_n3A_124, %dma_start3A_142, %dma_start3A_143] : memref<2x128x128xf32, #tpu.memory_space<vmem>> -> memref<1x128x128xf32, #tpu.memory_space<vmem>>
          %dma_start3A_145 = tpu.memref_squeeze %dma_start3A_144 : memref<1x128x128xf32, #tpu.memory_space<vmem>> -> memref<128x128xf32, #tpu.memory_space<vmem>>
          %dma_start3A_146 = arith.constant 0 : i32
          %dma_start3A_147 = tpu.memref_slice %arg5[%add3A_141, %dma_start3A_146] : memref<40x128xi32, #tpu.memory_space<vmem>> -> memref<1x128xi32, #tpu.memory_space<vmem>>
          %dma_start3A_148 = tpu.memref_squeeze %dma_start3A_147 : memref<1x128xi32, #tpu.memory_space<vmem>> -> memref<128xi32, #tpu.memory_space<vmem>>
          %dma_start3A_149 = arith.constant 0 : i32
          %dma_start3A_150 = arith.constant 0 : i32
          %dma_start3A_151 = tpu.memref_slice %arg3[%dma_start3A_149, %dma_start3A_150] : memref<10240x128xf32, #tpu.memory_space<hbm>> -> memref<10240x128xf32, #tpu.memory_space<hbm>>
          tpu.enqueue_indirect_dma source(%dma_start3A_151 : memref<10240x128xf32, #tpu.memory_space<hbm>>) target(%dma_start3A_145 : memref<128x128xf32, #tpu.memory_space<vmem>>) offsets(%dma_start3A_148 : memref<128xi32, #tpu.memory_space<vmem>>) semaphore(%arg9 : memref<!tpu.dma_semaphore, #tpu.memory_space<semaphore_mem>>)
        } else {
        }
      }
      %while3A_108 = arith.constant 1 : i32
      scf.for %while3A_109 = %while3A_106 to %while3A_102 step %while3A_108  : i32 {
        %mul3A_110 = arith.muli %while3A_109, %while3A : i32
        %add3A_111 = arith.addi %while3A_99, %mul3A_110 : i32
        %jit3A_112 = arith.constant 2 : i32
        %eq3A_113 = arith.constant 0 : i32
        %eq3A_114 = arith.cmpi eq, %jit3A_112, %eq3A_113 : i32
        %jit3A_115 = arith.constant 1 : i32
        %select_n3A_116 = arith.select %eq3A_114, %jit3A_115, %jit3A_112 : i32
        %rem3A = arith.remsi %add3A_111, %select_n3A_116 : i32
        %ne3A = arith.constant 0 : i32
        %ne3A_117 = arith.cmpi ne, %rem3A, %ne3A : i32
        %lt3A_118 = arith.constant 0 : i32
        %lt3A_119 = arith.cmpi slt, %rem3A, %lt3A_118 : i32
        %lt3A_120 = arith.constant 0 : i32
        %lt3A_121 = arith.cmpi slt, %select_n3A_116, %lt3A_120 : i32
        %ne3A_122 = arith.xori %lt3A_119, %lt3A_121 : i1
        %and3A = arith.andi %ne3A_122, %ne3A_117 : i1
        %add3A_123 = arith.addi %rem3A, %select_n3A_116 : i32
        %select_n3A_124 = arith.select %and3A, %add3A_123, %rem3A : i32
        %dma_wait3A = arith.constant 0 : i32
        %dma_wait3A_125 = arith.constant 0 : i32
        %dma_wait3A_126 = tpu.memref_slice %arg7[%select_n3A_124, %dma_wait3A, %dma_wait3A_125] : memref<2x128x128xf32, #tpu.memory_space<vmem>> -> memref<1x128x128xf32, #tpu.memory_space<vmem>>
        %dma_wait3A_127 = tpu.memref_squeeze %dma_wait3A_126 : memref<1x128x128xf32, #tpu.memory_space<vmem>> -> memref<128x128xf32, #tpu.memory_space<vmem>>
        %dma_wait3A_128 = arith.constant 0 : i32
        %dma_wait3A_129 = tpu.memref_slice %arg5[%add3A_111, %dma_wait3A_128] : memref<40x128xi32, #tpu.memory_space<vmem>> -> memref<1x128xi32, #tpu.memory_space<vmem>>
        %dma_wait3A_130 = tpu.memref_squeeze %dma_wait3A_129 : memref<1x128xi32, #tpu.memory_space<vmem>> -> memref<128xi32, #tpu.memory_space<vmem>>
        %dma_wait3A_131 = arith.constant 0 : i32
        %dma_wait3A_132 = arith.constant 0 : i32
        %dma_wait3A_133 = tpu.memref_slice %arg3[%dma_wait3A_131, %dma_wait3A_132] : memref<10240x128xf32, #tpu.memory_space<hbm>> -> memref<10240x128xf32, #tpu.memory_space<hbm>>
        tpu.wait_indirect_dma semaphore(%arg9 : memref<!tpu.dma_semaphore, #tpu.memory_space<semaphore_mem>>) src(%dma_wait3A_133 : memref<10240x128xf32, #tpu.memory_space<hbm>>) dst(%dma_wait3A_127 : memref<128x128xf32, #tpu.memory_space<vmem>>)
        "tpu.region"() ({
          %run_scoped3A_140 = tpu.sem_alloc : memref<!tpu.dma_semaphore, #tpu.memory_space<semaphore_mem>>
          %dma_start3A_141 = arith.constant 0 : i32
          %dma_start3A_142 = arith.constant 0 : i32
          %dma_start3A_143 = tpu.memref_slice %arg7[%select_n3A_124, %dma_start3A_141, %dma_start3A_142] : memref<2x128x128xf32, #tpu.memory_space<vmem>> -> memref<1x128x128xf32, #tpu.memory_space<vmem>>
          %dma_start3A_144 = tpu.memref_squeeze %dma_start3A_143 : memref<1x128x128xf32, #tpu.memory_space<vmem>> -> memref<128x128xf32, #tpu.memory_space<vmem>>
          %dma_start3A_145 = arith.constant 0 : i32
          %dma_start3A_146 = tpu.memref_slice %arg6[%add3A_111, %dma_start3A_145] : memref<40x128xi32, #tpu.memory_space<vmem>> -> memref<1x128xi32, #tpu.memory_space<vmem>>
          %dma_start3A_147 = tpu.memref_squeeze %dma_start3A_146 : memref<1x128xi32, #tpu.memory_space<vmem>> -> memref<128xi32, #tpu.memory_space<vmem>>
          %dma_start3A_148 = arith.constant 0 : i32
          %dma_start3A_149 = arith.constant 0 : i32
          %dma_start3A_150 = tpu.memref_slice %arg8[%dma_start3A_148, %dma_start3A_149] : memref<10240x128xf32, #tpu.memory_space<vmem_shared>> -> memref<10240x128xf32, #tpu.memory_space<vmem_shared>>
          tpu.enqueue_indirect_dma source(%dma_start3A_144 : memref<128x128xf32, #tpu.memory_space<vmem>>) target(%dma_start3A_150 : memref<10240x128xf32, #tpu.memory_space<vmem_shared>>) offsets(%dma_start3A_147 : memref<128xi32, #tpu.memory_space<vmem>>) semaphore(%run_scoped3A_140 : memref<!tpu.dma_semaphore, #tpu.memory_space<semaphore_mem>>) {add = true}
          %dma_wait3A_151 = arith.constant 0 : i32
          %dma_wait3A_152 = arith.constant 0 : i32
          %dma_wait3A_153 = tpu.memref_slice %arg7[%select_n3A_124, %dma_wait3A_151, %dma_wait3A_152] : memref<2x128x128xf32, #tpu.memory_space<vmem>> -> memref<1x128x128xf32, #tpu.memory_space<vmem>>
          %dma_wait3A_154 = tpu.memref_squeeze %dma_wait3A_153 : memref<1x128x128xf32, #tpu.memory_space<vmem>> -> memref<128x128xf32, #tpu.memory_space<vmem>>
          %dma_wait3A_155 = arith.constant 0 : i32
          %dma_wait3A_156 = tpu.memref_slice %arg6[%add3A_111, %dma_wait3A_155] : memref<40x128xi32, #tpu.memory_space<vmem>> -> memref<1x128xi32, #tpu.memory_space<vmem>>
          %dma_wait3A_157 = tpu.memref_squeeze %dma_wait3A_156 : memref<1x128xi32, #tpu.memory_space<vmem>> -> memref<128xi32, #tpu.memory_space<vmem>>
          %dma_wait3A_158 = arith.constant 0 : i32
          %dma_wait3A_159 = arith.constant 0 : i32
          %dma_wait3A_160 = tpu.memref_slice %arg8[%dma_wait3A_158, %dma_wait3A_159] : memref<10240x128xf32, #tpu.memory_space<vmem_shared>> -> memref<10240x128xf32, #tpu.memory_space<vmem_shared>>
          tpu.wait_indirect_dma semaphore(%run_scoped3A_140 : memref<!tpu.dma_semaphore, #tpu.memory_space<semaphore_mem>>) src(%dma_wait3A_154 : memref<128x128xf32, #tpu.memory_space<vmem>>) dst(%dma_wait3A_160 : memref<10240x128xf32, #tpu.memory_space<vmem_shared>>)
          tpu.yield
        }) : () -> ()
        %add3A_134 = arith.constant 2 : i32
        %add3A_135 = arith.addi %add3A_111, %add3A_134 : i32
        %lt3A_136 = arith.cmpi slt, %add3A_135, %min3A_69 : i32
        %convert_element_type3A_137 = arith.extui %lt3A_136 : i1 to i32
        %cond3A_138 = arith.constant 0 : i32
        %cond3A_139 = arith.cmpi ne, %convert_element_type3A_137, %cond3A_138 : i32
        scf.if %cond3A_139 {
          %add3A_140 = arith.constant 2 : i32
          %add3A_141 = arith.addi %add3A_111, %add3A_140 : i32
          %dma_start3A_142 = arith.constant 0 : i32
          %dma_start3A_143 = arith.constant 0 : i32
          %dma_start3A_144 = tpu.memref_slice %arg7[%select_n3A_124, %dma_start3A_142, %dma_start3A_143] : memref<2x128x128xf32, #tpu.memory_space<vmem>> -> memref<1x128x128xf32, #tpu.memory_space<vmem>>
          %dma_start3A_145 = tpu.memref_squeeze %dma_start3A_144 : memref<1x128x128xf32, #tpu.memory_space<vmem>> -> memref<128x128xf32, #tpu.memory_space<vmem>>
          %dma_start3A_146 = arith.constant 0 : i32
          %dma_start3A_147 = tpu.memref_slice %arg5[%add3A_141, %dma_start3A_146] : memref<40x128xi32, #tpu.memory_space<vmem>> -> memref<1x128xi32, #tpu.memory_space<vmem>>
          %dma_start3A_148 = tpu.memref_squeeze %dma_start3A_147 : memref<1x128xi32, #tpu.memory_space<vmem>> -> memref<128xi32, #tpu.memory_space<vmem>>
          %dma_start3A_149 = arith.constant 0 : i32
          %dma_start3A_150 = arith.constant 0 : i32
          %dma_start3A_151 = tpu.memref_slice %arg3[%dma_start3A_149, %dma_start3A_150] : memref<10240x128xf32, #tpu.memory_space<hbm>> -> memref<10240x128xf32, #tpu.memory_space<hbm>>
          tpu.enqueue_indirect_dma source(%dma_start3A_151 : memref<10240x128xf32, #tpu.memory_space<hbm>>) target(%dma_start3A_145 : memref<128x128xf32, #tpu.memory_space<vmem>>) offsets(%dma_start3A_148 : memref<128xi32, #tpu.memory_space<vmem>>) semaphore(%arg9 : memref<!tpu.dma_semaphore, #tpu.memory_space<semaphore_mem>>)
        } else {
        }
      }
    } else {
    }
    %barrier3A_75 = arith.constant 0 : index
    tpu.barrier barrier_id(%barrier3A_75)
    "tpu.region"() ({
      %run_scoped3A_76 = tpu.sem_alloc : memref<!tpu.dma_semaphore, #tpu.memory_space<semaphore_mem>>
      %dma_start3A = arith.constant 0 : i32
      %dma_start3A_77 = arith.constant 0 : i32
      %dma_start3A_78 = tpu.memref_slice %arg4[%arg0, %dma_start3A, %dma_start3A_77] : memref<2x10240x128xf32, #tpu.memory_space<hbm>> -> memref<1x10240x128xf32, #tpu.memory_space<hbm>>
      %dma_start3A_79 = tpu.memref_squeeze %dma_start3A_78 : memref<1x10240x128xf32, #tpu.memory_space<hbm>> -> memref<10240x128xf32, #tpu.memory_space<hbm>>
      %dma_start3A_80 = arith.constant 0 : i32
      %dma_start3A_81 = tpu.memref_slice %dma_start3A_79[%mul3A_4, %dma_start3A_80] : memref<10240x128xf32, #tpu.memory_space<hbm>> -> memref<640x128xf32, #tpu.memory_space<hbm>>
      %dma_start3A_82 = arith.constant 0 : i32
      %dma_start3A_83 = tpu.memref_slice %arg8[%mul3A_4, %dma_start3A_82] : memref<10240x128xf32, #tpu.memory_space<vmem_shared>> -> memref<640x128xf32, #tpu.memory_space<vmem_shared>>
      tpu.enqueue_dma source(%dma_start3A_83 : memref<640x128xf32, #tpu.memory_space<vmem_shared>>) target(%dma_start3A_81 : memref<640x128xf32, #tpu.memory_space<hbm>>) target_semaphore(%run_scoped3A_76 : memref<!tpu.dma_semaphore, #tpu.memory_space<semaphore_mem>>)
      %dma_wait3A = arith.constant 0 : i32
      %dma_wait3A_84 = arith.constant 0 : i32
      %dma_wait3A_85 = tpu.memref_slice %arg4[%arg0, %dma_wait3A, %dma_wait3A_84] : memref<2x10240x128xf32, #tpu.memory_space<hbm>> -> memref<1x10240x128xf32, #tpu.memory_space<hbm>>
      %dma_wait3A_86 = tpu.memref_squeeze %dma_wait3A_85 : memref<1x10240x128xf32, #tpu.memory_space<hbm>> -> memref<10240x128xf32, #tpu.memory_space<hbm>>
      %dma_wait3A_87 = arith.constant 0 : i32
      %dma_wait3A_88 = tpu.memref_slice %dma_wait3A_86[%mul3A_4, %dma_wait3A_87] : memref<10240x128xf32, #tpu.memory_space<hbm>> -> memref<640x128xf32, #tpu.memory_space<hbm>>
      %dma_wait3A_89 = arith.constant 0 : i32
      %dma_wait3A_90 = tpu.memref_slice %arg8[%mul3A_4, %dma_wait3A_89] : memref<10240x128xf32, #tpu.memory_space<vmem_shared>> -> memref<640x128xf32, #tpu.memory_space<vmem_shared>>
      tpu.wait_dma2 semaphore(%run_scoped3A_76 : memref<!tpu.dma_semaphore, #tpu.memory_space<semaphore_mem>>) src(%dma_wait3A_90 : memref<640x128xf32, #tpu.memory_space<vmem_shared>>) dst(%dma_wait3A_88 : memref<640x128xf32, #tpu.memory_space<hbm>>)
      tpu.yield
    }) : () -> ()
    return
  }
}

#map = affine_map<(d0, d1) -> (0, 0, 0)>
module attributes {stable_mosaic.version = 14 : i64} {
  func.func @_deg_kernel(%arg0: i32, %arg1: i32, %arg2: memref<2x2500x128xi32, #tpu.memory_space<hbm>>, %arg3: memref<2x10240x128xf32, #tpu.memory_space<hbm>>, %arg4: memref<40x128xi32, #tpu.memory_space<vmem>>, %arg5: memref<2x128x128xf32, #tpu.memory_space<vmem>>, %arg6: memref<10240x128xf32, #tpu.memory_space<vmem_shared>>) attributes {dimension_semantics = [#tpu.dimension_semantics<core_parallel>, #tpu.dimension_semantics<subcore_parallel>], iteration_bounds = array<i64: 2, 16>, scalar_prefetch = 0 : i64, scratch_operands = 3 : i64, tpu.core_type = #tpu.core_type<sc_vector_subcore>, window_params = [{transform_indices = #map}, {transform_indices = #map}]} {
    %mul3A = arith.constant 2 : i32
    %mul3A_0 = arith.muli %arg1, %mul3A : i32
    %add3A = arith.addi %mul3A_0, %arg0 : i32
    %lt3A = arith.constant 31 : i32
    %lt3A_1 = arith.cmpi slt, %add3A, %lt3A : i32
    %jit3A = arith.constant 80 : i32
    %jit3A_2 = arith.constant 20 : i32
    %select_n3A = arith.select %lt3A_1, %jit3A, %jit3A_2 : i32
    %mul3A_3 = arith.constant 640 : i32
    %mul3A_4 = arith.muli %arg1, %mul3A_3 : i32
    %scan3A = arith.constant 0 : i32
    %scan3A_5 = arith.constant 128 : i32
    %scan3A_6 = arith.addi %scan3A, %scan3A_5 : i32
    %scan3A_7 = arith.constant 1 : i32
    scf.for %scan3A_86 = %scan3A to %scan3A_6 step %scan3A_7  : i32 {
      %mul3A_87 = arith.constant 1 : i32
      %mul3A_88 = arith.muli %scan3A_86, %mul3A_87 : i32
      %add3A_89 = arith.constant 0 : i32
      %add3A_90 = arith.addi %add3A_89, %mul3A_88 : i32
      %broadcast_in_dim3A = arith.constant 0.000000e+00 : f32
      %broadcast_in_dim3A_91 = vector.broadcast %broadcast_in_dim3A : f32 to vector<16xf32>
      %swap3A = arith.constant 0 : i32
      %swap3A_92 = arith.constant 0 : i32
      %swap3A_93 = arith.constant 0 : i32
      %swap3A_94 = tpu.memref_slice %arg5[%swap3A, %swap3A_92, %swap3A_93] : memref<2x128x128xf32, #tpu.memory_space<vmem>> -> memref<1x128x128xf32, #tpu.memory_space<vmem>>
      %swap3A_95 = tpu.memref_squeeze %swap3A_94 : memref<1x128x128xf32, #tpu.memory_space<vmem>> -> memref<128x128xf32, #tpu.memory_space<vmem>>
      %swap3A_96 = arith.constant 0 : i32
      %swap3A_97 = tpu.memref_slice %swap3A_95[%add3A_90, %swap3A_96] : memref<128x128xf32, #tpu.memory_space<vmem>> -> memref<1x128xf32, #tpu.memory_space<vmem>>
      %swap3A_98 = tpu.memref_squeeze %swap3A_97 : memref<1x128xf32, #tpu.memory_space<vmem>> -> memref<128xf32, #tpu.memory_space<vmem>>
      %swap3A_99 = arith.constant 0 : index
      %swap3A_100 = tpu.vector_load %swap3A_98[%swap3A_99] {strides = array<i32>} : memref<128xf32, #tpu.memory_space<vmem>>, vector<16xf32>,
      %swap3A_101 = vector.shape_cast %swap3A_100 : vector<16xf32> to vector<16xf32>
      %swap3A_102 = vector.shape_cast %broadcast_in_dim3A_91 : vector<16xf32> to vector<16xf32>
      tpu.vector_store %swap3A_98[%swap3A_99], %swap3A_102 {strides = array<i32>} : memref<128xf32, #tpu.memory_space<vmem>>, vector<16xf32>,
      %broadcast_in_dim3A_103 = arith.constant 1.000000e+00 : f32
      %broadcast_in_dim3A_104 = vector.broadcast %broadcast_in_dim3A_103 : f32 to vector<16xf32>
      %swap3A_105 = arith.constant 1 : i32
      %swap3A_106 = arith.constant 0 : i32
      %swap3A_107 = arith.constant 0 : i32
      %swap3A_108 = tpu.memref_slice %arg5[%swap3A_105, %swap3A_106, %swap3A_107] : memref<2x128x128xf32, #tpu.memory_space<vmem>> -> memref<1x128x128xf32, #tpu.memory_space<vmem>>
      %swap3A_109 = tpu.memref_squeeze %swap3A_108 : memref<1x128x128xf32, #tpu.memory_space<vmem>> -> memref<128x128xf32, #tpu.memory_space<vmem>>
      %swap3A_110 = arith.constant 0 : i32
      %swap3A_111 = tpu.memref_slice %swap3A_109[%add3A_90, %swap3A_110] : memref<128x128xf32, #tpu.memory_space<vmem>> -> memref<1x128xf32, #tpu.memory_space<vmem>>
      %swap3A_112 = tpu.memref_squeeze %swap3A_111 : memref<1x128xf32, #tpu.memory_space<vmem>> -> memref<128xf32, #tpu.memory_space<vmem>>
      %swap3A_113 = arith.constant 0 : index
      %swap3A_114 = tpu.vector_load %swap3A_112[%swap3A_113] {strides = array<i32>} : memref<128xf32, #tpu.memory_space<vmem>>, vector<16xf32>,
      %swap3A_115 = vector.shape_cast %swap3A_114 : vector<16xf32> to vector<16xf32>
      %swap3A_116 = vector.shape_cast %broadcast_in_dim3A_104 : vector<16xf32> to vector<16xf32>
      tpu.vector_store %swap3A_112[%swap3A_113], %swap3A_116 {strides = array<i32>} : memref<128xf32, #tpu.memory_space<vmem>>, vector<16xf32>,
      %broadcast_in_dim3A_117 = arith.constant 0.000000e+00 : f32
      %broadcast_in_dim3A_118 = vector.broadcast %broadcast_in_dim3A_117 : f32 to vector<16xf32>
      %swap3A_119 = arith.constant 0 : i32
      %swap3A_120 = arith.constant 0 : i32
      %swap3A_121 = arith.constant 0 : i32
      %swap3A_122 = tpu.memref_slice %arg5[%swap3A_119, %swap3A_120, %swap3A_121] : memref<2x128x128xf32, #tpu.memory_space<vmem>> -> memref<1x128x128xf32, #tpu.memory_space<vmem>>
      %swap3A_123 = tpu.memref_squeeze %swap3A_122 : memref<1x128x128xf32, #tpu.memory_space<vmem>> -> memref<128x128xf32, #tpu.memory_space<vmem>>
      %swap3A_124 = arith.constant 0 : i32
      %swap3A_125 = tpu.memref_slice %swap3A_123[%add3A_90, %swap3A_124] : memref<128x128xf32, #tpu.memory_space<vmem>> -> memref<1x128xf32, #tpu.memory_space<vmem>>
      %swap3A_126 = tpu.memref_squeeze %swap3A_125 : memref<1x128xf32, #tpu.memory_space<vmem>> -> memref<128xf32, #tpu.memory_space<vmem>>
      %swap3A_127 = arith.constant 16 : index
      %swap3A_128 = tpu.vector_load %swap3A_126[%swap3A_127] {strides = array<i32>} : memref<128xf32, #tpu.memory_space<vmem>>, vector<16xf32>,
      %swap3A_129 = vector.shape_cast %swap3A_128 : vector<16xf32> to vector<16xf32>
      %swap3A_130 = vector.shape_cast %broadcast_in_dim3A_118 : vector<16xf32> to vector<16xf32>
      tpu.vector_store %swap3A_126[%swap3A_127], %swap3A_130 {strides = array<i32>} : memref<128xf32, #tpu.memory_space<vmem>>, vector<16xf32>,
      %broadcast_in_dim3A_131 = arith.constant 1.000000e+00 : f32
      %broadcast_in_dim3A_132 = vector.broadcast %broadcast_in_dim3A_131 : f32 to vector<16xf32>
      %swap3A_133 = arith.constant 1 : i32
      %swap3A_134 = arith.constant 0 : i32
      %swap3A_135 = arith.constant 0 : i32
      %swap3A_136 = tpu.memref_slice %arg5[%swap3A_133, %swap3A_134, %swap3A_135] : memref<2x128x128xf32, #tpu.memory_space<vmem>> -> memref<1x128x128xf32, #tpu.memory_space<vmem>>
      %swap3A_137 = tpu.memref_squeeze %swap3A_136 : memref<1x128x128xf32, #tpu.memory_space<vmem>> -> memref<128x128xf32, #tpu.memory_space<vmem>>
      %swap3A_138 = arith.constant 0 : i32
      %swap3A_139 = tpu.memref_slice %swap3A_137[%add3A_90, %swap3A_138] : memref<128x128xf32, #tpu.memory_space<vmem>> -> memref<1x128xf32, #tpu.memory_space<vmem>>
      %swap3A_140 = tpu.memref_squeeze %swap3A_139 : memref<1x128xf32, #tpu.memory_space<vmem>> -> memref<128xf32, #tpu.memory_space<vmem>>
      %swap3A_141 = arith.constant 16 : index
      %swap3A_142 = tpu.vector_load %swap3A_140[%swap3A_141] {strides = array<i32>} : memref<128xf32, #tpu.memory_space<vmem>>, vector<16xf32>,
      %swap3A_143 = vector.shape_cast %swap3A_142 : vector<16xf32> to vector<16xf32>
      %swap3A_144 = vector.shape_cast %broadcast_in_dim3A_132 : vector<16xf32> to vector<16xf32>
      tpu.vector_store %swap3A_140[%swap3A_141], %swap3A_144 {strides = array<i32>} : memref<128xf32, #tpu.memory_space<vmem>>, vector<16xf32>,
      %broadcast_in_dim3A_145 = arith.constant 0.000000e+00 : f32
      %broadcast_in_dim3A_146 = vector.broadcast %broadcast_in_dim3A_145 : f32 to vector<16xf32>
      %swap3A_147 = arith.constant 0 : i32
      %swap3A_148 = arith.constant 0 : i32
      %swap3A_149 = arith.constant 0 : i32
      %swap3A_150 = tpu.memref_slice %arg5[%swap3A_147, %swap3A_148, %swap3A_149] : memref<2x128x128xf32, #tpu.memory_space<vmem>> -> memref<1x128x128xf32, #tpu.memory_space<vmem>>
      %swap3A_151 = tpu.memref_squeeze %swap3A_150 : memref<1x128x128xf32, #tpu.memory_space<vmem>> -> memref<128x128xf32, #tpu.memory_space<vmem>>
      %swap3A_152 = arith.constant 0 : i32
      %swap3A_153 = tpu.memref_slice %swap3A_151[%add3A_90, %swap3A_152] : memref<128x128xf32, #tpu.memory_space<vmem>> -> memref<1x128xf32, #tpu.memory_space<vmem>>
      %swap3A_154 = tpu.memref_squeeze %swap3A_153 : memref<1x128xf32, #tpu.memory_space<vmem>> -> memref<128xf32, #tpu.memory_space<vmem>>
      %swap3A_155 = arith.constant 32 : index
      %swap3A_156 = tpu.vector_load %swap3A_154[%swap3A_155] {strides = array<i32>} : memref<128xf32, #tpu.memory_space<vmem>>, vector<16xf32>,
      %swap3A_157 = vector.shape_cast %swap3A_156 : vector<16xf32> to vector<16xf32>
      %swap3A_158 = vector.shape_cast %broadcast_in_dim3A_146 : vector<16xf32> to vector<16xf32>
      tpu.vector_store %swap3A_154[%swap3A_155], %swap3A_158 {strides = array<i32>} : memref<128xf32, #tpu.memory_space<vmem>>, vector<16xf32>,
      %broadcast_in_dim3A_159 = arith.constant 1.000000e+00 : f32
      %broadcast_in_dim3A_160 = vector.broadcast %broadcast_in_dim3A_159 : f32 to vector<16xf32>
      %swap3A_161 = arith.constant 1 : i32
      %swap3A_162 = arith.constant 0 : i32
      %swap3A_163 = arith.constant 0 : i32
      %swap3A_164 = tpu.memref_slice %arg5[%swap3A_161, %swap3A_162, %swap3A_163] : memref<2x128x128xf32, #tpu.memory_space<vmem>> -> memref<1x128x128xf32, #tpu.memory_space<vmem>>
      %swap3A_165 = tpu.memref_squeeze %swap3A_164 : memref<1x128x128xf32, #tpu.memory_space<vmem>> -> memref<128x128xf32, #tpu.memory_space<vmem>>
      %swap3A_166 = arith.constant 0 : i32
      %swap3A_167 = tpu.memref_slice %swap3A_165[%add3A_90, %swap3A_166] : memref<128x128xf32, #tpu.memory_space<vmem>> -> memref<1x128xf32, #tpu.memory_space<vmem>>
      %swap3A_168 = tpu.memref_squeeze %swap3A_167 : memref<1x128xf32, #tpu.memory_space<vmem>> -> memref<128xf32, #tpu.memory_space<vmem>>
      %swap3A_169 = arith.constant 32 : index
      %swap3A_170 = tpu.vector_load %swap3A_168[%swap3A_169] {strides = array<i32>} : memref<128xf32, #tpu.memory_space<vmem>>, vector<16xf32>,
      %swap3A_171 = vector.shape_cast %swap3A_170 : vector<16xf32> to vector<16xf32>
      %swap3A_172 = vector.shape_cast %broadcast_in_dim3A_160 : vector<16xf32> to vector<16xf32>
      tpu.vector_store %swap3A_168[%swap3A_169], %swap3A_172 {strides = array<i32>} : memref<128xf32, #tpu.memory_space<vmem>>, vector<16xf32>,
      %broadcast_in_dim3A_173 = arith.constant 0.000000e+00 : f32
      %broadcast_in_dim3A_174 = vector.broadcast %broadcast_in_dim3A_173 : f32 to vector<16xf32>
      %swap3A_175 = arith.constant 0 : i32
      %swap3A_176 = arith.constant 0 : i32
      %swap3A_177 = arith.constant 0 : i32
      %swap3A_178 = tpu.memref_slice %arg5[%swap3A_175, %swap3A_176, %swap3A_177] : memref<2x128x128xf32, #tpu.memory_space<vmem>> -> memref<1x128x128xf32, #tpu.memory_space<vmem>>
      %swap3A_179 = tpu.memref_squeeze %swap3A_178 : memref<1x128x128xf32, #tpu.memory_space<vmem>> -> memref<128x128xf32, #tpu.memory_space<vmem>>
      %swap3A_180 = arith.constant 0 : i32
      %swap3A_181 = tpu.memref_slice %swap3A_179[%add3A_90, %swap3A_180] : memref<128x128xf32, #tpu.memory_space<vmem>> -> memref<1x128xf32, #tpu.memory_space<vmem>>
      %swap3A_182 = tpu.memref_squeeze %swap3A_181 : memref<1x128xf32, #tpu.memory_space<vmem>> -> memref<128xf32, #tpu.memory_space<vmem>>
      %swap3A_183 = arith.constant 48 : index
      %swap3A_184 = tpu.vector_load %swap3A_182[%swap3A_183] {strides = array<i32>} : memref<128xf32, #tpu.memory_space<vmem>>, vector<16xf32>,
      %swap3A_185 = vector.shape_cast %swap3A_184 : vector<16xf32> to vector<16xf32>
      %swap3A_186 = vector.shape_cast %broadcast_in_dim3A_174 : vector<16xf32> to vector<16xf32>
      tpu.vector_store %swap3A_182[%swap3A_183], %swap3A_186 {strides = array<i32>} : memref<128xf32, #tpu.memory_space<vmem>>, vector<16xf32>,
      %broadcast_in_dim3A_187 = arith.constant 1.000000e+00 : f32
      %broadcast_in_dim3A_188 = vector.broadcast %broadcast_in_dim3A_187 : f32 to vector<16xf32>
      %swap3A_189 = arith.constant 1 : i32
      %swap3A_190 = arith.constant 0 : i32
      %swap3A_191 = arith.constant 0 : i32
      %swap3A_192 = tpu.memref_slice %arg5[%swap3A_189, %swap3A_190, %swap3A_191] : memref<2x128x128xf32, #tpu.memory_space<vmem>> -> memref<1x128x128xf32, #tpu.memory_space<vmem>>
      %swap3A_193 = tpu.memref_squeeze %swap3A_192 : memref<1x128x128xf32, #tpu.memory_space<vmem>> -> memref<128x128xf32, #tpu.memory_space<vmem>>
      %swap3A_194 = arith.constant 0 : i32
      %swap3A_195 = tpu.memref_slice %swap3A_193[%add3A_90, %swap3A_194] : memref<128x128xf32, #tpu.memory_space<vmem>> -> memref<1x128xf32, #tpu.memory_space<vmem>>
      %swap3A_196 = tpu.memref_squeeze %swap3A_195 : memref<1x128xf32, #tpu.memory_space<vmem>> -> memref<128xf32, #tpu.memory_space<vmem>>
      %swap3A_197 = arith.constant 48 : index
      %swap3A_198 = tpu.vector_load %swap3A_196[%swap3A_197] {strides = array<i32>} : memref<128xf32, #tpu.memory_space<vmem>>, vector<16xf32>,
      %swap3A_199 = vector.shape_cast %swap3A_198 : vector<16xf32> to vector<16xf32>
      %swap3A_200 = vector.shape_cast %broadcast_in_dim3A_188 : vector<16xf32> to vector<16xf32>
      tpu.vector_store %swap3A_196[%swap3A_197], %swap3A_200 {strides = array<i32>} : memref<128xf32, #tpu.memory_space<vmem>>, vector<16xf32>,
      %broadcast_in_dim3A_201 = arith.constant 0.000000e+00 : f32
      %broadcast_in_dim3A_202 = vector.broadcast %broadcast_in_dim3A_201 : f32 to vector<16xf32>
      %swap3A_203 = arith.constant 0 : i32
      %swap3A_204 = arith.constant 0 : i32
      %swap3A_205 = arith.constant 0 : i32
      %swap3A_206 = tpu.memref_slice %arg5[%swap3A_203, %swap3A_204, %swap3A_205] : memref<2x128x128xf32, #tpu.memory_space<vmem>> -> memref<1x128x128xf32, #tpu.memory_space<vmem>>
      %swap3A_207 = tpu.memref_squeeze %swap3A_206 : memref<1x128x128xf32, #tpu.memory_space<vmem>> -> memref<128x128xf32, #tpu.memory_space<vmem>>
      %swap3A_208 = arith.constant 0 : i32
      %swap3A_209 = tpu.memref_slice %swap3A_207[%add3A_90, %swap3A_208] : memref<128x128xf32, #tpu.memory_space<vmem>> -> memref<1x128xf32, #tpu.memory_space<vmem>>
      %swap3A_210 = tpu.memref_squeeze %swap3A_209 : memref<1x128xf32, #tpu.memory_space<vmem>> -> memref<128xf32, #tpu.memory_space<vmem>>
      %swap3A_211 = arith.constant 64 : index
      %swap3A_212 = tpu.vector_load %swap3A_210[%swap3A_211] {strides = array<i32>} : memref<128xf32, #tpu.memory_space<vmem>>, vector<16xf32>,
      %swap3A_213 = vector.shape_cast %swap3A_212 : vector<16xf32> to vector<16xf32>
      %swap3A_214 = vector.shape_cast %broadcast_in_dim3A_202 : vector<16xf32> to vector<16xf32>
      tpu.vector_store %swap3A_210[%swap3A_211], %swap3A_214 {strides = array<i32>} : memref<128xf32, #tpu.memory_space<vmem>>, vector<16xf32>,
      %broadcast_in_dim3A_215 = arith.constant 1.000000e+00 : f32
      %broadcast_in_dim3A_216 = vector.broadcast %broadcast_in_dim3A_215 : f32 to vector<16xf32>
      %swap3A_217 = arith.constant 1 : i32
      %swap3A_218 = arith.constant 0 : i32
      %swap3A_219 = arith.constant 0 : i32
      %swap3A_220 = tpu.memref_slice %arg5[%swap3A_217, %swap3A_218, %swap3A_219] : memref<2x128x128xf32, #tpu.memory_space<vmem>> -> memref<1x128x128xf32, #tpu.memory_space<vmem>>
      %swap3A_221 = tpu.memref_squeeze %swap3A_220 : memref<1x128x128xf32, #tpu.memory_space<vmem>> -> memref<128x128xf32, #tpu.memory_space<vmem>>
      %swap3A_222 = arith.constant 0 : i32
      %swap3A_223 = tpu.memref_slice %swap3A_221[%add3A_90, %swap3A_222] : memref<128x128xf32, #tpu.memory_space<vmem>> -> memref<1x128xf32, #tpu.memory_space<vmem>>
      %swap3A_224 = tpu.memref_squeeze %swap3A_223 : memref<1x128xf32, #tpu.memory_space<vmem>> -> memref<128xf32, #tpu.memory_space<vmem>>
      %swap3A_225 = arith.constant 64 : index
      %swap3A_226 = tpu.vector_load %swap3A_224[%swap3A_225] {strides = array<i32>} : memref<128xf32, #tpu.memory_space<vmem>>, vector<16xf32>,
      %swap3A_227 = vector.shape_cast %swap3A_226 : vector<16xf32> to vector<16xf32>
      %swap3A_228 = vector.shape_cast %broadcast_in_dim3A_216 : vector<16xf32> to vector<16xf32>
      tpu.vector_store %swap3A_224[%swap3A_225], %swap3A_228 {strides = array<i32>} : memref<128xf32, #tpu.memory_space<vmem>>, vector<16xf32>,
      %broadcast_in_dim3A_229 = arith.constant 0.000000e+00 : f32
      %broadcast_in_dim3A_230 = vector.broadcast %broadcast_in_dim3A_229 : f32 to vector<16xf32>
      %swap3A_231 = arith.constant 0 : i32
      %swap3A_232 = arith.constant 0 : i32
      %swap3A_233 = arith.constant 0 : i32
      %swap3A_234 = tpu.memref_slice %arg5[%swap3A_231, %swap3A_232, %swap3A_233] : memref<2x128x128xf32, #tpu.memory_space<vmem>> -> memref<1x128x128xf32, #tpu.memory_space<vmem>>
      %swap3A_235 = tpu.memref_squeeze %swap3A_234 : memref<1x128x128xf32, #tpu.memory_space<vmem>> -> memref<128x128xf32, #tpu.memory_space<vmem>>
      %swap3A_236 = arith.constant 0 : i32
      %swap3A_237 = tpu.memref_slice %swap3A_235[%add3A_90, %swap3A_236] : memref<128x128xf32, #tpu.memory_space<vmem>> -> memref<1x128xf32, #tpu.memory_space<vmem>>
      %swap3A_238 = tpu.memref_squeeze %swap3A_237 : memref<1x128xf32, #tpu.memory_space<vmem>> -> memref<128xf32, #tpu.memory_space<vmem>>
      %swap3A_239 = arith.constant 80 : index
      %swap3A_240 = tpu.vector_load %swap3A_238[%swap3A_239] {strides = array<i32>} : memref<128xf32, #tpu.memory_space<vmem>>, vector<16xf32>,
      %swap3A_241 = vector.shape_cast %swap3A_240 : vector<16xf32> to vector<16xf32>
      %swap3A_242 = vector.shape_cast %broadcast_in_dim3A_230 : vector<16xf32> to vector<16xf32>
      tpu.vector_store %swap3A_238[%swap3A_239], %swap3A_242 {strides = array<i32>} : memref<128xf32, #tpu.memory_space<vmem>>, vector<16xf32>,
      %broadcast_in_dim3A_243 = arith.constant 1.000000e+00 : f32
      %broadcast_in_dim3A_244 = vector.broadcast %broadcast_in_dim3A_243 : f32 to vector<16xf32>
      %swap3A_245 = arith.constant 1 : i32
      %swap3A_246 = arith.constant 0 : i32
      %swap3A_247 = arith.constant 0 : i32
      %swap3A_248 = tpu.memref_slice %arg5[%swap3A_245, %swap3A_246, %swap3A_247] : memref<2x128x128xf32, #tpu.memory_space<vmem>> -> memref<1x128x128xf32, #tpu.memory_space<vmem>>
      %swap3A_249 = tpu.memref_squeeze %swap3A_248 : memref<1x128x128xf32, #tpu.memory_space<vmem>> -> memref<128x128xf32, #tpu.memory_space<vmem>>
      %swap3A_250 = arith.constant 0 : i32
      %swap3A_251 = tpu.memref_slice %swap3A_249[%add3A_90, %swap3A_250] : memref<128x128xf32, #tpu.memory_space<vmem>> -> memref<1x128xf32, #tpu.memory_space<vmem>>
      %swap3A_252 = tpu.memref_squeeze %swap3A_251 : memref<1x128xf32, #tpu.memory_space<vmem>> -> memref<128xf32, #tpu.memory_space<vmem>>
      %swap3A_253 = arith.constant 80 : index
      %swap3A_254 = tpu.vector_load %swap3A_252[%swap3A_253] {strides = array<i32>} : memref<128xf32, #tpu.memory_space<vmem>>, vector<16xf32>,
      %swap3A_255 = vector.shape_cast %swap3A_254 : vector<16xf32> to vector<16xf32>
      %swap3A_256 = vector.shape_cast %broadcast_in_dim3A_244 : vector<16xf32> to vector<16xf32>
      tpu.vector_store %swap3A_252[%swap3A_253], %swap3A_256 {strides = array<i32>} : memref<128xf32, #tpu.memory_space<vmem>>, vector<16xf32>,
      %broadcast_in_dim3A_257 = arith.constant 0.000000e+00 : f32
      %broadcast_in_dim3A_258 = vector.broadcast %broadcast_in_dim3A_257 : f32 to vector<16xf32>
      %swap3A_259 = arith.constant 0 : i32
      %swap3A_260 = arith.constant 0 : i32
      %swap3A_261 = arith.constant 0 : i32
      %swap3A_262 = tpu.memref_slice %arg5[%swap3A_259, %swap3A_260, %swap3A_261] : memref<2x128x128xf32, #tpu.memory_space<vmem>> -> memref<1x128x128xf32, #tpu.memory_space<vmem>>
      %swap3A_263 = tpu.memref_squeeze %swap3A_262 : memref<1x128x128xf32, #tpu.memory_space<vmem>> -> memref<128x128xf32, #tpu.memory_space<vmem>>
      %swap3A_264 = arith.constant 0 : i32
      %swap3A_265 = tpu.memref_slice %swap3A_263[%add3A_90, %swap3A_264] : memref<128x128xf32, #tpu.memory_space<vmem>> -> memref<1x128xf32, #tpu.memory_space<vmem>>
      %swap3A_266 = tpu.memref_squeeze %swap3A_265 : memref<1x128xf32, #tpu.memory_space<vmem>> -> memref<128xf32, #tpu.memory_space<vmem>>
      %swap3A_267 = arith.constant 96 : index
      %swap3A_268 = tpu.vector_load %swap3A_266[%swap3A_267] {strides = array<i32>} : memref<128xf32, #tpu.memory_space<vmem>>, vector<16xf32>,
      %swap3A_269 = vector.shape_cast %swap3A_268 : vector<16xf32> to vector<16xf32>
      %swap3A_270 = vector.shape_cast %broadcast_in_dim3A_258 : vector<16xf32> to vector<16xf32>
      tpu.vector_store %swap3A_266[%swap3A_267], %swap3A_270 {strides = array<i32>} : memref<128xf32, #tpu.memory_space<vmem>>, vector<16xf32>,
      %broadcast_in_dim3A_271 = arith.constant 1.000000e+00 : f32
      %broadcast_in_dim3A_272 = vector.broadcast %broadcast_in_dim3A_271 : f32 to vector<16xf32>
      %swap3A_273 = arith.constant 1 : i32
      %swap3A_274 = arith.constant 0 : i32
      %swap3A_275 = arith.constant 0 : i32
      %swap3A_276 = tpu.memref_slice %arg5[%swap3A_273, %swap3A_274, %swap3A_275] : memref<2x128x128xf32, #tpu.memory_space<vmem>> -> memref<1x128x128xf32, #tpu.memory_space<vmem>>
      %swap3A_277 = tpu.memref_squeeze %swap3A_276 : memref<1x128x128xf32, #tpu.memory_space<vmem>> -> memref<128x128xf32, #tpu.memory_space<vmem>>
      %swap3A_278 = arith.constant 0 : i32
      %swap3A_279 = tpu.memref_slice %swap3A_277[%add3A_90, %swap3A_278] : memref<128x128xf32, #tpu.memory_space<vmem>> -> memref<1x128xf32, #tpu.memory_space<vmem>>
      %swap3A_280 = tpu.memref_squeeze %swap3A_279 : memref<1x128xf32, #tpu.memory_space<vmem>> -> memref<128xf32, #tpu.memory_space<vmem>>
      %swap3A_281 = arith.constant 96 : index
      %swap3A_282 = tpu.vector_load %swap3A_280[%swap3A_281] {strides = array<i32>} : memref<128xf32, #tpu.memory_space<vmem>>, vector<16xf32>,
      %swap3A_283 = vector.shape_cast %swap3A_282 : vector<16xf32> to vector<16xf32>
      %swap3A_284 = vector.shape_cast %broadcast_in_dim3A_272 : vector<16xf32> to vector<16xf32>
      tpu.vector_store %swap3A_280[%swap3A_281], %swap3A_284 {strides = array<i32>} : memref<128xf32, #tpu.memory_space<vmem>>, vector<16xf32>,
      %broadcast_in_dim3A_285 = arith.constant 0.000000e+00 : f32
      %broadcast_in_dim3A_286 = vector.broadcast %broadcast_in_dim3A_285 : f32 to vector<16xf32>
      %swap3A_287 = arith.constant 0 : i32
      %swap3A_288 = arith.constant 0 : i32
      %swap3A_289 = arith.constant 0 : i32
      %swap3A_290 = tpu.memref_slice %arg5[%swap3A_287, %swap3A_288, %swap3A_289] : memref<2x128x128xf32, #tpu.memory_space<vmem>> -> memref<1x128x128xf32, #tpu.memory_space<vmem>>
      %swap3A_291 = tpu.memref_squeeze %swap3A_290 : memref<1x128x128xf32, #tpu.memory_space<vmem>> -> memref<128x128xf32, #tpu.memory_space<vmem>>
      %swap3A_292 = arith.constant 0 : i32
      %swap3A_293 = tpu.memref_slice %swap3A_291[%add3A_90, %swap3A_292] : memref<128x128xf32, #tpu.memory_space<vmem>> -> memref<1x128xf32, #tpu.memory_space<vmem>>
      %swap3A_294 = tpu.memref_squeeze %swap3A_293 : memref<1x128xf32, #tpu.memory_space<vmem>> -> memref<128xf32, #tpu.memory_space<vmem>>
      %swap3A_295 = arith.constant 112 : index
      %swap3A_296 = tpu.vector_load %swap3A_294[%swap3A_295] {strides = array<i32>} : memref<128xf32, #tpu.memory_space<vmem>>, vector<16xf32>,
      %swap3A_297 = vector.shape_cast %swap3A_296 : vector<16xf32> to vector<16xf32>
      %swap3A_298 = vector.shape_cast %broadcast_in_dim3A_286 : vector<16xf32> to vector<16xf32>
      tpu.vector_store %swap3A_294[%swap3A_295], %swap3A_298 {strides = array<i32>} : memref<128xf32, #tpu.memory_space<vmem>>, vector<16xf32>,
      %broadcast_in_dim3A_299 = arith.constant 1.000000e+00 : f32
      %broadcast_in_dim3A_300 = vector.broadcast %broadcast_in_dim3A_299 : f32 to vector<16xf32>
      %swap3A_301 = arith.constant 1 : i32
      %swap3A_302 = arith.constant 0 : i32
      %swap3A_303 = arith.constant 0 : i32
      %swap3A_304 = tpu.memref_slice %arg5[%swap3A_301, %swap3A_302, %swap3A_303] : memref<2x128x128xf32, #tpu.memory_space<vmem>> -> memref<1x128x128xf32, #tpu.memory_space<vmem>>
      %swap3A_305 = tpu.memref_squeeze %swap3A_304 : memref<1x128x128xf32, #tpu.memory_space<vmem>> -> memref<128x128xf32, #tpu.memory_space<vmem>>
      %swap3A_306 = arith.constant 0 : i32
      %swap3A_307 = tpu.memref_slice %swap3A_305[%add3A_90, %swap3A_306] : memref<128x128xf32, #tpu.memory_space<vmem>> -> memref<1x128xf32, #tpu.memory_space<vmem>>
      %swap3A_308 = tpu.memref_squeeze %swap3A_307 : memref<1x128xf32, #tpu.memory_space<vmem>> -> memref<128xf32, #tpu.memory_space<vmem>>
      %swap3A_309 = arith.constant 112 : index
      %swap3A_310 = tpu.vector_load %swap3A_308[%swap3A_309] {strides = array<i32>} : memref<128xf32, #tpu.memory_space<vmem>>, vector<16xf32>,
      %swap3A_311 = vector.shape_cast %swap3A_310 : vector<16xf32> to vector<16xf32>
      %swap3A_312 = vector.shape_cast %broadcast_in_dim3A_300 : vector<16xf32> to vector<16xf32>
      tpu.vector_store %swap3A_308[%swap3A_309], %swap3A_312 {strides = array<i32>} : memref<128xf32, #tpu.memory_space<vmem>>, vector<16xf32>,
    }
    %scan3A_8 = arith.constant 128 : i32
    %add3A_9 = arith.constant 0 : i32
    %add3A_10 = arith.addi %mul3A_4, %add3A_9 : i32
    %run_scoped3A = arith.constant 0 : i32
    "tpu.region"() ({
      %run_scoped3A_86 = tpu.sem_alloc : memref<!tpu.dma_semaphore, #tpu.memory_space<semaphore_mem>>
      %dma_start3A = arith.constant 0 : i32
      %dma_start3A_87 = arith.constant 0 : i32
      %dma_start3A_88 = tpu.memref_slice %arg5[%run_scoped3A, %dma_start3A, %dma_start3A_87] : memref<2x128x128xf32, #tpu.memory_space<vmem>> -> memref<1x128x128xf32, #tpu.memory_space<vmem>>
      %dma_start3A_89 = tpu.memref_squeeze %dma_start3A_88 : memref<1x128x128xf32, #tpu.memory_space<vmem>> -> memref<128x128xf32, #tpu.memory_space<vmem>>
      %dma_start3A_90 = arith.constant 0 : i32
      %dma_start3A_91 = tpu.memref_slice %arg6[%add3A_10, %dma_start3A_90] : memref<10240x128xf32, #tpu.memory_space<vmem_shared>> -> memref<128x128xf32, #tpu.memory_space<vmem_shared>>
      %dma_start3A_92 = arith.constant 0 : i32
      %dma_start3A_93 = tpu.memref_slice %arg6[%add3A_10, %dma_start3A_92] : memref<10240x128xf32, #tpu.memory_space<vmem_shared>> -> memref<128x128xf32, #tpu.memory_space<vmem_shared>>
      %dma_start3A_94 = arith.constant 0 : i32
      %dma_start3A_95 = arith.constant 0 : i32
      %dma_start3A_96 = tpu.memref_slice %arg5[%run_scoped3A, %dma_start3A_94, %dma_start3A_95] : memref<2x128x128xf32, #tpu.memory_space<vmem>> -> memref<1x128x128xf32, #tpu.memory_space<vmem>>
      %dma_start3A_97 = tpu.memref_squeeze %dma_start3A_96 : memref<1x128x128xf32, #tpu.memory_space<vmem>> -> memref<128x128xf32, #tpu.memory_space<vmem>>
      tpu.enqueue_dma source(%dma_start3A_97 : memref<128x128xf32, #tpu.memory_space<vmem>>) target(%dma_start3A_93 : memref<128x128xf32, #tpu.memory_space<vmem_shared>>) target_semaphore(%run_scoped3A_86 : memref<!tpu.dma_semaphore, #tpu.memory_space<semaphore_mem>>)
      %dma_wait3A = arith.constant 0 : i32
      %dma_wait3A_98 = arith.constant 0 : i32
      %dma_wait3A_99 = tpu.memref_slice %arg5[%run_scoped3A, %dma_wait3A, %dma_wait3A_98] : memref<2x128x128xf32, #tpu.memory_space<vmem>> -> memref<1x128x128xf32, #tpu.memory_space<vmem>>
      %dma_wait3A_100 = tpu.memref_squeeze %dma_wait3A_99 : memref<1x128x128xf32, #tpu.memory_space<vmem>> -> memref<128x128xf32, #tpu.memory_space<vmem>>
      %dma_wait3A_101 = arith.constant 0 : i32
      %dma_wait3A_102 = tpu.memref_slice %arg6[%add3A_10, %dma_wait3A_101] : memref<10240x128xf32, #tpu.memory_space<vmem_shared>> -> memref<128x128xf32, #tpu.memory_space<vmem_shared>>
      %dma_wait3A_103 = arith.constant 0 : i32
      %dma_wait3A_104 = tpu.memref_slice %arg6[%add3A_10, %dma_wait3A_103] : memref<10240x128xf32, #tpu.memory_space<vmem_shared>> -> memref<128x128xf32, #tpu.memory_space<vmem_shared>>
      %dma_wait3A_105 = arith.constant 0 : i32
      %dma_wait3A_106 = arith.constant 0 : i32
      %dma_wait3A_107 = tpu.memref_slice %arg5[%run_scoped3A, %dma_wait3A_105, %dma_wait3A_106] : memref<2x128x128xf32, #tpu.memory_space<vmem>> -> memref<1x128x128xf32, #tpu.memory_space<vmem>>
      %dma_wait3A_108 = tpu.memref_squeeze %dma_wait3A_107 : memref<1x128x128xf32, #tpu.memory_space<vmem>> -> memref<128x128xf32, #tpu.memory_space<vmem>>
      tpu.wait_dma2 semaphore(%run_scoped3A_86 : memref<!tpu.dma_semaphore, #tpu.memory_space<semaphore_mem>>) src(%dma_wait3A_108 : memref<128x128xf32, #tpu.memory_space<vmem>>) dst(%dma_wait3A_104 : memref<128x128xf32, #tpu.memory_space<vmem_shared>>)
      tpu.yield
    }) : () -> ()
    %add3A_11 = arith.constant 128 : i32
    %add3A_12 = arith.addi %mul3A_4, %add3A_11 : i32
    %run_scoped3A_13 = arith.constant 0 : i32
    "tpu.region"() ({
      %run_scoped3A_86 = tpu.sem_alloc : memref<!tpu.dma_semaphore, #tpu.memory_space<semaphore_mem>>
      %dma_start3A = arith.constant 0 : i32
      %dma_start3A_87 = arith.constant 0 : i32
      %dma_start3A_88 = tpu.memref_slice %arg5[%run_scoped3A_13, %dma_start3A, %dma_start3A_87] : memref<2x128x128xf32, #tpu.memory_space<vmem>> -> memref<1x128x128xf32, #tpu.memory_space<vmem>>
      %dma_start3A_89 = tpu.memref_squeeze %dma_start3A_88 : memref<1x128x128xf32, #tpu.memory_space<vmem>> -> memref<128x128xf32, #tpu.memory_space<vmem>>
      %dma_start3A_90 = arith.constant 0 : i32
      %dma_start3A_91 = tpu.memref_slice %arg6[%add3A_12, %dma_start3A_90] : memref<10240x128xf32, #tpu.memory_space<vmem_shared>> -> memref<128x128xf32, #tpu.memory_space<vmem_shared>>
      %dma_start3A_92 = arith.constant 0 : i32
      %dma_start3A_93 = tpu.memref_slice %arg6[%add3A_12, %dma_start3A_92] : memref<10240x128xf32, #tpu.memory_space<vmem_shared>> -> memref<128x128xf32, #tpu.memory_space<vmem_shared>>
      %dma_start3A_94 = arith.constant 0 : i32
      %dma_start3A_95 = arith.constant 0 : i32
      %dma_start3A_96 = tpu.memref_slice %arg5[%run_scoped3A_13, %dma_start3A_94, %dma_start3A_95] : memref<2x128x128xf32, #tpu.memory_space<vmem>> -> memref<1x128x128xf32, #tpu.memory_space<vmem>>
      %dma_start3A_97 = tpu.memref_squeeze %dma_start3A_96 : memref<1x128x128xf32, #tpu.memory_space<vmem>> -> memref<128x128xf32, #tpu.memory_space<vmem>>
      tpu.enqueue_dma source(%dma_start3A_97 : memref<128x128xf32, #tpu.memory_space<vmem>>) target(%dma_start3A_93 : memref<128x128xf32, #tpu.memory_space<vmem_shared>>) target_semaphore(%run_scoped3A_86 : memref<!tpu.dma_semaphore, #tpu.memory_space<semaphore_mem>>)
      %dma_wait3A = arith.constant 0 : i32
      %dma_wait3A_98 = arith.constant 0 : i32
      %dma_wait3A_99 = tpu.memref_slice %arg5[%run_scoped3A_13, %dma_wait3A, %dma_wait3A_98] : memref<2x128x128xf32, #tpu.memory_space<vmem>> -> memref<1x128x128xf32, #tpu.memory_space<vmem>>
      %dma_wait3A_100 = tpu.memref_squeeze %dma_wait3A_99 : memref<1x128x128xf32, #tpu.memory_space<vmem>> -> memref<128x128xf32, #tpu.memory_space<vmem>>
      %dma_wait3A_101 = arith.constant 0 : i32
      %dma_wait3A_102 = tpu.memref_slice %arg6[%add3A_12, %dma_wait3A_101] : memref<10240x128xf32, #tpu.memory_space<vmem_shared>> -> memref<128x128xf32, #tpu.memory_space<vmem_shared>>
      %dma_wait3A_103 = arith.constant 0 : i32
      %dma_wait3A_104 = tpu.memref_slice %arg6[%add3A_12, %dma_wait3A_103] : memref<10240x128xf32, #tpu.memory_space<vmem_shared>> -> memref<128x128xf32, #tpu.memory_space<vmem_shared>>
      %dma_wait3A_105 = arith.constant 0 : i32
      %dma_wait3A_106 = arith.constant 0 : i32
      %dma_wait3A_107 = tpu.memref_slice %arg5[%run_scoped3A_13, %dma_wait3A_105, %dma_wait3A_106] : memref<2x128x128xf32, #tpu.memory_space<vmem>> -> memref<1x128x128xf32, #tpu.memory_space<vmem>>
      %dma_wait3A_108 = tpu.memref_squeeze %dma_wait3A_107 : memref<1x128x128xf32, #tpu.memory_space<vmem>> -> memref<128x128xf32, #tpu.memory_space<vmem>>
      tpu.wait_dma2 semaphore(%run_scoped3A_86 : memref<!tpu.dma_semaphore, #tpu.memory_space<semaphore_mem>>) src(%dma_wait3A_108 : memref<128x128xf32, #tpu.memory_space<vmem>>) dst(%dma_wait3A_104 : memref<128x128xf32, #tpu.memory_space<vmem_shared>>)
      tpu.yield
    }) : () -> ()
    %add3A_14 = arith.constant 256 : i32
    %add3A_15 = arith.addi %mul3A_4, %add3A_14 : i32
    %run_scoped3A_16 = arith.constant 0 : i32
    "tpu.region"() ({
      %run_scoped3A_86 = tpu.sem_alloc : memref<!tpu.dma_semaphore, #tpu.memory_space<semaphore_mem>>
      %dma_start3A = arith.constant 0 : i32
      %dma_start3A_87 = arith.constant 0 : i32
      %dma_start3A_88 = tpu.memref_slice %arg5[%run_scoped3A_16, %dma_start3A, %dma_start3A_87] : memref<2x128x128xf32, #tpu.memory_space<vmem>> -> memref<1x128x128xf32, #tpu.memory_space<vmem>>
      %dma_start3A_89 = tpu.memref_squeeze %dma_start3A_88 : memref<1x128x128xf32, #tpu.memory_space<vmem>> -> memref<128x128xf32, #tpu.memory_space<vmem>>
      %dma_start3A_90 = arith.constant 0 : i32
      %dma_start3A_91 = tpu.memref_slice %arg6[%add3A_15, %dma_start3A_90] : memref<10240x128xf32, #tpu.memory_space<vmem_shared>> -> memref<128x128xf32, #tpu.memory_space<vmem_shared>>
      %dma_start3A_92 = arith.constant 0 : i32
      %dma_start3A_93 = tpu.memref_slice %arg6[%add3A_15, %dma_start3A_92] : memref<10240x128xf32, #tpu.memory_space<vmem_shared>> -> memref<128x128xf32, #tpu.memory_space<vmem_shared>>
      %dma_start3A_94 = arith.constant 0 : i32
      %dma_start3A_95 = arith.constant 0 : i32
      %dma_start3A_96 = tpu.memref_slice %arg5[%run_scoped3A_16, %dma_start3A_94, %dma_start3A_95] : memref<2x128x128xf32, #tpu.memory_space<vmem>> -> memref<1x128x128xf32, #tpu.memory_space<vmem>>
      %dma_start3A_97 = tpu.memref_squeeze %dma_start3A_96 : memref<1x128x128xf32, #tpu.memory_space<vmem>> -> memref<128x128xf32, #tpu.memory_space<vmem>>
      tpu.enqueue_dma source(%dma_start3A_97 : memref<128x128xf32, #tpu.memory_space<vmem>>) target(%dma_start3A_93 : memref<128x128xf32, #tpu.memory_space<vmem_shared>>) target_semaphore(%run_scoped3A_86 : memref<!tpu.dma_semaphore, #tpu.memory_space<semaphore_mem>>)
      %dma_wait3A = arith.constant 0 : i32
      %dma_wait3A_98 = arith.constant 0 : i32
      %dma_wait3A_99 = tpu.memref_slice %arg5[%run_scoped3A_16, %dma_wait3A, %dma_wait3A_98] : memref<2x128x128xf32, #tpu.memory_space<vmem>> -> memref<1x128x128xf32, #tpu.memory_space<vmem>>
      %dma_wait3A_100 = tpu.memref_squeeze %dma_wait3A_99 : memref<1x128x128xf32, #tpu.memory_space<vmem>> -> memref<128x128xf32, #tpu.memory_space<vmem>>
      %dma_wait3A_101 = arith.constant 0 : i32
      %dma_wait3A_102 = tpu.memref_slice %arg6[%add3A_15, %dma_wait3A_101] : memref<10240x128xf32, #tpu.memory_space<vmem_shared>> -> memref<128x128xf32, #tpu.memory_space<vmem_shared>>
      %dma_wait3A_103 = arith.constant 0 : i32
      %dma_wait3A_104 = tpu.memref_slice %arg6[%add3A_15, %dma_wait3A_103] : memref<10240x128xf32, #tpu.memory_space<vmem_shared>> -> memref<128x128xf32, #tpu.memory_space<vmem_shared>>
      %dma_wait3A_105 = arith.constant 0 : i32
      %dma_wait3A_106 = arith.constant 0 : i32
      %dma_wait3A_107 = tpu.memref_slice %arg5[%run_scoped3A_16, %dma_wait3A_105, %dma_wait3A_106] : memref<2x128x128xf32, #tpu.memory_space<vmem>> -> memref<1x128x128xf32, #tpu.memory_space<vmem>>
      %dma_wait3A_108 = tpu.memref_squeeze %dma_wait3A_107 : memref<1x128x128xf32, #tpu.memory_space<vmem>> -> memref<128x128xf32, #tpu.memory_space<vmem>>
      tpu.wait_dma2 semaphore(%run_scoped3A_86 : memref<!tpu.dma_semaphore, #tpu.memory_space<semaphore_mem>>) src(%dma_wait3A_108 : memref<128x128xf32, #tpu.memory_space<vmem>>) dst(%dma_wait3A_104 : memref<128x128xf32, #tpu.memory_space<vmem_shared>>)
      tpu.yield
    }) : () -> ()
    %add3A_17 = arith.constant 384 : i32
    %add3A_18 = arith.addi %mul3A_4, %add3A_17 : i32
    %run_scoped3A_19 = arith.constant 0 : i32
    "tpu.region"() ({
      %run_scoped3A_86 = tpu.sem_alloc : memref<!tpu.dma_semaphore, #tpu.memory_space<semaphore_mem>>
      %dma_start3A = arith.constant 0 : i32
      %dma_start3A_87 = arith.constant 0 : i32
      %dma_start3A_88 = tpu.memref_slice %arg5[%run_scoped3A_19, %dma_start3A, %dma_start3A_87] : memref<2x128x128xf32, #tpu.memory_space<vmem>> -> memref<1x128x128xf32, #tpu.memory_space<vmem>>
      %dma_start3A_89 = tpu.memref_squeeze %dma_start3A_88 : memref<1x128x128xf32, #tpu.memory_space<vmem>> -> memref<128x128xf32, #tpu.memory_space<vmem>>
      %dma_start3A_90 = arith.constant 0 : i32
      %dma_start3A_91 = tpu.memref_slice %arg6[%add3A_18, %dma_start3A_90] : memref<10240x128xf32, #tpu.memory_space<vmem_shared>> -> memref<128x128xf32, #tpu.memory_space<vmem_shared>>
      %dma_start3A_92 = arith.constant 0 : i32
      %dma_start3A_93 = tpu.memref_slice %arg6[%add3A_18, %dma_start3A_92] : memref<10240x128xf32, #tpu.memory_space<vmem_shared>> -> memref<128x128xf32, #tpu.memory_space<vmem_shared>>
      %dma_start3A_94 = arith.constant 0 : i32
      %dma_start3A_95 = arith.constant 0 : i32
      %dma_start3A_96 = tpu.memref_slice %arg5[%run_scoped3A_19, %dma_start3A_94, %dma_start3A_95] : memref<2x128x128xf32, #tpu.memory_space<vmem>> -> memref<1x128x128xf32, #tpu.memory_space<vmem>>
      %dma_start3A_97 = tpu.memref_squeeze %dma_start3A_96 : memref<1x128x128xf32, #tpu.memory_space<vmem>> -> memref<128x128xf32, #tpu.memory_space<vmem>>
      tpu.enqueue_dma source(%dma_start3A_97 : memref<128x128xf32, #tpu.memory_space<vmem>>) target(%dma_start3A_93 : memref<128x128xf32, #tpu.memory_space<vmem_shared>>) target_semaphore(%run_scoped3A_86 : memref<!tpu.dma_semaphore, #tpu.memory_space<semaphore_mem>>)
      %dma_wait3A = arith.constant 0 : i32
      %dma_wait3A_98 = arith.constant 0 : i32
      %dma_wait3A_99 = tpu.memref_slice %arg5[%run_scoped3A_19, %dma_wait3A, %dma_wait3A_98] : memref<2x128x128xf32, #tpu.memory_space<vmem>> -> memref<1x128x128xf32, #tpu.memory_space<vmem>>
      %dma_wait3A_100 = tpu.memref_squeeze %dma_wait3A_99 : memref<1x128x128xf32, #tpu.memory_space<vmem>> -> memref<128x128xf32, #tpu.memory_space<vmem>>
      %dma_wait3A_101 = arith.constant 0 : i32
      %dma_wait3A_102 = tpu.memref_slice %arg6[%add3A_18, %dma_wait3A_101] : memref<10240x128xf32, #tpu.memory_space<vmem_shared>> -> memref<128x128xf32, #tpu.memory_space<vmem_shared>>
      %dma_wait3A_103 = arith.constant 0 : i32
      %dma_wait3A_104 = tpu.memref_slice %arg6[%add3A_18, %dma_wait3A_103] : memref<10240x128xf32, #tpu.memory_space<vmem_shared>> -> memref<128x128xf32, #tpu.memory_space<vmem_shared>>
      %dma_wait3A_105 = arith.constant 0 : i32
      %dma_wait3A_106 = arith.constant 0 : i32
      %dma_wait3A_107 = tpu.memref_slice %arg5[%run_scoped3A_19, %dma_wait3A_105, %dma_wait3A_106] : memref<2x128x128xf32, #tpu.memory_space<vmem>> -> memref<1x128x128xf32, #tpu.memory_space<vmem>>
      %dma_wait3A_108 = tpu.memref_squeeze %dma_wait3A_107 : memref<1x128x128xf32, #tpu.memory_space<vmem>> -> memref<128x128xf32, #tpu.memory_space<vmem>>
      tpu.wait_dma2 semaphore(%run_scoped3A_86 : memref<!tpu.dma_semaphore, #tpu.memory_space<semaphore_mem>>) src(%dma_wait3A_108 : memref<128x128xf32, #tpu.memory_space<vmem>>) dst(%dma_wait3A_104 : memref<128x128xf32, #tpu.memory_space<vmem_shared>>)
      tpu.yield
    }) : () -> ()
    %add3A_20 = arith.constant 512 : i32
    %add3A_21 = arith.addi %mul3A_4, %add3A_20 : i32
    %run_scoped3A_22 = arith.constant 0 : i32
    "tpu.region"() ({
      %run_scoped3A_86 = tpu.sem_alloc : memref<!tpu.dma_semaphore, #tpu.memory_space<semaphore_mem>>
      %dma_start3A = arith.constant 0 : i32
      %dma_start3A_87 = arith.constant 0 : i32
      %dma_start3A_88 = tpu.memref_slice %arg5[%run_scoped3A_22, %dma_start3A, %dma_start3A_87] : memref<2x128x128xf32, #tpu.memory_space<vmem>> -> memref<1x128x128xf32, #tpu.memory_space<vmem>>
      %dma_start3A_89 = tpu.memref_squeeze %dma_start3A_88 : memref<1x128x128xf32, #tpu.memory_space<vmem>> -> memref<128x128xf32, #tpu.memory_space<vmem>>
      %dma_start3A_90 = arith.constant 0 : i32
      %dma_start3A_91 = tpu.memref_slice %arg6[%add3A_21, %dma_start3A_90] : memref<10240x128xf32, #tpu.memory_space<vmem_shared>> -> memref<128x128xf32, #tpu.memory_space<vmem_shared>>
      %dma_start3A_92 = arith.constant 0 : i32
      %dma_start3A_93 = tpu.memref_slice %arg6[%add3A_21, %dma_start3A_92] : memref<10240x128xf32, #tpu.memory_space<vmem_shared>> -> memref<128x128xf32, #tpu.memory_space<vmem_shared>>
      %dma_start3A_94 = arith.constant 0 : i32
      %dma_start3A_95 = arith.constant 0 : i32
      %dma_start3A_96 = tpu.memref_slice %arg5[%run_scoped3A_22, %dma_start3A_94, %dma_start3A_95] : memref<2x128x128xf32, #tpu.memory_space<vmem>> -> memref<1x128x128xf32, #tpu.memory_space<vmem>>
      %dma_start3A_97 = tpu.memref_squeeze %dma_start3A_96 : memref<1x128x128xf32, #tpu.memory_space<vmem>> -> memref<128x128xf32, #tpu.memory_space<vmem>>
      tpu.enqueue_dma source(%dma_start3A_97 : memref<128x128xf32, #tpu.memory_space<vmem>>) target(%dma_start3A_93 : memref<128x128xf32, #tpu.memory_space<vmem_shared>>) target_semaphore(%run_scoped3A_86 : memref<!tpu.dma_semaphore, #tpu.memory_space<semaphore_mem>>)
      %dma_wait3A = arith.constant 0 : i32
      %dma_wait3A_98 = arith.constant 0 : i32
      %dma_wait3A_99 = tpu.memref_slice %arg5[%run_scoped3A_22, %dma_wait3A, %dma_wait3A_98] : memref<2x128x128xf32, #tpu.memory_space<vmem>> -> memref<1x128x128xf32, #tpu.memory_space<vmem>>
      %dma_wait3A_100 = tpu.memref_squeeze %dma_wait3A_99 : memref<1x128x128xf32, #tpu.memory_space<vmem>> -> memref<128x128xf32, #tpu.memory_space<vmem>>
      %dma_wait3A_101 = arith.constant 0 : i32
      %dma_wait3A_102 = tpu.memref_slice %arg6[%add3A_21, %dma_wait3A_101] : memref<10240x128xf32, #tpu.memory_space<vmem_shared>> -> memref<128x128xf32, #tpu.memory_space<vmem_shared>>
      %dma_wait3A_103 = arith.constant 0 : i32
      %dma_wait3A_104 = tpu.memref_slice %arg6[%add3A_21, %dma_wait3A_103] : memref<10240x128xf32, #tpu.memory_space<vmem_shared>> -> memref<128x128xf32, #tpu.memory_space<vmem_shared>>
      %dma_wait3A_105 = arith.constant 0 : i32
      %dma_wait3A_106 = arith.constant 0 : i32
      %dma_wait3A_107 = tpu.memref_slice %arg5[%run_scoped3A_22, %dma_wait3A_105, %dma_wait3A_106] : memref<2x128x128xf32, #tpu.memory_space<vmem>> -> memref<1x128x128xf32, #tpu.memory_space<vmem>>
      %dma_wait3A_108 = tpu.memref_squeeze %dma_wait3A_107 : memref<1x128x128xf32, #tpu.memory_space<vmem>> -> memref<128x128xf32, #tpu.memory_space<vmem>>
      tpu.wait_dma2 semaphore(%run_scoped3A_86 : memref<!tpu.dma_semaphore, #tpu.memory_space<semaphore_mem>>) src(%dma_wait3A_108 : memref<128x128xf32, #tpu.memory_space<vmem>>) dst(%dma_wait3A_104 : memref<128x128xf32, #tpu.memory_space<vmem_shared>>)
      tpu.yield
    }) : () -> ()
    %barrier3A = arith.constant 0 : index
    tpu.barrier barrier_id(%barrier3A)
    %lt3A_23 = arith.constant 31 : i32
    %lt3A_24 = arith.cmpi slt, %add3A, %lt3A_23 : i32
    %convert_element_type3A = arith.extui %lt3A_24 : i1 to i32
    %cond3A = arith.constant 1 : i32
    %cond3A_25 = arith.constant 0 : i32
    %cond3A_26 = arith.cmpi ne, %convert_element_type3A, %cond3A_25 : i32
    scf.if %cond3A_26 {
      %mul3A_86 = arith.constant 80 : i32
      %mul3A_87 = arith.muli %add3A, %mul3A_86 : i32
      %add3A_88 = arith.constant 0 : i32
      %add3A_89 = arith.addi %mul3A_87, %add3A_88 : i32
      "tpu.region"() ({
        %run_scoped3A_90 = tpu.sem_alloc : memref<!tpu.dma_semaphore, #tpu.memory_space<semaphore_mem>>
        %dma_start3A = arith.constant 0 : i32
        %dma_start3A_91 = arith.constant 0 : i32
        %dma_start3A_92 = tpu.memref_slice %arg2[%cond3A, %dma_start3A, %dma_start3A_91] : memref<2x2500x128xi32, #tpu.memory_space<hbm>> -> memref<1x2500x128xi32, #tpu.memory_space<hbm>>
        %dma_start3A_93 = tpu.memref_squeeze %dma_start3A_92 : memref<1x2500x128xi32, #tpu.memory_space<hbm>> -> memref<2500x128xi32, #tpu.memory_space<hbm>>
        %dma_start3A_94 = arith.constant 0 : i32
        %dma_start3A_95 = tpu.memref_slice %dma_start3A_93[%add3A_89, %dma_start3A_94] : memref<2500x128xi32, #tpu.memory_space<hbm>> -> memref<40x128xi32, #tpu.memory_space<hbm>>
        %dma_start3A_96 = arith.constant 0 : i32
        %dma_start3A_97 = arith.constant 0 : i32
        %dma_start3A_98 = tpu.memref_slice %arg2[%cond3A, %dma_start3A_96, %dma_start3A_97] : memref<2x2500x128xi32, #tpu.memory_space<hbm>> -> memref<1x2500x128xi32, #tpu.memory_space<hbm>>
        %dma_start3A_99 = tpu.memref_squeeze %dma_start3A_98 : memref<1x2500x128xi32, #tpu.memory_space<hbm>> -> memref<2500x128xi32, #tpu.memory_space<hbm>>
        %dma_start3A_100 = arith.constant 0 : i32
        %dma_start3A_101 = tpu.memref_slice %dma_start3A_99[%add3A_89, %dma_start3A_100] : memref<2500x128xi32, #tpu.memory_space<hbm>> -> memref<40x128xi32, #tpu.memory_space<hbm>>
        tpu.enqueue_dma source(%dma_start3A_101 : memref<40x128xi32, #tpu.memory_space<hbm>>) target(%arg4 : memref<40x128xi32, #tpu.memory_space<vmem>>) target_semaphore(%run_scoped3A_90 : memref<!tpu.dma_semaphore, #tpu.memory_space<semaphore_mem>>)
        %dma_wait3A = arith.constant 0 : i32
        %dma_wait3A_102 = arith.constant 0 : i32
        %dma_wait3A_103 = tpu.memref_slice %arg2[%cond3A, %dma_wait3A, %dma_wait3A_102] : memref<2x2500x128xi32, #tpu.memory_space<hbm>> -> memref<1x2500x128xi32, #tpu.memory_space<hbm>>
        %dma_wait3A_104 = tpu.memref_squeeze %dma_wait3A_103 : memref<1x2500x128xi32, #tpu.memory_space<hbm>> -> memref<2500x128xi32, #tpu.memory_space<hbm>>
        %dma_wait3A_105 = arith.constant 0 : i32
        %dma_wait3A_106 = tpu.memref_slice %dma_wait3A_104[%add3A_89, %dma_wait3A_105] : memref<2500x128xi32, #tpu.memory_space<hbm>> -> memref<40x128xi32, #tpu.memory_space<hbm>>
        %dma_wait3A_107 = arith.constant 0 : i32
        %dma_wait3A_108 = arith.constant 0 : i32
        %dma_wait3A_109 = tpu.memref_slice %arg2[%cond3A, %dma_wait3A_107, %dma_wait3A_108] : memref<2x2500x128xi32, #tpu.memory_space<hbm>> -> memref<1x2500x128xi32, #tpu.memory_space<hbm>>
        %dma_wait3A_110 = tpu.memref_squeeze %dma_wait3A_109 : memref<1x2500x128xi32, #tpu.memory_space<hbm>> -> memref<2500x128xi32, #tpu.memory_space<hbm>>
        %dma_wait3A_111 = arith.constant 0 : i32
        %dma_wait3A_112 = tpu.memref_slice %dma_wait3A_110[%add3A_89, %dma_wait3A_111] : memref<2500x128xi32, #tpu.memory_space<hbm>> -> memref<40x128xi32, #tpu.memory_space<hbm>>
        tpu.wait_dma2 semaphore(%run_scoped3A_90 : memref<!tpu.dma_semaphore, #tpu.memory_space<semaphore_mem>>) src(%dma_wait3A_112 : memref<40x128xi32, #tpu.memory_space<hbm>>) dst(%arg4 : memref<40x128xi32, #tpu.memory_space<vmem>>)
        tpu.yield
      }) : () -> ()
    } else {
    }
    %eq3A = arith.constant 31 : i32
    %eq3A_27 = arith.cmpi eq, %add3A, %eq3A : i32
    %convert_element_type3A_28 = arith.extui %eq3A_27 : i1 to i32
    %cond3A_29 = arith.constant 1 : i32
    %cond3A_30 = arith.constant 0 : i32
    %cond3A_31 = arith.cmpi ne, %convert_element_type3A_28, %cond3A_30 : i32
    scf.if %cond3A_31 {
      "tpu.region"() ({
        %run_scoped3A_86 = tpu.sem_alloc : memref<!tpu.dma_semaphore, #tpu.memory_space<semaphore_mem>>
        %dma_start3A = arith.constant 0 : i32
        %dma_start3A_87 = arith.constant 0 : i32
        %dma_start3A_88 = tpu.memref_slice %arg4[%dma_start3A, %dma_start3A_87] : memref<40x128xi32, #tpu.memory_space<vmem>> -> memref<20x128xi32, #tpu.memory_space<vmem>>
        %dma_start3A_89 = arith.constant 0 : i32
        %dma_start3A_90 = arith.constant 0 : i32
        %dma_start3A_91 = tpu.memref_slice %arg2[%cond3A_29, %dma_start3A_89, %dma_start3A_90] : memref<2x2500x128xi32, #tpu.memory_space<hbm>> -> memref<1x2500x128xi32, #tpu.memory_space<hbm>>
        %dma_start3A_92 = tpu.memref_squeeze %dma_start3A_91 : memref<1x2500x128xi32, #tpu.memory_space<hbm>> -> memref<2500x128xi32, #tpu.memory_space<hbm>>
        %dma_start3A_93 = arith.constant 2480 : i32
        %dma_start3A_94 = arith.constant 0 : i32
        %dma_start3A_95 = tpu.memref_slice %dma_start3A_92[%dma_start3A_93, %dma_start3A_94] : memref<2500x128xi32, #tpu.memory_space<hbm>> -> memref<20x128xi32, #tpu.memory_space<hbm>>
        %dma_start3A_96 = arith.constant 0 : i32
        %dma_start3A_97 = arith.constant 0 : i32
        %dma_start3A_98 = tpu.memref_slice %arg4[%dma_start3A_96, %dma_start3A_97] : memref<40x128xi32, #tpu.memory_space<vmem>> -> memref<20x128xi32, #tpu.memory_space<vmem>>
        %dma_start3A_99 = arith.constant 0 : i32
        %dma_start3A_100 = arith.constant 0 : i32
        %dma_start3A_101 = tpu.memref_slice %arg2[%cond3A_29, %dma_start3A_99, %dma_start3A_100] : memref<2x2500x128xi32, #tpu.memory_space<hbm>> -> memref<1x2500x128xi32, #tpu.memory_space<hbm>>
        %dma_start3A_102 = tpu.memref_squeeze %dma_start3A_101 : memref<1x2500x128xi32, #tpu.memory_space<hbm>> -> memref<2500x128xi32, #tpu.memory_space<hbm>>
        %dma_start3A_103 = arith.constant 2480 : i32
        %dma_start3A_104 = arith.constant 0 : i32
        %dma_start3A_105 = tpu.memref_slice %dma_start3A_102[%dma_start3A_103, %dma_start3A_104] : memref<2500x128xi32, #tpu.memory_space<hbm>> -> memref<20x128xi32, #tpu.memory_space<hbm>>
        tpu.enqueue_dma source(%dma_start3A_105 : memref<20x128xi32, #tpu.memory_space<hbm>>) target(%dma_start3A_98 : memref<20x128xi32, #tpu.memory_space<vmem>>) target_semaphore(%run_scoped3A_86 : memref<!tpu.dma_semaphore, #tpu.memory_space<semaphore_mem>>)
        %dma_wait3A = arith.constant 0 : i32
        %dma_wait3A_106 = arith.constant 0 : i32
        %dma_wait3A_107 = tpu.memref_slice %arg4[%dma_wait3A, %dma_wait3A_106] : memref<40x128xi32, #tpu.memory_space<vmem>> -> memref<20x128xi32, #tpu.memory_space<vmem>>
        %dma_wait3A_108 = arith.constant 0 : i32
        %dma_wait3A_109 = arith.constant 0 : i32
        %dma_wait3A_110 = tpu.memref_slice %arg2[%cond3A_29, %dma_wait3A_108, %dma_wait3A_109] : memref<2x2500x128xi32, #tpu.memory_space<hbm>> -> memref<1x2500x128xi32, #tpu.memory_space<hbm>>
        %dma_wait3A_111 = tpu.memref_squeeze %dma_wait3A_110 : memref<1x2500x128xi32, #tpu.memory_space<hbm>> -> memref<2500x128xi32, #tpu.memory_space<hbm>>
        %dma_wait3A_112 = arith.constant 2480 : i32
        %dma_wait3A_113 = arith.constant 0 : i32
        %dma_wait3A_114 = tpu.memref_slice %dma_wait3A_111[%dma_wait3A_112, %dma_wait3A_113] : memref<2500x128xi32, #tpu.memory_space<hbm>> -> memref<20x128xi32, #tpu.memory_space<hbm>>
        %dma_wait3A_115 = arith.constant 0 : i32
        %dma_wait3A_116 = arith.constant 0 : i32
        %dma_wait3A_117 = tpu.memref_slice %arg4[%dma_wait3A_115, %dma_wait3A_116] : memref<40x128xi32, #tpu.memory_space<vmem>> -> memref<20x128xi32, #tpu.memory_space<vmem>>
        %dma_wait3A_118 = arith.constant 0 : i32
        %dma_wait3A_119 = arith.constant 0 : i32
        %dma_wait3A_120 = tpu.memref_slice %arg2[%cond3A_29, %dma_wait3A_118, %dma_wait3A_119] : memref<2x2500x128xi32, #tpu.memory_space<hbm>> -> memref<1x2500x128xi32, #tpu.memory_space<hbm>>
        %dma_wait3A_121 = tpu.memref_squeeze %dma_wait3A_120 : memref<1x2500x128xi32, #tpu.memory_space<hbm>> -> memref<2500x128xi32, #tpu.memory_space<hbm>>
        %dma_wait3A_122 = arith.constant 2480 : i32
        %dma_wait3A_123 = arith.constant 0 : i32
        %dma_wait3A_124 = tpu.memref_slice %dma_wait3A_121[%dma_wait3A_122, %dma_wait3A_123] : memref<2500x128xi32, #tpu.memory_space<hbm>> -> memref<20x128xi32, #tpu.memory_space<hbm>>
        tpu.wait_dma2 semaphore(%run_scoped3A_86 : memref<!tpu.dma_semaphore, #tpu.memory_space<semaphore_mem>>) src(%dma_wait3A_124 : memref<20x128xi32, #tpu.memory_space<hbm>>) dst(%dma_wait3A_117 : memref<20x128xi32, #tpu.memory_space<vmem>>)
        tpu.yield
      }) : () -> ()
    } else {
    }
    %sub3A = arith.constant 0 : i32
    %sub3A_32 = arith.subi %select_n3A, %sub3A : i32
    %jit3A_33 = arith.constant 0 : i32
    %jit3A_34 = arith.constant 40 : i32
    %max3A = arith.maxsi %jit3A_33, %sub3A_32 : i32
    %min3A = arith.minsi %jit3A_34, %max3A : i32
    %sub3A_35 = arith.constant 0 : i32
    %sub3A_36 = arith.subi %min3A, %sub3A_35 : i32
    %sub3A_37 = arith.constant 1 : i32
    %sub3A_38 = arith.constant 1 : i32
    %sub3A_39 = arith.subi %sub3A_37, %sub3A_38 : i32
    %add3A_40 = arith.addi %sub3A_36, %sub3A_39 : i32
    %div3A = arith.constant 1 : i32
    %div3A_41 = arith.divsi %add3A_40, %div3A : i32
    %while3A = arith.constant 1 : i32
    %while3A_42 = arith.constant 0 : i32
    %while3A_43 = arith.constant 1 : i32
    %while3A_44 = arith.constant 0 : i32
    %while3A_45 = arith.subi %div3A_41, %while3A_44 : i32
    %while3A_46 = arith.addi %while3A_44, %while3A_45 : i32
    %while3A_47 = arith.constant 1 : i32
    %while3A_48 = arith.divsi %while3A_45, %while3A_47 : i32
    %while3A_49 = arith.muli %while3A_48, %while3A_47 : i32
    %while3A_50 = arith.addi %while3A_44, %while3A_49 : i32
    %while3A_51 = arith.constant 1 : i32
    scf.for %while3A_86 = %while3A_44 to %while3A_50 step %while3A_51  : i32 {
      %mul3A_87 = arith.muli %while3A_86, %while3A : i32
      %add3A_88 = arith.addi %while3A_42, %mul3A_87 : i32
      "tpu.region"() ({
        %run_scoped3A_89 = tpu.sem_alloc : memref<!tpu.dma_semaphore, #tpu.memory_space<semaphore_mem>>
        %dma_start3A = arith.constant 0 : i32
        %dma_start3A_90 = arith.constant 0 : i32
        %dma_start3A_91 = tpu.memref_slice %arg5[%while3A_43, %dma_start3A, %dma_start3A_90] : memref<2x128x128xf32, #tpu.memory_space<vmem>> -> memref<1x128x128xf32, #tpu.memory_space<vmem>>
        %dma_start3A_92 = tpu.memref_squeeze %dma_start3A_91 : memref<1x128x128xf32, #tpu.memory_space<vmem>> -> memref<128x128xf32, #tpu.memory_space<vmem>>
        %dma_start3A_93 = arith.constant 0 : i32
        %dma_start3A_94 = tpu.memref_slice %arg4[%add3A_88, %dma_start3A_93] : memref<40x128xi32, #tpu.memory_space<vmem>> -> memref<1x128xi32, #tpu.memory_space<vmem>>
        %dma_start3A_95 = tpu.memref_squeeze %dma_start3A_94 : memref<1x128xi32, #tpu.memory_space<vmem>> -> memref<128xi32, #tpu.memory_space<vmem>>
        %dma_start3A_96 = arith.constant 0 : i32
        %dma_start3A_97 = arith.constant 0 : i32
        %dma_start3A_98 = tpu.memref_slice %arg6[%dma_start3A_96, %dma_start3A_97] : memref<10240x128xf32, #tpu.memory_space<vmem_shared>> -> memref<10240x128xf32, #tpu.memory_space<vmem_shared>>
        tpu.enqueue_indirect_dma source(%dma_start3A_92 : memref<128x128xf32, #tpu.memory_space<vmem>>) target(%dma_start3A_98 : memref<10240x128xf32, #tpu.memory_space<vmem_shared>>) offsets(%dma_start3A_95 : memref<128xi32, #tpu.memory_space<vmem>>) semaphore(%run_scoped3A_89 : memref<!tpu.dma_semaphore, #tpu.memory_space<semaphore_mem>>) {add = true}
        %dma_wait3A = arith.constant 0 : i32
        %dma_wait3A_99 = arith.constant 0 : i32
        %dma_wait3A_100 = tpu.memref_slice %arg5[%while3A_43, %dma_wait3A, %dma_wait3A_99] : memref<2x128x128xf32, #tpu.memory_space<vmem>> -> memref<1x128x128xf32, #tpu.memory_space<vmem>>
        %dma_wait3A_101 = tpu.memref_squeeze %dma_wait3A_100 : memref<1x128x128xf32, #tpu.memory_space<vmem>> -> memref<128x128xf32, #tpu.memory_space<vmem>>
        %dma_wait3A_102 = arith.constant 0 : i32
        %dma_wait3A_103 = tpu.memref_slice %arg4[%add3A_88, %dma_wait3A_102] : memref<40x128xi32, #tpu.memory_space<vmem>> -> memref<1x128xi32, #tpu.memory_space<vmem>>
        %dma_wait3A_104 = tpu.memref_squeeze %dma_wait3A_103 : memref<1x128xi32, #tpu.memory_space<vmem>> -> memref<128xi32, #tpu.memory_space<vmem>>
        %dma_wait3A_105 = arith.constant 0 : i32
        %dma_wait3A_106 = arith.constant 0 : i32
        %dma_wait3A_107 = tpu.memref_slice %arg6[%dma_wait3A_105, %dma_wait3A_106] : memref<10240x128xf32, #tpu.memory_space<vmem_shared>> -> memref<10240x128xf32, #tpu.memory_space<vmem_shared>>
        tpu.wait_indirect_dma semaphore(%run_scoped3A_89 : memref<!tpu.dma_semaphore, #tpu.memory_space<semaphore_mem>>) src(%dma_wait3A_101 : memref<128x128xf32, #tpu.memory_space<vmem>>) dst(%dma_wait3A_107 : memref<10240x128xf32, #tpu.memory_space<vmem_shared>>)
        tpu.yield
      }) : () -> ()
    }
    %while3A_52 = arith.constant 1 : i32
    scf.for %while3A_86 = %while3A_50 to %while3A_46 step %while3A_52  : i32 {
      %mul3A_87 = arith.muli %while3A_86, %while3A : i32
      %add3A_88 = arith.addi %while3A_42, %mul3A_87 : i32
      "tpu.region"() ({
        %run_scoped3A_89 = tpu.sem_alloc : memref<!tpu.dma_semaphore, #tpu.memory_space<semaphore_mem>>
        %dma_start3A = arith.constant 0 : i32
        %dma_start3A_90 = arith.constant 0 : i32
        %dma_start3A_91 = tpu.memref_slice %arg5[%while3A_43, %dma_start3A, %dma_start3A_90] : memref<2x128x128xf32, #tpu.memory_space<vmem>> -> memref<1x128x128xf32, #tpu.memory_space<vmem>>
        %dma_start3A_92 = tpu.memref_squeeze %dma_start3A_91 : memref<1x128x128xf32, #tpu.memory_space<vmem>> -> memref<128x128xf32, #tpu.memory_space<vmem>>
        %dma_start3A_93 = arith.constant 0 : i32
        %dma_start3A_94 = tpu.memref_slice %arg4[%add3A_88, %dma_start3A_93] : memref<40x128xi32, #tpu.memory_space<vmem>> -> memref<1x128xi32, #tpu.memory_space<vmem>>
        %dma_start3A_95 = tpu.memref_squeeze %dma_start3A_94 : memref<1x128xi32, #tpu.memory_space<vmem>> -> memref<128xi32, #tpu.memory_space<vmem>>
        %dma_start3A_96 = arith.constant 0 : i32
        %dma_start3A_97 = arith.constant 0 : i32
        %dma_start3A_98 = tpu.memref_slice %arg6[%dma_start3A_96, %dma_start3A_97] : memref<10240x128xf32, #tpu.memory_space<vmem_shared>> -> memref<10240x128xf32, #tpu.memory_space<vmem_shared>>
        tpu.enqueue_indirect_dma source(%dma_start3A_92 : memref<128x128xf32, #tpu.memory_space<vmem>>) target(%dma_start3A_98 : memref<10240x128xf32, #tpu.memory_space<vmem_shared>>) offsets(%dma_start3A_95 : memref<128xi32, #tpu.memory_space<vmem>>) semaphore(%run_scoped3A_89 : memref<!tpu.dma_semaphore, #tpu.memory_space<semaphore_mem>>) {add = true}
        %dma_wait3A = arith.constant 0 : i32
        %dma_wait3A_99 = arith.constant 0 : i32
        %dma_wait3A_100 = tpu.memref_slice %arg5[%while3A_43, %dma_wait3A, %dma_wait3A_99] : memref<2x128x128xf32, #tpu.memory_space<vmem>> -> memref<1x128x128xf32, #tpu.memory_space<vmem>>
        %dma_wait3A_101 = tpu.memref_squeeze %dma_wait3A_100 : memref<1x128x128xf32, #tpu.memory_space<vmem>> -> memref<128x128xf32, #tpu.memory_space<vmem>>
        %dma_wait3A_102 = arith.constant 0 : i32
        %dma_wait3A_103 = tpu.memref_slice %arg4[%add3A_88, %dma_wait3A_102] : memref<40x128xi32, #tpu.memory_space<vmem>> -> memref<1x128xi32, #tpu.memory_space<vmem>>
        %dma_wait3A_104 = tpu.memref_squeeze %dma_wait3A_103 : memref<1x128xi32, #tpu.memory_space<vmem>> -> memref<128xi32, #tpu.memory_space<vmem>>
        %dma_wait3A_105 = arith.constant 0 : i32
        %dma_wait3A_106 = arith.constant 0 : i32
        %dma_wait3A_107 = tpu.memref_slice %arg6[%dma_wait3A_105, %dma_wait3A_106] : memref<10240x128xf32, #tpu.memory_space<vmem_shared>> -> memref<10240x128xf32, #tpu.memory_space<vmem_shared>>
        tpu.wait_indirect_dma semaphore(%run_scoped3A_89 : memref<!tpu.dma_semaphore, #tpu.memory_space<semaphore_mem>>) src(%dma_wait3A_101 : memref<128x128xf32, #tpu.memory_space<vmem>>) dst(%dma_wait3A_107 : memref<10240x128xf32, #tpu.memory_space<vmem_shared>>)
        tpu.yield
      }) : () -> ()
    }
    %lt3A_53 = arith.constant 31 : i32
    %lt3A_54 = arith.cmpi slt, %add3A, %lt3A_53 : i32
    %convert_element_type3A_55 = arith.extui %lt3A_54 : i1 to i32
    %cond3A_56 = arith.constant 1 : i32
    %cond3A_57 = arith.constant 0 : i32
    %cond3A_58 = arith.cmpi ne, %convert_element_type3A_55, %cond3A_57 : i32
    scf.if %cond3A_58 {
      %mul3A_86 = arith.constant 80 : i32
      %mul3A_87 = arith.muli %add3A, %mul3A_86 : i32
      %add3A_88 = arith.constant 40 : i32
      %add3A_89 = arith.addi %mul3A_87, %add3A_88 : i32
      "tpu.region"() ({
        %run_scoped3A_90 = tpu.sem_alloc : memref<!tpu.dma_semaphore, #tpu.memory_space<semaphore_mem>>
        %dma_start3A = arith.constant 0 : i32
        %dma_start3A_91 = arith.constant 0 : i32
        %dma_start3A_92 = tpu.memref_slice %arg2[%cond3A_56, %dma_start3A, %dma_start3A_91] : memref<2x2500x128xi32, #tpu.memory_space<hbm>> -> memref<1x2500x128xi32, #tpu.memory_space<hbm>>
        %dma_start3A_93 = tpu.memref_squeeze %dma_start3A_92 : memref<1x2500x128xi32, #tpu.memory_space<hbm>> -> memref<2500x128xi32, #tpu.memory_space<hbm>>
        %dma_start3A_94 = arith.constant 0 : i32
        %dma_start3A_95 = tpu.memref_slice %dma_start3A_93[%add3A_89, %dma_start3A_94] : memref<2500x128xi32, #tpu.memory_space<hbm>> -> memref<40x128xi32, #tpu.memory_space<hbm>>
        %dma_start3A_96 = arith.constant 0 : i32
        %dma_start3A_97 = arith.constant 0 : i32
        %dma_start3A_98 = tpu.memref_slice %arg2[%cond3A_56, %dma_start3A_96, %dma_start3A_97] : memref<2x2500x128xi32, #tpu.memory_space<hbm>> -> memref<1x2500x128xi32, #tpu.memory_space<hbm>>
        %dma_start3A_99 = tpu.memref_squeeze %dma_start3A_98 : memref<1x2500x128xi32, #tpu.memory_space<hbm>> -> memref<2500x128xi32, #tpu.memory_space<hbm>>
        %dma_start3A_100 = arith.constant 0 : i32
        %dma_start3A_101 = tpu.memref_slice %dma_start3A_99[%add3A_89, %dma_start3A_100] : memref<2500x128xi32, #tpu.memory_space<hbm>> -> memref<40x128xi32, #tpu.memory_space<hbm>>
        tpu.enqueue_dma source(%dma_start3A_101 : memref<40x128xi32, #tpu.memory_space<hbm>>) target(%arg4 : memref<40x128xi32, #tpu.memory_space<vmem>>) target_semaphore(%run_scoped3A_90 : memref<!tpu.dma_semaphore, #tpu.memory_space<semaphore_mem>>)
        %dma_wait3A = arith.constant 0 : i32
        %dma_wait3A_102 = arith.constant 0 : i32
        %dma_wait3A_103 = tpu.memref_slice %arg2[%cond3A_56, %dma_wait3A, %dma_wait3A_102] : memref<2x2500x128xi32, #tpu.memory_space<hbm>> -> memref<1x2500x128xi32, #tpu.memory_space<hbm>>
        %dma_wait3A_104 = tpu.memref_squeeze %dma_wait3A_103 : memref<1x2500x128xi32, #tpu.memory_space<hbm>> -> memref<2500x128xi32, #tpu.memory_space<hbm>>
        %dma_wait3A_105 = arith.constant 0 : i32
        %dma_wait3A_106 = tpu.memref_slice %dma_wait3A_104[%add3A_89, %dma_wait3A_105] : memref<2500x128xi32, #tpu.memory_space<hbm>> -> memref<40x128xi32, #tpu.memory_space<hbm>>
        %dma_wait3A_107 = arith.constant 0 : i32
        %dma_wait3A_108 = arith.constant 0 : i32
        %dma_wait3A_109 = tpu.memref_slice %arg2[%cond3A_56, %dma_wait3A_107, %dma_wait3A_108] : memref<2x2500x128xi32, #tpu.memory_space<hbm>> -> memref<1x2500x128xi32, #tpu.memory_space<hbm>>
        %dma_wait3A_110 = tpu.memref_squeeze %dma_wait3A_109 : memref<1x2500x128xi32, #tpu.memory_space<hbm>> -> memref<2500x128xi32, #tpu.memory_space<hbm>>
        %dma_wait3A_111 = arith.constant 0 : i32
        %dma_wait3A_112 = tpu.memref_slice %dma_wait3A_110[%add3A_89, %dma_wait3A_111] : memref<2500x128xi32, #tpu.memory_space<hbm>> -> memref<40x128xi32, #tpu.memory_space<hbm>>
        tpu.wait_dma2 semaphore(%run_scoped3A_90 : memref<!tpu.dma_semaphore, #tpu.memory_space<semaphore_mem>>) src(%dma_wait3A_112 : memref<40x128xi32, #tpu.memory_space<hbm>>) dst(%arg4 : memref<40x128xi32, #tpu.memory_space<vmem>>)
        tpu.yield
      }) : () -> ()
    } else {
    }
    %sub3A_59 = arith.constant 40 : i32
    %sub3A_60 = arith.subi %select_n3A, %sub3A_59 : i32
    %jit3A_61 = arith.constant 0 : i32
    %jit3A_62 = arith.constant 40 : i32
    %max3A_63 = arith.maxsi %jit3A_61, %sub3A_60 : i32
    %min3A_64 = arith.minsi %jit3A_62, %max3A_63 : i32
    %sub3A_65 = arith.constant 0 : i32
    %sub3A_66 = arith.subi %min3A_64, %sub3A_65 : i32
    %sub3A_67 = arith.constant 1 : i32
    %sub3A_68 = arith.constant 1 : i32
    %sub3A_69 = arith.subi %sub3A_67, %sub3A_68 : i32
    %add3A_70 = arith.addi %sub3A_66, %sub3A_69 : i32
    %div3A_71 = arith.constant 1 : i32
    %div3A_72 = arith.divsi %add3A_70, %div3A_71 : i32
    %while3A_73 = arith.constant 1 : i32
    %while3A_74 = arith.constant 0 : i32
    %while3A_75 = arith.constant 1 : i32
    %while3A_76 = arith.constant 0 : i32
    %while3A_77 = arith.subi %div3A_72, %while3A_76 : i32
    %while3A_78 = arith.addi %while3A_76, %while3A_77 : i32
    %while3A_79 = arith.constant 1 : i32
    %while3A_80 = arith.divsi %while3A_77, %while3A_79 : i32
    %while3A_81 = arith.muli %while3A_80, %while3A_79 : i32
    %while3A_82 = arith.addi %while3A_76, %while3A_81 : i32
    %while3A_83 = arith.constant 1 : i32
    scf.for %while3A_86 = %while3A_76 to %while3A_82 step %while3A_83  : i32 {
      %mul3A_87 = arith.muli %while3A_86, %while3A_73 : i32
      %add3A_88 = arith.addi %while3A_74, %mul3A_87 : i32
      "tpu.region"() ({
        %run_scoped3A_89 = tpu.sem_alloc : memref<!tpu.dma_semaphore, #tpu.memory_space<semaphore_mem>>
        %dma_start3A = arith.constant 0 : i32
        %dma_start3A_90 = arith.constant 0 : i32
        %dma_start3A_91 = tpu.memref_slice %arg5[%while3A_75, %dma_start3A, %dma_start3A_90] : memref<2x128x128xf32, #tpu.memory_space<vmem>> -> memref<1x128x128xf32, #tpu.memory_space<vmem>>
        %dma_start3A_92 = tpu.memref_squeeze %dma_start3A_91 : memref<1x128x128xf32, #tpu.memory_space<vmem>> -> memref<128x128xf32, #tpu.memory_space<vmem>>
        %dma_start3A_93 = arith.constant 0 : i32
        %dma_start3A_94 = tpu.memref_slice %arg4[%add3A_88, %dma_start3A_93] : memref<40x128xi32, #tpu.memory_space<vmem>> -> memref<1x128xi32, #tpu.memory_space<vmem>>
        %dma_start3A_95 = tpu.memref_squeeze %dma_start3A_94 : memref<1x128xi32, #tpu.memory_space<vmem>> -> memref<128xi32, #tpu.memory_space<vmem>>
        %dma_start3A_96 = arith.constant 0 : i32
        %dma_start3A_97 = arith.constant 0 : i32
        %dma_start3A_98 = tpu.memref_slice %arg6[%dma_start3A_96, %dma_start3A_97] : memref<10240x128xf32, #tpu.memory_space<vmem_shared>> -> memref<10240x128xf32, #tpu.memory_space<vmem_shared>>
        tpu.enqueue_indirect_dma source(%dma_start3A_92 : memref<128x128xf32, #tpu.memory_space<vmem>>) target(%dma_start3A_98 : memref<10240x128xf32, #tpu.memory_space<vmem_shared>>) offsets(%dma_start3A_95 : memref<128xi32, #tpu.memory_space<vmem>>) semaphore(%run_scoped3A_89 : memref<!tpu.dma_semaphore, #tpu.memory_space<semaphore_mem>>) {add = true}
        %dma_wait3A = arith.constant 0 : i32
        %dma_wait3A_99 = arith.constant 0 : i32
        %dma_wait3A_100 = tpu.memref_slice %arg5[%while3A_75, %dma_wait3A, %dma_wait3A_99] : memref<2x128x128xf32, #tpu.memory_space<vmem>> -> memref<1x128x128xf32, #tpu.memory_space<vmem>>
        %dma_wait3A_101 = tpu.memref_squeeze %dma_wait3A_100 : memref<1x128x128xf32, #tpu.memory_space<vmem>> -> memref<128x128xf32, #tpu.memory_space<vmem>>
        %dma_wait3A_102 = arith.constant 0 : i32
        %dma_wait3A_103 = tpu.memref_slice %arg4[%add3A_88, %dma_wait3A_102] : memref<40x128xi32, #tpu.memory_space<vmem>> -> memref<1x128xi32, #tpu.memory_space<vmem>>
        %dma_wait3A_104 = tpu.memref_squeeze %dma_wait3A_103 : memref<1x128xi32, #tpu.memory_space<vmem>> -> memref<128xi32, #tpu.memory_space<vmem>>
        %dma_wait3A_105 = arith.constant 0 : i32
        %dma_wait3A_106 = arith.constant 0 : i32
        %dma_wait3A_107 = tpu.memref_slice %arg6[%dma_wait3A_105, %dma_wait3A_106] : memref<10240x128xf32, #tpu.memory_space<vmem_shared>> -> memref<10240x128xf32, #tpu.memory_space<vmem_shared>>
        tpu.wait_indirect_dma semaphore(%run_scoped3A_89 : memref<!tpu.dma_semaphore, #tpu.memory_space<semaphore_mem>>) src(%dma_wait3A_101 : memref<128x128xf32, #tpu.memory_space<vmem>>) dst(%dma_wait3A_107 : memref<10240x128xf32, #tpu.memory_space<vmem_shared>>)
        tpu.yield
      }) : () -> ()
    }
    %while3A_84 = arith.constant 1 : i32
    scf.for %while3A_86 = %while3A_82 to %while3A_78 step %while3A_84  : i32 {
      %mul3A_87 = arith.muli %while3A_86, %while3A_73 : i32
      %add3A_88 = arith.addi %while3A_74, %mul3A_87 : i32
      "tpu.region"() ({
        %run_scoped3A_89 = tpu.sem_alloc : memref<!tpu.dma_semaphore, #tpu.memory_space<semaphore_mem>>
        %dma_start3A = arith.constant 0 : i32
        %dma_start3A_90 = arith.constant 0 : i32
        %dma_start3A_91 = tpu.memref_slice %arg5[%while3A_75, %dma_start3A, %dma_start3A_90] : memref<2x128x128xf32, #tpu.memory_space<vmem>> -> memref<1x128x128xf32, #tpu.memory_space<vmem>>
        %dma_start3A_92 = tpu.memref_squeeze %dma_start3A_91 : memref<1x128x128xf32, #tpu.memory_space<vmem>> -> memref<128x128xf32, #tpu.memory_space<vmem>>
        %dma_start3A_93 = arith.constant 0 : i32
        %dma_start3A_94 = tpu.memref_slice %arg4[%add3A_88, %dma_start3A_93] : memref<40x128xi32, #tpu.memory_space<vmem>> -> memref<1x128xi32, #tpu.memory_space<vmem>>
        %dma_start3A_95 = tpu.memref_squeeze %dma_start3A_94 : memref<1x128xi32, #tpu.memory_space<vmem>> -> memref<128xi32, #tpu.memory_space<vmem>>
        %dma_start3A_96 = arith.constant 0 : i32
        %dma_start3A_97 = arith.constant 0 : i32
        %dma_start3A_98 = tpu.memref_slice %arg6[%dma_start3A_96, %dma_start3A_97] : memref<10240x128xf32, #tpu.memory_space<vmem_shared>> -> memref<10240x128xf32, #tpu.memory_space<vmem_shared>>
        tpu.enqueue_indirect_dma source(%dma_start3A_92 : memref<128x128xf32, #tpu.memory_space<vmem>>) target(%dma_start3A_98 : memref<10240x128xf32, #tpu.memory_space<vmem_shared>>) offsets(%dma_start3A_95 : memref<128xi32, #tpu.memory_space<vmem>>) semaphore(%run_scoped3A_89 : memref<!tpu.dma_semaphore, #tpu.memory_space<semaphore_mem>>) {add = true}
        %dma_wait3A = arith.constant 0 : i32
        %dma_wait3A_99 = arith.constant 0 : i32
        %dma_wait3A_100 = tpu.memref_slice %arg5[%while3A_75, %dma_wait3A, %dma_wait3A_99] : memref<2x128x128xf32, #tpu.memory_space<vmem>> -> memref<1x128x128xf32, #tpu.memory_space<vmem>>
        %dma_wait3A_101 = tpu.memref_squeeze %dma_wait3A_100 : memref<1x128x128xf32, #tpu.memory_space<vmem>> -> memref<128x128xf32, #tpu.memory_space<vmem>>
        %dma_wait3A_102 = arith.constant 0 : i32
        %dma_wait3A_103 = tpu.memref_slice %arg4[%add3A_88, %dma_wait3A_102] : memref<40x128xi32, #tpu.memory_space<vmem>> -> memref<1x128xi32, #tpu.memory_space<vmem>>
        %dma_wait3A_104 = tpu.memref_squeeze %dma_wait3A_103 : memref<1x128xi32, #tpu.memory_space<vmem>> -> memref<128xi32, #tpu.memory_space<vmem>>
        %dma_wait3A_105 = arith.constant 0 : i32
        %dma_wait3A_106 = arith.constant 0 : i32
        %dma_wait3A_107 = tpu.memref_slice %arg6[%dma_wait3A_105, %dma_wait3A_106] : memref<10240x128xf32, #tpu.memory_space<vmem_shared>> -> memref<10240x128xf32, #tpu.memory_space<vmem_shared>>
        tpu.wait_indirect_dma semaphore(%run_scoped3A_89 : memref<!tpu.dma_semaphore, #tpu.memory_space<semaphore_mem>>) src(%dma_wait3A_101 : memref<128x128xf32, #tpu.memory_space<vmem>>) dst(%dma_wait3A_107 : memref<10240x128xf32, #tpu.memory_space<vmem_shared>>)
        tpu.yield
      }) : () -> ()
    }
    %barrier3A_85 = arith.constant 0 : index
    tpu.barrier barrier_id(%barrier3A_85)
    "tpu.region"() ({
      %run_scoped3A_86 = tpu.sem_alloc : memref<!tpu.dma_semaphore, #tpu.memory_space<semaphore_mem>>
      %dma_start3A = arith.constant 0 : i32
      %dma_start3A_87 = arith.constant 0 : i32
      %dma_start3A_88 = tpu.memref_slice %arg3[%arg0, %dma_start3A, %dma_start3A_87] : memref<2x10240x128xf32, #tpu.memory_space<hbm>> -> memref<1x10240x128xf32, #tpu.memory_space<hbm>>
      %dma_start3A_89 = tpu.memref_squeeze %dma_start3A_88 : memref<1x10240x128xf32, #tpu.memory_space<hbm>> -> memref<10240x128xf32, #tpu.memory_space<hbm>>
      %dma_start3A_90 = arith.constant 0 : i32
      %dma_start3A_91 = tpu.memref_slice %dma_start3A_89[%mul3A_4, %dma_start3A_90] : memref<10240x128xf32, #tpu.memory_space<hbm>> -> memref<640x128xf32, #tpu.memory_space<hbm>>
      %dma_start3A_92 = arith.constant 0 : i32
      %dma_start3A_93 = tpu.memref_slice %arg6[%mul3A_4, %dma_start3A_92] : memref<10240x128xf32, #tpu.memory_space<vmem_shared>> -> memref<640x128xf32, #tpu.memory_space<vmem_shared>>
      tpu.enqueue_dma source(%dma_start3A_93 : memref<640x128xf32, #tpu.memory_space<vmem_shared>>) target(%dma_start3A_91 : memref<640x128xf32, #tpu.memory_space<hbm>>) target_semaphore(%run_scoped3A_86 : memref<!tpu.dma_semaphore, #tpu.memory_space<semaphore_mem>>)
      %dma_wait3A = arith.constant 0 : i32
      %dma_wait3A_94 = arith.constant 0 : i32
      %dma_wait3A_95 = tpu.memref_slice %arg3[%arg0, %dma_wait3A, %dma_wait3A_94] : memref<2x10240x128xf32, #tpu.memory_space<hbm>> -> memref<1x10240x128xf32, #tpu.memory_space<hbm>>
      %dma_wait3A_96 = tpu.memref_squeeze %dma_wait3A_95 : memref<1x10240x128xf32, #tpu.memory_space<hbm>> -> memref<10240x128xf32, #tpu.memory_space<hbm>>
      %dma_wait3A_97 = arith.constant 0 : i32
      %dma_wait3A_98 = tpu.memref_slice %dma_wait3A_96[%mul3A_4, %dma_wait3A_97] : memref<10240x128xf32, #tpu.memory_space<hbm>> -> memref<640x128xf32, #tpu.memory_space<hbm>>
      %dma_wait3A_99 = arith.constant 0 : i32
      %dma_wait3A_100 = tpu.memref_slice %arg6[%mul3A_4, %dma_wait3A_99] : memref<10240x128xf32, #tpu.memory_space<vmem_shared>> -> memref<640x128xf32, #tpu.memory_space<vmem_shared>>
      tpu.wait_dma2 semaphore(%run_scoped3A_86 : memref<!tpu.dma_semaphore, #tpu.memory_space<semaphore_mem>>) src(%dma_wait3A_100 : memref<640x128xf32, #tpu.memory_space<vmem_shared>>) dst(%dma_wait3A_98 : memref<640x128xf32, #tpu.memory_space<hbm>>)
      tpu.yield
    }) : () -> ()
    return
  }
}

#map = affine_map<(d0, d1) -> (0, 0, 0)>
#map1 = affine_map<(d0, d1) -> (0, 0)>
module attributes {stable_mosaic.version = 14 : i64} {
  func.func @_agg(%arg0: i32, %arg1: i32, %arg2: memref<2x2500x128xi32, #tpu.memory_space<hbm>>, %arg3: memref<10240x128xf32, #tpu.memory_space<hbm>>, %arg4: memref<2x10240x128xf32, #tpu.memory_space<hbm>>, %arg5: memref<40x128xi32, #tpu.memory_space<vmem>>, %arg6: memref<40x128xi32, #tpu.memory_space<vmem>>, %arg7: memref<2x128x128xf32, #tpu.memory_space<vmem>>, %arg8: memref<10240x128xf32, #tpu.memory_space<vmem_shared>>, %arg9: memref<!tpu.dma_semaphore, #tpu.memory_space<semaphore_mem>>) attributes {dimension_semantics = [#tpu.dimension_semantics<core_parallel>, #tpu.dimension_semantics<subcore_parallel>], iteration_bounds = array<i64: 2, 16>, scalar_prefetch = 0 : i64, scratch_operands = 5 : i64, tpu.core_type = #tpu.core_type<sc_vector_subcore>, window_params = [{transform_indices = #map}, {transform_indices = #map1}, {transform_indices = #map}]} {
    %mul3A = arith.constant 2 : i32
    %mul3A_0 = arith.muli %arg1, %mul3A : i32
    %add3A = arith.addi %mul3A_0, %arg0 : i32
    %lt3A = arith.constant 31 : i32
    %lt3A_1 = arith.cmpi slt, %add3A, %lt3A : i32
    %jit3A = arith.constant 80 : i32
    %jit3A_2 = arith.constant 20 : i32
    %select_n3A = arith.select %lt3A_1, %jit3A, %jit3A_2 : i32
    %mul3A_3 = arith.constant 640 : i32
    %mul3A_4 = arith.muli %arg1, %mul3A_3 : i32
    %scan3A = arith.constant 0 : i32
    %scan3A_5 = arith.constant 0 : i32
    %scan3A_6 = arith.constant 128 : i32
    %scan3A_7 = arith.addi %scan3A_5, %scan3A_6 : i32
    %scan3A_8 = arith.constant 1 : i32
    scf.for %scan3A_76 = %scan3A_5 to %scan3A_7 step %scan3A_8  : i32 {
      %mul3A_77 = arith.constant 1 : i32
      %mul3A_78 = arith.muli %scan3A_76, %mul3A_77 : i32
      %add3A_79 = arith.constant 0 : i32
      %add3A_80 = arith.addi %add3A_79, %mul3A_78 : i32
      %broadcast_in_dim3A = arith.constant 0.000000e+00 : f32
      %broadcast_in_dim3A_81 = vector.broadcast %broadcast_in_dim3A : f32 to vector<16xf32>
      %swap3A = arith.constant 0 : i32
      %swap3A_82 = arith.constant 0 : i32
      %swap3A_83 = tpu.memref_slice %arg7[%scan3A, %swap3A, %swap3A_82] : memref<2x128x128xf32, #tpu.memory_space<vmem>> -> memref<1x128x128xf32, #tpu.memory_space<vmem>>
      %swap3A_84 = tpu.memref_squeeze %swap3A_83 : memref<1x128x128xf32, #tpu.memory_space<vmem>> -> memref<128x128xf32, #tpu.memory_space<vmem>>
      %swap3A_85 = arith.constant 0 : i32
      %swap3A_86 = tpu.memref_slice %swap3A_84[%add3A_80, %swap3A_85] : memref<128x128xf32, #tpu.memory_space<vmem>> -> memref<1x128xf32, #tpu.memory_space<vmem>>
      %swap3A_87 = tpu.memref_squeeze %swap3A_86 : memref<1x128xf32, #tpu.memory_space<vmem>> -> memref<128xf32, #tpu.memory_space<vmem>>
      %swap3A_88 = arith.constant 0 : index
      %swap3A_89 = tpu.vector_load %swap3A_87[%swap3A_88] {strides = array<i32>} : memref<128xf32, #tpu.memory_space<vmem>>, vector<16xf32>,
      %swap3A_90 = vector.shape_cast %swap3A_89 : vector<16xf32> to vector<16xf32>
      %swap3A_91 = vector.shape_cast %broadcast_in_dim3A_81 : vector<16xf32> to vector<16xf32>
      tpu.vector_store %swap3A_87[%swap3A_88], %swap3A_91 {strides = array<i32>} : memref<128xf32, #tpu.memory_space<vmem>>, vector<16xf32>,
      %broadcast_in_dim3A_92 = arith.constant 0.000000e+00 : f32
      %broadcast_in_dim3A_93 = vector.broadcast %broadcast_in_dim3A_92 : f32 to vector<16xf32>
      %swap3A_94 = arith.constant 0 : i32
      %swap3A_95 = arith.constant 0 : i32
      %swap3A_96 = tpu.memref_slice %arg7[%scan3A, %swap3A_94, %swap3A_95] : memref<2x128x128xf32, #tpu.memory_space<vmem>> -> memref<1x128x128xf32, #tpu.memory_space<vmem>>
      %swap3A_97 = tpu.memref_squeeze %swap3A_96 : memref<1x128x128xf32, #tpu.memory_space<vmem>> -> memref<128x128xf32, #tpu.memory_space<vmem>>
      %swap3A_98 = arith.constant 0 : i32
      %swap3A_99 = tpu.memref_slice %swap3A_97[%add3A_80, %swap3A_98] : memref<128x128xf32, #tpu.memory_space<vmem>> -> memref<1x128xf32, #tpu.memory_space<vmem>>
      %swap3A_100 = tpu.memref_squeeze %swap3A_99 : memref<1x128xf32, #tpu.memory_space<vmem>> -> memref<128xf32, #tpu.memory_space<vmem>>
      %swap3A_101 = arith.constant 16 : index
      %swap3A_102 = tpu.vector_load %swap3A_100[%swap3A_101] {strides = array<i32>} : memref<128xf32, #tpu.memory_space<vmem>>, vector<16xf32>,
      %swap3A_103 = vector.shape_cast %swap3A_102 : vector<16xf32> to vector<16xf32>
      %swap3A_104 = vector.shape_cast %broadcast_in_dim3A_93 : vector<16xf32> to vector<16xf32>
      tpu.vector_store %swap3A_100[%swap3A_101], %swap3A_104 {strides = array<i32>} : memref<128xf32, #tpu.memory_space<vmem>>, vector<16xf32>,
      %broadcast_in_dim3A_105 = arith.constant 0.000000e+00 : f32
      %broadcast_in_dim3A_106 = vector.broadcast %broadcast_in_dim3A_105 : f32 to vector<16xf32>
      %swap3A_107 = arith.constant 0 : i32
      %swap3A_108 = arith.constant 0 : i32
      %swap3A_109 = tpu.memref_slice %arg7[%scan3A, %swap3A_107, %swap3A_108] : memref<2x128x128xf32, #tpu.memory_space<vmem>> -> memref<1x128x128xf32, #tpu.memory_space<vmem>>
      %swap3A_110 = tpu.memref_squeeze %swap3A_109 : memref<1x128x128xf32, #tpu.memory_space<vmem>> -> memref<128x128xf32, #tpu.memory_space<vmem>>
      %swap3A_111 = arith.constant 0 : i32
      %swap3A_112 = tpu.memref_slice %swap3A_110[%add3A_80, %swap3A_111] : memref<128x128xf32, #tpu.memory_space<vmem>> -> memref<1x128xf32, #tpu.memory_space<vmem>>
      %swap3A_113 = tpu.memref_squeeze %swap3A_112 : memref<1x128xf32, #tpu.memory_space<vmem>> -> memref<128xf32, #tpu.memory_space<vmem>>
      %swap3A_114 = arith.constant 32 : index
      %swap3A_115 = tpu.vector_load %swap3A_113[%swap3A_114] {strides = array<i32>} : memref<128xf32, #tpu.memory_space<vmem>>, vector<16xf32>,
      %swap3A_116 = vector.shape_cast %swap3A_115 : vector<16xf32> to vector<16xf32>
      %swap3A_117 = vector.shape_cast %broadcast_in_dim3A_106 : vector<16xf32> to vector<16xf32>
      tpu.vector_store %swap3A_113[%swap3A_114], %swap3A_117 {strides = array<i32>} : memref<128xf32, #tpu.memory_space<vmem>>, vector<16xf32>,
      %broadcast_in_dim3A_118 = arith.constant 0.000000e+00 : f32
      %broadcast_in_dim3A_119 = vector.broadcast %broadcast_in_dim3A_118 : f32 to vector<16xf32>
      %swap3A_120 = arith.constant 0 : i32
      %swap3A_121 = arith.constant 0 : i32
      %swap3A_122 = tpu.memref_slice %arg7[%scan3A, %swap3A_120, %swap3A_121] : memref<2x128x128xf32, #tpu.memory_space<vmem>> -> memref<1x128x128xf32, #tpu.memory_space<vmem>>
      %swap3A_123 = tpu.memref_squeeze %swap3A_122 : memref<1x128x128xf32, #tpu.memory_space<vmem>> -> memref<128x128xf32, #tpu.memory_space<vmem>>
      %swap3A_124 = arith.constant 0 : i32
      %swap3A_125 = tpu.memref_slice %swap3A_123[%add3A_80, %swap3A_124] : memref<128x128xf32, #tpu.memory_space<vmem>> -> memref<1x128xf32, #tpu.memory_space<vmem>>
      %swap3A_126 = tpu.memref_squeeze %swap3A_125 : memref<1x128xf32, #tpu.memory_space<vmem>> -> memref<128xf32, #tpu.memory_space<vmem>>
      %swap3A_127 = arith.constant 48 : index
      %swap3A_128 = tpu.vector_load %swap3A_126[%swap3A_127] {strides = array<i32>} : memref<128xf32, #tpu.memory_space<vmem>>, vector<16xf32>,
      %swap3A_129 = vector.shape_cast %swap3A_128 : vector<16xf32> to vector<16xf32>
      %swap3A_130 = vector.shape_cast %broadcast_in_dim3A_119 : vector<16xf32> to vector<16xf32>
      tpu.vector_store %swap3A_126[%swap3A_127], %swap3A_130 {strides = array<i32>} : memref<128xf32, #tpu.memory_space<vmem>>, vector<16xf32>,
      %broadcast_in_dim3A_131 = arith.constant 0.000000e+00 : f32
      %broadcast_in_dim3A_132 = vector.broadcast %broadcast_in_dim3A_131 : f32 to vector<16xf32>
      %swap3A_133 = arith.constant 0 : i32
      %swap3A_134 = arith.constant 0 : i32
      %swap3A_135 = tpu.memref_slice %arg7[%scan3A, %swap3A_133, %swap3A_134] : memref<2x128x128xf32, #tpu.memory_space<vmem>> -> memref<1x128x128xf32, #tpu.memory_space<vmem>>
      %swap3A_136 = tpu.memref_squeeze %swap3A_135 : memref<1x128x128xf32, #tpu.memory_space<vmem>> -> memref<128x128xf32, #tpu.memory_space<vmem>>
      %swap3A_137 = arith.constant 0 : i32
      %swap3A_138 = tpu.memref_slice %swap3A_136[%add3A_80, %swap3A_137] : memref<128x128xf32, #tpu.memory_space<vmem>> -> memref<1x128xf32, #tpu.memory_space<vmem>>
      %swap3A_139 = tpu.memref_squeeze %swap3A_138 : memref<1x128xf32, #tpu.memory_space<vmem>> -> memref<128xf32, #tpu.memory_space<vmem>>
      %swap3A_140 = arith.constant 64 : index
      %swap3A_141 = tpu.vector_load %swap3A_139[%swap3A_140] {strides = array<i32>} : memref<128xf32, #tpu.memory_space<vmem>>, vector<16xf32>,
      %swap3A_142 = vector.shape_cast %swap3A_141 : vector<16xf32> to vector<16xf32>
      %swap3A_143 = vector.shape_cast %broadcast_in_dim3A_132 : vector<16xf32> to vector<16xf32>
      tpu.vector_store %swap3A_139[%swap3A_140], %swap3A_143 {strides = array<i32>} : memref<128xf32, #tpu.memory_space<vmem>>, vector<16xf32>,
      %broadcast_in_dim3A_144 = arith.constant 0.000000e+00 : f32
      %broadcast_in_dim3A_145 = vector.broadcast %broadcast_in_dim3A_144 : f32 to vector<16xf32>
      %swap3A_146 = arith.constant 0 : i32
      %swap3A_147 = arith.constant 0 : i32
      %swap3A_148 = tpu.memref_slice %arg7[%scan3A, %swap3A_146, %swap3A_147] : memref<2x128x128xf32, #tpu.memory_space<vmem>> -> memref<1x128x128xf32, #tpu.memory_space<vmem>>
      %swap3A_149 = tpu.memref_squeeze %swap3A_148 : memref<1x128x128xf32, #tpu.memory_space<vmem>> -> memref<128x128xf32, #tpu.memory_space<vmem>>
      %swap3A_150 = arith.constant 0 : i32
      %swap3A_151 = tpu.memref_slice %swap3A_149[%add3A_80, %swap3A_150] : memref<128x128xf32, #tpu.memory_space<vmem>> -> memref<1x128xf32, #tpu.memory_space<vmem>>
      %swap3A_152 = tpu.memref_squeeze %swap3A_151 : memref<1x128xf32, #tpu.memory_space<vmem>> -> memref<128xf32, #tpu.memory_space<vmem>>
      %swap3A_153 = arith.constant 80 : index
      %swap3A_154 = tpu.vector_load %swap3A_152[%swap3A_153] {strides = array<i32>} : memref<128xf32, #tpu.memory_space<vmem>>, vector<16xf32>,
      %swap3A_155 = vector.shape_cast %swap3A_154 : vector<16xf32> to vector<16xf32>
      %swap3A_156 = vector.shape_cast %broadcast_in_dim3A_145 : vector<16xf32> to vector<16xf32>
      tpu.vector_store %swap3A_152[%swap3A_153], %swap3A_156 {strides = array<i32>} : memref<128xf32, #tpu.memory_space<vmem>>, vector<16xf32>,
      %broadcast_in_dim3A_157 = arith.constant 0.000000e+00 : f32
      %broadcast_in_dim3A_158 = vector.broadcast %broadcast_in_dim3A_157 : f32 to vector<16xf32>
      %swap3A_159 = arith.constant 0 : i32
      %swap3A_160 = arith.constant 0 : i32
      %swap3A_161 = tpu.memref_slice %arg7[%scan3A, %swap3A_159, %swap3A_160] : memref<2x128x128xf32, #tpu.memory_space<vmem>> -> memref<1x128x128xf32, #tpu.memory_space<vmem>>
      %swap3A_162 = tpu.memref_squeeze %swap3A_161 : memref<1x128x128xf32, #tpu.memory_space<vmem>> -> memref<128x128xf32, #tpu.memory_space<vmem>>
      %swap3A_163 = arith.constant 0 : i32
      %swap3A_164 = tpu.memref_slice %swap3A_162[%add3A_80, %swap3A_163] : memref<128x128xf32, #tpu.memory_space<vmem>> -> memref<1x128xf32, #tpu.memory_space<vmem>>
      %swap3A_165 = tpu.memref_squeeze %swap3A_164 : memref<1x128xf32, #tpu.memory_space<vmem>> -> memref<128xf32, #tpu.memory_space<vmem>>
      %swap3A_166 = arith.constant 96 : index
      %swap3A_167 = tpu.vector_load %swap3A_165[%swap3A_166] {strides = array<i32>} : memref<128xf32, #tpu.memory_space<vmem>>, vector<16xf32>,
      %swap3A_168 = vector.shape_cast %swap3A_167 : vector<16xf32> to vector<16xf32>
      %swap3A_169 = vector.shape_cast %broadcast_in_dim3A_158 : vector<16xf32> to vector<16xf32>
      tpu.vector_store %swap3A_165[%swap3A_166], %swap3A_169 {strides = array<i32>} : memref<128xf32, #tpu.memory_space<vmem>>, vector<16xf32>,
      %broadcast_in_dim3A_170 = arith.constant 0.000000e+00 : f32
      %broadcast_in_dim3A_171 = vector.broadcast %broadcast_in_dim3A_170 : f32 to vector<16xf32>
      %swap3A_172 = arith.constant 0 : i32
      %swap3A_173 = arith.constant 0 : i32
      %swap3A_174 = tpu.memref_slice %arg7[%scan3A, %swap3A_172, %swap3A_173] : memref<2x128x128xf32, #tpu.memory_space<vmem>> -> memref<1x128x128xf32, #tpu.memory_space<vmem>>
      %swap3A_175 = tpu.memref_squeeze %swap3A_174 : memref<1x128x128xf32, #tpu.memory_space<vmem>> -> memref<128x128xf32, #tpu.memory_space<vmem>>
      %swap3A_176 = arith.constant 0 : i32
      %swap3A_177 = tpu.memref_slice %swap3A_175[%add3A_80, %swap3A_176] : memref<128x128xf32, #tpu.memory_space<vmem>> -> memref<1x128xf32, #tpu.memory_space<vmem>>
      %swap3A_178 = tpu.memref_squeeze %swap3A_177 : memref<1x128xf32, #tpu.memory_space<vmem>> -> memref<128xf32, #tpu.memory_space<vmem>>
      %swap3A_179 = arith.constant 112 : index
      %swap3A_180 = tpu.vector_load %swap3A_178[%swap3A_179] {strides = array<i32>} : memref<128xf32, #tpu.memory_space<vmem>>, vector<16xf32>,
      %swap3A_181 = vector.shape_cast %swap3A_180 : vector<16xf32> to vector<16xf32>
      %swap3A_182 = vector.shape_cast %broadcast_in_dim3A_171 : vector<16xf32> to vector<16xf32>
      tpu.vector_store %swap3A_178[%swap3A_179], %swap3A_182 {strides = array<i32>} : memref<128xf32, #tpu.memory_space<vmem>>, vector<16xf32>,
    }
    %scan3A_9 = arith.constant 128 : i32
    %add3A_10 = arith.constant 0 : i32
    %add3A_11 = arith.addi %mul3A_4, %add3A_10 : i32
    %run_scoped3A = arith.constant 0 : i32
    "tpu.region"() ({
      %run_scoped3A_76 = tpu.sem_alloc : memref<!tpu.dma_semaphore, #tpu.memory_space<semaphore_mem>>
      %dma_start3A = arith.constant 0 : i32
      %dma_start3A_77 = arith.constant 0 : i32
      %dma_start3A_78 = tpu.memref_slice %arg7[%run_scoped3A, %dma_start3A, %dma_start3A_77] : memref<2x128x128xf32, #tpu.memory_space<vmem>> -> memref<1x128x128xf32, #tpu.memory_space<vmem>>
      %dma_start3A_79 = tpu.memref_squeeze %dma_start3A_78 : memref<1x128x128xf32, #tpu.memory_space<vmem>> -> memref<128x128xf32, #tpu.memory_space<vmem>>
      %dma_start3A_80 = arith.constant 0 : i32
      %dma_start3A_81 = tpu.memref_slice %arg8[%add3A_11, %dma_start3A_80] : memref<10240x128xf32, #tpu.memory_space<vmem_shared>> -> memref<128x128xf32, #tpu.memory_space<vmem_shared>>
      %dma_start3A_82 = arith.constant 0 : i32
      %dma_start3A_83 = tpu.memref_slice %arg8[%add3A_11, %dma_start3A_82] : memref<10240x128xf32, #tpu.memory_space<vmem_shared>> -> memref<128x128xf32, #tpu.memory_space<vmem_shared>>
      %dma_start3A_84 = arith.constant 0 : i32
      %dma_start3A_85 = arith.constant 0 : i32
      %dma_start3A_86 = tpu.memref_slice %arg7[%run_scoped3A, %dma_start3A_84, %dma_start3A_85] : memref<2x128x128xf32, #tpu.memory_space<vmem>> -> memref<1x128x128xf32, #tpu.memory_space<vmem>>
      %dma_start3A_87 = tpu.memref_squeeze %dma_start3A_86 : memref<1x128x128xf32, #tpu.memory_space<vmem>> -> memref<128x128xf32, #tpu.memory_space<vmem>>
      tpu.enqueue_dma source(%dma_start3A_87 : memref<128x128xf32, #tpu.memory_space<vmem>>) target(%dma_start3A_83 : memref<128x128xf32, #tpu.memory_space<vmem_shared>>) target_semaphore(%run_scoped3A_76 : memref<!tpu.dma_semaphore, #tpu.memory_space<semaphore_mem>>)
      %dma_wait3A = arith.constant 0 : i32
      %dma_wait3A_88 = arith.constant 0 : i32
      %dma_wait3A_89 = tpu.memref_slice %arg7[%run_scoped3A, %dma_wait3A, %dma_wait3A_88] : memref<2x128x128xf32, #tpu.memory_space<vmem>> -> memref<1x128x128xf32, #tpu.memory_space<vmem>>
      %dma_wait3A_90 = tpu.memref_squeeze %dma_wait3A_89 : memref<1x128x128xf32, #tpu.memory_space<vmem>> -> memref<128x128xf32, #tpu.memory_space<vmem>>
      %dma_wait3A_91 = arith.constant 0 : i32
      %dma_wait3A_92 = tpu.memref_slice %arg8[%add3A_11, %dma_wait3A_91] : memref<10240x128xf32, #tpu.memory_space<vmem_shared>> -> memref<128x128xf32, #tpu.memory_space<vmem_shared>>
      %dma_wait3A_93 = arith.constant 0 : i32
      %dma_wait3A_94 = tpu.memref_slice %arg8[%add3A_11, %dma_wait3A_93] : memref<10240x128xf32, #tpu.memory_space<vmem_shared>> -> memref<128x128xf32, #tpu.memory_space<vmem_shared>>
      %dma_wait3A_95 = arith.constant 0 : i32
      %dma_wait3A_96 = arith.constant 0 : i32
      %dma_wait3A_97 = tpu.memref_slice %arg7[%run_scoped3A, %dma_wait3A_95, %dma_wait3A_96] : memref<2x128x128xf32, #tpu.memory_space<vmem>> -> memref<1x128x128xf32, #tpu.memory_space<vmem>>
      %dma_wait3A_98 = tpu.memref_squeeze %dma_wait3A_97 : memref<1x128x128xf32, #tpu.memory_space<vmem>> -> memref<128x128xf32, #tpu.memory_space<vmem>>
      tpu.wait_dma2 semaphore(%run_scoped3A_76 : memref<!tpu.dma_semaphore, #tpu.memory_space<semaphore_mem>>) src(%dma_wait3A_98 : memref<128x128xf32, #tpu.memory_space<vmem>>) dst(%dma_wait3A_94 : memref<128x128xf32, #tpu.memory_space<vmem_shared>>)
      tpu.yield
    }) : () -> ()
    %add3A_12 = arith.constant 128 : i32
    %add3A_13 = arith.addi %mul3A_4, %add3A_12 : i32
    %run_scoped3A_14 = arith.constant 0 : i32
    "tpu.region"() ({
      %run_scoped3A_76 = tpu.sem_alloc : memref<!tpu.dma_semaphore, #tpu.memory_space<semaphore_mem>>
      %dma_start3A = arith.constant 0 : i32
      %dma_start3A_77 = arith.constant 0 : i32
      %dma_start3A_78 = tpu.memref_slice %arg7[%run_scoped3A_14, %dma_start3A, %dma_start3A_77] : memref<2x128x128xf32, #tpu.memory_space<vmem>> -> memref<1x128x128xf32, #tpu.memory_space<vmem>>
      %dma_start3A_79 = tpu.memref_squeeze %dma_start3A_78 : memref<1x128x128xf32, #tpu.memory_space<vmem>> -> memref<128x128xf32, #tpu.memory_space<vmem>>
      %dma_start3A_80 = arith.constant 0 : i32
      %dma_start3A_81 = tpu.memref_slice %arg8[%add3A_13, %dma_start3A_80] : memref<10240x128xf32, #tpu.memory_space<vmem_shared>> -> memref<128x128xf32, #tpu.memory_space<vmem_shared>>
      %dma_start3A_82 = arith.constant 0 : i32
      %dma_start3A_83 = tpu.memref_slice %arg8[%add3A_13, %dma_start3A_82] : memref<10240x128xf32, #tpu.memory_space<vmem_shared>> -> memref<128x128xf32, #tpu.memory_space<vmem_shared>>
      %dma_start3A_84 = arith.constant 0 : i32
      %dma_start3A_85 = arith.constant 0 : i32
      %dma_start3A_86 = tpu.memref_slice %arg7[%run_scoped3A_14, %dma_start3A_84, %dma_start3A_85] : memref<2x128x128xf32, #tpu.memory_space<vmem>> -> memref<1x128x128xf32, #tpu.memory_space<vmem>>
      %dma_start3A_87 = tpu.memref_squeeze %dma_start3A_86 : memref<1x128x128xf32, #tpu.memory_space<vmem>> -> memref<128x128xf32, #tpu.memory_space<vmem>>
      tpu.enqueue_dma source(%dma_start3A_87 : memref<128x128xf32, #tpu.memory_space<vmem>>) target(%dma_start3A_83 : memref<128x128xf32, #tpu.memory_space<vmem_shared>>) target_semaphore(%run_scoped3A_76 : memref<!tpu.dma_semaphore, #tpu.memory_space<semaphore_mem>>)
      %dma_wait3A = arith.constant 0 : i32
      %dma_wait3A_88 = arith.constant 0 : i32
      %dma_wait3A_89 = tpu.memref_slice %arg7[%run_scoped3A_14, %dma_wait3A, %dma_wait3A_88] : memref<2x128x128xf32, #tpu.memory_space<vmem>> -> memref<1x128x128xf32, #tpu.memory_space<vmem>>
      %dma_wait3A_90 = tpu.memref_squeeze %dma_wait3A_89 : memref<1x128x128xf32, #tpu.memory_space<vmem>> -> memref<128x128xf32, #tpu.memory_space<vmem>>
      %dma_wait3A_91 = arith.constant 0 : i32
      %dma_wait3A_92 = tpu.memref_slice %arg8[%add3A_13, %dma_wait3A_91] : memref<10240x128xf32, #tpu.memory_space<vmem_shared>> -> memref<128x128xf32, #tpu.memory_space<vmem_shared>>
      %dma_wait3A_93 = arith.constant 0 : i32
      %dma_wait3A_94 = tpu.memref_slice %arg8[%add3A_13, %dma_wait3A_93] : memref<10240x128xf32, #tpu.memory_space<vmem_shared>> -> memref<128x128xf32, #tpu.memory_space<vmem_shared>>
      %dma_wait3A_95 = arith.constant 0 : i32
      %dma_wait3A_96 = arith.constant 0 : i32
      %dma_wait3A_97 = tpu.memref_slice %arg7[%run_scoped3A_14, %dma_wait3A_95, %dma_wait3A_96] : memref<2x128x128xf32, #tpu.memory_space<vmem>> -> memref<1x128x128xf32, #tpu.memory_space<vmem>>
      %dma_wait3A_98 = tpu.memref_squeeze %dma_wait3A_97 : memref<1x128x128xf32, #tpu.memory_space<vmem>> -> memref<128x128xf32, #tpu.memory_space<vmem>>
      tpu.wait_dma2 semaphore(%run_scoped3A_76 : memref<!tpu.dma_semaphore, #tpu.memory_space<semaphore_mem>>) src(%dma_wait3A_98 : memref<128x128xf32, #tpu.memory_space<vmem>>) dst(%dma_wait3A_94 : memref<128x128xf32, #tpu.memory_space<vmem_shared>>)
      tpu.yield
    }) : () -> ()
    %add3A_15 = arith.constant 256 : i32
    %add3A_16 = arith.addi %mul3A_4, %add3A_15 : i32
    %run_scoped3A_17 = arith.constant 0 : i32
    "tpu.region"() ({
      %run_scoped3A_76 = tpu.sem_alloc : memref<!tpu.dma_semaphore, #tpu.memory_space<semaphore_mem>>
      %dma_start3A = arith.constant 0 : i32
      %dma_start3A_77 = arith.constant 0 : i32
      %dma_start3A_78 = tpu.memref_slice %arg7[%run_scoped3A_17, %dma_start3A, %dma_start3A_77] : memref<2x128x128xf32, #tpu.memory_space<vmem>> -> memref<1x128x128xf32, #tpu.memory_space<vmem>>
      %dma_start3A_79 = tpu.memref_squeeze %dma_start3A_78 : memref<1x128x128xf32, #tpu.memory_space<vmem>> -> memref<128x128xf32, #tpu.memory_space<vmem>>
      %dma_start3A_80 = arith.constant 0 : i32
      %dma_start3A_81 = tpu.memref_slice %arg8[%add3A_16, %dma_start3A_80] : memref<10240x128xf32, #tpu.memory_space<vmem_shared>> -> memref<128x128xf32, #tpu.memory_space<vmem_shared>>
      %dma_start3A_82 = arith.constant 0 : i32
      %dma_start3A_83 = tpu.memref_slice %arg8[%add3A_16, %dma_start3A_82] : memref<10240x128xf32, #tpu.memory_space<vmem_shared>> -> memref<128x128xf32, #tpu.memory_space<vmem_shared>>
      %dma_start3A_84 = arith.constant 0 : i32
      %dma_start3A_85 = arith.constant 0 : i32
      %dma_start3A_86 = tpu.memref_slice %arg7[%run_scoped3A_17, %dma_start3A_84, %dma_start3A_85] : memref<2x128x128xf32, #tpu.memory_space<vmem>> -> memref<1x128x128xf32, #tpu.memory_space<vmem>>
      %dma_start3A_87 = tpu.memref_squeeze %dma_start3A_86 : memref<1x128x128xf32, #tpu.memory_space<vmem>> -> memref<128x128xf32, #tpu.memory_space<vmem>>
      tpu.enqueue_dma source(%dma_start3A_87 : memref<128x128xf32, #tpu.memory_space<vmem>>) target(%dma_start3A_83 : memref<128x128xf32, #tpu.memory_space<vmem_shared>>) target_semaphore(%run_scoped3A_76 : memref<!tpu.dma_semaphore, #tpu.memory_space<semaphore_mem>>)
      %dma_wait3A = arith.constant 0 : i32
      %dma_wait3A_88 = arith.constant 0 : i32
      %dma_wait3A_89 = tpu.memref_slice %arg7[%run_scoped3A_17, %dma_wait3A, %dma_wait3A_88] : memref<2x128x128xf32, #tpu.memory_space<vmem>> -> memref<1x128x128xf32, #tpu.memory_space<vmem>>
      %dma_wait3A_90 = tpu.memref_squeeze %dma_wait3A_89 : memref<1x128x128xf32, #tpu.memory_space<vmem>> -> memref<128x128xf32, #tpu.memory_space<vmem>>
      %dma_wait3A_91 = arith.constant 0 : i32
      %dma_wait3A_92 = tpu.memref_slice %arg8[%add3A_16, %dma_wait3A_91] : memref<10240x128xf32, #tpu.memory_space<vmem_shared>> -> memref<128x128xf32, #tpu.memory_space<vmem_shared>>
      %dma_wait3A_93 = arith.constant 0 : i32
      %dma_wait3A_94 = tpu.memref_slice %arg8[%add3A_16, %dma_wait3A_93] : memref<10240x128xf32, #tpu.memory_space<vmem_shared>> -> memref<128x128xf32, #tpu.memory_space<vmem_shared>>
      %dma_wait3A_95 = arith.constant 0 : i32
      %dma_wait3A_96 = arith.constant 0 : i32
      %dma_wait3A_97 = tpu.memref_slice %arg7[%run_scoped3A_17, %dma_wait3A_95, %dma_wait3A_96] : memref<2x128x128xf32, #tpu.memory_space<vmem>> -> memref<1x128x128xf32, #tpu.memory_space<vmem>>
      %dma_wait3A_98 = tpu.memref_squeeze %dma_wait3A_97 : memref<1x128x128xf32, #tpu.memory_space<vmem>> -> memref<128x128xf32, #tpu.memory_space<vmem>>
      tpu.wait_dma2 semaphore(%run_scoped3A_76 : memref<!tpu.dma_semaphore, #tpu.memory_space<semaphore_mem>>) src(%dma_wait3A_98 : memref<128x128xf32, #tpu.memory_space<vmem>>) dst(%dma_wait3A_94 : memref<128x128xf32, #tpu.memory_space<vmem_shared>>)
      tpu.yield
    }) : () -> ()
    %add3A_18 = arith.constant 384 : i32
    %add3A_19 = arith.addi %mul3A_4, %add3A_18 : i32
    %run_scoped3A_20 = arith.constant 0 : i32
    "tpu.region"() ({
      %run_scoped3A_76 = tpu.sem_alloc : memref<!tpu.dma_semaphore, #tpu.memory_space<semaphore_mem>>
      %dma_start3A = arith.constant 0 : i32
      %dma_start3A_77 = arith.constant 0 : i32
      %dma_start3A_78 = tpu.memref_slice %arg7[%run_scoped3A_20, %dma_start3A, %dma_start3A_77] : memref<2x128x128xf32, #tpu.memory_space<vmem>> -> memref<1x128x128xf32, #tpu.memory_space<vmem>>
      %dma_start3A_79 = tpu.memref_squeeze %dma_start3A_78 : memref<1x128x128xf32, #tpu.memory_space<vmem>> -> memref<128x128xf32, #tpu.memory_space<vmem>>
      %dma_start3A_80 = arith.constant 0 : i32
      %dma_start3A_81 = tpu.memref_slice %arg8[%add3A_19, %dma_start3A_80] : memref<10240x128xf32, #tpu.memory_space<vmem_shared>> -> memref<128x128xf32, #tpu.memory_space<vmem_shared>>
      %dma_start3A_82 = arith.constant 0 : i32
      %dma_start3A_83 = tpu.memref_slice %arg8[%add3A_19, %dma_start3A_82] : memref<10240x128xf32, #tpu.memory_space<vmem_shared>> -> memref<128x128xf32, #tpu.memory_space<vmem_shared>>
      %dma_start3A_84 = arith.constant 0 : i32
      %dma_start3A_85 = arith.constant 0 : i32
      %dma_start3A_86 = tpu.memref_slice %arg7[%run_scoped3A_20, %dma_start3A_84, %dma_start3A_85] : memref<2x128x128xf32, #tpu.memory_space<vmem>> -> memref<1x128x128xf32, #tpu.memory_space<vmem>>
      %dma_start3A_87 = tpu.memref_squeeze %dma_start3A_86 : memref<1x128x128xf32, #tpu.memory_space<vmem>> -> memref<128x128xf32, #tpu.memory_space<vmem>>
      tpu.enqueue_dma source(%dma_start3A_87 : memref<128x128xf32, #tpu.memory_space<vmem>>) target(%dma_start3A_83 : memref<128x128xf32, #tpu.memory_space<vmem_shared>>) target_semaphore(%run_scoped3A_76 : memref<!tpu.dma_semaphore, #tpu.memory_space<semaphore_mem>>)
      %dma_wait3A = arith.constant 0 : i32
      %dma_wait3A_88 = arith.constant 0 : i32
      %dma_wait3A_89 = tpu.memref_slice %arg7[%run_scoped3A_20, %dma_wait3A, %dma_wait3A_88] : memref<2x128x128xf32, #tpu.memory_space<vmem>> -> memref<1x128x128xf32, #tpu.memory_space<vmem>>
      %dma_wait3A_90 = tpu.memref_squeeze %dma_wait3A_89 : memref<1x128x128xf32, #tpu.memory_space<vmem>> -> memref<128x128xf32, #tpu.memory_space<vmem>>
      %dma_wait3A_91 = arith.constant 0 : i32
      %dma_wait3A_92 = tpu.memref_slice %arg8[%add3A_19, %dma_wait3A_91] : memref<10240x128xf32, #tpu.memory_space<vmem_shared>> -> memref<128x128xf32, #tpu.memory_space<vmem_shared>>
      %dma_wait3A_93 = arith.constant 0 : i32
      %dma_wait3A_94 = tpu.memref_slice %arg8[%add3A_19, %dma_wait3A_93] : memref<10240x128xf32, #tpu.memory_space<vmem_shared>> -> memref<128x128xf32, #tpu.memory_space<vmem_shared>>
      %dma_wait3A_95 = arith.constant 0 : i32
      %dma_wait3A_96 = arith.constant 0 : i32
      %dma_wait3A_97 = tpu.memref_slice %arg7[%run_scoped3A_20, %dma_wait3A_95, %dma_wait3A_96] : memref<2x128x128xf32, #tpu.memory_space<vmem>> -> memref<1x128x128xf32, #tpu.memory_space<vmem>>
      %dma_wait3A_98 = tpu.memref_squeeze %dma_wait3A_97 : memref<1x128x128xf32, #tpu.memory_space<vmem>> -> memref<128x128xf32, #tpu.memory_space<vmem>>
      tpu.wait_dma2 semaphore(%run_scoped3A_76 : memref<!tpu.dma_semaphore, #tpu.memory_space<semaphore_mem>>) src(%dma_wait3A_98 : memref<128x128xf32, #tpu.memory_space<vmem>>) dst(%dma_wait3A_94 : memref<128x128xf32, #tpu.memory_space<vmem_shared>>)
      tpu.yield
    }) : () -> ()
    %add3A_21 = arith.constant 512 : i32
    %add3A_22 = arith.addi %mul3A_4, %add3A_21 : i32
    %run_scoped3A_23 = arith.constant 0 : i32
    "tpu.region"() ({
      %run_scoped3A_76 = tpu.sem_alloc : memref<!tpu.dma_semaphore, #tpu.memory_space<semaphore_mem>>
      %dma_start3A = arith.constant 0 : i32
      %dma_start3A_77 = arith.constant 0 : i32
      %dma_start3A_78 = tpu.memref_slice %arg7[%run_scoped3A_23, %dma_start3A, %dma_start3A_77] : memref<2x128x128xf32, #tpu.memory_space<vmem>> -> memref<1x128x128xf32, #tpu.memory_space<vmem>>
      %dma_start3A_79 = tpu.memref_squeeze %dma_start3A_78 : memref<1x128x128xf32, #tpu.memory_space<vmem>> -> memref<128x128xf32, #tpu.memory_space<vmem>>
      %dma_start3A_80 = arith.constant 0 : i32
      %dma_start3A_81 = tpu.memref_slice %arg8[%add3A_22, %dma_start3A_80] : memref<10240x128xf32, #tpu.memory_space<vmem_shared>> -> memref<128x128xf32, #tpu.memory_space<vmem_shared>>
      %dma_start3A_82 = arith.constant 0 : i32
      %dma_start3A_83 = tpu.memref_slice %arg8[%add3A_22, %dma_start3A_82] : memref<10240x128xf32, #tpu.memory_space<vmem_shared>> -> memref<128x128xf32, #tpu.memory_space<vmem_shared>>
      %dma_start3A_84 = arith.constant 0 : i32
      %dma_start3A_85 = arith.constant 0 : i32
      %dma_start3A_86 = tpu.memref_slice %arg7[%run_scoped3A_23, %dma_start3A_84, %dma_start3A_85] : memref<2x128x128xf32, #tpu.memory_space<vmem>> -> memref<1x128x128xf32, #tpu.memory_space<vmem>>
      %dma_start3A_87 = tpu.memref_squeeze %dma_start3A_86 : memref<1x128x128xf32, #tpu.memory_space<vmem>> -> memref<128x128xf32, #tpu.memory_space<vmem>>
      tpu.enqueue_dma source(%dma_start3A_87 : memref<128x128xf32, #tpu.memory_space<vmem>>) target(%dma_start3A_83 : memref<128x128xf32, #tpu.memory_space<vmem_shared>>) target_semaphore(%run_scoped3A_76 : memref<!tpu.dma_semaphore, #tpu.memory_space<semaphore_mem>>)
      %dma_wait3A = arith.constant 0 : i32
      %dma_wait3A_88 = arith.constant 0 : i32
      %dma_wait3A_89 = tpu.memref_slice %arg7[%run_scoped3A_23, %dma_wait3A, %dma_wait3A_88] : memref<2x128x128xf32, #tpu.memory_space<vmem>> -> memref<1x128x128xf32, #tpu.memory_space<vmem>>
      %dma_wait3A_90 = tpu.memref_squeeze %dma_wait3A_89 : memref<1x128x128xf32, #tpu.memory_space<vmem>> -> memref<128x128xf32, #tpu.memory_space<vmem>>
      %dma_wait3A_91 = arith.constant 0 : i32
      %dma_wait3A_92 = tpu.memref_slice %arg8[%add3A_22, %dma_wait3A_91] : memref<10240x128xf32, #tpu.memory_space<vmem_shared>> -> memref<128x128xf32, #tpu.memory_space<vmem_shared>>
      %dma_wait3A_93 = arith.constant 0 : i32
      %dma_wait3A_94 = tpu.memref_slice %arg8[%add3A_22, %dma_wait3A_93] : memref<10240x128xf32, #tpu.memory_space<vmem_shared>> -> memref<128x128xf32, #tpu.memory_space<vmem_shared>>
      %dma_wait3A_95 = arith.constant 0 : i32
      %dma_wait3A_96 = arith.constant 0 : i32
      %dma_wait3A_97 = tpu.memref_slice %arg7[%run_scoped3A_23, %dma_wait3A_95, %dma_wait3A_96] : memref<2x128x128xf32, #tpu.memory_space<vmem>> -> memref<1x128x128xf32, #tpu.memory_space<vmem>>
      %dma_wait3A_98 = tpu.memref_squeeze %dma_wait3A_97 : memref<1x128x128xf32, #tpu.memory_space<vmem>> -> memref<128x128xf32, #tpu.memory_space<vmem>>
      tpu.wait_dma2 semaphore(%run_scoped3A_76 : memref<!tpu.dma_semaphore, #tpu.memory_space<semaphore_mem>>) src(%dma_wait3A_98 : memref<128x128xf32, #tpu.memory_space<vmem>>) dst(%dma_wait3A_94 : memref<128x128xf32, #tpu.memory_space<vmem_shared>>)
      tpu.yield
    }) : () -> ()
    %barrier3A = arith.constant 0 : index
    tpu.barrier barrier_id(%barrier3A)
    %lt3A_24 = arith.constant 31 : i32
    %lt3A_25 = arith.cmpi slt, %add3A, %lt3A_24 : i32
    %convert_element_type3A = arith.extui %lt3A_25 : i1 to i32
    %cond3A = arith.constant 0 : i32
    %cond3A_26 = arith.constant 0 : i32
    %cond3A_27 = arith.cmpi ne, %convert_element_type3A, %cond3A_26 : i32
    scf.if %cond3A_27 {
      %mul3A_76 = arith.constant 80 : i32
      %mul3A_77 = arith.muli %add3A, %mul3A_76 : i32
      %add3A_78 = arith.constant 0 : i32
      %add3A_79 = arith.addi %mul3A_77, %add3A_78 : i32
      "tpu.region"() ({
        %run_scoped3A_80 = tpu.sem_alloc : memref<!tpu.dma_semaphore, #tpu.memory_space<semaphore_mem>>
        %dma_start3A = arith.constant 0 : i32
        %dma_start3A_81 = arith.constant 0 : i32
        %dma_start3A_82 = tpu.memref_slice %arg2[%cond3A, %dma_start3A, %dma_start3A_81] : memref<2x2500x128xi32, #tpu.memory_space<hbm>> -> memref<1x2500x128xi32, #tpu.memory_space<hbm>>
        %dma_start3A_83 = tpu.memref_squeeze %dma_start3A_82 : memref<1x2500x128xi32, #tpu.memory_space<hbm>> -> memref<2500x128xi32, #tpu.memory_space<hbm>>
        %dma_start3A_84 = arith.constant 0 : i32
        %dma_start3A_85 = tpu.memref_slice %dma_start3A_83[%add3A_79, %dma_start3A_84] : memref<2500x128xi32, #tpu.memory_space<hbm>> -> memref<40x128xi32, #tpu.memory_space<hbm>>
        %dma_start3A_86 = arith.constant 0 : i32
        %dma_start3A_87 = arith.constant 0 : i32
        %dma_start3A_88 = tpu.memref_slice %arg2[%cond3A, %dma_start3A_86, %dma_start3A_87] : memref<2x2500x128xi32, #tpu.memory_space<hbm>> -> memref<1x2500x128xi32, #tpu.memory_space<hbm>>
        %dma_start3A_89 = tpu.memref_squeeze %dma_start3A_88 : memref<1x2500x128xi32, #tpu.memory_space<hbm>> -> memref<2500x128xi32, #tpu.memory_space<hbm>>
        %dma_start3A_90 = arith.constant 0 : i32
        %dma_start3A_91 = tpu.memref_slice %dma_start3A_89[%add3A_79, %dma_start3A_90] : memref<2500x128xi32, #tpu.memory_space<hbm>> -> memref<40x128xi32, #tpu.memory_space<hbm>>
        tpu.enqueue_dma source(%dma_start3A_91 : memref<40x128xi32, #tpu.memory_space<hbm>>) target(%arg5 : memref<40x128xi32, #tpu.memory_space<vmem>>) target_semaphore(%run_scoped3A_80 : memref<!tpu.dma_semaphore, #tpu.memory_space<semaphore_mem>>)
        %dma_wait3A = arith.constant 0 : i32
        %dma_wait3A_92 = arith.constant 0 : i32
        %dma_wait3A_93 = tpu.memref_slice %arg2[%cond3A, %dma_wait3A, %dma_wait3A_92] : memref<2x2500x128xi32, #tpu.memory_space<hbm>> -> memref<1x2500x128xi32, #tpu.memory_space<hbm>>
        %dma_wait3A_94 = tpu.memref_squeeze %dma_wait3A_93 : memref<1x2500x128xi32, #tpu.memory_space<hbm>> -> memref<2500x128xi32, #tpu.memory_space<hbm>>
        %dma_wait3A_95 = arith.constant 0 : i32
        %dma_wait3A_96 = tpu.memref_slice %dma_wait3A_94[%add3A_79, %dma_wait3A_95] : memref<2500x128xi32, #tpu.memory_space<hbm>> -> memref<40x128xi32, #tpu.memory_space<hbm>>
        %dma_wait3A_97 = arith.constant 0 : i32
        %dma_wait3A_98 = arith.constant 0 : i32
        %dma_wait3A_99 = tpu.memref_slice %arg2[%cond3A, %dma_wait3A_97, %dma_wait3A_98] : memref<2x2500x128xi32, #tpu.memory_space<hbm>> -> memref<1x2500x128xi32, #tpu.memory_space<hbm>>
        %dma_wait3A_100 = tpu.memref_squeeze %dma_wait3A_99 : memref<1x2500x128xi32, #tpu.memory_space<hbm>> -> memref<2500x128xi32, #tpu.memory_space<hbm>>
        %dma_wait3A_101 = arith.constant 0 : i32
        %dma_wait3A_102 = tpu.memref_slice %dma_wait3A_100[%add3A_79, %dma_wait3A_101] : memref<2500x128xi32, #tpu.memory_space<hbm>> -> memref<40x128xi32, #tpu.memory_space<hbm>>
        tpu.wait_dma2 semaphore(%run_scoped3A_80 : memref<!tpu.dma_semaphore, #tpu.memory_space<semaphore_mem>>) src(%dma_wait3A_102 : memref<40x128xi32, #tpu.memory_space<hbm>>) dst(%arg5 : memref<40x128xi32, #tpu.memory_space<vmem>>)
        tpu.yield
      }) : () -> ()
    } else {
    }
    %eq3A = arith.constant 31 : i32
    %eq3A_28 = arith.cmpi eq, %add3A, %eq3A : i32
    %convert_element_type3A_29 = arith.extui %eq3A_28 : i1 to i32
    %cond3A_30 = arith.constant 0 : i32
    %cond3A_31 = arith.constant 0 : i32
    %cond3A_32 = arith.cmpi ne, %convert_element_type3A_29, %cond3A_31 : i32
    scf.if %cond3A_32 {
      "tpu.region"() ({
        %run_scoped3A_76 = tpu.sem_alloc : memref<!tpu.dma_semaphore, #tpu.memory_space<semaphore_mem>>
        %dma_start3A = arith.constant 0 : i32
        %dma_start3A_77 = arith.constant 0 : i32
        %dma_start3A_78 = tpu.memref_slice %arg5[%dma_start3A, %dma_start3A_77] : memref<40x128xi32, #tpu.memory_space<vmem>> -> memref<20x128xi32, #tpu.memory_space<vmem>>
        %dma_start3A_79 = arith.constant 0 : i32
        %dma_start3A_80 = arith.constant 0 : i32
        %dma_start3A_81 = tpu.memref_slice %arg2[%cond3A_30, %dma_start3A_79, %dma_start3A_80] : memref<2x2500x128xi32, #tpu.memory_space<hbm>> -> memref<1x2500x128xi32, #tpu.memory_space<hbm>>
        %dma_start3A_82 = tpu.memref_squeeze %dma_start3A_81 : memref<1x2500x128xi32, #tpu.memory_space<hbm>> -> memref<2500x128xi32, #tpu.memory_space<hbm>>
        %dma_start3A_83 = arith.constant 2480 : i32
        %dma_start3A_84 = arith.constant 0 : i32
        %dma_start3A_85 = tpu.memref_slice %dma_start3A_82[%dma_start3A_83, %dma_start3A_84] : memref<2500x128xi32, #tpu.memory_space<hbm>> -> memref<20x128xi32, #tpu.memory_space<hbm>>
        %dma_start3A_86 = arith.constant 0 : i32
        %dma_start3A_87 = arith.constant 0 : i32
        %dma_start3A_88 = tpu.memref_slice %arg5[%dma_start3A_86, %dma_start3A_87] : memref<40x128xi32, #tpu.memory_space<vmem>> -> memref<20x128xi32, #tpu.memory_space<vmem>>
        %dma_start3A_89 = arith.constant 0 : i32
        %dma_start3A_90 = arith.constant 0 : i32
        %dma_start3A_91 = tpu.memref_slice %arg2[%cond3A_30, %dma_start3A_89, %dma_start3A_90] : memref<2x2500x128xi32, #tpu.memory_space<hbm>> -> memref<1x2500x128xi32, #tpu.memory_space<hbm>>
        %dma_start3A_92 = tpu.memref_squeeze %dma_start3A_91 : memref<1x2500x128xi32, #tpu.memory_space<hbm>> -> memref<2500x128xi32, #tpu.memory_space<hbm>>
        %dma_start3A_93 = arith.constant 2480 : i32
        %dma_start3A_94 = arith.constant 0 : i32
        %dma_start3A_95 = tpu.memref_slice %dma_start3A_92[%dma_start3A_93, %dma_start3A_94] : memref<2500x128xi32, #tpu.memory_space<hbm>> -> memref<20x128xi32, #tpu.memory_space<hbm>>
        tpu.enqueue_dma source(%dma_start3A_95 : memref<20x128xi32, #tpu.memory_space<hbm>>) target(%dma_start3A_88 : memref<20x128xi32, #tpu.memory_space<vmem>>) target_semaphore(%run_scoped3A_76 : memref<!tpu.dma_semaphore, #tpu.memory_space<semaphore_mem>>)
        %dma_wait3A = arith.constant 0 : i32
        %dma_wait3A_96 = arith.constant 0 : i32
        %dma_wait3A_97 = tpu.memref_slice %arg5[%dma_wait3A, %dma_wait3A_96] : memref<40x128xi32, #tpu.memory_space<vmem>> -> memref<20x128xi32, #tpu.memory_space<vmem>>
        %dma_wait3A_98 = arith.constant 0 : i32
        %dma_wait3A_99 = arith.constant 0 : i32
        %dma_wait3A_100 = tpu.memref_slice %arg2[%cond3A_30, %dma_wait3A_98, %dma_wait3A_99] : memref<2x2500x128xi32, #tpu.memory_space<hbm>> -> memref<1x2500x128xi32, #tpu.memory_space<hbm>>
        %dma_wait3A_101 = tpu.memref_squeeze %dma_wait3A_100 : memref<1x2500x128xi32, #tpu.memory_space<hbm>> -> memref<2500x128xi32, #tpu.memory_space<hbm>>
        %dma_wait3A_102 = arith.constant 2480 : i32
        %dma_wait3A_103 = arith.constant 0 : i32
        %dma_wait3A_104 = tpu.memref_slice %dma_wait3A_101[%dma_wait3A_102, %dma_wait3A_103] : memref<2500x128xi32, #tpu.memory_space<hbm>> -> memref<20x128xi32, #tpu.memory_space<hbm>>
        %dma_wait3A_105 = arith.constant 0 : i32
        %dma_wait3A_106 = arith.constant 0 : i32
        %dma_wait3A_107 = tpu.memref_slice %arg5[%dma_wait3A_105, %dma_wait3A_106] : memref<40x128xi32, #tpu.memory_space<vmem>> -> memref<20x128xi32, #tpu.memory_space<vmem>>
        %dma_wait3A_108 = arith.constant 0 : i32
        %dma_wait3A_109 = arith.constant 0 : i32
        %dma_wait3A_110 = tpu.memref_slice %arg2[%cond3A_30, %dma_wait3A_108, %dma_wait3A_109] : memref<2x2500x128xi32, #tpu.memory_space<hbm>> -> memref<1x2500x128xi32, #tpu.memory_space<hbm>>
        %dma_wait3A_111 = tpu.memref_squeeze %dma_wait3A_110 : memref<1x2500x128xi32, #tpu.memory_space<hbm>> -> memref<2500x128xi32, #tpu.memory_space<hbm>>
        %dma_wait3A_112 = arith.constant 2480 : i32
        %dma_wait3A_113 = arith.constant 0 : i32
        %dma_wait3A_114 = tpu.memref_slice %dma_wait3A_111[%dma_wait3A_112, %dma_wait3A_113] : memref<2500x128xi32, #tpu.memory_space<hbm>> -> memref<20x128xi32, #tpu.memory_space<hbm>>
        tpu.wait_dma2 semaphore(%run_scoped3A_76 : memref<!tpu.dma_semaphore, #tpu.memory_space<semaphore_mem>>) src(%dma_wait3A_114 : memref<20x128xi32, #tpu.memory_space<hbm>>) dst(%dma_wait3A_107 : memref<20x128xi32, #tpu.memory_space<vmem>>)
        tpu.yield
      }) : () -> ()
    } else {
    }
    %lt3A_33 = arith.constant 31 : i32
    %lt3A_34 = arith.cmpi slt, %add3A, %lt3A_33 : i32
    %convert_element_type3A_35 = arith.extui %lt3A_34 : i1 to i32
    %cond3A_36 = arith.constant 1 : i32
    %cond3A_37 = arith.constant 0 : i32
    %cond3A_38 = arith.cmpi ne, %convert_element_type3A_35, %cond3A_37 : i32
    scf.if %cond3A_38 {
      %mul3A_76 = arith.constant 80 : i32
      %mul3A_77 = arith.muli %add3A, %mul3A_76 : i32
      %add3A_78 = arith.constant 0 : i32
      %add3A_79 = arith.addi %mul3A_77, %add3A_78 : i32
      "tpu.region"() ({
        %run_scoped3A_80 = tpu.sem_alloc : memref<!tpu.dma_semaphore, #tpu.memory_space<semaphore_mem>>
        %dma_start3A = arith.constant 0 : i32
        %dma_start3A_81 = arith.constant 0 : i32
        %dma_start3A_82 = tpu.memref_slice %arg2[%cond3A_36, %dma_start3A, %dma_start3A_81] : memref<2x2500x128xi32, #tpu.memory_space<hbm>> -> memref<1x2500x128xi32, #tpu.memory_space<hbm>>
        %dma_start3A_83 = tpu.memref_squeeze %dma_start3A_82 : memref<1x2500x128xi32, #tpu.memory_space<hbm>> -> memref<2500x128xi32, #tpu.memory_space<hbm>>
        %dma_start3A_84 = arith.constant 0 : i32
        %dma_start3A_85 = tpu.memref_slice %dma_start3A_83[%add3A_79, %dma_start3A_84] : memref<2500x128xi32, #tpu.memory_space<hbm>> -> memref<40x128xi32, #tpu.memory_space<hbm>>
        %dma_start3A_86 = arith.constant 0 : i32
        %dma_start3A_87 = arith.constant 0 : i32
        %dma_start3A_88 = tpu.memref_slice %arg2[%cond3A_36, %dma_start3A_86, %dma_start3A_87] : memref<2x2500x128xi32, #tpu.memory_space<hbm>> -> memref<1x2500x128xi32, #tpu.memory_space<hbm>>
        %dma_start3A_89 = tpu.memref_squeeze %dma_start3A_88 : memref<1x2500x128xi32, #tpu.memory_space<hbm>> -> memref<2500x128xi32, #tpu.memory_space<hbm>>
        %dma_start3A_90 = arith.constant 0 : i32
        %dma_start3A_91 = tpu.memref_slice %dma_start3A_89[%add3A_79, %dma_start3A_90] : memref<2500x128xi32, #tpu.memory_space<hbm>> -> memref<40x128xi32, #tpu.memory_space<hbm>>
        tpu.enqueue_dma source(%dma_start3A_91 : memref<40x128xi32, #tpu.memory_space<hbm>>) target(%arg6 : memref<40x128xi32, #tpu.memory_space<vmem>>) target_semaphore(%run_scoped3A_80 : memref<!tpu.dma_semaphore, #tpu.memory_space<semaphore_mem>>)
        %dma_wait3A = arith.constant 0 : i32
        %dma_wait3A_92 = arith.constant 0 : i32
        %dma_wait3A_93 = tpu.memref_slice %arg2[%cond3A_36, %dma_wait3A, %dma_wait3A_92] : memref<2x2500x128xi32, #tpu.memory_space<hbm>> -> memref<1x2500x128xi32, #tpu.memory_space<hbm>>
        %dma_wait3A_94 = tpu.memref_squeeze %dma_wait3A_93 : memref<1x2500x128xi32, #tpu.memory_space<hbm>> -> memref<2500x128xi32, #tpu.memory_space<hbm>>
        %dma_wait3A_95 = arith.constant 0 : i32
        %dma_wait3A_96 = tpu.memref_slice %dma_wait3A_94[%add3A_79, %dma_wait3A_95] : memref<2500x128xi32, #tpu.memory_space<hbm>> -> memref<40x128xi32, #tpu.memory_space<hbm>>
        %dma_wait3A_97 = arith.constant 0 : i32
        %dma_wait3A_98 = arith.constant 0 : i32
        %dma_wait3A_99 = tpu.memref_slice %arg2[%cond3A_36, %dma_wait3A_97, %dma_wait3A_98] : memref<2x2500x128xi32, #tpu.memory_space<hbm>> -> memref<1x2500x128xi32, #tpu.memory_space<hbm>>
        %dma_wait3A_100 = tpu.memref_squeeze %dma_wait3A_99 : memref<1x2500x128xi32, #tpu.memory_space<hbm>> -> memref<2500x128xi32, #tpu.memory_space<hbm>>
        %dma_wait3A_101 = arith.constant 0 : i32
        %dma_wait3A_102 = tpu.memref_slice %dma_wait3A_100[%add3A_79, %dma_wait3A_101] : memref<2500x128xi32, #tpu.memory_space<hbm>> -> memref<40x128xi32, #tpu.memory_space<hbm>>
        tpu.wait_dma2 semaphore(%run_scoped3A_80 : memref<!tpu.dma_semaphore, #tpu.memory_space<semaphore_mem>>) src(%dma_wait3A_102 : memref<40x128xi32, #tpu.memory_space<hbm>>) dst(%arg6 : memref<40x128xi32, #tpu.memory_space<vmem>>)
        tpu.yield
      }) : () -> ()
    } else {
    }
    %eq3A_39 = arith.constant 31 : i32
    %eq3A_40 = arith.cmpi eq, %add3A, %eq3A_39 : i32
    %convert_element_type3A_41 = arith.extui %eq3A_40 : i1 to i32
    %cond3A_42 = arith.constant 1 : i32
    %cond3A_43 = arith.constant 0 : i32
    %cond3A_44 = arith.cmpi ne, %convert_element_type3A_41, %cond3A_43 : i32
    scf.if %cond3A_44 {
      "tpu.region"() ({
        %run_scoped3A_76 = tpu.sem_alloc : memref<!tpu.dma_semaphore, #tpu.memory_space<semaphore_mem>>
        %dma_start3A = arith.constant 0 : i32
        %dma_start3A_77 = arith.constant 0 : i32
        %dma_start3A_78 = tpu.memref_slice %arg6[%dma_start3A, %dma_start3A_77] : memref<40x128xi32, #tpu.memory_space<vmem>> -> memref<20x128xi32, #tpu.memory_space<vmem>>
        %dma_start3A_79 = arith.constant 0 : i32
        %dma_start3A_80 = arith.constant 0 : i32
        %dma_start3A_81 = tpu.memref_slice %arg2[%cond3A_42, %dma_start3A_79, %dma_start3A_80] : memref<2x2500x128xi32, #tpu.memory_space<hbm>> -> memref<1x2500x128xi32, #tpu.memory_space<hbm>>
        %dma_start3A_82 = tpu.memref_squeeze %dma_start3A_81 : memref<1x2500x128xi32, #tpu.memory_space<hbm>> -> memref<2500x128xi32, #tpu.memory_space<hbm>>
        %dma_start3A_83 = arith.constant 2480 : i32
        %dma_start3A_84 = arith.constant 0 : i32
        %dma_start3A_85 = tpu.memref_slice %dma_start3A_82[%dma_start3A_83, %dma_start3A_84] : memref<2500x128xi32, #tpu.memory_space<hbm>> -> memref<20x128xi32, #tpu.memory_space<hbm>>
        %dma_start3A_86 = arith.constant 0 : i32
        %dma_start3A_87 = arith.constant 0 : i32
        %dma_start3A_88 = tpu.memref_slice %arg6[%dma_start3A_86, %dma_start3A_87] : memref<40x128xi32, #tpu.memory_space<vmem>> -> memref<20x128xi32, #tpu.memory_space<vmem>>
        %dma_start3A_89 = arith.constant 0 : i32
        %dma_start3A_90 = arith.constant 0 : i32
        %dma_start3A_91 = tpu.memref_slice %arg2[%cond3A_42, %dma_start3A_89, %dma_start3A_90] : memref<2x2500x128xi32, #tpu.memory_space<hbm>> -> memref<1x2500x128xi32, #tpu.memory_space<hbm>>
        %dma_start3A_92 = tpu.memref_squeeze %dma_start3A_91 : memref<1x2500x128xi32, #tpu.memory_space<hbm>> -> memref<2500x128xi32, #tpu.memory_space<hbm>>
        %dma_start3A_93 = arith.constant 2480 : i32
        %dma_start3A_94 = arith.constant 0 : i32
        %dma_start3A_95 = tpu.memref_slice %dma_start3A_92[%dma_start3A_93, %dma_start3A_94] : memref<2500x128xi32, #tpu.memory_space<hbm>> -> memref<20x128xi32, #tpu.memory_space<hbm>>
        tpu.enqueue_dma source(%dma_start3A_95 : memref<20x128xi32, #tpu.memory_space<hbm>>) target(%dma_start3A_88 : memref<20x128xi32, #tpu.memory_space<vmem>>) target_semaphore(%run_scoped3A_76 : memref<!tpu.dma_semaphore, #tpu.memory_space<semaphore_mem>>)
        %dma_wait3A = arith.constant 0 : i32
        %dma_wait3A_96 = arith.constant 0 : i32
        %dma_wait3A_97 = tpu.memref_slice %arg6[%dma_wait3A, %dma_wait3A_96] : memref<40x128xi32, #tpu.memory_space<vmem>> -> memref<20x128xi32, #tpu.memory_space<vmem>>
        %dma_wait3A_98 = arith.constant 0 : i32
        %dma_wait3A_99 = arith.constant 0 : i32
        %dma_wait3A_100 = tpu.memref_slice %arg2[%cond3A_42, %dma_wait3A_98, %dma_wait3A_99] : memref<2x2500x128xi32, #tpu.memory_space<hbm>> -> memref<1x2500x128xi32, #tpu.memory_space<hbm>>
        %dma_wait3A_101 = tpu.memref_squeeze %dma_wait3A_100 : memref<1x2500x128xi32, #tpu.memory_space<hbm>> -> memref<2500x128xi32, #tpu.memory_space<hbm>>
        %dma_wait3A_102 = arith.constant 2480 : i32
        %dma_wait3A_103 = arith.constant 0 : i32
        %dma_wait3A_104 = tpu.memref_slice %dma_wait3A_101[%dma_wait3A_102, %dma_wait3A_103] : memref<2500x128xi32, #tpu.memory_space<hbm>> -> memref<20x128xi32, #tpu.memory_space<hbm>>
        %dma_wait3A_105 = arith.constant 0 : i32
        %dma_wait3A_106 = arith.constant 0 : i32
        %dma_wait3A_107 = tpu.memref_slice %arg6[%dma_wait3A_105, %dma_wait3A_106] : memref<40x128xi32, #tpu.memory_space<vmem>> -> memref<20x128xi32, #tpu.memory_space<vmem>>
        %dma_wait3A_108 = arith.constant 0 : i32
        %dma_wait3A_109 = arith.constant 0 : i32
        %dma_wait3A_110 = tpu.memref_slice %arg2[%cond3A_42, %dma_wait3A_108, %dma_wait3A_109] : memref<2x2500x128xi32, #tpu.memory_space<hbm>> -> memref<1x2500x128xi32, #tpu.memory_space<hbm>>
        %dma_wait3A_111 = tpu.memref_squeeze %dma_wait3A_110 : memref<1x2500x128xi32, #tpu.memory_space<hbm>> -> memref<2500x128xi32, #tpu.memory_space<hbm>>
        %dma_wait3A_112 = arith.constant 2480 : i32
        %dma_wait3A_113 = arith.constant 0 : i32
        %dma_wait3A_114 = tpu.memref_slice %dma_wait3A_111[%dma_wait3A_112, %dma_wait3A_113] : memref<2500x128xi32, #tpu.memory_space<hbm>> -> memref<20x128xi32, #tpu.memory_space<hbm>>
        tpu.wait_dma2 semaphore(%run_scoped3A_76 : memref<!tpu.dma_semaphore, #tpu.memory_space<semaphore_mem>>) src(%dma_wait3A_114 : memref<20x128xi32, #tpu.memory_space<hbm>>) dst(%dma_wait3A_107 : memref<20x128xi32, #tpu.memory_space<vmem>>)
        tpu.yield
      }) : () -> ()
    } else {
    }
    %sub3A = arith.constant 0 : i32
    %sub3A_45 = arith.subi %select_n3A, %sub3A : i32
    %jit3A_46 = arith.constant 0 : i32
    %jit3A_47 = arith.constant 40 : i32
    %max3A = arith.maxsi %jit3A_46, %sub3A_45 : i32
    %min3A = arith.minsi %jit3A_47, %max3A : i32
    %gt3A = arith.constant 0 : i32
    %gt3A_48 = arith.cmpi sgt, %min3A, %gt3A : i32
    %convert_element_type3A_49 = arith.extui %gt3A_48 : i1 to i32
    %cond3A_50 = arith.constant 0 : i32
    %cond3A_51 = arith.cmpi ne, %convert_element_type3A_49, %cond3A_50 : i32
    scf.if %cond3A_51 {
      %dma_start3A = arith.constant 0 : i32
      %dma_start3A_76 = arith.constant 0 : i32
      %dma_start3A_77 = arith.constant 0 : i32
      %dma_start3A_78 = arith.constant 0 : i32
      %dma_start3A_79 = tpu.memref_slice %arg7[%dma_start3A_76, %dma_start3A_77, %dma_start3A_78] : memref<2x128x128xf32, #tpu.memory_space<vmem>> -> memref<1x128x128xf32, #tpu.memory_space<vmem>>
      %dma_start3A_80 = tpu.memref_squeeze %dma_start3A_79 : memref<1x128x128xf32, #tpu.memory_space<vmem>> -> memref<128x128xf32, #tpu.memory_space<vmem>>
      %dma_start3A_81 = arith.constant 0 : i32
      %dma_start3A_82 = tpu.memref_slice %arg5[%dma_start3A, %dma_start3A_81] : memref<40x128xi32, #tpu.memory_space<vmem>> -> memref<1x128xi32, #tpu.memory_space<vmem>>
      %dma_start3A_83 = tpu.memref_squeeze %dma_start3A_82 : memref<1x128xi32, #tpu.memory_space<vmem>> -> memref<128xi32, #tpu.memory_space<vmem>>
      %dma_start3A_84 = arith.constant 0 : i32
      %dma_start3A_85 = arith.constant 0 : i32
      %dma_start3A_86 = tpu.memref_slice %arg3[%dma_start3A_84, %dma_start3A_85] : memref<10240x128xf32, #tpu.memory_space<hbm>> -> memref<10240x128xf32, #tpu.memory_space<hbm>>
      tpu.enqueue_indirect_dma source(%dma_start3A_86 : memref<10240x128xf32, #tpu.memory_space<hbm>>) target(%dma_start3A_80 : memref<128x128xf32, #tpu.memory_space<vmem>>) offsets(%dma_start3A_83 : memref<128xi32, #tpu.memory_space<vmem>>) semaphore(%arg9 : memref<!tpu.dma_semaphore, #tpu.memory_space<semaphore_mem>>)
      %gt3A_87 = arith.constant 1 : i32
      %gt3A_88 = arith.cmpi sgt, %min3A, %gt3A_87 : i32
      %convert_element_type3A_89 = arith.extui %gt3A_88 : i1 to i32
      %cond3A_90 = arith.constant 0 : i32
      %cond3A_91 = arith.cmpi ne, %convert_element_type3A_89, %cond3A_90 : i32
      scf.if %cond3A_91 {
        %dma_start3A_109 = arith.constant 1 : i32
        %dma_start3A_110 = arith.constant 1 : i32
        %dma_start3A_111 = arith.constant 0 : i32
        %dma_start3A_112 = arith.constant 0 : i32
        %dma_start3A_113 = tpu.memref_slice %arg7[%dma_start3A_110, %dma_start3A_111, %dma_start3A_112] : memref<2x128x128xf32, #tpu.memory_space<vmem>> -> memref<1x128x128xf32, #tpu.memory_space<vmem>>
        %dma_start3A_114 = tpu.memref_squeeze %dma_start3A_113 : memref<1x128x128xf32, #tpu.memory_space<vmem>> -> memref<128x128xf32, #tpu.memory_space<vmem>>
        %dma_start3A_115 = arith.constant 0 : i32
        %dma_start3A_116 = tpu.memref_slice %arg5[%dma_start3A_109, %dma_start3A_115] : memref<40x128xi32, #tpu.memory_space<vmem>> -> memref<1x128xi32, #tpu.memory_space<vmem>>
        %dma_start3A_117 = tpu.memref_squeeze %dma_start3A_116 : memref<1x128xi32, #tpu.memory_space<vmem>> -> memref<128xi32, #tpu.memory_space<vmem>>
        %dma_start3A_118 = arith.constant 0 : i32
        %dma_start3A_119 = arith.constant 0 : i32
        %dma_start3A_120 = tpu.memref_slice %arg3[%dma_start3A_118, %dma_start3A_119] : memref<10240x128xf32, #tpu.memory_space<hbm>> -> memref<10240x128xf32, #tpu.memory_space<hbm>>
        tpu.enqueue_indirect_dma source(%dma_start3A_120 : memref<10240x128xf32, #tpu.memory_space<hbm>>) target(%dma_start3A_114 : memref<128x128xf32, #tpu.memory_space<vmem>>) offsets(%dma_start3A_117 : memref<128xi32, #tpu.memory_space<vmem>>) semaphore(%arg9 : memref<!tpu.dma_semaphore, #tpu.memory_space<semaphore_mem>>)
      } else {
      }
      %sub3A_92 = arith.constant 0 : i32
      %sub3A_93 = arith.subi %min3A, %sub3A_92 : i32
      %sub3A_94 = arith.constant 1 : i32
      %sub3A_95 = arith.constant 1 : i32
      %sub3A_96 = arith.subi %sub3A_94, %sub3A_95 : i32
      %add3A_97 = arith.addi %sub3A_93, %sub3A_96 : i32
      %div3A = arith.constant 1 : i32
      %div3A_98 = arith.divsi %add3A_97, %div3A : i32
      %while3A = arith.constant 1 : i32
      %while3A_99 = arith.constant 0 : i32
      %while3A_100 = arith.constant 0 : i32
      %while3A_101 = arith.subi %div3A_98, %while3A_100 : i32
      %while3A_102 = arith.addi %while3A_100, %while3A_101 : i32
      %while3A_103 = arith.constant 1 : i32
      %while3A_104 = arith.divsi %while3A_101, %while3A_103 : i32
      %while3A_105 = arith.muli %while3A_104, %while3A_103 : i32
      %while3A_106 = arith.addi %while3A_100, %while3A_105 : i32
      %while3A_107 = arith.constant 1 : i32
      scf.for %while3A_109 = %while3A_100 to %while3A_106 step %while3A_107  : i32 {
        %mul3A_110 = arith.muli %while3A_109, %while3A : i32
        %add3A_111 = arith.addi %while3A_99, %mul3A_110 : i32
        %jit3A_112 = arith.constant 2 : i32
        %eq3A_113 = arith.constant 0 : i32
        %eq3A_114 = arith.cmpi eq, %jit3A_112, %eq3A_113 : i32
        %jit3A_115 = arith.constant 1 : i32
        %select_n3A_116 = arith.select %eq3A_114, %jit3A_115, %jit3A_112 : i32
        %rem3A = arith.remsi %add3A_111, %select_n3A_116 : i32
        %ne3A = arith.constant 0 : i32
        %ne3A_117 = arith.cmpi ne, %rem3A, %ne3A : i32
        %lt3A_118 = arith.constant 0 : i32
        %lt3A_119 = arith.cmpi slt, %rem3A, %lt3A_118 : i32
        %lt3A_120 = arith.constant 0 : i32
        %lt3A_121 = arith.cmpi slt, %select_n3A_116, %lt3A_120 : i32
        %ne3A_122 = arith.xori %lt3A_119, %lt3A_121 : i1
        %and3A = arith.andi %ne3A_122, %ne3A_117 : i1
        %add3A_123 = arith.addi %rem3A, %select_n3A_116 : i32
        %select_n3A_124 = arith.select %and3A, %add3A_123, %rem3A : i32
        %dma_wait3A = arith.constant 0 : i32
        %dma_wait3A_125 = arith.constant 0 : i32
        %dma_wait3A_126 = tpu.memref_slice %arg7[%select_n3A_124, %dma_wait3A, %dma_wait3A_125] : memref<2x128x128xf32, #tpu.memory_space<vmem>> -> memref<1x128x128xf32, #tpu.memory_space<vmem>>
        %dma_wait3A_127 = tpu.memref_squeeze %dma_wait3A_126 : memref<1x128x128xf32, #tpu.memory_space<vmem>> -> memref<128x128xf32, #tpu.memory_space<vmem>>
        %dma_wait3A_128 = arith.constant 0 : i32
        %dma_wait3A_129 = tpu.memref_slice %arg5[%add3A_111, %dma_wait3A_128] : memref<40x128xi32, #tpu.memory_space<vmem>> -> memref<1x128xi32, #tpu.memory_space<vmem>>
        %dma_wait3A_130 = tpu.memref_squeeze %dma_wait3A_129 : memref<1x128xi32, #tpu.memory_space<vmem>> -> memref<128xi32, #tpu.memory_space<vmem>>
        %dma_wait3A_131 = arith.constant 0 : i32
        %dma_wait3A_132 = arith.constant 0 : i32
        %dma_wait3A_133 = tpu.memref_slice %arg3[%dma_wait3A_131, %dma_wait3A_132] : memref<10240x128xf32, #tpu.memory_space<hbm>> -> memref<10240x128xf32, #tpu.memory_space<hbm>>
        tpu.wait_indirect_dma semaphore(%arg9 : memref<!tpu.dma_semaphore, #tpu.memory_space<semaphore_mem>>) src(%dma_wait3A_133 : memref<10240x128xf32, #tpu.memory_space<hbm>>) dst(%dma_wait3A_127 : memref<128x128xf32, #tpu.memory_space<vmem>>)
        "tpu.region"() ({
          %run_scoped3A_140 = tpu.sem_alloc : memref<!tpu.dma_semaphore, #tpu.memory_space<semaphore_mem>>
          %dma_start3A_141 = arith.constant 0 : i32
          %dma_start3A_142 = arith.constant 0 : i32
          %dma_start3A_143 = tpu.memref_slice %arg7[%select_n3A_124, %dma_start3A_141, %dma_start3A_142] : memref<2x128x128xf32, #tpu.memory_space<vmem>> -> memref<1x128x128xf32, #tpu.memory_space<vmem>>
          %dma_start3A_144 = tpu.memref_squeeze %dma_start3A_143 : memref<1x128x128xf32, #tpu.memory_space<vmem>> -> memref<128x128xf32, #tpu.memory_space<vmem>>
          %dma_start3A_145 = arith.constant 0 : i32
          %dma_start3A_146 = tpu.memref_slice %arg6[%add3A_111, %dma_start3A_145] : memref<40x128xi32, #tpu.memory_space<vmem>> -> memref<1x128xi32, #tpu.memory_space<vmem>>
          %dma_start3A_147 = tpu.memref_squeeze %dma_start3A_146 : memref<1x128xi32, #tpu.memory_space<vmem>> -> memref<128xi32, #tpu.memory_space<vmem>>
          %dma_start3A_148 = arith.constant 0 : i32
          %dma_start3A_149 = arith.constant 0 : i32
          %dma_start3A_150 = tpu.memref_slice %arg8[%dma_start3A_148, %dma_start3A_149] : memref<10240x128xf32, #tpu.memory_space<vmem_shared>> -> memref<10240x128xf32, #tpu.memory_space<vmem_shared>>
          tpu.enqueue_indirect_dma source(%dma_start3A_144 : memref<128x128xf32, #tpu.memory_space<vmem>>) target(%dma_start3A_150 : memref<10240x128xf32, #tpu.memory_space<vmem_shared>>) offsets(%dma_start3A_147 : memref<128xi32, #tpu.memory_space<vmem>>) semaphore(%run_scoped3A_140 : memref<!tpu.dma_semaphore, #tpu.memory_space<semaphore_mem>>) {add = true}
          %dma_wait3A_151 = arith.constant 0 : i32
          %dma_wait3A_152 = arith.constant 0 : i32
          %dma_wait3A_153 = tpu.memref_slice %arg7[%select_n3A_124, %dma_wait3A_151, %dma_wait3A_152] : memref<2x128x128xf32, #tpu.memory_space<vmem>> -> memref<1x128x128xf32, #tpu.memory_space<vmem>>
          %dma_wait3A_154 = tpu.memref_squeeze %dma_wait3A_153 : memref<1x128x128xf32, #tpu.memory_space<vmem>> -> memref<128x128xf32, #tpu.memory_space<vmem>>
          %dma_wait3A_155 = arith.constant 0 : i32
          %dma_wait3A_156 = tpu.memref_slice %arg6[%add3A_111, %dma_wait3A_155] : memref<40x128xi32, #tpu.memory_space<vmem>> -> memref<1x128xi32, #tpu.memory_space<vmem>>
          %dma_wait3A_157 = tpu.memref_squeeze %dma_wait3A_156 : memref<1x128xi32, #tpu.memory_space<vmem>> -> memref<128xi32, #tpu.memory_space<vmem>>
          %dma_wait3A_158 = arith.constant 0 : i32
          %dma_wait3A_159 = arith.constant 0 : i32
          %dma_wait3A_160 = tpu.memref_slice %arg8[%dma_wait3A_158, %dma_wait3A_159] : memref<10240x128xf32, #tpu.memory_space<vmem_shared>> -> memref<10240x128xf32, #tpu.memory_space<vmem_shared>>
          tpu.wait_indirect_dma semaphore(%run_scoped3A_140 : memref<!tpu.dma_semaphore, #tpu.memory_space<semaphore_mem>>) src(%dma_wait3A_154 : memref<128x128xf32, #tpu.memory_space<vmem>>) dst(%dma_wait3A_160 : memref<10240x128xf32, #tpu.memory_space<vmem_shared>>)
          tpu.yield
        }) : () -> ()
        %add3A_134 = arith.constant 2 : i32
        %add3A_135 = arith.addi %add3A_111, %add3A_134 : i32
        %lt3A_136 = arith.cmpi slt, %add3A_135, %min3A : i32
        %convert_element_type3A_137 = arith.extui %lt3A_136 : i1 to i32
        %cond3A_138 = arith.constant 0 : i32
        %cond3A_139 = arith.cmpi ne, %convert_element_type3A_137, %cond3A_138 : i32
        scf.if %cond3A_139 {
          %add3A_140 = arith.constant 2 : i32
          %add3A_141 = arith.addi %add3A_111, %add3A_140 : i32
          %dma_start3A_142 = arith.constant 0 : i32
          %dma_start3A_143 = arith.constant 0 : i32
          %dma_start3A_144 = tpu.memref_slice %arg7[%select_n3A_124, %dma_start3A_142, %dma_start3A_143] : memref<2x128x128xf32, #tpu.memory_space<vmem>> -> memref<1x128x128xf32, #tpu.memory_space<vmem>>
          %dma_start3A_145 = tpu.memref_squeeze %dma_start3A_144 : memref<1x128x128xf32, #tpu.memory_space<vmem>> -> memref<128x128xf32, #tpu.memory_space<vmem>>
          %dma_start3A_146 = arith.constant 0 : i32
          %dma_start3A_147 = tpu.memref_slice %arg5[%add3A_141, %dma_start3A_146] : memref<40x128xi32, #tpu.memory_space<vmem>> -> memref<1x128xi32, #tpu.memory_space<vmem>>
          %dma_start3A_148 = tpu.memref_squeeze %dma_start3A_147 : memref<1x128xi32, #tpu.memory_space<vmem>> -> memref<128xi32, #tpu.memory_space<vmem>>
          %dma_start3A_149 = arith.constant 0 : i32
          %dma_start3A_150 = arith.constant 0 : i32
          %dma_start3A_151 = tpu.memref_slice %arg3[%dma_start3A_149, %dma_start3A_150] : memref<10240x128xf32, #tpu.memory_space<hbm>> -> memref<10240x128xf32, #tpu.memory_space<hbm>>
          tpu.enqueue_indirect_dma source(%dma_start3A_151 : memref<10240x128xf32, #tpu.memory_space<hbm>>) target(%dma_start3A_145 : memref<128x128xf32, #tpu.memory_space<vmem>>) offsets(%dma_start3A_148 : memref<128xi32, #tpu.memory_space<vmem>>) semaphore(%arg9 : memref<!tpu.dma_semaphore, #tpu.memory_space<semaphore_mem>>)
        } else {
        }
      }
      %while3A_108 = arith.constant 1 : i32
      scf.for %while3A_109 = %while3A_106 to %while3A_102 step %while3A_108  : i32 {
        %mul3A_110 = arith.muli %while3A_109, %while3A : i32
        %add3A_111 = arith.addi %while3A_99, %mul3A_110 : i32
        %jit3A_112 = arith.constant 2 : i32
        %eq3A_113 = arith.constant 0 : i32
        %eq3A_114 = arith.cmpi eq, %jit3A_112, %eq3A_113 : i32
        %jit3A_115 = arith.constant 1 : i32
        %select_n3A_116 = arith.select %eq3A_114, %jit3A_115, %jit3A_112 : i32
        %rem3A = arith.remsi %add3A_111, %select_n3A_116 : i32
        %ne3A = arith.constant 0 : i32
        %ne3A_117 = arith.cmpi ne, %rem3A, %ne3A : i32
        %lt3A_118 = arith.constant 0 : i32
        %lt3A_119 = arith.cmpi slt, %rem3A, %lt3A_118 : i32
        %lt3A_120 = arith.constant 0 : i32
        %lt3A_121 = arith.cmpi slt, %select_n3A_116, %lt3A_120 : i32
        %ne3A_122 = arith.xori %lt3A_119, %lt3A_121 : i1
        %and3A = arith.andi %ne3A_122, %ne3A_117 : i1
        %add3A_123 = arith.addi %rem3A, %select_n3A_116 : i32
        %select_n3A_124 = arith.select %and3A, %add3A_123, %rem3A : i32
        %dma_wait3A = arith.constant 0 : i32
        %dma_wait3A_125 = arith.constant 0 : i32
        %dma_wait3A_126 = tpu.memref_slice %arg7[%select_n3A_124, %dma_wait3A, %dma_wait3A_125] : memref<2x128x128xf32, #tpu.memory_space<vmem>> -> memref<1x128x128xf32, #tpu.memory_space<vmem>>
        %dma_wait3A_127 = tpu.memref_squeeze %dma_wait3A_126 : memref<1x128x128xf32, #tpu.memory_space<vmem>> -> memref<128x128xf32, #tpu.memory_space<vmem>>
        %dma_wait3A_128 = arith.constant 0 : i32
        %dma_wait3A_129 = tpu.memref_slice %arg5[%add3A_111, %dma_wait3A_128] : memref<40x128xi32, #tpu.memory_space<vmem>> -> memref<1x128xi32, #tpu.memory_space<vmem>>
        %dma_wait3A_130 = tpu.memref_squeeze %dma_wait3A_129 : memref<1x128xi32, #tpu.memory_space<vmem>> -> memref<128xi32, #tpu.memory_space<vmem>>
        %dma_wait3A_131 = arith.constant 0 : i32
        %dma_wait3A_132 = arith.constant 0 : i32
        %dma_wait3A_133 = tpu.memref_slice %arg3[%dma_wait3A_131, %dma_wait3A_132] : memref<10240x128xf32, #tpu.memory_space<hbm>> -> memref<10240x128xf32, #tpu.memory_space<hbm>>
        tpu.wait_indirect_dma semaphore(%arg9 : memref<!tpu.dma_semaphore, #tpu.memory_space<semaphore_mem>>) src(%dma_wait3A_133 : memref<10240x128xf32, #tpu.memory_space<hbm>>) dst(%dma_wait3A_127 : memref<128x128xf32, #tpu.memory_space<vmem>>)
        "tpu.region"() ({
          %run_scoped3A_140 = tpu.sem_alloc : memref<!tpu.dma_semaphore, #tpu.memory_space<semaphore_mem>>
          %dma_start3A_141 = arith.constant 0 : i32
          %dma_start3A_142 = arith.constant 0 : i32
          %dma_start3A_143 = tpu.memref_slice %arg7[%select_n3A_124, %dma_start3A_141, %dma_start3A_142] : memref<2x128x128xf32, #tpu.memory_space<vmem>> -> memref<1x128x128xf32, #tpu.memory_space<vmem>>
          %dma_start3A_144 = tpu.memref_squeeze %dma_start3A_143 : memref<1x128x128xf32, #tpu.memory_space<vmem>> -> memref<128x128xf32, #tpu.memory_space<vmem>>
          %dma_start3A_145 = arith.constant 0 : i32
          %dma_start3A_146 = tpu.memref_slice %arg6[%add3A_111, %dma_start3A_145] : memref<40x128xi32, #tpu.memory_space<vmem>> -> memref<1x128xi32, #tpu.memory_space<vmem>>
          %dma_start3A_147 = tpu.memref_squeeze %dma_start3A_146 : memref<1x128xi32, #tpu.memory_space<vmem>> -> memref<128xi32, #tpu.memory_space<vmem>>
          %dma_start3A_148 = arith.constant 0 : i32
          %dma_start3A_149 = arith.constant 0 : i32
          %dma_start3A_150 = tpu.memref_slice %arg8[%dma_start3A_148, %dma_start3A_149] : memref<10240x128xf32, #tpu.memory_space<vmem_shared>> -> memref<10240x128xf32, #tpu.memory_space<vmem_shared>>
          tpu.enqueue_indirect_dma source(%dma_start3A_144 : memref<128x128xf32, #tpu.memory_space<vmem>>) target(%dma_start3A_150 : memref<10240x128xf32, #tpu.memory_space<vmem_shared>>) offsets(%dma_start3A_147 : memref<128xi32, #tpu.memory_space<vmem>>) semaphore(%run_scoped3A_140 : memref<!tpu.dma_semaphore, #tpu.memory_space<semaphore_mem>>) {add = true}
          %dma_wait3A_151 = arith.constant 0 : i32
          %dma_wait3A_152 = arith.constant 0 : i32
          %dma_wait3A_153 = tpu.memref_slice %arg7[%select_n3A_124, %dma_wait3A_151, %dma_wait3A_152] : memref<2x128x128xf32, #tpu.memory_space<vmem>> -> memref<1x128x128xf32, #tpu.memory_space<vmem>>
          %dma_wait3A_154 = tpu.memref_squeeze %dma_wait3A_153 : memref<1x128x128xf32, #tpu.memory_space<vmem>> -> memref<128x128xf32, #tpu.memory_space<vmem>>
          %dma_wait3A_155 = arith.constant 0 : i32
          %dma_wait3A_156 = tpu.memref_slice %arg6[%add3A_111, %dma_wait3A_155] : memref<40x128xi32, #tpu.memory_space<vmem>> -> memref<1x128xi32, #tpu.memory_space<vmem>>
          %dma_wait3A_157 = tpu.memref_squeeze %dma_wait3A_156 : memref<1x128xi32, #tpu.memory_space<vmem>> -> memref<128xi32, #tpu.memory_space<vmem>>
          %dma_wait3A_158 = arith.constant 0 : i32
          %dma_wait3A_159 = arith.constant 0 : i32
          %dma_wait3A_160 = tpu.memref_slice %arg8[%dma_wait3A_158, %dma_wait3A_159] : memref<10240x128xf32, #tpu.memory_space<vmem_shared>> -> memref<10240x128xf32, #tpu.memory_space<vmem_shared>>
          tpu.wait_indirect_dma semaphore(%run_scoped3A_140 : memref<!tpu.dma_semaphore, #tpu.memory_space<semaphore_mem>>) src(%dma_wait3A_154 : memref<128x128xf32, #tpu.memory_space<vmem>>) dst(%dma_wait3A_160 : memref<10240x128xf32, #tpu.memory_space<vmem_shared>>)
          tpu.yield
        }) : () -> ()
        %add3A_134 = arith.constant 2 : i32
        %add3A_135 = arith.addi %add3A_111, %add3A_134 : i32
        %lt3A_136 = arith.cmpi slt, %add3A_135, %min3A : i32
        %convert_element_type3A_137 = arith.extui %lt3A_136 : i1 to i32
        %cond3A_138 = arith.constant 0 : i32
        %cond3A_139 = arith.cmpi ne, %convert_element_type3A_137, %cond3A_138 : i32
        scf.if %cond3A_139 {
          %add3A_140 = arith.constant 2 : i32
          %add3A_141 = arith.addi %add3A_111, %add3A_140 : i32
          %dma_start3A_142 = arith.constant 0 : i32
          %dma_start3A_143 = arith.constant 0 : i32
          %dma_start3A_144 = tpu.memref_slice %arg7[%select_n3A_124, %dma_start3A_142, %dma_start3A_143] : memref<2x128x128xf32, #tpu.memory_space<vmem>> -> memref<1x128x128xf32, #tpu.memory_space<vmem>>
          %dma_start3A_145 = tpu.memref_squeeze %dma_start3A_144 : memref<1x128x128xf32, #tpu.memory_space<vmem>> -> memref<128x128xf32, #tpu.memory_space<vmem>>
          %dma_start3A_146 = arith.constant 0 : i32
          %dma_start3A_147 = tpu.memref_slice %arg5[%add3A_141, %dma_start3A_146] : memref<40x128xi32, #tpu.memory_space<vmem>> -> memref<1x128xi32, #tpu.memory_space<vmem>>
          %dma_start3A_148 = tpu.memref_squeeze %dma_start3A_147 : memref<1x128xi32, #tpu.memory_space<vmem>> -> memref<128xi32, #tpu.memory_space<vmem>>
          %dma_start3A_149 = arith.constant 0 : i32
          %dma_start3A_150 = arith.constant 0 : i32
          %dma_start3A_151 = tpu.memref_slice %arg3[%dma_start3A_149, %dma_start3A_150] : memref<10240x128xf32, #tpu.memory_space<hbm>> -> memref<10240x128xf32, #tpu.memory_space<hbm>>
          tpu.enqueue_indirect_dma source(%dma_start3A_151 : memref<10240x128xf32, #tpu.memory_space<hbm>>) target(%dma_start3A_145 : memref<128x128xf32, #tpu.memory_space<vmem>>) offsets(%dma_start3A_148 : memref<128xi32, #tpu.memory_space<vmem>>) semaphore(%arg9 : memref<!tpu.dma_semaphore, #tpu.memory_space<semaphore_mem>>)
        } else {
        }
      }
    } else {
    }
    %lt3A_52 = arith.constant 31 : i32
    %lt3A_53 = arith.cmpi slt, %add3A, %lt3A_52 : i32
    %convert_element_type3A_54 = arith.extui %lt3A_53 : i1 to i32
    %cond3A_55 = arith.constant 0 : i32
    %cond3A_56 = arith.constant 0 : i32
    %cond3A_57 = arith.cmpi ne, %convert_element_type3A_54, %cond3A_56 : i32
    scf.if %cond3A_57 {
      %mul3A_76 = arith.constant 80 : i32
      %mul3A_77 = arith.muli %add3A, %mul3A_76 : i32
      %add3A_78 = arith.constant 40 : i32
      %add3A_79 = arith.addi %mul3A_77, %add3A_78 : i32
      "tpu.region"() ({
        %run_scoped3A_80 = tpu.sem_alloc : memref<!tpu.dma_semaphore, #tpu.memory_space<semaphore_mem>>
        %dma_start3A = arith.constant 0 : i32
        %dma_start3A_81 = arith.constant 0 : i32
        %dma_start3A_82 = tpu.memref_slice %arg2[%cond3A_55, %dma_start3A, %dma_start3A_81] : memref<2x2500x128xi32, #tpu.memory_space<hbm>> -> memref<1x2500x128xi32, #tpu.memory_space<hbm>>
        %dma_start3A_83 = tpu.memref_squeeze %dma_start3A_82 : memref<1x2500x128xi32, #tpu.memory_space<hbm>> -> memref<2500x128xi32, #tpu.memory_space<hbm>>
        %dma_start3A_84 = arith.constant 0 : i32
        %dma_start3A_85 = tpu.memref_slice %dma_start3A_83[%add3A_79, %dma_start3A_84] : memref<2500x128xi32, #tpu.memory_space<hbm>> -> memref<40x128xi32, #tpu.memory_space<hbm>>
        %dma_start3A_86 = arith.constant 0 : i32
        %dma_start3A_87 = arith.constant 0 : i32
        %dma_start3A_88 = tpu.memref_slice %arg2[%cond3A_55, %dma_start3A_86, %dma_start3A_87] : memref<2x2500x128xi32, #tpu.memory_space<hbm>> -> memref<1x2500x128xi32, #tpu.memory_space<hbm>>
        %dma_start3A_89 = tpu.memref_squeeze %dma_start3A_88 : memref<1x2500x128xi32, #tpu.memory_space<hbm>> -> memref<2500x128xi32, #tpu.memory_space<hbm>>
        %dma_start3A_90 = arith.constant 0 : i32
        %dma_start3A_91 = tpu.memref_slice %dma_start3A_89[%add3A_79, %dma_start3A_90] : memref<2500x128xi32, #tpu.memory_space<hbm>> -> memref<40x128xi32, #tpu.memory_space<hbm>>
        tpu.enqueue_dma source(%dma_start3A_91 : memref<40x128xi32, #tpu.memory_space<hbm>>) target(%arg5 : memref<40x128xi32, #tpu.memory_space<vmem>>) target_semaphore(%run_scoped3A_80 : memref<!tpu.dma_semaphore, #tpu.memory_space<semaphore_mem>>)
        %dma_wait3A = arith.constant 0 : i32
        %dma_wait3A_92 = arith.constant 0 : i32
        %dma_wait3A_93 = tpu.memref_slice %arg2[%cond3A_55, %dma_wait3A, %dma_wait3A_92] : memref<2x2500x128xi32, #tpu.memory_space<hbm>> -> memref<1x2500x128xi32, #tpu.memory_space<hbm>>
        %dma_wait3A_94 = tpu.memref_squeeze %dma_wait3A_93 : memref<1x2500x128xi32, #tpu.memory_space<hbm>> -> memref<2500x128xi32, #tpu.memory_space<hbm>>
        %dma_wait3A_95 = arith.constant 0 : i32
        %dma_wait3A_96 = tpu.memref_slice %dma_wait3A_94[%add3A_79, %dma_wait3A_95] : memref<2500x128xi32, #tpu.memory_space<hbm>> -> memref<40x128xi32, #tpu.memory_space<hbm>>
        %dma_wait3A_97 = arith.constant 0 : i32
        %dma_wait3A_98 = arith.constant 0 : i32
        %dma_wait3A_99 = tpu.memref_slice %arg2[%cond3A_55, %dma_wait3A_97, %dma_wait3A_98] : memref<2x2500x128xi32, #tpu.memory_space<hbm>> -> memref<1x2500x128xi32, #tpu.memory_space<hbm>>
        %dma_wait3A_100 = tpu.memref_squeeze %dma_wait3A_99 : memref<1x2500x128xi32, #tpu.memory_space<hbm>> -> memref<2500x128xi32, #tpu.memory_space<hbm>>
        %dma_wait3A_101 = arith.constant 0 : i32
        %dma_wait3A_102 = tpu.memref_slice %dma_wait3A_100[%add3A_79, %dma_wait3A_101] : memref<2500x128xi32, #tpu.memory_space<hbm>> -> memref<40x128xi32, #tpu.memory_space<hbm>>
        tpu.wait_dma2 semaphore(%run_scoped3A_80 : memref<!tpu.dma_semaphore, #tpu.memory_space<semaphore_mem>>) src(%dma_wait3A_102 : memref<40x128xi32, #tpu.memory_space<hbm>>) dst(%arg5 : memref<40x128xi32, #tpu.memory_space<vmem>>)
        tpu.yield
      }) : () -> ()
    } else {
    }
    %lt3A_58 = arith.constant 31 : i32
    %lt3A_59 = arith.cmpi slt, %add3A, %lt3A_58 : i32
    %convert_element_type3A_60 = arith.extui %lt3A_59 : i1 to i32
    %cond3A_61 = arith.constant 1 : i32
    %cond3A_62 = arith.constant 0 : i32
    %cond3A_63 = arith.cmpi ne, %convert_element_type3A_60, %cond3A_62 : i32
    scf.if %cond3A_63 {
      %mul3A_76 = arith.constant 80 : i32
      %mul3A_77 = arith.muli %add3A, %mul3A_76 : i32
      %add3A_78 = arith.constant 40 : i32
      %add3A_79 = arith.addi %mul3A_77, %add3A_78 : i32
      "tpu.region"() ({
        %run_scoped3A_80 = tpu.sem_alloc : memref<!tpu.dma_semaphore, #tpu.memory_space<semaphore_mem>>
        %dma_start3A = arith.constant 0 : i32
        %dma_start3A_81 = arith.constant 0 : i32
        %dma_start3A_82 = tpu.memref_slice %arg2[%cond3A_61, %dma_start3A, %dma_start3A_81] : memref<2x2500x128xi32, #tpu.memory_space<hbm>> -> memref<1x2500x128xi32, #tpu.memory_space<hbm>>
        %dma_start3A_83 = tpu.memref_squeeze %dma_start3A_82 : memref<1x2500x128xi32, #tpu.memory_space<hbm>> -> memref<2500x128xi32, #tpu.memory_space<hbm>>
        %dma_start3A_84 = arith.constant 0 : i32
        %dma_start3A_85 = tpu.memref_slice %dma_start3A_83[%add3A_79, %dma_start3A_84] : memref<2500x128xi32, #tpu.memory_space<hbm>> -> memref<40x128xi32, #tpu.memory_space<hbm>>
        %dma_start3A_86 = arith.constant 0 : i32
        %dma_start3A_87 = arith.constant 0 : i32
        %dma_start3A_88 = tpu.memref_slice %arg2[%cond3A_61, %dma_start3A_86, %dma_start3A_87] : memref<2x2500x128xi32, #tpu.memory_space<hbm>> -> memref<1x2500x128xi32, #tpu.memory_space<hbm>>
        %dma_start3A_89 = tpu.memref_squeeze %dma_start3A_88 : memref<1x2500x128xi32, #tpu.memory_space<hbm>> -> memref<2500x128xi32, #tpu.memory_space<hbm>>
        %dma_start3A_90 = arith.constant 0 : i32
        %dma_start3A_91 = tpu.memref_slice %dma_start3A_89[%add3A_79, %dma_start3A_90] : memref<2500x128xi32, #tpu.memory_space<hbm>> -> memref<40x128xi32, #tpu.memory_space<hbm>>
        tpu.enqueue_dma source(%dma_start3A_91 : memref<40x128xi32, #tpu.memory_space<hbm>>) target(%arg6 : memref<40x128xi32, #tpu.memory_space<vmem>>) target_semaphore(%run_scoped3A_80 : memref<!tpu.dma_semaphore, #tpu.memory_space<semaphore_mem>>)
        %dma_wait3A = arith.constant 0 : i32
        %dma_wait3A_92 = arith.constant 0 : i32
        %dma_wait3A_93 = tpu.memref_slice %arg2[%cond3A_61, %dma_wait3A, %dma_wait3A_92] : memref<2x2500x128xi32, #tpu.memory_space<hbm>> -> memref<1x2500x128xi32, #tpu.memory_space<hbm>>
        %dma_wait3A_94 = tpu.memref_squeeze %dma_wait3A_93 : memref<1x2500x128xi32, #tpu.memory_space<hbm>> -> memref<2500x128xi32, #tpu.memory_space<hbm>>
        %dma_wait3A_95 = arith.constant 0 : i32
        %dma_wait3A_96 = tpu.memref_slice %dma_wait3A_94[%add3A_79, %dma_wait3A_95] : memref<2500x128xi32, #tpu.memory_space<hbm>> -> memref<40x128xi32, #tpu.memory_space<hbm>>
        %dma_wait3A_97 = arith.constant 0 : i32
        %dma_wait3A_98 = arith.constant 0 : i32
        %dma_wait3A_99 = tpu.memref_slice %arg2[%cond3A_61, %dma_wait3A_97, %dma_wait3A_98] : memref<2x2500x128xi32, #tpu.memory_space<hbm>> -> memref<1x2500x128xi32, #tpu.memory_space<hbm>>
        %dma_wait3A_100 = tpu.memref_squeeze %dma_wait3A_99 : memref<1x2500x128xi32, #tpu.memory_space<hbm>> -> memref<2500x128xi32, #tpu.memory_space<hbm>>
        %dma_wait3A_101 = arith.constant 0 : i32
        %dma_wait3A_102 = tpu.memref_slice %dma_wait3A_100[%add3A_79, %dma_wait3A_101] : memref<2500x128xi32, #tpu.memory_space<hbm>> -> memref<40x128xi32, #tpu.memory_space<hbm>>
        tpu.wait_dma2 semaphore(%run_scoped3A_80 : memref<!tpu.dma_semaphore, #tpu.memory_space<semaphore_mem>>) src(%dma_wait3A_102 : memref<40x128xi32, #tpu.memory_space<hbm>>) dst(%arg6 : memref<40x128xi32, #tpu.memory_space<vmem>>)
        tpu.yield
      }) : () -> ()
    } else {
    }
    %sub3A_64 = arith.constant 40 : i32
    %sub3A_65 = arith.subi %select_n3A, %sub3A_64 : i32
    %jit3A_66 = arith.constant 0 : i32
    %jit3A_67 = arith.constant 40 : i32
    %max3A_68 = arith.maxsi %jit3A_66, %sub3A_65 : i32
    %min3A_69 = arith.minsi %jit3A_67, %max3A_68 : i32
    %gt3A_70 = arith.constant 0 : i32
    %gt3A_71 = arith.cmpi sgt, %min3A_69, %gt3A_70 : i32
    %convert_element_type3A_72 = arith.extui %gt3A_71 : i1 to i32
    %cond3A_73 = arith.constant 0 : i32
    %cond3A_74 = arith.cmpi ne, %convert_element_type3A_72, %cond3A_73 : i32
    scf.if %cond3A_74 {
      %dma_start3A = arith.constant 0 : i32
      %dma_start3A_76 = arith.constant 0 : i32
      %dma_start3A_77 = arith.constant 0 : i32
      %dma_start3A_78 = arith.constant 0 : i32
      %dma_start3A_79 = tpu.memref_slice %arg7[%dma_start3A_76, %dma_start3A_77, %dma_start3A_78] : memref<2x128x128xf32, #tpu.memory_space<vmem>> -> memref<1x128x128xf32, #tpu.memory_space<vmem>>
      %dma_start3A_80 = tpu.memref_squeeze %dma_start3A_79 : memref<1x128x128xf32, #tpu.memory_space<vmem>> -> memref<128x128xf32, #tpu.memory_space<vmem>>
      %dma_start3A_81 = arith.constant 0 : i32
      %dma_start3A_82 = tpu.memref_slice %arg5[%dma_start3A, %dma_start3A_81] : memref<40x128xi32, #tpu.memory_space<vmem>> -> memref<1x128xi32, #tpu.memory_space<vmem>>
      %dma_start3A_83 = tpu.memref_squeeze %dma_start3A_82 : memref<1x128xi32, #tpu.memory_space<vmem>> -> memref<128xi32, #tpu.memory_space<vmem>>
      %dma_start3A_84 = arith.constant 0 : i32
      %dma_start3A_85 = arith.constant 0 : i32
      %dma_start3A_86 = tpu.memref_slice %arg3[%dma_start3A_84, %dma_start3A_85] : memref<10240x128xf32, #tpu.memory_space<hbm>> -> memref<10240x128xf32, #tpu.memory_space<hbm>>
      tpu.enqueue_indirect_dma source(%dma_start3A_86 : memref<10240x128xf32, #tpu.memory_space<hbm>>) target(%dma_start3A_80 : memref<128x128xf32, #tpu.memory_space<vmem>>) offsets(%dma_start3A_83 : memref<128xi32, #tpu.memory_space<vmem>>) semaphore(%arg9 : memref<!tpu.dma_semaphore, #tpu.memory_space<semaphore_mem>>)
      %gt3A_87 = arith.constant 1 : i32
      %gt3A_88 = arith.cmpi sgt, %min3A_69, %gt3A_87 : i32
      %convert_element_type3A_89 = arith.extui %gt3A_88 : i1 to i32
      %cond3A_90 = arith.constant 0 : i32
      %cond3A_91 = arith.cmpi ne, %convert_element_type3A_89, %cond3A_90 : i32
      scf.if %cond3A_91 {
        %dma_start3A_109 = arith.constant 1 : i32
        %dma_start3A_110 = arith.constant 1 : i32
        %dma_start3A_111 = arith.constant 0 : i32
        %dma_start3A_112 = arith.constant 0 : i32
        %dma_start3A_113 = tpu.memref_slice %arg7[%dma_start3A_110, %dma_start3A_111, %dma_start3A_112] : memref<2x128x128xf32, #tpu.memory_space<vmem>> -> memref<1x128x128xf32, #tpu.memory_space<vmem>>
        %dma_start3A_114 = tpu.memref_squeeze %dma_start3A_113 : memref<1x128x128xf32, #tpu.memory_space<vmem>> -> memref<128x128xf32, #tpu.memory_space<vmem>>
        %dma_start3A_115 = arith.constant 0 : i32
        %dma_start3A_116 = tpu.memref_slice %arg5[%dma_start3A_109, %dma_start3A_115] : memref<40x128xi32, #tpu.memory_space<vmem>> -> memref<1x128xi32, #tpu.memory_space<vmem>>
        %dma_start3A_117 = tpu.memref_squeeze %dma_start3A_116 : memref<1x128xi32, #tpu.memory_space<vmem>> -> memref<128xi32, #tpu.memory_space<vmem>>
        %dma_start3A_118 = arith.constant 0 : i32
        %dma_start3A_119 = arith.constant 0 : i32
        %dma_start3A_120 = tpu.memref_slice %arg3[%dma_start3A_118, %dma_start3A_119] : memref<10240x128xf32, #tpu.memory_space<hbm>> -> memref<10240x128xf32, #tpu.memory_space<hbm>>
        tpu.enqueue_indirect_dma source(%dma_start3A_120 : memref<10240x128xf32, #tpu.memory_space<hbm>>) target(%dma_start3A_114 : memref<128x128xf32, #tpu.memory_space<vmem>>) offsets(%dma_start3A_117 : memref<128xi32, #tpu.memory_space<vmem>>) semaphore(%arg9 : memref<!tpu.dma_semaphore, #tpu.memory_space<semaphore_mem>>)
      } else {
      }
      %sub3A_92 = arith.constant 0 : i32
      %sub3A_93 = arith.subi %min3A_69, %sub3A_92 : i32
      %sub3A_94 = arith.constant 1 : i32
      %sub3A_95 = arith.constant 1 : i32
      %sub3A_96 = arith.subi %sub3A_94, %sub3A_95 : i32
      %add3A_97 = arith.addi %sub3A_93, %sub3A_96 : i32
      %div3A = arith.constant 1 : i32
      %div3A_98 = arith.divsi %add3A_97, %div3A : i32
      %while3A = arith.constant 1 : i32
      %while3A_99 = arith.constant 0 : i32
      %while3A_100 = arith.constant 0 : i32
      %while3A_101 = arith.subi %div3A_98, %while3A_100 : i32
      %while3A_102 = arith.addi %while3A_100, %while3A_101 : i32
      %while3A_103 = arith.constant 1 : i32
      %while3A_104 = arith.divsi %while3A_101, %while3A_103 : i32
      %while3A_105 = arith.muli %while3A_104, %while3A_103 : i32
      %while3A_106 = arith.addi %while3A_100, %while3A_105 : i32
      %while3A_107 = arith.constant 1 : i32
      scf.for %while3A_109 = %while3A_100 to %while3A_106 step %while3A_107  : i32 {
        %mul3A_110 = arith.muli %while3A_109, %while3A : i32
        %add3A_111 = arith.addi %while3A_99, %mul3A_110 : i32
        %jit3A_112 = arith.constant 2 : i32
        %eq3A_113 = arith.constant 0 : i32
        %eq3A_114 = arith.cmpi eq, %jit3A_112, %eq3A_113 : i32
        %jit3A_115 = arith.constant 1 : i32
        %select_n3A_116 = arith.select %eq3A_114, %jit3A_115, %jit3A_112 : i32
        %rem3A = arith.remsi %add3A_111, %select_n3A_116 : i32
        %ne3A = arith.constant 0 : i32
        %ne3A_117 = arith.cmpi ne, %rem3A, %ne3A : i32
        %lt3A_118 = arith.constant 0 : i32
        %lt3A_119 = arith.cmpi slt, %rem3A, %lt3A_118 : i32
        %lt3A_120 = arith.constant 0 : i32
        %lt3A_121 = arith.cmpi slt, %select_n3A_116, %lt3A_120 : i32
        %ne3A_122 = arith.xori %lt3A_119, %lt3A_121 : i1
        %and3A = arith.andi %ne3A_122, %ne3A_117 : i1
        %add3A_123 = arith.addi %rem3A, %select_n3A_116 : i32
        %select_n3A_124 = arith.select %and3A, %add3A_123, %rem3A : i32
        %dma_wait3A = arith.constant 0 : i32
        %dma_wait3A_125 = arith.constant 0 : i32
        %dma_wait3A_126 = tpu.memref_slice %arg7[%select_n3A_124, %dma_wait3A, %dma_wait3A_125] : memref<2x128x128xf32, #tpu.memory_space<vmem>> -> memref<1x128x128xf32, #tpu.memory_space<vmem>>
        %dma_wait3A_127 = tpu.memref_squeeze %dma_wait3A_126 : memref<1x128x128xf32, #tpu.memory_space<vmem>> -> memref<128x128xf32, #tpu.memory_space<vmem>>
        %dma_wait3A_128 = arith.constant 0 : i32
        %dma_wait3A_129 = tpu.memref_slice %arg5[%add3A_111, %dma_wait3A_128] : memref<40x128xi32, #tpu.memory_space<vmem>> -> memref<1x128xi32, #tpu.memory_space<vmem>>
        %dma_wait3A_130 = tpu.memref_squeeze %dma_wait3A_129 : memref<1x128xi32, #tpu.memory_space<vmem>> -> memref<128xi32, #tpu.memory_space<vmem>>
        %dma_wait3A_131 = arith.constant 0 : i32
        %dma_wait3A_132 = arith.constant 0 : i32
        %dma_wait3A_133 = tpu.memref_slice %arg3[%dma_wait3A_131, %dma_wait3A_132] : memref<10240x128xf32, #tpu.memory_space<hbm>> -> memref<10240x128xf32, #tpu.memory_space<hbm>>
        tpu.wait_indirect_dma semaphore(%arg9 : memref<!tpu.dma_semaphore, #tpu.memory_space<semaphore_mem>>) src(%dma_wait3A_133 : memref<10240x128xf32, #tpu.memory_space<hbm>>) dst(%dma_wait3A_127 : memref<128x128xf32, #tpu.memory_space<vmem>>)
        "tpu.region"() ({
          %run_scoped3A_140 = tpu.sem_alloc : memref<!tpu.dma_semaphore, #tpu.memory_space<semaphore_mem>>
          %dma_start3A_141 = arith.constant 0 : i32
          %dma_start3A_142 = arith.constant 0 : i32
          %dma_start3A_143 = tpu.memref_slice %arg7[%select_n3A_124, %dma_start3A_141, %dma_start3A_142] : memref<2x128x128xf32, #tpu.memory_space<vmem>> -> memref<1x128x128xf32, #tpu.memory_space<vmem>>
          %dma_start3A_144 = tpu.memref_squeeze %dma_start3A_143 : memref<1x128x128xf32, #tpu.memory_space<vmem>> -> memref<128x128xf32, #tpu.memory_space<vmem>>
          %dma_start3A_145 = arith.constant 0 : i32
          %dma_start3A_146 = tpu.memref_slice %arg6[%add3A_111, %dma_start3A_145] : memref<40x128xi32, #tpu.memory_space<vmem>> -> memref<1x128xi32, #tpu.memory_space<vmem>>
          %dma_start3A_147 = tpu.memref_squeeze %dma_start3A_146 : memref<1x128xi32, #tpu.memory_space<vmem>> -> memref<128xi32, #tpu.memory_space<vmem>>
          %dma_start3A_148 = arith.constant 0 : i32
          %dma_start3A_149 = arith.constant 0 : i32
          %dma_start3A_150 = tpu.memref_slice %arg8[%dma_start3A_148, %dma_start3A_149] : memref<10240x128xf32, #tpu.memory_space<vmem_shared>> -> memref<10240x128xf32, #tpu.memory_space<vmem_shared>>
          tpu.enqueue_indirect_dma source(%dma_start3A_144 : memref<128x128xf32, #tpu.memory_space<vmem>>) target(%dma_start3A_150 : memref<10240x128xf32, #tpu.memory_space<vmem_shared>>) offsets(%dma_start3A_147 : memref<128xi32, #tpu.memory_space<vmem>>) semaphore(%run_scoped3A_140 : memref<!tpu.dma_semaphore, #tpu.memory_space<semaphore_mem>>) {add = true}
          %dma_wait3A_151 = arith.constant 0 : i32
          %dma_wait3A_152 = arith.constant 0 : i32
          %dma_wait3A_153 = tpu.memref_slice %arg7[%select_n3A_124, %dma_wait3A_151, %dma_wait3A_152] : memref<2x128x128xf32, #tpu.memory_space<vmem>> -> memref<1x128x128xf32, #tpu.memory_space<vmem>>
          %dma_wait3A_154 = tpu.memref_squeeze %dma_wait3A_153 : memref<1x128x128xf32, #tpu.memory_space<vmem>> -> memref<128x128xf32, #tpu.memory_space<vmem>>
          %dma_wait3A_155 = arith.constant 0 : i32
          %dma_wait3A_156 = tpu.memref_slice %arg6[%add3A_111, %dma_wait3A_155] : memref<40x128xi32, #tpu.memory_space<vmem>> -> memref<1x128xi32, #tpu.memory_space<vmem>>
          %dma_wait3A_157 = tpu.memref_squeeze %dma_wait3A_156 : memref<1x128xi32, #tpu.memory_space<vmem>> -> memref<128xi32, #tpu.memory_space<vmem>>
          %dma_wait3A_158 = arith.constant 0 : i32
          %dma_wait3A_159 = arith.constant 0 : i32
          %dma_wait3A_160 = tpu.memref_slice %arg8[%dma_wait3A_158, %dma_wait3A_159] : memref<10240x128xf32, #tpu.memory_space<vmem_shared>> -> memref<10240x128xf32, #tpu.memory_space<vmem_shared>>
          tpu.wait_indirect_dma semaphore(%run_scoped3A_140 : memref<!tpu.dma_semaphore, #tpu.memory_space<semaphore_mem>>) src(%dma_wait3A_154 : memref<128x128xf32, #tpu.memory_space<vmem>>) dst(%dma_wait3A_160 : memref<10240x128xf32, #tpu.memory_space<vmem_shared>>)
          tpu.yield
        }) : () -> ()
        %add3A_134 = arith.constant 2 : i32
        %add3A_135 = arith.addi %add3A_111, %add3A_134 : i32
        %lt3A_136 = arith.cmpi slt, %add3A_135, %min3A_69 : i32
        %convert_element_type3A_137 = arith.extui %lt3A_136 : i1 to i32
        %cond3A_138 = arith.constant 0 : i32
        %cond3A_139 = arith.cmpi ne, %convert_element_type3A_137, %cond3A_138 : i32
        scf.if %cond3A_139 {
          %add3A_140 = arith.constant 2 : i32
          %add3A_141 = arith.addi %add3A_111, %add3A_140 : i32
          %dma_start3A_142 = arith.constant 0 : i32
          %dma_start3A_143 = arith.constant 0 : i32
          %dma_start3A_144 = tpu.memref_slice %arg7[%select_n3A_124, %dma_start3A_142, %dma_start3A_143] : memref<2x128x128xf32, #tpu.memory_space<vmem>> -> memref<1x128x128xf32, #tpu.memory_space<vmem>>
          %dma_start3A_145 = tpu.memref_squeeze %dma_start3A_144 : memref<1x128x128xf32, #tpu.memory_space<vmem>> -> memref<128x128xf32, #tpu.memory_space<vmem>>
          %dma_start3A_146 = arith.constant 0 : i32
          %dma_start3A_147 = tpu.memref_slice %arg5[%add3A_141, %dma_start3A_146] : memref<40x128xi32, #tpu.memory_space<vmem>> -> memref<1x128xi32, #tpu.memory_space<vmem>>
          %dma_start3A_148 = tpu.memref_squeeze %dma_start3A_147 : memref<1x128xi32, #tpu.memory_space<vmem>> -> memref<128xi32, #tpu.memory_space<vmem>>
          %dma_start3A_149 = arith.constant 0 : i32
          %dma_start3A_150 = arith.constant 0 : i32
          %dma_start3A_151 = tpu.memref_slice %arg3[%dma_start3A_149, %dma_start3A_150] : memref<10240x128xf32, #tpu.memory_space<hbm>> -> memref<10240x128xf32, #tpu.memory_space<hbm>>
          tpu.enqueue_indirect_dma source(%dma_start3A_151 : memref<10240x128xf32, #tpu.memory_space<hbm>>) target(%dma_start3A_145 : memref<128x128xf32, #tpu.memory_space<vmem>>) offsets(%dma_start3A_148 : memref<128xi32, #tpu.memory_space<vmem>>) semaphore(%arg9 : memref<!tpu.dma_semaphore, #tpu.memory_space<semaphore_mem>>)
        } else {
        }
      }
      %while3A_108 = arith.constant 1 : i32
      scf.for %while3A_109 = %while3A_106 to %while3A_102 step %while3A_108  : i32 {
        %mul3A_110 = arith.muli %while3A_109, %while3A : i32
        %add3A_111 = arith.addi %while3A_99, %mul3A_110 : i32
        %jit3A_112 = arith.constant 2 : i32
        %eq3A_113 = arith.constant 0 : i32
        %eq3A_114 = arith.cmpi eq, %jit3A_112, %eq3A_113 : i32
        %jit3A_115 = arith.constant 1 : i32
        %select_n3A_116 = arith.select %eq3A_114, %jit3A_115, %jit3A_112 : i32
        %rem3A = arith.remsi %add3A_111, %select_n3A_116 : i32
        %ne3A = arith.constant 0 : i32
        %ne3A_117 = arith.cmpi ne, %rem3A, %ne3A : i32
        %lt3A_118 = arith.constant 0 : i32
        %lt3A_119 = arith.cmpi slt, %rem3A, %lt3A_118 : i32
        %lt3A_120 = arith.constant 0 : i32
        %lt3A_121 = arith.cmpi slt, %select_n3A_116, %lt3A_120 : i32
        %ne3A_122 = arith.xori %lt3A_119, %lt3A_121 : i1
        %and3A = arith.andi %ne3A_122, %ne3A_117 : i1
        %add3A_123 = arith.addi %rem3A, %select_n3A_116 : i32
        %select_n3A_124 = arith.select %and3A, %add3A_123, %rem3A : i32
        %dma_wait3A = arith.constant 0 : i32
        %dma_wait3A_125 = arith.constant 0 : i32
        %dma_wait3A_126 = tpu.memref_slice %arg7[%select_n3A_124, %dma_wait3A, %dma_wait3A_125] : memref<2x128x128xf32, #tpu.memory_space<vmem>> -> memref<1x128x128xf32, #tpu.memory_space<vmem>>
        %dma_wait3A_127 = tpu.memref_squeeze %dma_wait3A_126 : memref<1x128x128xf32, #tpu.memory_space<vmem>> -> memref<128x128xf32, #tpu.memory_space<vmem>>
        %dma_wait3A_128 = arith.constant 0 : i32
        %dma_wait3A_129 = tpu.memref_slice %arg5[%add3A_111, %dma_wait3A_128] : memref<40x128xi32, #tpu.memory_space<vmem>> -> memref<1x128xi32, #tpu.memory_space<vmem>>
        %dma_wait3A_130 = tpu.memref_squeeze %dma_wait3A_129 : memref<1x128xi32, #tpu.memory_space<vmem>> -> memref<128xi32, #tpu.memory_space<vmem>>
        %dma_wait3A_131 = arith.constant 0 : i32
        %dma_wait3A_132 = arith.constant 0 : i32
        %dma_wait3A_133 = tpu.memref_slice %arg3[%dma_wait3A_131, %dma_wait3A_132] : memref<10240x128xf32, #tpu.memory_space<hbm>> -> memref<10240x128xf32, #tpu.memory_space<hbm>>
        tpu.wait_indirect_dma semaphore(%arg9 : memref<!tpu.dma_semaphore, #tpu.memory_space<semaphore_mem>>) src(%dma_wait3A_133 : memref<10240x128xf32, #tpu.memory_space<hbm>>) dst(%dma_wait3A_127 : memref<128x128xf32, #tpu.memory_space<vmem>>)
        "tpu.region"() ({
          %run_scoped3A_140 = tpu.sem_alloc : memref<!tpu.dma_semaphore, #tpu.memory_space<semaphore_mem>>
          %dma_start3A_141 = arith.constant 0 : i32
          %dma_start3A_142 = arith.constant 0 : i32
          %dma_start3A_143 = tpu.memref_slice %arg7[%select_n3A_124, %dma_start3A_141, %dma_start3A_142] : memref<2x128x128xf32, #tpu.memory_space<vmem>> -> memref<1x128x128xf32, #tpu.memory_space<vmem>>
          %dma_start3A_144 = tpu.memref_squeeze %dma_start3A_143 : memref<1x128x128xf32, #tpu.memory_space<vmem>> -> memref<128x128xf32, #tpu.memory_space<vmem>>
          %dma_start3A_145 = arith.constant 0 : i32
          %dma_start3A_146 = tpu.memref_slice %arg6[%add3A_111, %dma_start3A_145] : memref<40x128xi32, #tpu.memory_space<vmem>> -> memref<1x128xi32, #tpu.memory_space<vmem>>
          %dma_start3A_147 = tpu.memref_squeeze %dma_start3A_146 : memref<1x128xi32, #tpu.memory_space<vmem>> -> memref<128xi32, #tpu.memory_space<vmem>>
          %dma_start3A_148 = arith.constant 0 : i32
          %dma_start3A_149 = arith.constant 0 : i32
          %dma_start3A_150 = tpu.memref_slice %arg8[%dma_start3A_148, %dma_start3A_149] : memref<10240x128xf32, #tpu.memory_space<vmem_shared>> -> memref<10240x128xf32, #tpu.memory_space<vmem_shared>>
          tpu.enqueue_indirect_dma source(%dma_start3A_144 : memref<128x128xf32, #tpu.memory_space<vmem>>) target(%dma_start3A_150 : memref<10240x128xf32, #tpu.memory_space<vmem_shared>>) offsets(%dma_start3A_147 : memref<128xi32, #tpu.memory_space<vmem>>) semaphore(%run_scoped3A_140 : memref<!tpu.dma_semaphore, #tpu.memory_space<semaphore_mem>>) {add = true}
          %dma_wait3A_151 = arith.constant 0 : i32
          %dma_wait3A_152 = arith.constant 0 : i32
          %dma_wait3A_153 = tpu.memref_slice %arg7[%select_n3A_124, %dma_wait3A_151, %dma_wait3A_152] : memref<2x128x128xf32, #tpu.memory_space<vmem>> -> memref<1x128x128xf32, #tpu.memory_space<vmem>>
          %dma_wait3A_154 = tpu.memref_squeeze %dma_wait3A_153 : memref<1x128x128xf32, #tpu.memory_space<vmem>> -> memref<128x128xf32, #tpu.memory_space<vmem>>
          %dma_wait3A_155 = arith.constant 0 : i32
          %dma_wait3A_156 = tpu.memref_slice %arg6[%add3A_111, %dma_wait3A_155] : memref<40x128xi32, #tpu.memory_space<vmem>> -> memref<1x128xi32, #tpu.memory_space<vmem>>
          %dma_wait3A_157 = tpu.memref_squeeze %dma_wait3A_156 : memref<1x128xi32, #tpu.memory_space<vmem>> -> memref<128xi32, #tpu.memory_space<vmem>>
          %dma_wait3A_158 = arith.constant 0 : i32
          %dma_wait3A_159 = arith.constant 0 : i32
          %dma_wait3A_160 = tpu.memref_slice %arg8[%dma_wait3A_158, %dma_wait3A_159] : memref<10240x128xf32, #tpu.memory_space<vmem_shared>> -> memref<10240x128xf32, #tpu.memory_space<vmem_shared>>
          tpu.wait_indirect_dma semaphore(%run_scoped3A_140 : memref<!tpu.dma_semaphore, #tpu.memory_space<semaphore_mem>>) src(%dma_wait3A_154 : memref<128x128xf32, #tpu.memory_space<vmem>>) dst(%dma_wait3A_160 : memref<10240x128xf32, #tpu.memory_space<vmem_shared>>)
          tpu.yield
        }) : () -> ()
        %add3A_134 = arith.constant 2 : i32
        %add3A_135 = arith.addi %add3A_111, %add3A_134 : i32
        %lt3A_136 = arith.cmpi slt, %add3A_135, %min3A_69 : i32
        %convert_element_type3A_137 = arith.extui %lt3A_136 : i1 to i32
        %cond3A_138 = arith.constant 0 : i32
        %cond3A_139 = arith.cmpi ne, %convert_element_type3A_137, %cond3A_138 : i32
        scf.if %cond3A_139 {
          %add3A_140 = arith.constant 2 : i32
          %add3A_141 = arith.addi %add3A_111, %add3A_140 : i32
          %dma_start3A_142 = arith.constant 0 : i32
          %dma_start3A_143 = arith.constant 0 : i32
          %dma_start3A_144 = tpu.memref_slice %arg7[%select_n3A_124, %dma_start3A_142, %dma_start3A_143] : memref<2x128x128xf32, #tpu.memory_space<vmem>> -> memref<1x128x128xf32, #tpu.memory_space<vmem>>
          %dma_start3A_145 = tpu.memref_squeeze %dma_start3A_144 : memref<1x128x128xf32, #tpu.memory_space<vmem>> -> memref<128x128xf32, #tpu.memory_space<vmem>>
          %dma_start3A_146 = arith.constant 0 : i32
          %dma_start3A_147 = tpu.memref_slice %arg5[%add3A_141, %dma_start3A_146] : memref<40x128xi32, #tpu.memory_space<vmem>> -> memref<1x128xi32, #tpu.memory_space<vmem>>
          %dma_start3A_148 = tpu.memref_squeeze %dma_start3A_147 : memref<1x128xi32, #tpu.memory_space<vmem>> -> memref<128xi32, #tpu.memory_space<vmem>>
          %dma_start3A_149 = arith.constant 0 : i32
          %dma_start3A_150 = arith.constant 0 : i32
          %dma_start3A_151 = tpu.memref_slice %arg3[%dma_start3A_149, %dma_start3A_150] : memref<10240x128xf32, #tpu.memory_space<hbm>> -> memref<10240x128xf32, #tpu.memory_space<hbm>>
          tpu.enqueue_indirect_dma source(%dma_start3A_151 : memref<10240x128xf32, #tpu.memory_space<hbm>>) target(%dma_start3A_145 : memref<128x128xf32, #tpu.memory_space<vmem>>) offsets(%dma_start3A_148 : memref<128xi32, #tpu.memory_space<vmem>>) semaphore(%arg9 : memref<!tpu.dma_semaphore, #tpu.memory_space<semaphore_mem>>)
        } else {
        }
      }
    } else {
    }
    %barrier3A_75 = arith.constant 0 : index
    tpu.barrier barrier_id(%barrier3A_75)
    "tpu.region"() ({
      %run_scoped3A_76 = tpu.sem_alloc : memref<!tpu.dma_semaphore, #tpu.memory_space<semaphore_mem>>
      %dma_start3A = arith.constant 0 : i32
      %dma_start3A_77 = arith.constant 0 : i32
      %dma_start3A_78 = tpu.memref_slice %arg4[%arg0, %dma_start3A, %dma_start3A_77] : memref<2x10240x128xf32, #tpu.memory_space<hbm>> -> memref<1x10240x128xf32, #tpu.memory_space<hbm>>
      %dma_start3A_79 = tpu.memref_squeeze %dma_start3A_78 : memref<1x10240x128xf32, #tpu.memory_space<hbm>> -> memref<10240x128xf32, #tpu.memory_space<hbm>>
      %dma_start3A_80 = arith.constant 0 : i32
      %dma_start3A_81 = tpu.memref_slice %dma_start3A_79[%mul3A_4, %dma_start3A_80] : memref<10240x128xf32, #tpu.memory_space<hbm>> -> memref<640x128xf32, #tpu.memory_space<hbm>>
      %dma_start3A_82 = arith.constant 0 : i32
      %dma_start3A_83 = tpu.memref_slice %arg8[%mul3A_4, %dma_start3A_82] : memref<10240x128xf32, #tpu.memory_space<vmem_shared>> -> memref<640x128xf32, #tpu.memory_space<vmem_shared>>
      tpu.enqueue_dma source(%dma_start3A_83 : memref<640x128xf32, #tpu.memory_space<vmem_shared>>) target(%dma_start3A_81 : memref<640x128xf32, #tpu.memory_space<hbm>>) target_semaphore(%run_scoped3A_76 : memref<!tpu.dma_semaphore, #tpu.memory_space<semaphore_mem>>)
      %dma_wait3A = arith.constant 0 : i32
      %dma_wait3A_84 = arith.constant 0 : i32
      %dma_wait3A_85 = tpu.memref_slice %arg4[%arg0, %dma_wait3A, %dma_wait3A_84] : memref<2x10240x128xf32, #tpu.memory_space<hbm>> -> memref<1x10240x128xf32, #tpu.memory_space<hbm>>
      %dma_wait3A_86 = tpu.memref_squeeze %dma_wait3A_85 : memref<1x10240x128xf32, #tpu.memory_space<hbm>> -> memref<10240x128xf32, #tpu.memory_space<hbm>>
      %dma_wait3A_87 = arith.constant 0 : i32
      %dma_wait3A_88 = tpu.memref_slice %dma_wait3A_86[%mul3A_4, %dma_wait3A_87] : memref<10240x128xf32, #tpu.memory_space<hbm>> -> memref<640x128xf32, #tpu.memory_space<hbm>>
      %dma_wait3A_89 = arith.constant 0 : i32
      %dma_wait3A_90 = tpu.memref_slice %arg8[%mul3A_4, %dma_wait3A_89] : memref<10240x128xf32, #tpu.memory_space<vmem_shared>> -> memref<640x128xf32, #tpu.memory_space<vmem_shared>>
      tpu.wait_dma2 semaphore(%run_scoped3A_76 : memref<!tpu.dma_semaphore, #tpu.memory_space<semaphore_mem>>) src(%dma_wait3A_90 : memref<640x128xf32, #tpu.memory_space<vmem_shared>>) dst(%dma_wait3A_88 : memref<640x128xf32, #tpu.memory_space<hbm>>)
      tpu.yield
    }) : () -> ()
    return
  }
}

#map = affine_map<(d0, d1) -> (0, 0, 0)>
#map1 = affine_map<(d0, d1) -> (0, 0)>
module attributes {stable_mosaic.version = 14 : i64} {
  func.func @_agg(%arg0: i32, %arg1: i32, %arg2: memref<2x2500x128xi32, #tpu.memory_space<hbm>>, %arg3: memref<10240x128xf32, #tpu.memory_space<hbm>>, %arg4: memref<2x10240x128xf32, #tpu.memory_space<hbm>>, %arg5: memref<40x128xi32, #tpu.memory_space<vmem>>, %arg6: memref<40x128xi32, #tpu.memory_space<vmem>>, %arg7: memref<2x128x128xf32, #tpu.memory_space<vmem>>, %arg8: memref<10240x128xf32, #tpu.memory_space<vmem_shared>>, %arg9: memref<!tpu.dma_semaphore, #tpu.memory_space<semaphore_mem>>) attributes {dimension_semantics = [#tpu.dimension_semantics<core_parallel>, #tpu.dimension_semantics<subcore_parallel>], iteration_bounds = array<i64: 2, 16>, scalar_prefetch = 0 : i64, scratch_operands = 5 : i64, tpu.core_type = #tpu.core_type<sc_vector_subcore>, window_params = [{transform_indices = #map}, {transform_indices = #map1}, {transform_indices = #map}]} {
    %mul3A = arith.constant 2 : i32
    %mul3A_0 = arith.muli %arg1, %mul3A : i32
    %add3A = arith.addi %mul3A_0, %arg0 : i32
    %lt3A = arith.constant 31 : i32
    %lt3A_1 = arith.cmpi slt, %add3A, %lt3A : i32
    %jit3A = arith.constant 80 : i32
    %jit3A_2 = arith.constant 20 : i32
    %select_n3A = arith.select %lt3A_1, %jit3A, %jit3A_2 : i32
    %mul3A_3 = arith.constant 640 : i32
    %mul3A_4 = arith.muli %arg1, %mul3A_3 : i32
    %scan3A = arith.constant 0 : i32
    %scan3A_5 = arith.constant 0 : i32
    %scan3A_6 = arith.constant 128 : i32
    %scan3A_7 = arith.addi %scan3A_5, %scan3A_6 : i32
    %scan3A_8 = arith.constant 1 : i32
    scf.for %scan3A_76 = %scan3A_5 to %scan3A_7 step %scan3A_8  : i32 {
      %mul3A_77 = arith.constant 1 : i32
      %mul3A_78 = arith.muli %scan3A_76, %mul3A_77 : i32
      %add3A_79 = arith.constant 0 : i32
      %add3A_80 = arith.addi %add3A_79, %mul3A_78 : i32
      %broadcast_in_dim3A = arith.constant 0.000000e+00 : f32
      %broadcast_in_dim3A_81 = vector.broadcast %broadcast_in_dim3A : f32 to vector<16xf32>
      %swap3A = arith.constant 0 : i32
      %swap3A_82 = arith.constant 0 : i32
      %swap3A_83 = tpu.memref_slice %arg7[%scan3A, %swap3A, %swap3A_82] : memref<2x128x128xf32, #tpu.memory_space<vmem>> -> memref<1x128x128xf32, #tpu.memory_space<vmem>>
      %swap3A_84 = tpu.memref_squeeze %swap3A_83 : memref<1x128x128xf32, #tpu.memory_space<vmem>> -> memref<128x128xf32, #tpu.memory_space<vmem>>
      %swap3A_85 = arith.constant 0 : i32
      %swap3A_86 = tpu.memref_slice %swap3A_84[%add3A_80, %swap3A_85] : memref<128x128xf32, #tpu.memory_space<vmem>> -> memref<1x128xf32, #tpu.memory_space<vmem>>
      %swap3A_87 = tpu.memref_squeeze %swap3A_86 : memref<1x128xf32, #tpu.memory_space<vmem>> -> memref<128xf32, #tpu.memory_space<vmem>>
      %swap3A_88 = arith.constant 0 : index
      %swap3A_89 = tpu.vector_load %swap3A_87[%swap3A_88] {strides = array<i32>} : memref<128xf32, #tpu.memory_space<vmem>>, vector<16xf32>,
      %swap3A_90 = vector.shape_cast %swap3A_89 : vector<16xf32> to vector<16xf32>
      %swap3A_91 = vector.shape_cast %broadcast_in_dim3A_81 : vector<16xf32> to vector<16xf32>
      tpu.vector_store %swap3A_87[%swap3A_88], %swap3A_91 {strides = array<i32>} : memref<128xf32, #tpu.memory_space<vmem>>, vector<16xf32>,
      %broadcast_in_dim3A_92 = arith.constant 0.000000e+00 : f32
      %broadcast_in_dim3A_93 = vector.broadcast %broadcast_in_dim3A_92 : f32 to vector<16xf32>
      %swap3A_94 = arith.constant 0 : i32
      %swap3A_95 = arith.constant 0 : i32
      %swap3A_96 = tpu.memref_slice %arg7[%scan3A, %swap3A_94, %swap3A_95] : memref<2x128x128xf32, #tpu.memory_space<vmem>> -> memref<1x128x128xf32, #tpu.memory_space<vmem>>
      %swap3A_97 = tpu.memref_squeeze %swap3A_96 : memref<1x128x128xf32, #tpu.memory_space<vmem>> -> memref<128x128xf32, #tpu.memory_space<vmem>>
      %swap3A_98 = arith.constant 0 : i32
      %swap3A_99 = tpu.memref_slice %swap3A_97[%add3A_80, %swap3A_98] : memref<128x128xf32, #tpu.memory_space<vmem>> -> memref<1x128xf32, #tpu.memory_space<vmem>>
      %swap3A_100 = tpu.memref_squeeze %swap3A_99 : memref<1x128xf32, #tpu.memory_space<vmem>> -> memref<128xf32, #tpu.memory_space<vmem>>
      %swap3A_101 = arith.constant 16 : index
      %swap3A_102 = tpu.vector_load %swap3A_100[%swap3A_101] {strides = array<i32>} : memref<128xf32, #tpu.memory_space<vmem>>, vector<16xf32>,
      %swap3A_103 = vector.shape_cast %swap3A_102 : vector<16xf32> to vector<16xf32>
      %swap3A_104 = vector.shape_cast %broadcast_in_dim3A_93 : vector<16xf32> to vector<16xf32>
      tpu.vector_store %swap3A_100[%swap3A_101], %swap3A_104 {strides = array<i32>} : memref<128xf32, #tpu.memory_space<vmem>>, vector<16xf32>,
      %broadcast_in_dim3A_105 = arith.constant 0.000000e+00 : f32
      %broadcast_in_dim3A_106 = vector.broadcast %broadcast_in_dim3A_105 : f32 to vector<16xf32>
      %swap3A_107 = arith.constant 0 : i32
      %swap3A_108 = arith.constant 0 : i32
      %swap3A_109 = tpu.memref_slice %arg7[%scan3A, %swap3A_107, %swap3A_108] : memref<2x128x128xf32, #tpu.memory_space<vmem>> -> memref<1x128x128xf32, #tpu.memory_space<vmem>>
      %swap3A_110 = tpu.memref_squeeze %swap3A_109 : memref<1x128x128xf32, #tpu.memory_space<vmem>> -> memref<128x128xf32, #tpu.memory_space<vmem>>
      %swap3A_111 = arith.constant 0 : i32
      %swap3A_112 = tpu.memref_slice %swap3A_110[%add3A_80, %swap3A_111] : memref<128x128xf32, #tpu.memory_space<vmem>> -> memref<1x128xf32, #tpu.memory_space<vmem>>
      %swap3A_113 = tpu.memref_squeeze %swap3A_112 : memref<1x128xf32, #tpu.memory_space<vmem>> -> memref<128xf32, #tpu.memory_space<vmem>>
      %swap3A_114 = arith.constant 32 : index
      %swap3A_115 = tpu.vector_load %swap3A_113[%swap3A_114] {strides = array<i32>} : memref<128xf32, #tpu.memory_space<vmem>>, vector<16xf32>,
      %swap3A_116 = vector.shape_cast %swap3A_115 : vector<16xf32> to vector<16xf32>
      %swap3A_117 = vector.shape_cast %broadcast_in_dim3A_106 : vector<16xf32> to vector<16xf32>
      tpu.vector_store %swap3A_113[%swap3A_114], %swap3A_117 {strides = array<i32>} : memref<128xf32, #tpu.memory_space<vmem>>, vector<16xf32>,
      %broadcast_in_dim3A_118 = arith.constant 0.000000e+00 : f32
      %broadcast_in_dim3A_119 = vector.broadcast %broadcast_in_dim3A_118 : f32 to vector<16xf32>
      %swap3A_120 = arith.constant 0 : i32
      %swap3A_121 = arith.constant 0 : i32
      %swap3A_122 = tpu.memref_slice %arg7[%scan3A, %swap3A_120, %swap3A_121] : memref<2x128x128xf32, #tpu.memory_space<vmem>> -> memref<1x128x128xf32, #tpu.memory_space<vmem>>
      %swap3A_123 = tpu.memref_squeeze %swap3A_122 : memref<1x128x128xf32, #tpu.memory_space<vmem>> -> memref<128x128xf32, #tpu.memory_space<vmem>>
      %swap3A_124 = arith.constant 0 : i32
      %swap3A_125 = tpu.memref_slice %swap3A_123[%add3A_80, %swap3A_124] : memref<128x128xf32, #tpu.memory_space<vmem>> -> memref<1x128xf32, #tpu.memory_space<vmem>>
      %swap3A_126 = tpu.memref_squeeze %swap3A_125 : memref<1x128xf32, #tpu.memory_space<vmem>> -> memref<128xf32, #tpu.memory_space<vmem>>
      %swap3A_127 = arith.constant 48 : index
      %swap3A_128 = tpu.vector_load %swap3A_126[%swap3A_127] {strides = array<i32>} : memref<128xf32, #tpu.memory_space<vmem>>, vector<16xf32>,
      %swap3A_129 = vector.shape_cast %swap3A_128 : vector<16xf32> to vector<16xf32>
      %swap3A_130 = vector.shape_cast %broadcast_in_dim3A_119 : vector<16xf32> to vector<16xf32>
      tpu.vector_store %swap3A_126[%swap3A_127], %swap3A_130 {strides = array<i32>} : memref<128xf32, #tpu.memory_space<vmem>>, vector<16xf32>,
      %broadcast_in_dim3A_131 = arith.constant 0.000000e+00 : f32
      %broadcast_in_dim3A_132 = vector.broadcast %broadcast_in_dim3A_131 : f32 to vector<16xf32>
      %swap3A_133 = arith.constant 0 : i32
      %swap3A_134 = arith.constant 0 : i32
      %swap3A_135 = tpu.memref_slice %arg7[%scan3A, %swap3A_133, %swap3A_134] : memref<2x128x128xf32, #tpu.memory_space<vmem>> -> memref<1x128x128xf32, #tpu.memory_space<vmem>>
      %swap3A_136 = tpu.memref_squeeze %swap3A_135 : memref<1x128x128xf32, #tpu.memory_space<vmem>> -> memref<128x128xf32, #tpu.memory_space<vmem>>
      %swap3A_137 = arith.constant 0 : i32
      %swap3A_138 = tpu.memref_slice %swap3A_136[%add3A_80, %swap3A_137] : memref<128x128xf32, #tpu.memory_space<vmem>> -> memref<1x128xf32, #tpu.memory_space<vmem>>
      %swap3A_139 = tpu.memref_squeeze %swap3A_138 : memref<1x128xf32, #tpu.memory_space<vmem>> -> memref<128xf32, #tpu.memory_space<vmem>>
      %swap3A_140 = arith.constant 64 : index
      %swap3A_141 = tpu.vector_load %swap3A_139[%swap3A_140] {strides = array<i32>} : memref<128xf32, #tpu.memory_space<vmem>>, vector<16xf32>,
      %swap3A_142 = vector.shape_cast %swap3A_141 : vector<16xf32> to vector<16xf32>
      %swap3A_143 = vector.shape_cast %broadcast_in_dim3A_132 : vector<16xf32> to vector<16xf32>
      tpu.vector_store %swap3A_139[%swap3A_140], %swap3A_143 {strides = array<i32>} : memref<128xf32, #tpu.memory_space<vmem>>, vector<16xf32>,
      %broadcast_in_dim3A_144 = arith.constant 0.000000e+00 : f32
      %broadcast_in_dim3A_145 = vector.broadcast %broadcast_in_dim3A_144 : f32 to vector<16xf32>
      %swap3A_146 = arith.constant 0 : i32
      %swap3A_147 = arith.constant 0 : i32
      %swap3A_148 = tpu.memref_slice %arg7[%scan3A, %swap3A_146, %swap3A_147] : memref<2x128x128xf32, #tpu.memory_space<vmem>> -> memref<1x128x128xf32, #tpu.memory_space<vmem>>
      %swap3A_149 = tpu.memref_squeeze %swap3A_148 : memref<1x128x128xf32, #tpu.memory_space<vmem>> -> memref<128x128xf32, #tpu.memory_space<vmem>>
      %swap3A_150 = arith.constant 0 : i32
      %swap3A_151 = tpu.memref_slice %swap3A_149[%add3A_80, %swap3A_150] : memref<128x128xf32, #tpu.memory_space<vmem>> -> memref<1x128xf32, #tpu.memory_space<vmem>>
      %swap3A_152 = tpu.memref_squeeze %swap3A_151 : memref<1x128xf32, #tpu.memory_space<vmem>> -> memref<128xf32, #tpu.memory_space<vmem>>
      %swap3A_153 = arith.constant 80 : index
      %swap3A_154 = tpu.vector_load %swap3A_152[%swap3A_153] {strides = array<i32>} : memref<128xf32, #tpu.memory_space<vmem>>, vector<16xf32>,
      %swap3A_155 = vector.shape_cast %swap3A_154 : vector<16xf32> to vector<16xf32>
      %swap3A_156 = vector.shape_cast %broadcast_in_dim3A_145 : vector<16xf32> to vector<16xf32>
      tpu.vector_store %swap3A_152[%swap3A_153], %swap3A_156 {strides = array<i32>} : memref<128xf32, #tpu.memory_space<vmem>>, vector<16xf32>,
      %broadcast_in_dim3A_157 = arith.constant 0.000000e+00 : f32
      %broadcast_in_dim3A_158 = vector.broadcast %broadcast_in_dim3A_157 : f32 to vector<16xf32>
      %swap3A_159 = arith.constant 0 : i32
      %swap3A_160 = arith.constant 0 : i32
      %swap3A_161 = tpu.memref_slice %arg7[%scan3A, %swap3A_159, %swap3A_160] : memref<2x128x128xf32, #tpu.memory_space<vmem>> -> memref<1x128x128xf32, #tpu.memory_space<vmem>>
      %swap3A_162 = tpu.memref_squeeze %swap3A_161 : memref<1x128x128xf32, #tpu.memory_space<vmem>> -> memref<128x128xf32, #tpu.memory_space<vmem>>
      %swap3A_163 = arith.constant 0 : i32
      %swap3A_164 = tpu.memref_slice %swap3A_162[%add3A_80, %swap3A_163] : memref<128x128xf32, #tpu.memory_space<vmem>> -> memref<1x128xf32, #tpu.memory_space<vmem>>
      %swap3A_165 = tpu.memref_squeeze %swap3A_164 : memref<1x128xf32, #tpu.memory_space<vmem>> -> memref<128xf32, #tpu.memory_space<vmem>>
      %swap3A_166 = arith.constant 96 : index
      %swap3A_167 = tpu.vector_load %swap3A_165[%swap3A_166] {strides = array<i32>} : memref<128xf32, #tpu.memory_space<vmem>>, vector<16xf32>,
      %swap3A_168 = vector.shape_cast %swap3A_167 : vector<16xf32> to vector<16xf32>
      %swap3A_169 = vector.shape_cast %broadcast_in_dim3A_158 : vector<16xf32> to vector<16xf32>
      tpu.vector_store %swap3A_165[%swap3A_166], %swap3A_169 {strides = array<i32>} : memref<128xf32, #tpu.memory_space<vmem>>, vector<16xf32>,
      %broadcast_in_dim3A_170 = arith.constant 0.000000e+00 : f32
      %broadcast_in_dim3A_171 = vector.broadcast %broadcast_in_dim3A_170 : f32 to vector<16xf32>
      %swap3A_172 = arith.constant 0 : i32
      %swap3A_173 = arith.constant 0 : i32
      %swap3A_174 = tpu.memref_slice %arg7[%scan3A, %swap3A_172, %swap3A_173] : memref<2x128x128xf32, #tpu.memory_space<vmem>> -> memref<1x128x128xf32, #tpu.memory_space<vmem>>
      %swap3A_175 = tpu.memref_squeeze %swap3A_174 : memref<1x128x128xf32, #tpu.memory_space<vmem>> -> memref<128x128xf32, #tpu.memory_space<vmem>>
      %swap3A_176 = arith.constant 0 : i32
      %swap3A_177 = tpu.memref_slice %swap3A_175[%add3A_80, %swap3A_176] : memref<128x128xf32, #tpu.memory_space<vmem>> -> memref<1x128xf32, #tpu.memory_space<vmem>>
      %swap3A_178 = tpu.memref_squeeze %swap3A_177 : memref<1x128xf32, #tpu.memory_space<vmem>> -> memref<128xf32, #tpu.memory_space<vmem>>
      %swap3A_179 = arith.constant 112 : index
      %swap3A_180 = tpu.vector_load %swap3A_178[%swap3A_179] {strides = array<i32>} : memref<128xf32, #tpu.memory_space<vmem>>, vector<16xf32>,
      %swap3A_181 = vector.shape_cast %swap3A_180 : vector<16xf32> to vector<16xf32>
      %swap3A_182 = vector.shape_cast %broadcast_in_dim3A_171 : vector<16xf32> to vector<16xf32>
      tpu.vector_store %swap3A_178[%swap3A_179], %swap3A_182 {strides = array<i32>} : memref<128xf32, #tpu.memory_space<vmem>>, vector<16xf32>,
    }
    %scan3A_9 = arith.constant 128 : i32
    %add3A_10 = arith.constant 0 : i32
    %add3A_11 = arith.addi %mul3A_4, %add3A_10 : i32
    %run_scoped3A = arith.constant 0 : i32
    "tpu.region"() ({
      %run_scoped3A_76 = tpu.sem_alloc : memref<!tpu.dma_semaphore, #tpu.memory_space<semaphore_mem>>
      %dma_start3A = arith.constant 0 : i32
      %dma_start3A_77 = arith.constant 0 : i32
      %dma_start3A_78 = tpu.memref_slice %arg7[%run_scoped3A, %dma_start3A, %dma_start3A_77] : memref<2x128x128xf32, #tpu.memory_space<vmem>> -> memref<1x128x128xf32, #tpu.memory_space<vmem>>
      %dma_start3A_79 = tpu.memref_squeeze %dma_start3A_78 : memref<1x128x128xf32, #tpu.memory_space<vmem>> -> memref<128x128xf32, #tpu.memory_space<vmem>>
      %dma_start3A_80 = arith.constant 0 : i32
      %dma_start3A_81 = tpu.memref_slice %arg8[%add3A_11, %dma_start3A_80] : memref<10240x128xf32, #tpu.memory_space<vmem_shared>> -> memref<128x128xf32, #tpu.memory_space<vmem_shared>>
      %dma_start3A_82 = arith.constant 0 : i32
      %dma_start3A_83 = tpu.memref_slice %arg8[%add3A_11, %dma_start3A_82] : memref<10240x128xf32, #tpu.memory_space<vmem_shared>> -> memref<128x128xf32, #tpu.memory_space<vmem_shared>>
      %dma_start3A_84 = arith.constant 0 : i32
      %dma_start3A_85 = arith.constant 0 : i32
      %dma_start3A_86 = tpu.memref_slice %arg7[%run_scoped3A, %dma_start3A_84, %dma_start3A_85] : memref<2x128x128xf32, #tpu.memory_space<vmem>> -> memref<1x128x128xf32, #tpu.memory_space<vmem>>
      %dma_start3A_87 = tpu.memref_squeeze %dma_start3A_86 : memref<1x128x128xf32, #tpu.memory_space<vmem>> -> memref<128x128xf32, #tpu.memory_space<vmem>>
      tpu.enqueue_dma source(%dma_start3A_87 : memref<128x128xf32, #tpu.memory_space<vmem>>) target(%dma_start3A_83 : memref<128x128xf32, #tpu.memory_space<vmem_shared>>) target_semaphore(%run_scoped3A_76 : memref<!tpu.dma_semaphore, #tpu.memory_space<semaphore_mem>>)
      %dma_wait3A = arith.constant 0 : i32
      %dma_wait3A_88 = arith.constant 0 : i32
      %dma_wait3A_89 = tpu.memref_slice %arg7[%run_scoped3A, %dma_wait3A, %dma_wait3A_88] : memref<2x128x128xf32, #tpu.memory_space<vmem>> -> memref<1x128x128xf32, #tpu.memory_space<vmem>>
      %dma_wait3A_90 = tpu.memref_squeeze %dma_wait3A_89 : memref<1x128x128xf32, #tpu.memory_space<vmem>> -> memref<128x128xf32, #tpu.memory_space<vmem>>
      %dma_wait3A_91 = arith.constant 0 : i32
      %dma_wait3A_92 = tpu.memref_slice %arg8[%add3A_11, %dma_wait3A_91] : memref<10240x128xf32, #tpu.memory_space<vmem_shared>> -> memref<128x128xf32, #tpu.memory_space<vmem_shared>>
      %dma_wait3A_93 = arith.constant 0 : i32
      %dma_wait3A_94 = tpu.memref_slice %arg8[%add3A_11, %dma_wait3A_93] : memref<10240x128xf32, #tpu.memory_space<vmem_shared>> -> memref<128x128xf32, #tpu.memory_space<vmem_shared>>
      %dma_wait3A_95 = arith.constant 0 : i32
      %dma_wait3A_96 = arith.constant 0 : i32
      %dma_wait3A_97 = tpu.memref_slice %arg7[%run_scoped3A, %dma_wait3A_95, %dma_wait3A_96] : memref<2x128x128xf32, #tpu.memory_space<vmem>> -> memref<1x128x128xf32, #tpu.memory_space<vmem>>
      %dma_wait3A_98 = tpu.memref_squeeze %dma_wait3A_97 : memref<1x128x128xf32, #tpu.memory_space<vmem>> -> memref<128x128xf32, #tpu.memory_space<vmem>>
      tpu.wait_dma2 semaphore(%run_scoped3A_76 : memref<!tpu.dma_semaphore, #tpu.memory_space<semaphore_mem>>) src(%dma_wait3A_98 : memref<128x128xf32, #tpu.memory_space<vmem>>) dst(%dma_wait3A_94 : memref<128x128xf32, #tpu.memory_space<vmem_shared>>)
      tpu.yield
    }) : () -> ()
    %add3A_12 = arith.constant 128 : i32
    %add3A_13 = arith.addi %mul3A_4, %add3A_12 : i32
    %run_scoped3A_14 = arith.constant 0 : i32
    "tpu.region"() ({
      %run_scoped3A_76 = tpu.sem_alloc : memref<!tpu.dma_semaphore, #tpu.memory_space<semaphore_mem>>
      %dma_start3A = arith.constant 0 : i32
      %dma_start3A_77 = arith.constant 0 : i32
      %dma_start3A_78 = tpu.memref_slice %arg7[%run_scoped3A_14, %dma_start3A, %dma_start3A_77] : memref<2x128x128xf32, #tpu.memory_space<vmem>> -> memref<1x128x128xf32, #tpu.memory_space<vmem>>
      %dma_start3A_79 = tpu.memref_squeeze %dma_start3A_78 : memref<1x128x128xf32, #tpu.memory_space<vmem>> -> memref<128x128xf32, #tpu.memory_space<vmem>>
      %dma_start3A_80 = arith.constant 0 : i32
      %dma_start3A_81 = tpu.memref_slice %arg8[%add3A_13, %dma_start3A_80] : memref<10240x128xf32, #tpu.memory_space<vmem_shared>> -> memref<128x128xf32, #tpu.memory_space<vmem_shared>>
      %dma_start3A_82 = arith.constant 0 : i32
      %dma_start3A_83 = tpu.memref_slice %arg8[%add3A_13, %dma_start3A_82] : memref<10240x128xf32, #tpu.memory_space<vmem_shared>> -> memref<128x128xf32, #tpu.memory_space<vmem_shared>>
      %dma_start3A_84 = arith.constant 0 : i32
      %dma_start3A_85 = arith.constant 0 : i32
      %dma_start3A_86 = tpu.memref_slice %arg7[%run_scoped3A_14, %dma_start3A_84, %dma_start3A_85] : memref<2x128x128xf32, #tpu.memory_space<vmem>> -> memref<1x128x128xf32, #tpu.memory_space<vmem>>
      %dma_start3A_87 = tpu.memref_squeeze %dma_start3A_86 : memref<1x128x128xf32, #tpu.memory_space<vmem>> -> memref<128x128xf32, #tpu.memory_space<vmem>>
      tpu.enqueue_dma source(%dma_start3A_87 : memref<128x128xf32, #tpu.memory_space<vmem>>) target(%dma_start3A_83 : memref<128x128xf32, #tpu.memory_space<vmem_shared>>) target_semaphore(%run_scoped3A_76 : memref<!tpu.dma_semaphore, #tpu.memory_space<semaphore_mem>>)
      %dma_wait3A = arith.constant 0 : i32
      %dma_wait3A_88 = arith.constant 0 : i32
      %dma_wait3A_89 = tpu.memref_slice %arg7[%run_scoped3A_14, %dma_wait3A, %dma_wait3A_88] : memref<2x128x128xf32, #tpu.memory_space<vmem>> -> memref<1x128x128xf32, #tpu.memory_space<vmem>>
      %dma_wait3A_90 = tpu.memref_squeeze %dma_wait3A_89 : memref<1x128x128xf32, #tpu.memory_space<vmem>> -> memref<128x128xf32, #tpu.memory_space<vmem>>
      %dma_wait3A_91 = arith.constant 0 : i32
      %dma_wait3A_92 = tpu.memref_slice %arg8[%add3A_13, %dma_wait3A_91] : memref<10240x128xf32, #tpu.memory_space<vmem_shared>> -> memref<128x128xf32, #tpu.memory_space<vmem_shared>>
      %dma_wait3A_93 = arith.constant 0 : i32
      %dma_wait3A_94 = tpu.memref_slice %arg8[%add3A_13, %dma_wait3A_93] : memref<10240x128xf32, #tpu.memory_space<vmem_shared>> -> memref<128x128xf32, #tpu.memory_space<vmem_shared>>
      %dma_wait3A_95 = arith.constant 0 : i32
      %dma_wait3A_96 = arith.constant 0 : i32
      %dma_wait3A_97 = tpu.memref_slice %arg7[%run_scoped3A_14, %dma_wait3A_95, %dma_wait3A_96] : memref<2x128x128xf32, #tpu.memory_space<vmem>> -> memref<1x128x128xf32, #tpu.memory_space<vmem>>
      %dma_wait3A_98 = tpu.memref_squeeze %dma_wait3A_97 : memref<1x128x128xf32, #tpu.memory_space<vmem>> -> memref<128x128xf32, #tpu.memory_space<vmem>>
      tpu.wait_dma2 semaphore(%run_scoped3A_76 : memref<!tpu.dma_semaphore, #tpu.memory_space<semaphore_mem>>) src(%dma_wait3A_98 : memref<128x128xf32, #tpu.memory_space<vmem>>) dst(%dma_wait3A_94 : memref<128x128xf32, #tpu.memory_space<vmem_shared>>)
      tpu.yield
    }) : () -> ()
    %add3A_15 = arith.constant 256 : i32
    %add3A_16 = arith.addi %mul3A_4, %add3A_15 : i32
    %run_scoped3A_17 = arith.constant 0 : i32
    "tpu.region"() ({
      %run_scoped3A_76 = tpu.sem_alloc : memref<!tpu.dma_semaphore, #tpu.memory_space<semaphore_mem>>
      %dma_start3A = arith.constant 0 : i32
      %dma_start3A_77 = arith.constant 0 : i32
      %dma_start3A_78 = tpu.memref_slice %arg7[%run_scoped3A_17, %dma_start3A, %dma_start3A_77] : memref<2x128x128xf32, #tpu.memory_space<vmem>> -> memref<1x128x128xf32, #tpu.memory_space<vmem>>
      %dma_start3A_79 = tpu.memref_squeeze %dma_start3A_78 : memref<1x128x128xf32, #tpu.memory_space<vmem>> -> memref<128x128xf32, #tpu.memory_space<vmem>>
      %dma_start3A_80 = arith.constant 0 : i32
      %dma_start3A_81 = tpu.memref_slice %arg8[%add3A_16, %dma_start3A_80] : memref<10240x128xf32, #tpu.memory_space<vmem_shared>> -> memref<128x128xf32, #tpu.memory_space<vmem_shared>>
      %dma_start3A_82 = arith.constant 0 : i32
      %dma_start3A_83 = tpu.memref_slice %arg8[%add3A_16, %dma_start3A_82] : memref<10240x128xf32, #tpu.memory_space<vmem_shared>> -> memref<128x128xf32, #tpu.memory_space<vmem_shared>>
      %dma_start3A_84 = arith.constant 0 : i32
      %dma_start3A_85 = arith.constant 0 : i32
      %dma_start3A_86 = tpu.memref_slice %arg7[%run_scoped3A_17, %dma_start3A_84, %dma_start3A_85] : memref<2x128x128xf32, #tpu.memory_space<vmem>> -> memref<1x128x128xf32, #tpu.memory_space<vmem>>
      %dma_start3A_87 = tpu.memref_squeeze %dma_start3A_86 : memref<1x128x128xf32, #tpu.memory_space<vmem>> -> memref<128x128xf32, #tpu.memory_space<vmem>>
      tpu.enqueue_dma source(%dma_start3A_87 : memref<128x128xf32, #tpu.memory_space<vmem>>) target(%dma_start3A_83 : memref<128x128xf32, #tpu.memory_space<vmem_shared>>) target_semaphore(%run_scoped3A_76 : memref<!tpu.dma_semaphore, #tpu.memory_space<semaphore_mem>>)
      %dma_wait3A = arith.constant 0 : i32
      %dma_wait3A_88 = arith.constant 0 : i32
      %dma_wait3A_89 = tpu.memref_slice %arg7[%run_scoped3A_17, %dma_wait3A, %dma_wait3A_88] : memref<2x128x128xf32, #tpu.memory_space<vmem>> -> memref<1x128x128xf32, #tpu.memory_space<vmem>>
      %dma_wait3A_90 = tpu.memref_squeeze %dma_wait3A_89 : memref<1x128x128xf32, #tpu.memory_space<vmem>> -> memref<128x128xf32, #tpu.memory_space<vmem>>
      %dma_wait3A_91 = arith.constant 0 : i32
      %dma_wait3A_92 = tpu.memref_slice %arg8[%add3A_16, %dma_wait3A_91] : memref<10240x128xf32, #tpu.memory_space<vmem_shared>> -> memref<128x128xf32, #tpu.memory_space<vmem_shared>>
      %dma_wait3A_93 = arith.constant 0 : i32
      %dma_wait3A_94 = tpu.memref_slice %arg8[%add3A_16, %dma_wait3A_93] : memref<10240x128xf32, #tpu.memory_space<vmem_shared>> -> memref<128x128xf32, #tpu.memory_space<vmem_shared>>
      %dma_wait3A_95 = arith.constant 0 : i32
      %dma_wait3A_96 = arith.constant 0 : i32
      %dma_wait3A_97 = tpu.memref_slice %arg7[%run_scoped3A_17, %dma_wait3A_95, %dma_wait3A_96] : memref<2x128x128xf32, #tpu.memory_space<vmem>> -> memref<1x128x128xf32, #tpu.memory_space<vmem>>
      %dma_wait3A_98 = tpu.memref_squeeze %dma_wait3A_97 : memref<1x128x128xf32, #tpu.memory_space<vmem>> -> memref<128x128xf32, #tpu.memory_space<vmem>>
      tpu.wait_dma2 semaphore(%run_scoped3A_76 : memref<!tpu.dma_semaphore, #tpu.memory_space<semaphore_mem>>) src(%dma_wait3A_98 : memref<128x128xf32, #tpu.memory_space<vmem>>) dst(%dma_wait3A_94 : memref<128x128xf32, #tpu.memory_space<vmem_shared>>)
      tpu.yield
    }) : () -> ()
    %add3A_18 = arith.constant 384 : i32
    %add3A_19 = arith.addi %mul3A_4, %add3A_18 : i32
    %run_scoped3A_20 = arith.constant 0 : i32
    "tpu.region"() ({
      %run_scoped3A_76 = tpu.sem_alloc : memref<!tpu.dma_semaphore, #tpu.memory_space<semaphore_mem>>
      %dma_start3A = arith.constant 0 : i32
      %dma_start3A_77 = arith.constant 0 : i32
      %dma_start3A_78 = tpu.memref_slice %arg7[%run_scoped3A_20, %dma_start3A, %dma_start3A_77] : memref<2x128x128xf32, #tpu.memory_space<vmem>> -> memref<1x128x128xf32, #tpu.memory_space<vmem>>
      %dma_start3A_79 = tpu.memref_squeeze %dma_start3A_78 : memref<1x128x128xf32, #tpu.memory_space<vmem>> -> memref<128x128xf32, #tpu.memory_space<vmem>>
      %dma_start3A_80 = arith.constant 0 : i32
      %dma_start3A_81 = tpu.memref_slice %arg8[%add3A_19, %dma_start3A_80] : memref<10240x128xf32, #tpu.memory_space<vmem_shared>> -> memref<128x128xf32, #tpu.memory_space<vmem_shared>>
      %dma_start3A_82 = arith.constant 0 : i32
      %dma_start3A_83 = tpu.memref_slice %arg8[%add3A_19, %dma_start3A_82] : memref<10240x128xf32, #tpu.memory_space<vmem_shared>> -> memref<128x128xf32, #tpu.memory_space<vmem_shared>>
      %dma_start3A_84 = arith.constant 0 : i32
      %dma_start3A_85 = arith.constant 0 : i32
      %dma_start3A_86 = tpu.memref_slice %arg7[%run_scoped3A_20, %dma_start3A_84, %dma_start3A_85] : memref<2x128x128xf32, #tpu.memory_space<vmem>> -> memref<1x128x128xf32, #tpu.memory_space<vmem>>
      %dma_start3A_87 = tpu.memref_squeeze %dma_start3A_86 : memref<1x128x128xf32, #tpu.memory_space<vmem>> -> memref<128x128xf32, #tpu.memory_space<vmem>>
      tpu.enqueue_dma source(%dma_start3A_87 : memref<128x128xf32, #tpu.memory_space<vmem>>) target(%dma_start3A_83 : memref<128x128xf32, #tpu.memory_space<vmem_shared>>) target_semaphore(%run_scoped3A_76 : memref<!tpu.dma_semaphore, #tpu.memory_space<semaphore_mem>>)
      %dma_wait3A = arith.constant 0 : i32
      %dma_wait3A_88 = arith.constant 0 : i32
      %dma_wait3A_89 = tpu.memref_slice %arg7[%run_scoped3A_20, %dma_wait3A, %dma_wait3A_88] : memref<2x128x128xf32, #tpu.memory_space<vmem>> -> memref<1x128x128xf32, #tpu.memory_space<vmem>>
      %dma_wait3A_90 = tpu.memref_squeeze %dma_wait3A_89 : memref<1x128x128xf32, #tpu.memory_space<vmem>> -> memref<128x128xf32, #tpu.memory_space<vmem>>
      %dma_wait3A_91 = arith.constant 0 : i32
      %dma_wait3A_92 = tpu.memref_slice %arg8[%add3A_19, %dma_wait3A_91] : memref<10240x128xf32, #tpu.memory_space<vmem_shared>> -> memref<128x128xf32, #tpu.memory_space<vmem_shared>>
      %dma_wait3A_93 = arith.constant 0 : i32
      %dma_wait3A_94 = tpu.memref_slice %arg8[%add3A_19, %dma_wait3A_93] : memref<10240x128xf32, #tpu.memory_space<vmem_shared>> -> memref<128x128xf32, #tpu.memory_space<vmem_shared>>
      %dma_wait3A_95 = arith.constant 0 : i32
      %dma_wait3A_96 = arith.constant 0 : i32
      %dma_wait3A_97 = tpu.memref_slice %arg7[%run_scoped3A_20, %dma_wait3A_95, %dma_wait3A_96] : memref<2x128x128xf32, #tpu.memory_space<vmem>> -> memref<1x128x128xf32, #tpu.memory_space<vmem>>
      %dma_wait3A_98 = tpu.memref_squeeze %dma_wait3A_97 : memref<1x128x128xf32, #tpu.memory_space<vmem>> -> memref<128x128xf32, #tpu.memory_space<vmem>>
      tpu.wait_dma2 semaphore(%run_scoped3A_76 : memref<!tpu.dma_semaphore, #tpu.memory_space<semaphore_mem>>) src(%dma_wait3A_98 : memref<128x128xf32, #tpu.memory_space<vmem>>) dst(%dma_wait3A_94 : memref<128x128xf32, #tpu.memory_space<vmem_shared>>)
      tpu.yield
    }) : () -> ()
    %add3A_21 = arith.constant 512 : i32
    %add3A_22 = arith.addi %mul3A_4, %add3A_21 : i32
    %run_scoped3A_23 = arith.constant 0 : i32
    "tpu.region"() ({
      %run_scoped3A_76 = tpu.sem_alloc : memref<!tpu.dma_semaphore, #tpu.memory_space<semaphore_mem>>
      %dma_start3A = arith.constant 0 : i32
      %dma_start3A_77 = arith.constant 0 : i32
      %dma_start3A_78 = tpu.memref_slice %arg7[%run_scoped3A_23, %dma_start3A, %dma_start3A_77] : memref<2x128x128xf32, #tpu.memory_space<vmem>> -> memref<1x128x128xf32, #tpu.memory_space<vmem>>
      %dma_start3A_79 = tpu.memref_squeeze %dma_start3A_78 : memref<1x128x128xf32, #tpu.memory_space<vmem>> -> memref<128x128xf32, #tpu.memory_space<vmem>>
      %dma_start3A_80 = arith.constant 0 : i32
      %dma_start3A_81 = tpu.memref_slice %arg8[%add3A_22, %dma_start3A_80] : memref<10240x128xf32, #tpu.memory_space<vmem_shared>> -> memref<128x128xf32, #tpu.memory_space<vmem_shared>>
      %dma_start3A_82 = arith.constant 0 : i32
      %dma_start3A_83 = tpu.memref_slice %arg8[%add3A_22, %dma_start3A_82] : memref<10240x128xf32, #tpu.memory_space<vmem_shared>> -> memref<128x128xf32, #tpu.memory_space<vmem_shared>>
      %dma_start3A_84 = arith.constant 0 : i32
      %dma_start3A_85 = arith.constant 0 : i32
      %dma_start3A_86 = tpu.memref_slice %arg7[%run_scoped3A_23, %dma_start3A_84, %dma_start3A_85] : memref<2x128x128xf32, #tpu.memory_space<vmem>> -> memref<1x128x128xf32, #tpu.memory_space<vmem>>
      %dma_start3A_87 = tpu.memref_squeeze %dma_start3A_86 : memref<1x128x128xf32, #tpu.memory_space<vmem>> -> memref<128x128xf32, #tpu.memory_space<vmem>>
      tpu.enqueue_dma source(%dma_start3A_87 : memref<128x128xf32, #tpu.memory_space<vmem>>) target(%dma_start3A_83 : memref<128x128xf32, #tpu.memory_space<vmem_shared>>) target_semaphore(%run_scoped3A_76 : memref<!tpu.dma_semaphore, #tpu.memory_space<semaphore_mem>>)
      %dma_wait3A = arith.constant 0 : i32
      %dma_wait3A_88 = arith.constant 0 : i32
      %dma_wait3A_89 = tpu.memref_slice %arg7[%run_scoped3A_23, %dma_wait3A, %dma_wait3A_88] : memref<2x128x128xf32, #tpu.memory_space<vmem>> -> memref<1x128x128xf32, #tpu.memory_space<vmem>>
      %dma_wait3A_90 = tpu.memref_squeeze %dma_wait3A_89 : memref<1x128x128xf32, #tpu.memory_space<vmem>> -> memref<128x128xf32, #tpu.memory_space<vmem>>
      %dma_wait3A_91 = arith.constant 0 : i32
      %dma_wait3A_92 = tpu.memref_slice %arg8[%add3A_22, %dma_wait3A_91] : memref<10240x128xf32, #tpu.memory_space<vmem_shared>> -> memref<128x128xf32, #tpu.memory_space<vmem_shared>>
      %dma_wait3A_93 = arith.constant 0 : i32
      %dma_wait3A_94 = tpu.memref_slice %arg8[%add3A_22, %dma_wait3A_93] : memref<10240x128xf32, #tpu.memory_space<vmem_shared>> -> memref<128x128xf32, #tpu.memory_space<vmem_shared>>
      %dma_wait3A_95 = arith.constant 0 : i32
      %dma_wait3A_96 = arith.constant 0 : i32
      %dma_wait3A_97 = tpu.memref_slice %arg7[%run_scoped3A_23, %dma_wait3A_95, %dma_wait3A_96] : memref<2x128x128xf32, #tpu.memory_space<vmem>> -> memref<1x128x128xf32, #tpu.memory_space<vmem>>
      %dma_wait3A_98 = tpu.memref_squeeze %dma_wait3A_97 : memref<1x128x128xf32, #tpu.memory_space<vmem>> -> memref<128x128xf32, #tpu.memory_space<vmem>>
      tpu.wait_dma2 semaphore(%run_scoped3A_76 : memref<!tpu.dma_semaphore, #tpu.memory_space<semaphore_mem>>) src(%dma_wait3A_98 : memref<128x128xf32, #tpu.memory_space<vmem>>) dst(%dma_wait3A_94 : memref<128x128xf32, #tpu.memory_space<vmem_shared>>)
      tpu.yield
    }) : () -> ()
    %barrier3A = arith.constant 0 : index
    tpu.barrier barrier_id(%barrier3A)
    %lt3A_24 = arith.constant 31 : i32
    %lt3A_25 = arith.cmpi slt, %add3A, %lt3A_24 : i32
    %convert_element_type3A = arith.extui %lt3A_25 : i1 to i32
    %cond3A = arith.constant 0 : i32
    %cond3A_26 = arith.constant 0 : i32
    %cond3A_27 = arith.cmpi ne, %convert_element_type3A, %cond3A_26 : i32
    scf.if %cond3A_27 {
      %mul3A_76 = arith.constant 80 : i32
      %mul3A_77 = arith.muli %add3A, %mul3A_76 : i32
      %add3A_78 = arith.constant 0 : i32
      %add3A_79 = arith.addi %mul3A_77, %add3A_78 : i32
      "tpu.region"() ({
        %run_scoped3A_80 = tpu.sem_alloc : memref<!tpu.dma_semaphore, #tpu.memory_space<semaphore_mem>>
        %dma_start3A = arith.constant 0 : i32
        %dma_start3A_81 = arith.constant 0 : i32
        %dma_start3A_82 = tpu.memref_slice %arg2[%cond3A, %dma_start3A, %dma_start3A_81] : memref<2x2500x128xi32, #tpu.memory_space<hbm>> -> memref<1x2500x128xi32, #tpu.memory_space<hbm>>
        %dma_start3A_83 = tpu.memref_squeeze %dma_start3A_82 : memref<1x2500x128xi32, #tpu.memory_space<hbm>> -> memref<2500x128xi32, #tpu.memory_space<hbm>>
        %dma_start3A_84 = arith.constant 0 : i32
        %dma_start3A_85 = tpu.memref_slice %dma_start3A_83[%add3A_79, %dma_start3A_84] : memref<2500x128xi32, #tpu.memory_space<hbm>> -> memref<40x128xi32, #tpu.memory_space<hbm>>
        %dma_start3A_86 = arith.constant 0 : i32
        %dma_start3A_87 = arith.constant 0 : i32
        %dma_start3A_88 = tpu.memref_slice %arg2[%cond3A, %dma_start3A_86, %dma_start3A_87] : memref<2x2500x128xi32, #tpu.memory_space<hbm>> -> memref<1x2500x128xi32, #tpu.memory_space<hbm>>
        %dma_start3A_89 = tpu.memref_squeeze %dma_start3A_88 : memref<1x2500x128xi32, #tpu.memory_space<hbm>> -> memref<2500x128xi32, #tpu.memory_space<hbm>>
        %dma_start3A_90 = arith.constant 0 : i32
        %dma_start3A_91 = tpu.memref_slice %dma_start3A_89[%add3A_79, %dma_start3A_90] : memref<2500x128xi32, #tpu.memory_space<hbm>> -> memref<40x128xi32, #tpu.memory_space<hbm>>
        tpu.enqueue_dma source(%dma_start3A_91 : memref<40x128xi32, #tpu.memory_space<hbm>>) target(%arg5 : memref<40x128xi32, #tpu.memory_space<vmem>>) target_semaphore(%run_scoped3A_80 : memref<!tpu.dma_semaphore, #tpu.memory_space<semaphore_mem>>)
        %dma_wait3A = arith.constant 0 : i32
        %dma_wait3A_92 = arith.constant 0 : i32
        %dma_wait3A_93 = tpu.memref_slice %arg2[%cond3A, %dma_wait3A, %dma_wait3A_92] : memref<2x2500x128xi32, #tpu.memory_space<hbm>> -> memref<1x2500x128xi32, #tpu.memory_space<hbm>>
        %dma_wait3A_94 = tpu.memref_squeeze %dma_wait3A_93 : memref<1x2500x128xi32, #tpu.memory_space<hbm>> -> memref<2500x128xi32, #tpu.memory_space<hbm>>
        %dma_wait3A_95 = arith.constant 0 : i32
        %dma_wait3A_96 = tpu.memref_slice %dma_wait3A_94[%add3A_79, %dma_wait3A_95] : memref<2500x128xi32, #tpu.memory_space<hbm>> -> memref<40x128xi32, #tpu.memory_space<hbm>>
        %dma_wait3A_97 = arith.constant 0 : i32
        %dma_wait3A_98 = arith.constant 0 : i32
        %dma_wait3A_99 = tpu.memref_slice %arg2[%cond3A, %dma_wait3A_97, %dma_wait3A_98] : memref<2x2500x128xi32, #tpu.memory_space<hbm>> -> memref<1x2500x128xi32, #tpu.memory_space<hbm>>
        %dma_wait3A_100 = tpu.memref_squeeze %dma_wait3A_99 : memref<1x2500x128xi32, #tpu.memory_space<hbm>> -> memref<2500x128xi32, #tpu.memory_space<hbm>>
        %dma_wait3A_101 = arith.constant 0 : i32
        %dma_wait3A_102 = tpu.memref_slice %dma_wait3A_100[%add3A_79, %dma_wait3A_101] : memref<2500x128xi32, #tpu.memory_space<hbm>> -> memref<40x128xi32, #tpu.memory_space<hbm>>
        tpu.wait_dma2 semaphore(%run_scoped3A_80 : memref<!tpu.dma_semaphore, #tpu.memory_space<semaphore_mem>>) src(%dma_wait3A_102 : memref<40x128xi32, #tpu.memory_space<hbm>>) dst(%arg5 : memref<40x128xi32, #tpu.memory_space<vmem>>)
        tpu.yield
      }) : () -> ()
    } else {
    }
    %eq3A = arith.constant 31 : i32
    %eq3A_28 = arith.cmpi eq, %add3A, %eq3A : i32
    %convert_element_type3A_29 = arith.extui %eq3A_28 : i1 to i32
    %cond3A_30 = arith.constant 0 : i32
    %cond3A_31 = arith.constant 0 : i32
    %cond3A_32 = arith.cmpi ne, %convert_element_type3A_29, %cond3A_31 : i32
    scf.if %cond3A_32 {
      "tpu.region"() ({
        %run_scoped3A_76 = tpu.sem_alloc : memref<!tpu.dma_semaphore, #tpu.memory_space<semaphore_mem>>
        %dma_start3A = arith.constant 0 : i32
        %dma_start3A_77 = arith.constant 0 : i32
        %dma_start3A_78 = tpu.memref_slice %arg5[%dma_start3A, %dma_start3A_77] : memref<40x128xi32, #tpu.memory_space<vmem>> -> memref<20x128xi32, #tpu.memory_space<vmem>>
        %dma_start3A_79 = arith.constant 0 : i32
        %dma_start3A_80 = arith.constant 0 : i32
        %dma_start3A_81 = tpu.memref_slice %arg2[%cond3A_30, %dma_start3A_79, %dma_start3A_80] : memref<2x2500x128xi32, #tpu.memory_space<hbm>> -> memref<1x2500x128xi32, #tpu.memory_space<hbm>>
        %dma_start3A_82 = tpu.memref_squeeze %dma_start3A_81 : memref<1x2500x128xi32, #tpu.memory_space<hbm>> -> memref<2500x128xi32, #tpu.memory_space<hbm>>
        %dma_start3A_83 = arith.constant 2480 : i32
        %dma_start3A_84 = arith.constant 0 : i32
        %dma_start3A_85 = tpu.memref_slice %dma_start3A_82[%dma_start3A_83, %dma_start3A_84] : memref<2500x128xi32, #tpu.memory_space<hbm>> -> memref<20x128xi32, #tpu.memory_space<hbm>>
        %dma_start3A_86 = arith.constant 0 : i32
        %dma_start3A_87 = arith.constant 0 : i32
        %dma_start3A_88 = tpu.memref_slice %arg5[%dma_start3A_86, %dma_start3A_87] : memref<40x128xi32, #tpu.memory_space<vmem>> -> memref<20x128xi32, #tpu.memory_space<vmem>>
        %dma_start3A_89 = arith.constant 0 : i32
        %dma_start3A_90 = arith.constant 0 : i32
        %dma_start3A_91 = tpu.memref_slice %arg2[%cond3A_30, %dma_start3A_89, %dma_start3A_90] : memref<2x2500x128xi32, #tpu.memory_space<hbm>> -> memref<1x2500x128xi32, #tpu.memory_space<hbm>>
        %dma_start3A_92 = tpu.memref_squeeze %dma_start3A_91 : memref<1x2500x128xi32, #tpu.memory_space<hbm>> -> memref<2500x128xi32, #tpu.memory_space<hbm>>
        %dma_start3A_93 = arith.constant 2480 : i32
        %dma_start3A_94 = arith.constant 0 : i32
        %dma_start3A_95 = tpu.memref_slice %dma_start3A_92[%dma_start3A_93, %dma_start3A_94] : memref<2500x128xi32, #tpu.memory_space<hbm>> -> memref<20x128xi32, #tpu.memory_space<hbm>>
        tpu.enqueue_dma source(%dma_start3A_95 : memref<20x128xi32, #tpu.memory_space<hbm>>) target(%dma_start3A_88 : memref<20x128xi32, #tpu.memory_space<vmem>>) target_semaphore(%run_scoped3A_76 : memref<!tpu.dma_semaphore, #tpu.memory_space<semaphore_mem>>)
        %dma_wait3A = arith.constant 0 : i32
        %dma_wait3A_96 = arith.constant 0 : i32
        %dma_wait3A_97 = tpu.memref_slice %arg5[%dma_wait3A, %dma_wait3A_96] : memref<40x128xi32, #tpu.memory_space<vmem>> -> memref<20x128xi32, #tpu.memory_space<vmem>>
        %dma_wait3A_98 = arith.constant 0 : i32
        %dma_wait3A_99 = arith.constant 0 : i32
        %dma_wait3A_100 = tpu.memref_slice %arg2[%cond3A_30, %dma_wait3A_98, %dma_wait3A_99] : memref<2x2500x128xi32, #tpu.memory_space<hbm>> -> memref<1x2500x128xi32, #tpu.memory_space<hbm>>
        %dma_wait3A_101 = tpu.memref_squeeze %dma_wait3A_100 : memref<1x2500x128xi32, #tpu.memory_space<hbm>> -> memref<2500x128xi32, #tpu.memory_space<hbm>>
        %dma_wait3A_102 = arith.constant 2480 : i32
        %dma_wait3A_103 = arith.constant 0 : i32
        %dma_wait3A_104 = tpu.memref_slice %dma_wait3A_101[%dma_wait3A_102, %dma_wait3A_103] : memref<2500x128xi32, #tpu.memory_space<hbm>> -> memref<20x128xi32, #tpu.memory_space<hbm>>
        %dma_wait3A_105 = arith.constant 0 : i32
        %dma_wait3A_106 = arith.constant 0 : i32
        %dma_wait3A_107 = tpu.memref_slice %arg5[%dma_wait3A_105, %dma_wait3A_106] : memref<40x128xi32, #tpu.memory_space<vmem>> -> memref<20x128xi32, #tpu.memory_space<vmem>>
        %dma_wait3A_108 = arith.constant 0 : i32
        %dma_wait3A_109 = arith.constant 0 : i32
        %dma_wait3A_110 = tpu.memref_slice %arg2[%cond3A_30, %dma_wait3A_108, %dma_wait3A_109] : memref<2x2500x128xi32, #tpu.memory_space<hbm>> -> memref<1x2500x128xi32, #tpu.memory_space<hbm>>
        %dma_wait3A_111 = tpu.memref_squeeze %dma_wait3A_110 : memref<1x2500x128xi32, #tpu.memory_space<hbm>> -> memref<2500x128xi32, #tpu.memory_space<hbm>>
        %dma_wait3A_112 = arith.constant 2480 : i32
        %dma_wait3A_113 = arith.constant 0 : i32
        %dma_wait3A_114 = tpu.memref_slice %dma_wait3A_111[%dma_wait3A_112, %dma_wait3A_113] : memref<2500x128xi32, #tpu.memory_space<hbm>> -> memref<20x128xi32, #tpu.memory_space<hbm>>
        tpu.wait_dma2 semaphore(%run_scoped3A_76 : memref<!tpu.dma_semaphore, #tpu.memory_space<semaphore_mem>>) src(%dma_wait3A_114 : memref<20x128xi32, #tpu.memory_space<hbm>>) dst(%dma_wait3A_107 : memref<20x128xi32, #tpu.memory_space<vmem>>)
        tpu.yield
      }) : () -> ()
    } else {
    }
    %lt3A_33 = arith.constant 31 : i32
    %lt3A_34 = arith.cmpi slt, %add3A, %lt3A_33 : i32
    %convert_element_type3A_35 = arith.extui %lt3A_34 : i1 to i32
    %cond3A_36 = arith.constant 1 : i32
    %cond3A_37 = arith.constant 0 : i32
    %cond3A_38 = arith.cmpi ne, %convert_element_type3A_35, %cond3A_37 : i32
    scf.if %cond3A_38 {
      %mul3A_76 = arith.constant 80 : i32
      %mul3A_77 = arith.muli %add3A, %mul3A_76 : i32
      %add3A_78 = arith.constant 0 : i32
      %add3A_79 = arith.addi %mul3A_77, %add3A_78 : i32
      "tpu.region"() ({
        %run_scoped3A_80 = tpu.sem_alloc : memref<!tpu.dma_semaphore, #tpu.memory_space<semaphore_mem>>
        %dma_start3A = arith.constant 0 : i32
        %dma_start3A_81 = arith.constant 0 : i32
        %dma_start3A_82 = tpu.memref_slice %arg2[%cond3A_36, %dma_start3A, %dma_start3A_81] : memref<2x2500x128xi32, #tpu.memory_space<hbm>> -> memref<1x2500x128xi32, #tpu.memory_space<hbm>>
        %dma_start3A_83 = tpu.memref_squeeze %dma_start3A_82 : memref<1x2500x128xi32, #tpu.memory_space<hbm>> -> memref<2500x128xi32, #tpu.memory_space<hbm>>
        %dma_start3A_84 = arith.constant 0 : i32
        %dma_start3A_85 = tpu.memref_slice %dma_start3A_83[%add3A_79, %dma_start3A_84] : memref<2500x128xi32, #tpu.memory_space<hbm>> -> memref<40x128xi32, #tpu.memory_space<hbm>>
        %dma_start3A_86 = arith.constant 0 : i32
        %dma_start3A_87 = arith.constant 0 : i32
        %dma_start3A_88 = tpu.memref_slice %arg2[%cond3A_36, %dma_start3A_86, %dma_start3A_87] : memref<2x2500x128xi32, #tpu.memory_space<hbm>> -> memref<1x2500x128xi32, #tpu.memory_space<hbm>>
        %dma_start3A_89 = tpu.memref_squeeze %dma_start3A_88 : memref<1x2500x128xi32, #tpu.memory_space<hbm>> -> memref<2500x128xi32, #tpu.memory_space<hbm>>
        %dma_start3A_90 = arith.constant 0 : i32
        %dma_start3A_91 = tpu.memref_slice %dma_start3A_89[%add3A_79, %dma_start3A_90] : memref<2500x128xi32, #tpu.memory_space<hbm>> -> memref<40x128xi32, #tpu.memory_space<hbm>>
        tpu.enqueue_dma source(%dma_start3A_91 : memref<40x128xi32, #tpu.memory_space<hbm>>) target(%arg6 : memref<40x128xi32, #tpu.memory_space<vmem>>) target_semaphore(%run_scoped3A_80 : memref<!tpu.dma_semaphore, #tpu.memory_space<semaphore_mem>>)
        %dma_wait3A = arith.constant 0 : i32
        %dma_wait3A_92 = arith.constant 0 : i32
        %dma_wait3A_93 = tpu.memref_slice %arg2[%cond3A_36, %dma_wait3A, %dma_wait3A_92] : memref<2x2500x128xi32, #tpu.memory_space<hbm>> -> memref<1x2500x128xi32, #tpu.memory_space<hbm>>
        %dma_wait3A_94 = tpu.memref_squeeze %dma_wait3A_93 : memref<1x2500x128xi32, #tpu.memory_space<hbm>> -> memref<2500x128xi32, #tpu.memory_space<hbm>>
        %dma_wait3A_95 = arith.constant 0 : i32
        %dma_wait3A_96 = tpu.memref_slice %dma_wait3A_94[%add3A_79, %dma_wait3A_95] : memref<2500x128xi32, #tpu.memory_space<hbm>> -> memref<40x128xi32, #tpu.memory_space<hbm>>
        %dma_wait3A_97 = arith.constant 0 : i32
        %dma_wait3A_98 = arith.constant 0 : i32
        %dma_wait3A_99 = tpu.memref_slice %arg2[%cond3A_36, %dma_wait3A_97, %dma_wait3A_98] : memref<2x2500x128xi32, #tpu.memory_space<hbm>> -> memref<1x2500x128xi32, #tpu.memory_space<hbm>>
        %dma_wait3A_100 = tpu.memref_squeeze %dma_wait3A_99 : memref<1x2500x128xi32, #tpu.memory_space<hbm>> -> memref<2500x128xi32, #tpu.memory_space<hbm>>
        %dma_wait3A_101 = arith.constant 0 : i32
        %dma_wait3A_102 = tpu.memref_slice %dma_wait3A_100[%add3A_79, %dma_wait3A_101] : memref<2500x128xi32, #tpu.memory_space<hbm>> -> memref<40x128xi32, #tpu.memory_space<hbm>>
        tpu.wait_dma2 semaphore(%run_scoped3A_80 : memref<!tpu.dma_semaphore, #tpu.memory_space<semaphore_mem>>) src(%dma_wait3A_102 : memref<40x128xi32, #tpu.memory_space<hbm>>) dst(%arg6 : memref<40x128xi32, #tpu.memory_space<vmem>>)
        tpu.yield
      }) : () -> ()
    } else {
    }
    %eq3A_39 = arith.constant 31 : i32
    %eq3A_40 = arith.cmpi eq, %add3A, %eq3A_39 : i32
    %convert_element_type3A_41 = arith.extui %eq3A_40 : i1 to i32
    %cond3A_42 = arith.constant 1 : i32
    %cond3A_43 = arith.constant 0 : i32
    %cond3A_44 = arith.cmpi ne, %convert_element_type3A_41, %cond3A_43 : i32
    scf.if %cond3A_44 {
      "tpu.region"() ({
        %run_scoped3A_76 = tpu.sem_alloc : memref<!tpu.dma_semaphore, #tpu.memory_space<semaphore_mem>>
        %dma_start3A = arith.constant 0 : i32
        %dma_start3A_77 = arith.constant 0 : i32
        %dma_start3A_78 = tpu.memref_slice %arg6[%dma_start3A, %dma_start3A_77] : memref<40x128xi32, #tpu.memory_space<vmem>> -> memref<20x128xi32, #tpu.memory_space<vmem>>
        %dma_start3A_79 = arith.constant 0 : i32
        %dma_start3A_80 = arith.constant 0 : i32
        %dma_start3A_81 = tpu.memref_slice %arg2[%cond3A_42, %dma_start3A_79, %dma_start3A_80] : memref<2x2500x128xi32, #tpu.memory_space<hbm>> -> memref<1x2500x128xi32, #tpu.memory_space<hbm>>
        %dma_start3A_82 = tpu.memref_squeeze %dma_start3A_81 : memref<1x2500x128xi32, #tpu.memory_space<hbm>> -> memref<2500x128xi32, #tpu.memory_space<hbm>>
        %dma_start3A_83 = arith.constant 2480 : i32
        %dma_start3A_84 = arith.constant 0 : i32
        %dma_start3A_85 = tpu.memref_slice %dma_start3A_82[%dma_start3A_83, %dma_start3A_84] : memref<2500x128xi32, #tpu.memory_space<hbm>> -> memref<20x128xi32, #tpu.memory_space<hbm>>
        %dma_start3A_86 = arith.constant 0 : i32
        %dma_start3A_87 = arith.constant 0 : i32
        %dma_start3A_88 = tpu.memref_slice %arg6[%dma_start3A_86, %dma_start3A_87] : memref<40x128xi32, #tpu.memory_space<vmem>> -> memref<20x128xi32, #tpu.memory_space<vmem>>
        %dma_start3A_89 = arith.constant 0 : i32
        %dma_start3A_90 = arith.constant 0 : i32
        %dma_start3A_91 = tpu.memref_slice %arg2[%cond3A_42, %dma_start3A_89, %dma_start3A_90] : memref<2x2500x128xi32, #tpu.memory_space<hbm>> -> memref<1x2500x128xi32, #tpu.memory_space<hbm>>
        %dma_start3A_92 = tpu.memref_squeeze %dma_start3A_91 : memref<1x2500x128xi32, #tpu.memory_space<hbm>> -> memref<2500x128xi32, #tpu.memory_space<hbm>>
        %dma_start3A_93 = arith.constant 2480 : i32
        %dma_start3A_94 = arith.constant 0 : i32
        %dma_start3A_95 = tpu.memref_slice %dma_start3A_92[%dma_start3A_93, %dma_start3A_94] : memref<2500x128xi32, #tpu.memory_space<hbm>> -> memref<20x128xi32, #tpu.memory_space<hbm>>
        tpu.enqueue_dma source(%dma_start3A_95 : memref<20x128xi32, #tpu.memory_space<hbm>>) target(%dma_start3A_88 : memref<20x128xi32, #tpu.memory_space<vmem>>) target_semaphore(%run_scoped3A_76 : memref<!tpu.dma_semaphore, #tpu.memory_space<semaphore_mem>>)
        %dma_wait3A = arith.constant 0 : i32
        %dma_wait3A_96 = arith.constant 0 : i32
        %dma_wait3A_97 = tpu.memref_slice %arg6[%dma_wait3A, %dma_wait3A_96] : memref<40x128xi32, #tpu.memory_space<vmem>> -> memref<20x128xi32, #tpu.memory_space<vmem>>
        %dma_wait3A_98 = arith.constant 0 : i32
        %dma_wait3A_99 = arith.constant 0 : i32
        %dma_wait3A_100 = tpu.memref_slice %arg2[%cond3A_42, %dma_wait3A_98, %dma_wait3A_99] : memref<2x2500x128xi32, #tpu.memory_space<hbm>> -> memref<1x2500x128xi32, #tpu.memory_space<hbm>>
        %dma_wait3A_101 = tpu.memref_squeeze %dma_wait3A_100 : memref<1x2500x128xi32, #tpu.memory_space<hbm>> -> memref<2500x128xi32, #tpu.memory_space<hbm>>
        %dma_wait3A_102 = arith.constant 2480 : i32
        %dma_wait3A_103 = arith.constant 0 : i32
        %dma_wait3A_104 = tpu.memref_slice %dma_wait3A_101[%dma_wait3A_102, %dma_wait3A_103] : memref<2500x128xi32, #tpu.memory_space<hbm>> -> memref<20x128xi32, #tpu.memory_space<hbm>>
        %dma_wait3A_105 = arith.constant 0 : i32
        %dma_wait3A_106 = arith.constant 0 : i32
        %dma_wait3A_107 = tpu.memref_slice %arg6[%dma_wait3A_105, %dma_wait3A_106] : memref<40x128xi32, #tpu.memory_space<vmem>> -> memref<20x128xi32, #tpu.memory_space<vmem>>
        %dma_wait3A_108 = arith.constant 0 : i32
        %dma_wait3A_109 = arith.constant 0 : i32
        %dma_wait3A_110 = tpu.memref_slice %arg2[%cond3A_42, %dma_wait3A_108, %dma_wait3A_109] : memref<2x2500x128xi32, #tpu.memory_space<hbm>> -> memref<1x2500x128xi32, #tpu.memory_space<hbm>>
        %dma_wait3A_111 = tpu.memref_squeeze %dma_wait3A_110 : memref<1x2500x128xi32, #tpu.memory_space<hbm>> -> memref<2500x128xi32, #tpu.memory_space<hbm>>
        %dma_wait3A_112 = arith.constant 2480 : i32
        %dma_wait3A_113 = arith.constant 0 : i32
        %dma_wait3A_114 = tpu.memref_slice %dma_wait3A_111[%dma_wait3A_112, %dma_wait3A_113] : memref<2500x128xi32, #tpu.memory_space<hbm>> -> memref<20x128xi32, #tpu.memory_space<hbm>>
        tpu.wait_dma2 semaphore(%run_scoped3A_76 : memref<!tpu.dma_semaphore, #tpu.memory_space<semaphore_mem>>) src(%dma_wait3A_114 : memref<20x128xi32, #tpu.memory_space<hbm>>) dst(%dma_wait3A_107 : memref<20x128xi32, #tpu.memory_space<vmem>>)
        tpu.yield
      }) : () -> ()
    } else {
    }
    %sub3A = arith.constant 0 : i32
    %sub3A_45 = arith.subi %select_n3A, %sub3A : i32
    %jit3A_46 = arith.constant 0 : i32
    %jit3A_47 = arith.constant 40 : i32
    %max3A = arith.maxsi %jit3A_46, %sub3A_45 : i32
    %min3A = arith.minsi %jit3A_47, %max3A : i32
    %gt3A = arith.constant 0 : i32
    %gt3A_48 = arith.cmpi sgt, %min3A, %gt3A : i32
    %convert_element_type3A_49 = arith.extui %gt3A_48 : i1 to i32
    %cond3A_50 = arith.constant 0 : i32
    %cond3A_51 = arith.cmpi ne, %convert_element_type3A_49, %cond3A_50 : i32
    scf.if %cond3A_51 {
      %dma_start3A = arith.constant 0 : i32
      %dma_start3A_76 = arith.constant 0 : i32
      %dma_start3A_77 = arith.constant 0 : i32
      %dma_start3A_78 = arith.constant 0 : i32
      %dma_start3A_79 = tpu.memref_slice %arg7[%dma_start3A_76, %dma_start3A_77, %dma_start3A_78] : memref<2x128x128xf32, #tpu.memory_space<vmem>> -> memref<1x128x128xf32, #tpu.memory_space<vmem>>
      %dma_start3A_80 = tpu.memref_squeeze %dma_start3A_79 : memref<1x128x128xf32, #tpu.memory_space<vmem>> -> memref<128x128xf32, #tpu.memory_space<vmem>>
      %dma_start3A_81 = arith.constant 0 : i32
      %dma_start3A_82 = tpu.memref_slice %arg5[%dma_start3A, %dma_start3A_81] : memref<40x128xi32, #tpu.memory_space<vmem>> -> memref<1x128xi32, #tpu.memory_space<vmem>>
      %dma_start3A_83 = tpu.memref_squeeze %dma_start3A_82 : memref<1x128xi32, #tpu.memory_space<vmem>> -> memref<128xi32, #tpu.memory_space<vmem>>
      %dma_start3A_84 = arith.constant 0 : i32
      %dma_start3A_85 = arith.constant 0 : i32
      %dma_start3A_86 = tpu.memref_slice %arg3[%dma_start3A_84, %dma_start3A_85] : memref<10240x128xf32, #tpu.memory_space<hbm>> -> memref<10240x128xf32, #tpu.memory_space<hbm>>
      tpu.enqueue_indirect_dma source(%dma_start3A_86 : memref<10240x128xf32, #tpu.memory_space<hbm>>) target(%dma_start3A_80 : memref<128x128xf32, #tpu.memory_space<vmem>>) offsets(%dma_start3A_83 : memref<128xi32, #tpu.memory_space<vmem>>) semaphore(%arg9 : memref<!tpu.dma_semaphore, #tpu.memory_space<semaphore_mem>>)
      %gt3A_87 = arith.constant 1 : i32
      %gt3A_88 = arith.cmpi sgt, %min3A, %gt3A_87 : i32
      %convert_element_type3A_89 = arith.extui %gt3A_88 : i1 to i32
      %cond3A_90 = arith.constant 0 : i32
      %cond3A_91 = arith.cmpi ne, %convert_element_type3A_89, %cond3A_90 : i32
      scf.if %cond3A_91 {
        %dma_start3A_109 = arith.constant 1 : i32
        %dma_start3A_110 = arith.constant 1 : i32
        %dma_start3A_111 = arith.constant 0 : i32
        %dma_start3A_112 = arith.constant 0 : i32
        %dma_start3A_113 = tpu.memref_slice %arg7[%dma_start3A_110, %dma_start3A_111, %dma_start3A_112] : memref<2x128x128xf32, #tpu.memory_space<vmem>> -> memref<1x128x128xf32, #tpu.memory_space<vmem>>
        %dma_start3A_114 = tpu.memref_squeeze %dma_start3A_113 : memref<1x128x128xf32, #tpu.memory_space<vmem>> -> memref<128x128xf32, #tpu.memory_space<vmem>>
        %dma_start3A_115 = arith.constant 0 : i32
        %dma_start3A_116 = tpu.memref_slice %arg5[%dma_start3A_109, %dma_start3A_115] : memref<40x128xi32, #tpu.memory_space<vmem>> -> memref<1x128xi32, #tpu.memory_space<vmem>>
        %dma_start3A_117 = tpu.memref_squeeze %dma_start3A_116 : memref<1x128xi32, #tpu.memory_space<vmem>> -> memref<128xi32, #tpu.memory_space<vmem>>
        %dma_start3A_118 = arith.constant 0 : i32
        %dma_start3A_119 = arith.constant 0 : i32
        %dma_start3A_120 = tpu.memref_slice %arg3[%dma_start3A_118, %dma_start3A_119] : memref<10240x128xf32, #tpu.memory_space<hbm>> -> memref<10240x128xf32, #tpu.memory_space<hbm>>
        tpu.enqueue_indirect_dma source(%dma_start3A_120 : memref<10240x128xf32, #tpu.memory_space<hbm>>) target(%dma_start3A_114 : memref<128x128xf32, #tpu.memory_space<vmem>>) offsets(%dma_start3A_117 : memref<128xi32, #tpu.memory_space<vmem>>) semaphore(%arg9 : memref<!tpu.dma_semaphore, #tpu.memory_space<semaphore_mem>>)
      } else {
      }
      %sub3A_92 = arith.constant 0 : i32
      %sub3A_93 = arith.subi %min3A, %sub3A_92 : i32
      %sub3A_94 = arith.constant 1 : i32
      %sub3A_95 = arith.constant 1 : i32
      %sub3A_96 = arith.subi %sub3A_94, %sub3A_95 : i32
      %add3A_97 = arith.addi %sub3A_93, %sub3A_96 : i32
      %div3A = arith.constant 1 : i32
      %div3A_98 = arith.divsi %add3A_97, %div3A : i32
      %while3A = arith.constant 1 : i32
      %while3A_99 = arith.constant 0 : i32
      %while3A_100 = arith.constant 0 : i32
      %while3A_101 = arith.subi %div3A_98, %while3A_100 : i32
      %while3A_102 = arith.addi %while3A_100, %while3A_101 : i32
      %while3A_103 = arith.constant 1 : i32
      %while3A_104 = arith.divsi %while3A_101, %while3A_103 : i32
      %while3A_105 = arith.muli %while3A_104, %while3A_103 : i32
      %while3A_106 = arith.addi %while3A_100, %while3A_105 : i32
      %while3A_107 = arith.constant 1 : i32
      scf.for %while3A_109 = %while3A_100 to %while3A_106 step %while3A_107  : i32 {
        %mul3A_110 = arith.muli %while3A_109, %while3A : i32
        %add3A_111 = arith.addi %while3A_99, %mul3A_110 : i32
        %jit3A_112 = arith.constant 2 : i32
        %eq3A_113 = arith.constant 0 : i32
        %eq3A_114 = arith.cmpi eq, %jit3A_112, %eq3A_113 : i32
        %jit3A_115 = arith.constant 1 : i32
        %select_n3A_116 = arith.select %eq3A_114, %jit3A_115, %jit3A_112 : i32
        %rem3A = arith.remsi %add3A_111, %select_n3A_116 : i32
        %ne3A = arith.constant 0 : i32
        %ne3A_117 = arith.cmpi ne, %rem3A, %ne3A : i32
        %lt3A_118 = arith.constant 0 : i32
        %lt3A_119 = arith.cmpi slt, %rem3A, %lt3A_118 : i32
        %lt3A_120 = arith.constant 0 : i32
        %lt3A_121 = arith.cmpi slt, %select_n3A_116, %lt3A_120 : i32
        %ne3A_122 = arith.xori %lt3A_119, %lt3A_121 : i1
        %and3A = arith.andi %ne3A_122, %ne3A_117 : i1
        %add3A_123 = arith.addi %rem3A, %select_n3A_116 : i32
        %select_n3A_124 = arith.select %and3A, %add3A_123, %rem3A : i32
        %dma_wait3A = arith.constant 0 : i32
        %dma_wait3A_125 = arith.constant 0 : i32
        %dma_wait3A_126 = tpu.memref_slice %arg7[%select_n3A_124, %dma_wait3A, %dma_wait3A_125] : memref<2x128x128xf32, #tpu.memory_space<vmem>> -> memref<1x128x128xf32, #tpu.memory_space<vmem>>
        %dma_wait3A_127 = tpu.memref_squeeze %dma_wait3A_126 : memref<1x128x128xf32, #tpu.memory_space<vmem>> -> memref<128x128xf32, #tpu.memory_space<vmem>>
        %dma_wait3A_128 = arith.constant 0 : i32
        %dma_wait3A_129 = tpu.memref_slice %arg5[%add3A_111, %dma_wait3A_128] : memref<40x128xi32, #tpu.memory_space<vmem>> -> memref<1x128xi32, #tpu.memory_space<vmem>>
        %dma_wait3A_130 = tpu.memref_squeeze %dma_wait3A_129 : memref<1x128xi32, #tpu.memory_space<vmem>> -> memref<128xi32, #tpu.memory_space<vmem>>
        %dma_wait3A_131 = arith.constant 0 : i32
        %dma_wait3A_132 = arith.constant 0 : i32
        %dma_wait3A_133 = tpu.memref_slice %arg3[%dma_wait3A_131, %dma_wait3A_132] : memref<10240x128xf32, #tpu.memory_space<hbm>> -> memref<10240x128xf32, #tpu.memory_space<hbm>>
        tpu.wait_indirect_dma semaphore(%arg9 : memref<!tpu.dma_semaphore, #tpu.memory_space<semaphore_mem>>) src(%dma_wait3A_133 : memref<10240x128xf32, #tpu.memory_space<hbm>>) dst(%dma_wait3A_127 : memref<128x128xf32, #tpu.memory_space<vmem>>)
        "tpu.region"() ({
          %run_scoped3A_140 = tpu.sem_alloc : memref<!tpu.dma_semaphore, #tpu.memory_space<semaphore_mem>>
          %dma_start3A_141 = arith.constant 0 : i32
          %dma_start3A_142 = arith.constant 0 : i32
          %dma_start3A_143 = tpu.memref_slice %arg7[%select_n3A_124, %dma_start3A_141, %dma_start3A_142] : memref<2x128x128xf32, #tpu.memory_space<vmem>> -> memref<1x128x128xf32, #tpu.memory_space<vmem>>
          %dma_start3A_144 = tpu.memref_squeeze %dma_start3A_143 : memref<1x128x128xf32, #tpu.memory_space<vmem>> -> memref<128x128xf32, #tpu.memory_space<vmem>>
          %dma_start3A_145 = arith.constant 0 : i32
          %dma_start3A_146 = tpu.memref_slice %arg6[%add3A_111, %dma_start3A_145] : memref<40x128xi32, #tpu.memory_space<vmem>> -> memref<1x128xi32, #tpu.memory_space<vmem>>
          %dma_start3A_147 = tpu.memref_squeeze %dma_start3A_146 : memref<1x128xi32, #tpu.memory_space<vmem>> -> memref<128xi32, #tpu.memory_space<vmem>>
          %dma_start3A_148 = arith.constant 0 : i32
          %dma_start3A_149 = arith.constant 0 : i32
          %dma_start3A_150 = tpu.memref_slice %arg8[%dma_start3A_148, %dma_start3A_149] : memref<10240x128xf32, #tpu.memory_space<vmem_shared>> -> memref<10240x128xf32, #tpu.memory_space<vmem_shared>>
          tpu.enqueue_indirect_dma source(%dma_start3A_144 : memref<128x128xf32, #tpu.memory_space<vmem>>) target(%dma_start3A_150 : memref<10240x128xf32, #tpu.memory_space<vmem_shared>>) offsets(%dma_start3A_147 : memref<128xi32, #tpu.memory_space<vmem>>) semaphore(%run_scoped3A_140 : memref<!tpu.dma_semaphore, #tpu.memory_space<semaphore_mem>>) {add = true}
          %dma_wait3A_151 = arith.constant 0 : i32
          %dma_wait3A_152 = arith.constant 0 : i32
          %dma_wait3A_153 = tpu.memref_slice %arg7[%select_n3A_124, %dma_wait3A_151, %dma_wait3A_152] : memref<2x128x128xf32, #tpu.memory_space<vmem>> -> memref<1x128x128xf32, #tpu.memory_space<vmem>>
          %dma_wait3A_154 = tpu.memref_squeeze %dma_wait3A_153 : memref<1x128x128xf32, #tpu.memory_space<vmem>> -> memref<128x128xf32, #tpu.memory_space<vmem>>
          %dma_wait3A_155 = arith.constant 0 : i32
          %dma_wait3A_156 = tpu.memref_slice %arg6[%add3A_111, %dma_wait3A_155] : memref<40x128xi32, #tpu.memory_space<vmem>> -> memref<1x128xi32, #tpu.memory_space<vmem>>
          %dma_wait3A_157 = tpu.memref_squeeze %dma_wait3A_156 : memref<1x128xi32, #tpu.memory_space<vmem>> -> memref<128xi32, #tpu.memory_space<vmem>>
          %dma_wait3A_158 = arith.constant 0 : i32
          %dma_wait3A_159 = arith.constant 0 : i32
          %dma_wait3A_160 = tpu.memref_slice %arg8[%dma_wait3A_158, %dma_wait3A_159] : memref<10240x128xf32, #tpu.memory_space<vmem_shared>> -> memref<10240x128xf32, #tpu.memory_space<vmem_shared>>
          tpu.wait_indirect_dma semaphore(%run_scoped3A_140 : memref<!tpu.dma_semaphore, #tpu.memory_space<semaphore_mem>>) src(%dma_wait3A_154 : memref<128x128xf32, #tpu.memory_space<vmem>>) dst(%dma_wait3A_160 : memref<10240x128xf32, #tpu.memory_space<vmem_shared>>)
          tpu.yield
        }) : () -> ()
        %add3A_134 = arith.constant 2 : i32
        %add3A_135 = arith.addi %add3A_111, %add3A_134 : i32
        %lt3A_136 = arith.cmpi slt, %add3A_135, %min3A : i32
        %convert_element_type3A_137 = arith.extui %lt3A_136 : i1 to i32
        %cond3A_138 = arith.constant 0 : i32
        %cond3A_139 = arith.cmpi ne, %convert_element_type3A_137, %cond3A_138 : i32
        scf.if %cond3A_139 {
          %add3A_140 = arith.constant 2 : i32
          %add3A_141 = arith.addi %add3A_111, %add3A_140 : i32
          %dma_start3A_142 = arith.constant 0 : i32
          %dma_start3A_143 = arith.constant 0 : i32
          %dma_start3A_144 = tpu.memref_slice %arg7[%select_n3A_124, %dma_start3A_142, %dma_start3A_143] : memref<2x128x128xf32, #tpu.memory_space<vmem>> -> memref<1x128x128xf32, #tpu.memory_space<vmem>>
          %dma_start3A_145 = tpu.memref_squeeze %dma_start3A_144 : memref<1x128x128xf32, #tpu.memory_space<vmem>> -> memref<128x128xf32, #tpu.memory_space<vmem>>
          %dma_start3A_146 = arith.constant 0 : i32
          %dma_start3A_147 = tpu.memref_slice %arg5[%add3A_141, %dma_start3A_146] : memref<40x128xi32, #tpu.memory_space<vmem>> -> memref<1x128xi32, #tpu.memory_space<vmem>>
          %dma_start3A_148 = tpu.memref_squeeze %dma_start3A_147 : memref<1x128xi32, #tpu.memory_space<vmem>> -> memref<128xi32, #tpu.memory_space<vmem>>
          %dma_start3A_149 = arith.constant 0 : i32
          %dma_start3A_150 = arith.constant 0 : i32
          %dma_start3A_151 = tpu.memref_slice %arg3[%dma_start3A_149, %dma_start3A_150] : memref<10240x128xf32, #tpu.memory_space<hbm>> -> memref<10240x128xf32, #tpu.memory_space<hbm>>
          tpu.enqueue_indirect_dma source(%dma_start3A_151 : memref<10240x128xf32, #tpu.memory_space<hbm>>) target(%dma_start3A_145 : memref<128x128xf32, #tpu.memory_space<vmem>>) offsets(%dma_start3A_148 : memref<128xi32, #tpu.memory_space<vmem>>) semaphore(%arg9 : memref<!tpu.dma_semaphore, #tpu.memory_space<semaphore_mem>>)
        } else {
        }
      }
      %while3A_108 = arith.constant 1 : i32
      scf.for %while3A_109 = %while3A_106 to %while3A_102 step %while3A_108  : i32 {
        %mul3A_110 = arith.muli %while3A_109, %while3A : i32
        %add3A_111 = arith.addi %while3A_99, %mul3A_110 : i32
        %jit3A_112 = arith.constant 2 : i32
        %eq3A_113 = arith.constant 0 : i32
        %eq3A_114 = arith.cmpi eq, %jit3A_112, %eq3A_113 : i32
        %jit3A_115 = arith.constant 1 : i32
        %select_n3A_116 = arith.select %eq3A_114, %jit3A_115, %jit3A_112 : i32
        %rem3A = arith.remsi %add3A_111, %select_n3A_116 : i32
        %ne3A = arith.constant 0 : i32
        %ne3A_117 = arith.cmpi ne, %rem3A, %ne3A : i32
        %lt3A_118 = arith.constant 0 : i32
        %lt3A_119 = arith.cmpi slt, %rem3A, %lt3A_118 : i32
        %lt3A_120 = arith.constant 0 : i32
        %lt3A_121 = arith.cmpi slt, %select_n3A_116, %lt3A_120 : i32
        %ne3A_122 = arith.xori %lt3A_119, %lt3A_121 : i1
        %and3A = arith.andi %ne3A_122, %ne3A_117 : i1
        %add3A_123 = arith.addi %rem3A, %select_n3A_116 : i32
        %select_n3A_124 = arith.select %and3A, %add3A_123, %rem3A : i32
        %dma_wait3A = arith.constant 0 : i32
        %dma_wait3A_125 = arith.constant 0 : i32
        %dma_wait3A_126 = tpu.memref_slice %arg7[%select_n3A_124, %dma_wait3A, %dma_wait3A_125] : memref<2x128x128xf32, #tpu.memory_space<vmem>> -> memref<1x128x128xf32, #tpu.memory_space<vmem>>
        %dma_wait3A_127 = tpu.memref_squeeze %dma_wait3A_126 : memref<1x128x128xf32, #tpu.memory_space<vmem>> -> memref<128x128xf32, #tpu.memory_space<vmem>>
        %dma_wait3A_128 = arith.constant 0 : i32
        %dma_wait3A_129 = tpu.memref_slice %arg5[%add3A_111, %dma_wait3A_128] : memref<40x128xi32, #tpu.memory_space<vmem>> -> memref<1x128xi32, #tpu.memory_space<vmem>>
        %dma_wait3A_130 = tpu.memref_squeeze %dma_wait3A_129 : memref<1x128xi32, #tpu.memory_space<vmem>> -> memref<128xi32, #tpu.memory_space<vmem>>
        %dma_wait3A_131 = arith.constant 0 : i32
        %dma_wait3A_132 = arith.constant 0 : i32
        %dma_wait3A_133 = tpu.memref_slice %arg3[%dma_wait3A_131, %dma_wait3A_132] : memref<10240x128xf32, #tpu.memory_space<hbm>> -> memref<10240x128xf32, #tpu.memory_space<hbm>>
        tpu.wait_indirect_dma semaphore(%arg9 : memref<!tpu.dma_semaphore, #tpu.memory_space<semaphore_mem>>) src(%dma_wait3A_133 : memref<10240x128xf32, #tpu.memory_space<hbm>>) dst(%dma_wait3A_127 : memref<128x128xf32, #tpu.memory_space<vmem>>)
        "tpu.region"() ({
          %run_scoped3A_140 = tpu.sem_alloc : memref<!tpu.dma_semaphore, #tpu.memory_space<semaphore_mem>>
          %dma_start3A_141 = arith.constant 0 : i32
          %dma_start3A_142 = arith.constant 0 : i32
          %dma_start3A_143 = tpu.memref_slice %arg7[%select_n3A_124, %dma_start3A_141, %dma_start3A_142] : memref<2x128x128xf32, #tpu.memory_space<vmem>> -> memref<1x128x128xf32, #tpu.memory_space<vmem>>
          %dma_start3A_144 = tpu.memref_squeeze %dma_start3A_143 : memref<1x128x128xf32, #tpu.memory_space<vmem>> -> memref<128x128xf32, #tpu.memory_space<vmem>>
          %dma_start3A_145 = arith.constant 0 : i32
          %dma_start3A_146 = tpu.memref_slice %arg6[%add3A_111, %dma_start3A_145] : memref<40x128xi32, #tpu.memory_space<vmem>> -> memref<1x128xi32, #tpu.memory_space<vmem>>
          %dma_start3A_147 = tpu.memref_squeeze %dma_start3A_146 : memref<1x128xi32, #tpu.memory_space<vmem>> -> memref<128xi32, #tpu.memory_space<vmem>>
          %dma_start3A_148 = arith.constant 0 : i32
          %dma_start3A_149 = arith.constant 0 : i32
          %dma_start3A_150 = tpu.memref_slice %arg8[%dma_start3A_148, %dma_start3A_149] : memref<10240x128xf32, #tpu.memory_space<vmem_shared>> -> memref<10240x128xf32, #tpu.memory_space<vmem_shared>>
          tpu.enqueue_indirect_dma source(%dma_start3A_144 : memref<128x128xf32, #tpu.memory_space<vmem>>) target(%dma_start3A_150 : memref<10240x128xf32, #tpu.memory_space<vmem_shared>>) offsets(%dma_start3A_147 : memref<128xi32, #tpu.memory_space<vmem>>) semaphore(%run_scoped3A_140 : memref<!tpu.dma_semaphore, #tpu.memory_space<semaphore_mem>>) {add = true}
          %dma_wait3A_151 = arith.constant 0 : i32
          %dma_wait3A_152 = arith.constant 0 : i32
          %dma_wait3A_153 = tpu.memref_slice %arg7[%select_n3A_124, %dma_wait3A_151, %dma_wait3A_152] : memref<2x128x128xf32, #tpu.memory_space<vmem>> -> memref<1x128x128xf32, #tpu.memory_space<vmem>>
          %dma_wait3A_154 = tpu.memref_squeeze %dma_wait3A_153 : memref<1x128x128xf32, #tpu.memory_space<vmem>> -> memref<128x128xf32, #tpu.memory_space<vmem>>
          %dma_wait3A_155 = arith.constant 0 : i32
          %dma_wait3A_156 = tpu.memref_slice %arg6[%add3A_111, %dma_wait3A_155] : memref<40x128xi32, #tpu.memory_space<vmem>> -> memref<1x128xi32, #tpu.memory_space<vmem>>
          %dma_wait3A_157 = tpu.memref_squeeze %dma_wait3A_156 : memref<1x128xi32, #tpu.memory_space<vmem>> -> memref<128xi32, #tpu.memory_space<vmem>>
          %dma_wait3A_158 = arith.constant 0 : i32
          %dma_wait3A_159 = arith.constant 0 : i32
          %dma_wait3A_160 = tpu.memref_slice %arg8[%dma_wait3A_158, %dma_wait3A_159] : memref<10240x128xf32, #tpu.memory_space<vmem_shared>> -> memref<10240x128xf32, #tpu.memory_space<vmem_shared>>
          tpu.wait_indirect_dma semaphore(%run_scoped3A_140 : memref<!tpu.dma_semaphore, #tpu.memory_space<semaphore_mem>>) src(%dma_wait3A_154 : memref<128x128xf32, #tpu.memory_space<vmem>>) dst(%dma_wait3A_160 : memref<10240x128xf32, #tpu.memory_space<vmem_shared>>)
          tpu.yield
        }) : () -> ()
        %add3A_134 = arith.constant 2 : i32
        %add3A_135 = arith.addi %add3A_111, %add3A_134 : i32
        %lt3A_136 = arith.cmpi slt, %add3A_135, %min3A : i32
        %convert_element_type3A_137 = arith.extui %lt3A_136 : i1 to i32
        %cond3A_138 = arith.constant 0 : i32
        %cond3A_139 = arith.cmpi ne, %convert_element_type3A_137, %cond3A_138 : i32
        scf.if %cond3A_139 {
          %add3A_140 = arith.constant 2 : i32
          %add3A_141 = arith.addi %add3A_111, %add3A_140 : i32
          %dma_start3A_142 = arith.constant 0 : i32
          %dma_start3A_143 = arith.constant 0 : i32
          %dma_start3A_144 = tpu.memref_slice %arg7[%select_n3A_124, %dma_start3A_142, %dma_start3A_143] : memref<2x128x128xf32, #tpu.memory_space<vmem>> -> memref<1x128x128xf32, #tpu.memory_space<vmem>>
          %dma_start3A_145 = tpu.memref_squeeze %dma_start3A_144 : memref<1x128x128xf32, #tpu.memory_space<vmem>> -> memref<128x128xf32, #tpu.memory_space<vmem>>
          %dma_start3A_146 = arith.constant 0 : i32
          %dma_start3A_147 = tpu.memref_slice %arg5[%add3A_141, %dma_start3A_146] : memref<40x128xi32, #tpu.memory_space<vmem>> -> memref<1x128xi32, #tpu.memory_space<vmem>>
          %dma_start3A_148 = tpu.memref_squeeze %dma_start3A_147 : memref<1x128xi32, #tpu.memory_space<vmem>> -> memref<128xi32, #tpu.memory_space<vmem>>
          %dma_start3A_149 = arith.constant 0 : i32
          %dma_start3A_150 = arith.constant 0 : i32
          %dma_start3A_151 = tpu.memref_slice %arg3[%dma_start3A_149, %dma_start3A_150] : memref<10240x128xf32, #tpu.memory_space<hbm>> -> memref<10240x128xf32, #tpu.memory_space<hbm>>
          tpu.enqueue_indirect_dma source(%dma_start3A_151 : memref<10240x128xf32, #tpu.memory_space<hbm>>) target(%dma_start3A_145 : memref<128x128xf32, #tpu.memory_space<vmem>>) offsets(%dma_start3A_148 : memref<128xi32, #tpu.memory_space<vmem>>) semaphore(%arg9 : memref<!tpu.dma_semaphore, #tpu.memory_space<semaphore_mem>>)
        } else {
        }
      }
    } else {
    }
    %lt3A_52 = arith.constant 31 : i32
    %lt3A_53 = arith.cmpi slt, %add3A, %lt3A_52 : i32
    %convert_element_type3A_54 = arith.extui %lt3A_53 : i1 to i32
    %cond3A_55 = arith.constant 0 : i32
    %cond3A_56 = arith.constant 0 : i32
    %cond3A_57 = arith.cmpi ne, %convert_element_type3A_54, %cond3A_56 : i32
    scf.if %cond3A_57 {
      %mul3A_76 = arith.constant 80 : i32
      %mul3A_77 = arith.muli %add3A, %mul3A_76 : i32
      %add3A_78 = arith.constant 40 : i32
      %add3A_79 = arith.addi %mul3A_77, %add3A_78 : i32
      "tpu.region"() ({
        %run_scoped3A_80 = tpu.sem_alloc : memref<!tpu.dma_semaphore, #tpu.memory_space<semaphore_mem>>
        %dma_start3A = arith.constant 0 : i32
        %dma_start3A_81 = arith.constant 0 : i32
        %dma_start3A_82 = tpu.memref_slice %arg2[%cond3A_55, %dma_start3A, %dma_start3A_81] : memref<2x2500x128xi32, #tpu.memory_space<hbm>> -> memref<1x2500x128xi32, #tpu.memory_space<hbm>>
        %dma_start3A_83 = tpu.memref_squeeze %dma_start3A_82 : memref<1x2500x128xi32, #tpu.memory_space<hbm>> -> memref<2500x128xi32, #tpu.memory_space<hbm>>
        %dma_start3A_84 = arith.constant 0 : i32
        %dma_start3A_85 = tpu.memref_slice %dma_start3A_83[%add3A_79, %dma_start3A_84] : memref<2500x128xi32, #tpu.memory_space<hbm>> -> memref<40x128xi32, #tpu.memory_space<hbm>>
        %dma_start3A_86 = arith.constant 0 : i32
        %dma_start3A_87 = arith.constant 0 : i32
        %dma_start3A_88 = tpu.memref_slice %arg2[%cond3A_55, %dma_start3A_86, %dma_start3A_87] : memref<2x2500x128xi32, #tpu.memory_space<hbm>> -> memref<1x2500x128xi32, #tpu.memory_space<hbm>>
        %dma_start3A_89 = tpu.memref_squeeze %dma_start3A_88 : memref<1x2500x128xi32, #tpu.memory_space<hbm>> -> memref<2500x128xi32, #tpu.memory_space<hbm>>
        %dma_start3A_90 = arith.constant 0 : i32
        %dma_start3A_91 = tpu.memref_slice %dma_start3A_89[%add3A_79, %dma_start3A_90] : memref<2500x128xi32, #tpu.memory_space<hbm>> -> memref<40x128xi32, #tpu.memory_space<hbm>>
        tpu.enqueue_dma source(%dma_start3A_91 : memref<40x128xi32, #tpu.memory_space<hbm>>) target(%arg5 : memref<40x128xi32, #tpu.memory_space<vmem>>) target_semaphore(%run_scoped3A_80 : memref<!tpu.dma_semaphore, #tpu.memory_space<semaphore_mem>>)
        %dma_wait3A = arith.constant 0 : i32
        %dma_wait3A_92 = arith.constant 0 : i32
        %dma_wait3A_93 = tpu.memref_slice %arg2[%cond3A_55, %dma_wait3A, %dma_wait3A_92] : memref<2x2500x128xi32, #tpu.memory_space<hbm>> -> memref<1x2500x128xi32, #tpu.memory_space<hbm>>
        %dma_wait3A_94 = tpu.memref_squeeze %dma_wait3A_93 : memref<1x2500x128xi32, #tpu.memory_space<hbm>> -> memref<2500x128xi32, #tpu.memory_space<hbm>>
        %dma_wait3A_95 = arith.constant 0 : i32
        %dma_wait3A_96 = tpu.memref_slice %dma_wait3A_94[%add3A_79, %dma_wait3A_95] : memref<2500x128xi32, #tpu.memory_space<hbm>> -> memref<40x128xi32, #tpu.memory_space<hbm>>
        %dma_wait3A_97 = arith.constant 0 : i32
        %dma_wait3A_98 = arith.constant 0 : i32
        %dma_wait3A_99 = tpu.memref_slice %arg2[%cond3A_55, %dma_wait3A_97, %dma_wait3A_98] : memref<2x2500x128xi32, #tpu.memory_space<hbm>> -> memref<1x2500x128xi32, #tpu.memory_space<hbm>>
        %dma_wait3A_100 = tpu.memref_squeeze %dma_wait3A_99 : memref<1x2500x128xi32, #tpu.memory_space<hbm>> -> memref<2500x128xi32, #tpu.memory_space<hbm>>
        %dma_wait3A_101 = arith.constant 0 : i32
        %dma_wait3A_102 = tpu.memref_slice %dma_wait3A_100[%add3A_79, %dma_wait3A_101] : memref<2500x128xi32, #tpu.memory_space<hbm>> -> memref<40x128xi32, #tpu.memory_space<hbm>>
        tpu.wait_dma2 semaphore(%run_scoped3A_80 : memref<!tpu.dma_semaphore, #tpu.memory_space<semaphore_mem>>) src(%dma_wait3A_102 : memref<40x128xi32, #tpu.memory_space<hbm>>) dst(%arg5 : memref<40x128xi32, #tpu.memory_space<vmem>>)
        tpu.yield
      }) : () -> ()
    } else {
    }
    %lt3A_58 = arith.constant 31 : i32
    %lt3A_59 = arith.cmpi slt, %add3A, %lt3A_58 : i32
    %convert_element_type3A_60 = arith.extui %lt3A_59 : i1 to i32
    %cond3A_61 = arith.constant 1 : i32
    %cond3A_62 = arith.constant 0 : i32
    %cond3A_63 = arith.cmpi ne, %convert_element_type3A_60, %cond3A_62 : i32
    scf.if %cond3A_63 {
      %mul3A_76 = arith.constant 80 : i32
      %mul3A_77 = arith.muli %add3A, %mul3A_76 : i32
      %add3A_78 = arith.constant 40 : i32
      %add3A_79 = arith.addi %mul3A_77, %add3A_78 : i32
      "tpu.region"() ({
        %run_scoped3A_80 = tpu.sem_alloc : memref<!tpu.dma_semaphore, #tpu.memory_space<semaphore_mem>>
        %dma_start3A = arith.constant 0 : i32
        %dma_start3A_81 = arith.constant 0 : i32
        %dma_start3A_82 = tpu.memref_slice %arg2[%cond3A_61, %dma_start3A, %dma_start3A_81] : memref<2x2500x128xi32, #tpu.memory_space<hbm>> -> memref<1x2500x128xi32, #tpu.memory_space<hbm>>
        %dma_start3A_83 = tpu.memref_squeeze %dma_start3A_82 : memref<1x2500x128xi32, #tpu.memory_space<hbm>> -> memref<2500x128xi32, #tpu.memory_space<hbm>>
        %dma_start3A_84 = arith.constant 0 : i32
        %dma_start3A_85 = tpu.memref_slice %dma_start3A_83[%add3A_79, %dma_start3A_84] : memref<2500x128xi32, #tpu.memory_space<hbm>> -> memref<40x128xi32, #tpu.memory_space<hbm>>
        %dma_start3A_86 = arith.constant 0 : i32
        %dma_start3A_87 = arith.constant 0 : i32
        %dma_start3A_88 = tpu.memref_slice %arg2[%cond3A_61, %dma_start3A_86, %dma_start3A_87] : memref<2x2500x128xi32, #tpu.memory_space<hbm>> -> memref<1x2500x128xi32, #tpu.memory_space<hbm>>
        %dma_start3A_89 = tpu.memref_squeeze %dma_start3A_88 : memref<1x2500x128xi32, #tpu.memory_space<hbm>> -> memref<2500x128xi32, #tpu.memory_space<hbm>>
        %dma_start3A_90 = arith.constant 0 : i32
        %dma_start3A_91 = tpu.memref_slice %dma_start3A_89[%add3A_79, %dma_start3A_90] : memref<2500x128xi32, #tpu.memory_space<hbm>> -> memref<40x128xi32, #tpu.memory_space<hbm>>
        tpu.enqueue_dma source(%dma_start3A_91 : memref<40x128xi32, #tpu.memory_space<hbm>>) target(%arg6 : memref<40x128xi32, #tpu.memory_space<vmem>>) target_semaphore(%run_scoped3A_80 : memref<!tpu.dma_semaphore, #tpu.memory_space<semaphore_mem>>)
        %dma_wait3A = arith.constant 0 : i32
        %dma_wait3A_92 = arith.constant 0 : i32
        %dma_wait3A_93 = tpu.memref_slice %arg2[%cond3A_61, %dma_wait3A, %dma_wait3A_92] : memref<2x2500x128xi32, #tpu.memory_space<hbm>> -> memref<1x2500x128xi32, #tpu.memory_space<hbm>>
        %dma_wait3A_94 = tpu.memref_squeeze %dma_wait3A_93 : memref<1x2500x128xi32, #tpu.memory_space<hbm>> -> memref<2500x128xi32, #tpu.memory_space<hbm>>
        %dma_wait3A_95 = arith.constant 0 : i32
        %dma_wait3A_96 = tpu.memref_slice %dma_wait3A_94[%add3A_79, %dma_wait3A_95] : memref<2500x128xi32, #tpu.memory_space<hbm>> -> memref<40x128xi32, #tpu.memory_space<hbm>>
        %dma_wait3A_97 = arith.constant 0 : i32
        %dma_wait3A_98 = arith.constant 0 : i32
        %dma_wait3A_99 = tpu.memref_slice %arg2[%cond3A_61, %dma_wait3A_97, %dma_wait3A_98] : memref<2x2500x128xi32, #tpu.memory_space<hbm>> -> memref<1x2500x128xi32, #tpu.memory_space<hbm>>
        %dma_wait3A_100 = tpu.memref_squeeze %dma_wait3A_99 : memref<1x2500x128xi32, #tpu.memory_space<hbm>> -> memref<2500x128xi32, #tpu.memory_space<hbm>>
        %dma_wait3A_101 = arith.constant 0 : i32
        %dma_wait3A_102 = tpu.memref_slice %dma_wait3A_100[%add3A_79, %dma_wait3A_101] : memref<2500x128xi32, #tpu.memory_space<hbm>> -> memref<40x128xi32, #tpu.memory_space<hbm>>
        tpu.wait_dma2 semaphore(%run_scoped3A_80 : memref<!tpu.dma_semaphore, #tpu.memory_space<semaphore_mem>>) src(%dma_wait3A_102 : memref<40x128xi32, #tpu.memory_space<hbm>>) dst(%arg6 : memref<40x128xi32, #tpu.memory_space<vmem>>)
        tpu.yield
      }) : () -> ()
    } else {
    }
    %sub3A_64 = arith.constant 40 : i32
    %sub3A_65 = arith.subi %select_n3A, %sub3A_64 : i32
    %jit3A_66 = arith.constant 0 : i32
    %jit3A_67 = arith.constant 40 : i32
    %max3A_68 = arith.maxsi %jit3A_66, %sub3A_65 : i32
    %min3A_69 = arith.minsi %jit3A_67, %max3A_68 : i32
    %gt3A_70 = arith.constant 0 : i32
    %gt3A_71 = arith.cmpi sgt, %min3A_69, %gt3A_70 : i32
    %convert_element_type3A_72 = arith.extui %gt3A_71 : i1 to i32
    %cond3A_73 = arith.constant 0 : i32
    %cond3A_74 = arith.cmpi ne, %convert_element_type3A_72, %cond3A_73 : i32
    scf.if %cond3A_74 {
      %dma_start3A = arith.constant 0 : i32
      %dma_start3A_76 = arith.constant 0 : i32
      %dma_start3A_77 = arith.constant 0 : i32
      %dma_start3A_78 = arith.constant 0 : i32
      %dma_start3A_79 = tpu.memref_slice %arg7[%dma_start3A_76, %dma_start3A_77, %dma_start3A_78] : memref<2x128x128xf32, #tpu.memory_space<vmem>> -> memref<1x128x128xf32, #tpu.memory_space<vmem>>
      %dma_start3A_80 = tpu.memref_squeeze %dma_start3A_79 : memref<1x128x128xf32, #tpu.memory_space<vmem>> -> memref<128x128xf32, #tpu.memory_space<vmem>>
      %dma_start3A_81 = arith.constant 0 : i32
      %dma_start3A_82 = tpu.memref_slice %arg5[%dma_start3A, %dma_start3A_81] : memref<40x128xi32, #tpu.memory_space<vmem>> -> memref<1x128xi32, #tpu.memory_space<vmem>>
      %dma_start3A_83 = tpu.memref_squeeze %dma_start3A_82 : memref<1x128xi32, #tpu.memory_space<vmem>> -> memref<128xi32, #tpu.memory_space<vmem>>
      %dma_start3A_84 = arith.constant 0 : i32
      %dma_start3A_85 = arith.constant 0 : i32
      %dma_start3A_86 = tpu.memref_slice %arg3[%dma_start3A_84, %dma_start3A_85] : memref<10240x128xf32, #tpu.memory_space<hbm>> -> memref<10240x128xf32, #tpu.memory_space<hbm>>
      tpu.enqueue_indirect_dma source(%dma_start3A_86 : memref<10240x128xf32, #tpu.memory_space<hbm>>) target(%dma_start3A_80 : memref<128x128xf32, #tpu.memory_space<vmem>>) offsets(%dma_start3A_83 : memref<128xi32, #tpu.memory_space<vmem>>) semaphore(%arg9 : memref<!tpu.dma_semaphore, #tpu.memory_space<semaphore_mem>>)
      %gt3A_87 = arith.constant 1 : i32
      %gt3A_88 = arith.cmpi sgt, %min3A_69, %gt3A_87 : i32
      %convert_element_type3A_89 = arith.extui %gt3A_88 : i1 to i32
      %cond3A_90 = arith.constant 0 : i32
      %cond3A_91 = arith.cmpi ne, %convert_element_type3A_89, %cond3A_90 : i32
      scf.if %cond3A_91 {
        %dma_start3A_109 = arith.constant 1 : i32
        %dma_start3A_110 = arith.constant 1 : i32
        %dma_start3A_111 = arith.constant 0 : i32
        %dma_start3A_112 = arith.constant 0 : i32
        %dma_start3A_113 = tpu.memref_slice %arg7[%dma_start3A_110, %dma_start3A_111, %dma_start3A_112] : memref<2x128x128xf32, #tpu.memory_space<vmem>> -> memref<1x128x128xf32, #tpu.memory_space<vmem>>
        %dma_start3A_114 = tpu.memref_squeeze %dma_start3A_113 : memref<1x128x128xf32, #tpu.memory_space<vmem>> -> memref<128x128xf32, #tpu.memory_space<vmem>>
        %dma_start3A_115 = arith.constant 0 : i32
        %dma_start3A_116 = tpu.memref_slice %arg5[%dma_start3A_109, %dma_start3A_115] : memref<40x128xi32, #tpu.memory_space<vmem>> -> memref<1x128xi32, #tpu.memory_space<vmem>>
        %dma_start3A_117 = tpu.memref_squeeze %dma_start3A_116 : memref<1x128xi32, #tpu.memory_space<vmem>> -> memref<128xi32, #tpu.memory_space<vmem>>
        %dma_start3A_118 = arith.constant 0 : i32
        %dma_start3A_119 = arith.constant 0 : i32
        %dma_start3A_120 = tpu.memref_slice %arg3[%dma_start3A_118, %dma_start3A_119] : memref<10240x128xf32, #tpu.memory_space<hbm>> -> memref<10240x128xf32, #tpu.memory_space<hbm>>
        tpu.enqueue_indirect_dma source(%dma_start3A_120 : memref<10240x128xf32, #tpu.memory_space<hbm>>) target(%dma_start3A_114 : memref<128x128xf32, #tpu.memory_space<vmem>>) offsets(%dma_start3A_117 : memref<128xi32, #tpu.memory_space<vmem>>) semaphore(%arg9 : memref<!tpu.dma_semaphore, #tpu.memory_space<semaphore_mem>>)
      } else {
      }
      %sub3A_92 = arith.constant 0 : i32
      %sub3A_93 = arith.subi %min3A_69, %sub3A_92 : i32
      %sub3A_94 = arith.constant 1 : i32
      %sub3A_95 = arith.constant 1 : i32
      %sub3A_96 = arith.subi %sub3A_94, %sub3A_95 : i32
      %add3A_97 = arith.addi %sub3A_93, %sub3A_96 : i32
      %div3A = arith.constant 1 : i32
      %div3A_98 = arith.divsi %add3A_97, %div3A : i32
      %while3A = arith.constant 1 : i32
      %while3A_99 = arith.constant 0 : i32
      %while3A_100 = arith.constant 0 : i32
      %while3A_101 = arith.subi %div3A_98, %while3A_100 : i32
      %while3A_102 = arith.addi %while3A_100, %while3A_101 : i32
      %while3A_103 = arith.constant 1 : i32
      %while3A_104 = arith.divsi %while3A_101, %while3A_103 : i32
      %while3A_105 = arith.muli %while3A_104, %while3A_103 : i32
      %while3A_106 = arith.addi %while3A_100, %while3A_105 : i32
      %while3A_107 = arith.constant 1 : i32
      scf.for %while3A_109 = %while3A_100 to %while3A_106 step %while3A_107  : i32 {
        %mul3A_110 = arith.muli %while3A_109, %while3A : i32
        %add3A_111 = arith.addi %while3A_99, %mul3A_110 : i32
        %jit3A_112 = arith.constant 2 : i32
        %eq3A_113 = arith.constant 0 : i32
        %eq3A_114 = arith.cmpi eq, %jit3A_112, %eq3A_113 : i32
        %jit3A_115 = arith.constant 1 : i32
        %select_n3A_116 = arith.select %eq3A_114, %jit3A_115, %jit3A_112 : i32
        %rem3A = arith.remsi %add3A_111, %select_n3A_116 : i32
        %ne3A = arith.constant 0 : i32
        %ne3A_117 = arith.cmpi ne, %rem3A, %ne3A : i32
        %lt3A_118 = arith.constant 0 : i32
        %lt3A_119 = arith.cmpi slt, %rem3A, %lt3A_118 : i32
        %lt3A_120 = arith.constant 0 : i32
        %lt3A_121 = arith.cmpi slt, %select_n3A_116, %lt3A_120 : i32
        %ne3A_122 = arith.xori %lt3A_119, %lt3A_121 : i1
        %and3A = arith.andi %ne3A_122, %ne3A_117 : i1
        %add3A_123 = arith.addi %rem3A, %select_n3A_116 : i32
        %select_n3A_124 = arith.select %and3A, %add3A_123, %rem3A : i32
        %dma_wait3A = arith.constant 0 : i32
        %dma_wait3A_125 = arith.constant 0 : i32
        %dma_wait3A_126 = tpu.memref_slice %arg7[%select_n3A_124, %dma_wait3A, %dma_wait3A_125] : memref<2x128x128xf32, #tpu.memory_space<vmem>> -> memref<1x128x128xf32, #tpu.memory_space<vmem>>
        %dma_wait3A_127 = tpu.memref_squeeze %dma_wait3A_126 : memref<1x128x128xf32, #tpu.memory_space<vmem>> -> memref<128x128xf32, #tpu.memory_space<vmem>>
        %dma_wait3A_128 = arith.constant 0 : i32
        %dma_wait3A_129 = tpu.memref_slice %arg5[%add3A_111, %dma_wait3A_128] : memref<40x128xi32, #tpu.memory_space<vmem>> -> memref<1x128xi32, #tpu.memory_space<vmem>>
        %dma_wait3A_130 = tpu.memref_squeeze %dma_wait3A_129 : memref<1x128xi32, #tpu.memory_space<vmem>> -> memref<128xi32, #tpu.memory_space<vmem>>
        %dma_wait3A_131 = arith.constant 0 : i32
        %dma_wait3A_132 = arith.constant 0 : i32
        %dma_wait3A_133 = tpu.memref_slice %arg3[%dma_wait3A_131, %dma_wait3A_132] : memref<10240x128xf32, #tpu.memory_space<hbm>> -> memref<10240x128xf32, #tpu.memory_space<hbm>>
        tpu.wait_indirect_dma semaphore(%arg9 : memref<!tpu.dma_semaphore, #tpu.memory_space<semaphore_mem>>) src(%dma_wait3A_133 : memref<10240x128xf32, #tpu.memory_space<hbm>>) dst(%dma_wait3A_127 : memref<128x128xf32, #tpu.memory_space<vmem>>)
        "tpu.region"() ({
          %run_scoped3A_140 = tpu.sem_alloc : memref<!tpu.dma_semaphore, #tpu.memory_space<semaphore_mem>>
          %dma_start3A_141 = arith.constant 0 : i32
          %dma_start3A_142 = arith.constant 0 : i32
          %dma_start3A_143 = tpu.memref_slice %arg7[%select_n3A_124, %dma_start3A_141, %dma_start3A_142] : memref<2x128x128xf32, #tpu.memory_space<vmem>> -> memref<1x128x128xf32, #tpu.memory_space<vmem>>
          %dma_start3A_144 = tpu.memref_squeeze %dma_start3A_143 : memref<1x128x128xf32, #tpu.memory_space<vmem>> -> memref<128x128xf32, #tpu.memory_space<vmem>>
          %dma_start3A_145 = arith.constant 0 : i32
          %dma_start3A_146 = tpu.memref_slice %arg6[%add3A_111, %dma_start3A_145] : memref<40x128xi32, #tpu.memory_space<vmem>> -> memref<1x128xi32, #tpu.memory_space<vmem>>
          %dma_start3A_147 = tpu.memref_squeeze %dma_start3A_146 : memref<1x128xi32, #tpu.memory_space<vmem>> -> memref<128xi32, #tpu.memory_space<vmem>>
          %dma_start3A_148 = arith.constant 0 : i32
          %dma_start3A_149 = arith.constant 0 : i32
          %dma_start3A_150 = tpu.memref_slice %arg8[%dma_start3A_148, %dma_start3A_149] : memref<10240x128xf32, #tpu.memory_space<vmem_shared>> -> memref<10240x128xf32, #tpu.memory_space<vmem_shared>>
          tpu.enqueue_indirect_dma source(%dma_start3A_144 : memref<128x128xf32, #tpu.memory_space<vmem>>) target(%dma_start3A_150 : memref<10240x128xf32, #tpu.memory_space<vmem_shared>>) offsets(%dma_start3A_147 : memref<128xi32, #tpu.memory_space<vmem>>) semaphore(%run_scoped3A_140 : memref<!tpu.dma_semaphore, #tpu.memory_space<semaphore_mem>>) {add = true}
          %dma_wait3A_151 = arith.constant 0 : i32
          %dma_wait3A_152 = arith.constant 0 : i32
          %dma_wait3A_153 = tpu.memref_slice %arg7[%select_n3A_124, %dma_wait3A_151, %dma_wait3A_152] : memref<2x128x128xf32, #tpu.memory_space<vmem>> -> memref<1x128x128xf32, #tpu.memory_space<vmem>>
          %dma_wait3A_154 = tpu.memref_squeeze %dma_wait3A_153 : memref<1x128x128xf32, #tpu.memory_space<vmem>> -> memref<128x128xf32, #tpu.memory_space<vmem>>
          %dma_wait3A_155 = arith.constant 0 : i32
          %dma_wait3A_156 = tpu.memref_slice %arg6[%add3A_111, %dma_wait3A_155] : memref<40x128xi32, #tpu.memory_space<vmem>> -> memref<1x128xi32, #tpu.memory_space<vmem>>
          %dma_wait3A_157 = tpu.memref_squeeze %dma_wait3A_156 : memref<1x128xi32, #tpu.memory_space<vmem>> -> memref<128xi32, #tpu.memory_space<vmem>>
          %dma_wait3A_158 = arith.constant 0 : i32
          %dma_wait3A_159 = arith.constant 0 : i32
          %dma_wait3A_160 = tpu.memref_slice %arg8[%dma_wait3A_158, %dma_wait3A_159] : memref<10240x128xf32, #tpu.memory_space<vmem_shared>> -> memref<10240x128xf32, #tpu.memory_space<vmem_shared>>
          tpu.wait_indirect_dma semaphore(%run_scoped3A_140 : memref<!tpu.dma_semaphore, #tpu.memory_space<semaphore_mem>>) src(%dma_wait3A_154 : memref<128x128xf32, #tpu.memory_space<vmem>>) dst(%dma_wait3A_160 : memref<10240x128xf32, #tpu.memory_space<vmem_shared>>)
          tpu.yield
        }) : () -> ()
        %add3A_134 = arith.constant 2 : i32
        %add3A_135 = arith.addi %add3A_111, %add3A_134 : i32
        %lt3A_136 = arith.cmpi slt, %add3A_135, %min3A_69 : i32
        %convert_element_type3A_137 = arith.extui %lt3A_136 : i1 to i32
        %cond3A_138 = arith.constant 0 : i32
        %cond3A_139 = arith.cmpi ne, %convert_element_type3A_137, %cond3A_138 : i32
        scf.if %cond3A_139 {
          %add3A_140 = arith.constant 2 : i32
          %add3A_141 = arith.addi %add3A_111, %add3A_140 : i32
          %dma_start3A_142 = arith.constant 0 : i32
          %dma_start3A_143 = arith.constant 0 : i32
          %dma_start3A_144 = tpu.memref_slice %arg7[%select_n3A_124, %dma_start3A_142, %dma_start3A_143] : memref<2x128x128xf32, #tpu.memory_space<vmem>> -> memref<1x128x128xf32, #tpu.memory_space<vmem>>
          %dma_start3A_145 = tpu.memref_squeeze %dma_start3A_144 : memref<1x128x128xf32, #tpu.memory_space<vmem>> -> memref<128x128xf32, #tpu.memory_space<vmem>>
          %dma_start3A_146 = arith.constant 0 : i32
          %dma_start3A_147 = tpu.memref_slice %arg5[%add3A_141, %dma_start3A_146] : memref<40x128xi32, #tpu.memory_space<vmem>> -> memref<1x128xi32, #tpu.memory_space<vmem>>
          %dma_start3A_148 = tpu.memref_squeeze %dma_start3A_147 : memref<1x128xi32, #tpu.memory_space<vmem>> -> memref<128xi32, #tpu.memory_space<vmem>>
          %dma_start3A_149 = arith.constant 0 : i32
          %dma_start3A_150 = arith.constant 0 : i32
          %dma_start3A_151 = tpu.memref_slice %arg3[%dma_start3A_149, %dma_start3A_150] : memref<10240x128xf32, #tpu.memory_space<hbm>> -> memref<10240x128xf32, #tpu.memory_space<hbm>>
          tpu.enqueue_indirect_dma source(%dma_start3A_151 : memref<10240x128xf32, #tpu.memory_space<hbm>>) target(%dma_start3A_145 : memref<128x128xf32, #tpu.memory_space<vmem>>) offsets(%dma_start3A_148 : memref<128xi32, #tpu.memory_space<vmem>>) semaphore(%arg9 : memref<!tpu.dma_semaphore, #tpu.memory_space<semaphore_mem>>)
        } else {
        }
      }
      %while3A_108 = arith.constant 1 : i32
      scf.for %while3A_109 = %while3A_106 to %while3A_102 step %while3A_108  : i32 {
        %mul3A_110 = arith.muli %while3A_109, %while3A : i32
        %add3A_111 = arith.addi %while3A_99, %mul3A_110 : i32
        %jit3A_112 = arith.constant 2 : i32
        %eq3A_113 = arith.constant 0 : i32
        %eq3A_114 = arith.cmpi eq, %jit3A_112, %eq3A_113 : i32
        %jit3A_115 = arith.constant 1 : i32
        %select_n3A_116 = arith.select %eq3A_114, %jit3A_115, %jit3A_112 : i32
        %rem3A = arith.remsi %add3A_111, %select_n3A_116 : i32
        %ne3A = arith.constant 0 : i32
        %ne3A_117 = arith.cmpi ne, %rem3A, %ne3A : i32
        %lt3A_118 = arith.constant 0 : i32
        %lt3A_119 = arith.cmpi slt, %rem3A, %lt3A_118 : i32
        %lt3A_120 = arith.constant 0 : i32
        %lt3A_121 = arith.cmpi slt, %select_n3A_116, %lt3A_120 : i32
        %ne3A_122 = arith.xori %lt3A_119, %lt3A_121 : i1
        %and3A = arith.andi %ne3A_122, %ne3A_117 : i1
        %add3A_123 = arith.addi %rem3A, %select_n3A_116 : i32
        %select_n3A_124 = arith.select %and3A, %add3A_123, %rem3A : i32
        %dma_wait3A = arith.constant 0 : i32
        %dma_wait3A_125 = arith.constant 0 : i32
        %dma_wait3A_126 = tpu.memref_slice %arg7[%select_n3A_124, %dma_wait3A, %dma_wait3A_125] : memref<2x128x128xf32, #tpu.memory_space<vmem>> -> memref<1x128x128xf32, #tpu.memory_space<vmem>>
        %dma_wait3A_127 = tpu.memref_squeeze %dma_wait3A_126 : memref<1x128x128xf32, #tpu.memory_space<vmem>> -> memref<128x128xf32, #tpu.memory_space<vmem>>
        %dma_wait3A_128 = arith.constant 0 : i32
        %dma_wait3A_129 = tpu.memref_slice %arg5[%add3A_111, %dma_wait3A_128] : memref<40x128xi32, #tpu.memory_space<vmem>> -> memref<1x128xi32, #tpu.memory_space<vmem>>
        %dma_wait3A_130 = tpu.memref_squeeze %dma_wait3A_129 : memref<1x128xi32, #tpu.memory_space<vmem>> -> memref<128xi32, #tpu.memory_space<vmem>>
        %dma_wait3A_131 = arith.constant 0 : i32
        %dma_wait3A_132 = arith.constant 0 : i32
        %dma_wait3A_133 = tpu.memref_slice %arg3[%dma_wait3A_131, %dma_wait3A_132] : memref<10240x128xf32, #tpu.memory_space<hbm>> -> memref<10240x128xf32, #tpu.memory_space<hbm>>
        tpu.wait_indirect_dma semaphore(%arg9 : memref<!tpu.dma_semaphore, #tpu.memory_space<semaphore_mem>>) src(%dma_wait3A_133 : memref<10240x128xf32, #tpu.memory_space<hbm>>) dst(%dma_wait3A_127 : memref<128x128xf32, #tpu.memory_space<vmem>>)
        "tpu.region"() ({
          %run_scoped3A_140 = tpu.sem_alloc : memref<!tpu.dma_semaphore, #tpu.memory_space<semaphore_mem>>
          %dma_start3A_141 = arith.constant 0 : i32
          %dma_start3A_142 = arith.constant 0 : i32
          %dma_start3A_143 = tpu.memref_slice %arg7[%select_n3A_124, %dma_start3A_141, %dma_start3A_142] : memref<2x128x128xf32, #tpu.memory_space<vmem>> -> memref<1x128x128xf32, #tpu.memory_space<vmem>>
          %dma_start3A_144 = tpu.memref_squeeze %dma_start3A_143 : memref<1x128x128xf32, #tpu.memory_space<vmem>> -> memref<128x128xf32, #tpu.memory_space<vmem>>
          %dma_start3A_145 = arith.constant 0 : i32
          %dma_start3A_146 = tpu.memref_slice %arg6[%add3A_111, %dma_start3A_145] : memref<40x128xi32, #tpu.memory_space<vmem>> -> memref<1x128xi32, #tpu.memory_space<vmem>>
          %dma_start3A_147 = tpu.memref_squeeze %dma_start3A_146 : memref<1x128xi32, #tpu.memory_space<vmem>> -> memref<128xi32, #tpu.memory_space<vmem>>
          %dma_start3A_148 = arith.constant 0 : i32
          %dma_start3A_149 = arith.constant 0 : i32
          %dma_start3A_150 = tpu.memref_slice %arg8[%dma_start3A_148, %dma_start3A_149] : memref<10240x128xf32, #tpu.memory_space<vmem_shared>> -> memref<10240x128xf32, #tpu.memory_space<vmem_shared>>
          tpu.enqueue_indirect_dma source(%dma_start3A_144 : memref<128x128xf32, #tpu.memory_space<vmem>>) target(%dma_start3A_150 : memref<10240x128xf32, #tpu.memory_space<vmem_shared>>) offsets(%dma_start3A_147 : memref<128xi32, #tpu.memory_space<vmem>>) semaphore(%run_scoped3A_140 : memref<!tpu.dma_semaphore, #tpu.memory_space<semaphore_mem>>) {add = true}
          %dma_wait3A_151 = arith.constant 0 : i32
          %dma_wait3A_152 = arith.constant 0 : i32
          %dma_wait3A_153 = tpu.memref_slice %arg7[%select_n3A_124, %dma_wait3A_151, %dma_wait3A_152] : memref<2x128x128xf32, #tpu.memory_space<vmem>> -> memref<1x128x128xf32, #tpu.memory_space<vmem>>
          %dma_wait3A_154 = tpu.memref_squeeze %dma_wait3A_153 : memref<1x128x128xf32, #tpu.memory_space<vmem>> -> memref<128x128xf32, #tpu.memory_space<vmem>>
          %dma_wait3A_155 = arith.constant 0 : i32
          %dma_wait3A_156 = tpu.memref_slice %arg6[%add3A_111, %dma_wait3A_155] : memref<40x128xi32, #tpu.memory_space<vmem>> -> memref<1x128xi32, #tpu.memory_space<vmem>>
          %dma_wait3A_157 = tpu.memref_squeeze %dma_wait3A_156 : memref<1x128xi32, #tpu.memory_space<vmem>> -> memref<128xi32, #tpu.memory_space<vmem>>
          %dma_wait3A_158 = arith.constant 0 : i32
          %dma_wait3A_159 = arith.constant 0 : i32
          %dma_wait3A_160 = tpu.memref_slice %arg8[%dma_wait3A_158, %dma_wait3A_159] : memref<10240x128xf32, #tpu.memory_space<vmem_shared>> -> memref<10240x128xf32, #tpu.memory_space<vmem_shared>>
          tpu.wait_indirect_dma semaphore(%run_scoped3A_140 : memref<!tpu.dma_semaphore, #tpu.memory_space<semaphore_mem>>) src(%dma_wait3A_154 : memref<128x128xf32, #tpu.memory_space<vmem>>) dst(%dma_wait3A_160 : memref<10240x128xf32, #tpu.memory_space<vmem_shared>>)
          tpu.yield
        }) : () -> ()
        %add3A_134 = arith.constant 2 : i32
        %add3A_135 = arith.addi %add3A_111, %add3A_134 : i32
        %lt3A_136 = arith.cmpi slt, %add3A_135, %min3A_69 : i32
        %convert_element_type3A_137 = arith.extui %lt3A_136 : i1 to i32
        %cond3A_138 = arith.constant 0 : i32
        %cond3A_139 = arith.cmpi ne, %convert_element_type3A_137, %cond3A_138 : i32
        scf.if %cond3A_139 {
          %add3A_140 = arith.constant 2 : i32
          %add3A_141 = arith.addi %add3A_111, %add3A_140 : i32
          %dma_start3A_142 = arith.constant 0 : i32
          %dma_start3A_143 = arith.constant 0 : i32
          %dma_start3A_144 = tpu.memref_slice %arg7[%select_n3A_124, %dma_start3A_142, %dma_start3A_143] : memref<2x128x128xf32, #tpu.memory_space<vmem>> -> memref<1x128x128xf32, #tpu.memory_space<vmem>>
          %dma_start3A_145 = tpu.memref_squeeze %dma_start3A_144 : memref<1x128x128xf32, #tpu.memory_space<vmem>> -> memref<128x128xf32, #tpu.memory_space<vmem>>
          %dma_start3A_146 = arith.constant 0 : i32
          %dma_start3A_147 = tpu.memref_slice %arg5[%add3A_141, %dma_start3A_146] : memref<40x128xi32, #tpu.memory_space<vmem>> -> memref<1x128xi32, #tpu.memory_space<vmem>>
          %dma_start3A_148 = tpu.memref_squeeze %dma_start3A_147 : memref<1x128xi32, #tpu.memory_space<vmem>> -> memref<128xi32, #tpu.memory_space<vmem>>
          %dma_start3A_149 = arith.constant 0 : i32
          %dma_start3A_150 = arith.constant 0 : i32
          %dma_start3A_151 = tpu.memref_slice %arg3[%dma_start3A_149, %dma_start3A_150] : memref<10240x128xf32, #tpu.memory_space<hbm>> -> memref<10240x128xf32, #tpu.memory_space<hbm>>
          tpu.enqueue_indirect_dma source(%dma_start3A_151 : memref<10240x128xf32, #tpu.memory_space<hbm>>) target(%dma_start3A_145 : memref<128x128xf32, #tpu.memory_space<vmem>>) offsets(%dma_start3A_148 : memref<128xi32, #tpu.memory_space<vmem>>) semaphore(%arg9 : memref<!tpu.dma_semaphore, #tpu.memory_space<semaphore_mem>>)
        } else {
        }
      }
    } else {
    }
    %barrier3A_75 = arith.constant 0 : index
    tpu.barrier barrier_id(%barrier3A_75)
    "tpu.region"() ({
      %run_scoped3A_76 = tpu.sem_alloc : memref<!tpu.dma_semaphore, #tpu.memory_space<semaphore_mem>>
      %dma_start3A = arith.constant 0 : i32
      %dma_start3A_77 = arith.constant 0 : i32
      %dma_start3A_78 = tpu.memref_slice %arg4[%arg0, %dma_start3A, %dma_start3A_77] : memref<2x10240x128xf32, #tpu.memory_space<hbm>> -> memref<1x10240x128xf32, #tpu.memory_space<hbm>>
      %dma_start3A_79 = tpu.memref_squeeze %dma_start3A_78 : memref<1x10240x128xf32, #tpu.memory_space<hbm>> -> memref<10240x128xf32, #tpu.memory_space<hbm>>
      %dma_start3A_80 = arith.constant 0 : i32
      %dma_start3A_81 = tpu.memref_slice %dma_start3A_79[%mul3A_4, %dma_start3A_80] : memref<10240x128xf32, #tpu.memory_space<hbm>> -> memref<640x128xf32, #tpu.memory_space<hbm>>
      %dma_start3A_82 = arith.constant 0 : i32
      %dma_start3A_83 = tpu.memref_slice %arg8[%mul3A_4, %dma_start3A_82] : memref<10240x128xf32, #tpu.memory_space<vmem_shared>> -> memref<640x128xf32, #tpu.memory_space<vmem_shared>>
      tpu.enqueue_dma source(%dma_start3A_83 : memref<640x128xf32, #tpu.memory_space<vmem_shared>>) target(%dma_start3A_81 : memref<640x128xf32, #tpu.memory_space<hbm>>) target_semaphore(%run_scoped3A_76 : memref<!tpu.dma_semaphore, #tpu.memory_space<semaphore_mem>>)
      %dma_wait3A = arith.constant 0 : i32
      %dma_wait3A_84 = arith.constant 0 : i32
      %dma_wait3A_85 = tpu.memref_slice %arg4[%arg0, %dma_wait3A, %dma_wait3A_84] : memref<2x10240x128xf32, #tpu.memory_space<hbm>> -> memref<1x10240x128xf32, #tpu.memory_space<hbm>>
      %dma_wait3A_86 = tpu.memref_squeeze %dma_wait3A_85 : memref<1x10240x128xf32, #tpu.memory_space<hbm>> -> memref<10240x128xf32, #tpu.memory_space<hbm>>
      %dma_wait3A_87 = arith.constant 0 : i32
      %dma_wait3A_88 = tpu.memref_slice %dma_wait3A_86[%mul3A_4, %dma_wait3A_87] : memref<10240x128xf32, #tpu.memory_space<hbm>> -> memref<640x128xf32, #tpu.memory_space<hbm>>
      %dma_wait3A_89 = arith.constant 0 : i32
      %dma_wait3A_90 = tpu.memref_slice %arg8[%mul3A_4, %dma_wait3A_89] : memref<10240x128xf32, #tpu.memory_space<vmem_shared>> -> memref<640x128xf32, #tpu.memory_space<vmem_shared>>
      tpu.wait_dma2 semaphore(%run_scoped3A_76 : memref<!tpu.dma_semaphore, #tpu.memory_space<semaphore_mem>>) src(%dma_wait3A_90 : memref<640x128xf32, #tpu.memory_space<vmem_shared>>) dst(%dma_wait3A_88 : memref<640x128xf32, #tpu.memory_space<hbm>>)
      tpu.yield
    }) : () -> ()
    return
  }
}

module attributes {stable_mosaic.version = 14 : i64} {
  func.func @_tc3_body(%arg0: i32, %arg1: memref<2x512x128xf32, #tpu.memory_space<vmem>>, %arg2: memref<2x512x128xf32, #tpu.memory_space<vmem>>, %arg3: memref<512x128xf32, #tpu.memory_space<vmem>>, %arg4: memref<1x128xf32, #tpu.memory_space<vmem>>, %arg5: memref<1x128xf32, #tpu.memory_space<vmem>>, %arg6: memref<1x128xf32, #tpu.memory_space<vmem>>, %arg7: memref<512x128xf32, #tpu.memory_space<vmem>>) attributes {dimension_semantics = [#tpu.dimension_semantics<arbitrary>], iteration_bounds = array<i64: 20>, scalar_prefetch = 0 : i64, scratch_operands = 0 : i64, tpu.core_type = #tpu.core_type<tc>, window_params = [{transform_indices = @transform_0, window_bounds = array<i64: 2, 512, 128>}, {transform_indices = @transform_1, window_bounds = array<i64: 2, 512, 128>}, {transform_indices = @transform_2, window_bounds = array<i64: 512, 128>}, {pipeline_mode = #tpu.pipeline_mode<synchronous>, transform_indices = @transform_3, window_bounds = array<i64: 1, 128>}, {pipeline_mode = #tpu.pipeline_mode<synchronous>, transform_indices = @transform_4, window_bounds = array<i64: 1, 128>}, {pipeline_mode = #tpu.pipeline_mode<synchronous>, transform_indices = @transform_5, window_bounds = array<i64: 1, 128>}, {transform_indices = @transform_6, window_bounds = array<i64: 512, 128>}]} {
    %get3A = arith.constant 0 : index
    %get3A_0 = arith.constant 0 : index
    %get3A_1 = arith.constant 0 : index
    %get3A_2 = vector.load %arg1[%get3A, %get3A_0, %get3A_1] : memref<2x512x128xf32, #tpu.memory_space<vmem>>, vector<1x512x128xf32>
    %get3A_3 = vector.shape_cast %get3A_2 : vector<1x512x128xf32> to vector<512x128xf32>
    %get3A_4 = arith.constant 1 : index
    %get3A_5 = arith.constant 0 : index
    %get3A_6 = arith.constant 0 : index
    %get3A_7 = vector.load %arg1[%get3A_4, %get3A_5, %get3A_6] : memref<2x512x128xf32, #tpu.memory_space<vmem>>, vector<1x512x128xf32>
    %get3A_8 = vector.shape_cast %get3A_7 : vector<1x512x128xf32> to vector<512x128xf32>
    %add3A = arith.addf %get3A_3, %get3A_8 : vector<512x128xf32>
    %add3A_9 = arith.constant 1.000000e+00 : f32
    %add3A_10 = vector.broadcast %add3A_9 : f32 to vector<512x128xf32>
    %add3A_11 = arith.addf %add3A, %add3A_10 : vector<512x128xf32>
    %mul3A = arith.constant 512 : i32
    %mul3A_12 = arith.muli %arg0, %mul3A : i32
    %iota3A = tpu.iota {dimensions = array<i32: 0>} : vector<512x128xi32>
    %add3A_13 = vector.broadcast %mul3A_12 : i32 to vector<512x128xi32>
    %add3A_14 = arith.addi %add3A_13, %iota3A : vector<512x128xi32>
    %lt3A = arith.constant 10000 : i32
    %lt3A_15 = vector.broadcast %lt3A : i32 to vector<512x128xi32>
    %lt3A_16 = arith.cmpi slt, %add3A_14, %lt3A_15 : vector<512x128xi32>
    %rsqrt3A = math.rsqrt %add3A_11 : vector<512x128xf32>
    %jit3A = arith.constant 0.000000e+00 : f32
    %broadcast_in_dim3A = vector.broadcast %jit3A : f32 to vector<512x128xf32>
    %select_n3A = arith.select %lt3A_16, %rsqrt3A, %broadcast_in_dim3A : vector<512x128xi1>, vector<512x128xf32>
    %slice3A = vector.extract_strided_slice %select_n3A {offsets = [0, 0], sizes = [512, 1], strides = [1, 1]} : vector<512x128xf32> to vector<512x1xf32>
    %get3A_17 = arith.constant 0 : index
    %get3A_18 = arith.constant 0 : index
    %get3A_19 = arith.constant 0 : index
    %get3A_20 = vector.load %arg2[%get3A_17, %get3A_18, %get3A_19] : memref<2x512x128xf32, #tpu.memory_space<vmem>>, vector<1x512x128xf32>
    %get3A_21 = vector.shape_cast %get3A_20 : vector<1x512x128xf32> to vector<512x128xf32>
    %get3A_22 = arith.constant 1 : index
    %get3A_23 = arith.constant 0 : index
    %get3A_24 = arith.constant 0 : index
    %get3A_25 = vector.load %arg2[%get3A_22, %get3A_23, %get3A_24] : memref<2x512x128xf32, #tpu.memory_space<vmem>>, vector<1x512x128xf32>
    %get3A_26 = vector.shape_cast %get3A_25 : vector<1x512x128xf32> to vector<512x128xf32>
    %add3A_27 = arith.addf %get3A_21, %get3A_26 : vector<512x128xf32>
    %get3A_28 = arith.constant 0 : index
    %get3A_29 = arith.constant 0 : index
    %get3A_30 = vector.load %arg3[%get3A_28, %get3A_29] : memref<512x128xf32, #tpu.memory_space<vmem>>, vector<512x128xf32>
    %add3A_31 = arith.addf %add3A_27, %get3A_30 : vector<512x128xf32>
    %mul3A_32 = vector.broadcast %slice3A : vector<512x1xf32> to vector<512x128xf32>
    %mul3A_33 = arith.mulf %add3A_31, %mul3A_32 : vector<512x128xf32>
    %get3A_34 = arith.constant 0 : index
    %get3A_35 = arith.constant 0 : index
    %get3A_36 = vector.load %arg4[%get3A_34, %get3A_35] : memref<1x128xf32, #tpu.memory_space<vmem>>, vector<1x128xf32>
    %add3A_37 = vector.broadcast %get3A_36 : vector<1x128xf32> to vector<512x128xf32>
    %add3A_38 = arith.addf %mul3A_33, %add3A_37 : vector<512x128xf32>
    %get3A_39 = arith.constant 0 : index
    %get3A_40 = arith.constant 0 : index
    %get3A_41 = vector.load %arg5[%get3A_39, %get3A_40] : memref<1x128xf32, #tpu.memory_space<vmem>>, vector<1x128xf32>
    %mul3A_42 = arith.constant 0.999994993 : f32
    %mul3A_43 = vector.broadcast %mul3A_42 : f32 to vector<1x128xf32>
    %mul3A_44 = arith.mulf %get3A_41, %mul3A_43 : vector<1x128xf32>
    %mul3A_45 = vector.broadcast %mul3A_44 : vector<1x128xf32> to vector<512x128xf32>
    %mul3A_46 = arith.mulf %add3A_38, %mul3A_45 : vector<512x128xf32>
    %get3A_47 = arith.constant 0 : index
    %get3A_48 = arith.constant 0 : index
    %get3A_49 = vector.load %arg6[%get3A_47, %get3A_48] : memref<1x128xf32, #tpu.memory_space<vmem>>, vector<1x128xf32>
    %add3A_50 = vector.broadcast %get3A_49 : vector<1x128xf32> to vector<512x128xf32>
    %add3A_51 = arith.addf %mul3A_46, %add3A_50 : vector<512x128xf32>
    %max3A = arith.constant 0.000000e+00 : f32
    %max3A_52 = vector.broadcast %max3A : f32 to vector<512x128xf32>
    %max3A_53 = arith.maximumf %add3A_51, %max3A_52 : vector<512x128xf32>
    %mul3A_54 = vector.broadcast %slice3A : vector<512x1xf32> to vector<512x128xf32>
    %mul3A_55 = arith.mulf %max3A_53, %mul3A_54 : vector<512x128xf32>
    %swap3A = arith.constant 0 : index
    %swap3A_56 = arith.constant 0 : index
    %swap3A_57 = vector.load %arg7[%swap3A, %swap3A_56] : memref<512x128xf32, #tpu.memory_space<vmem>>, vector<512x128xf32>
    tpu.vector_store %arg7[%swap3A, %swap3A_56], %mul3A_55 {strides = array<i32>} : memref<512x128xf32, #tpu.memory_space<vmem>>, vector<512x128xf32>,
    return
  }
  func.func @transform_0(%arg0: i32) -> (i32, i32, i32) {
    %c0_i32 = arith.constant 0 : i32
    %c0_i32_0 = arith.constant 0 : i32
    %c0_i32_1 = arith.constant 0 : i32
    return %c0_i32, %arg0, %c0_i32_0 : i32, i32, i32
  }
  func.func @transform_1(%arg0: i32) -> (i32, i32, i32) {
    %c0_i32 = arith.constant 0 : i32
    %c0_i32_0 = arith.constant 0 : i32
    %c0_i32_1 = arith.constant 0 : i32
    return %c0_i32, %arg0, %c0_i32_0 : i32, i32, i32
  }
  func.func @transform_2(%arg0: i32) -> (i32, i32) {
    %c0_i32 = arith.constant 0 : i32
    %c0_i32_0 = arith.constant 0 : i32
    return %arg0, %c0_i32 : i32, i32
  }
  func.func @transform_3(%arg0: i32) -> (i32, i32) {
    %c0_i32 = arith.constant 0 : i32
    %c0_i32_0 = arith.constant 0 : i32
    %c0_i32_1 = arith.constant 0 : i32
    return %c0_i32, %c0_i32_0 : i32, i32
  }
  func.func @transform_4(%arg0: i32) -> (i32, i32) {
    %c0_i32 = arith.constant 0 : i32
    %c0_i32_0 = arith.constant 0 : i32
    %c0_i32_1 = arith.constant 0 : i32
    return %c0_i32, %c0_i32_0 : i32, i32
  }
  func.func @transform_5(%arg0: i32) -> (i32, i32) {
    %c0_i32 = arith.constant 0 : i32
    %c0_i32_0 = arith.constant 0 : i32
    %c0_i32_1 = arith.constant 0 : i32
    return %c0_i32, %c0_i32_0 : i32, i32
  }
  func.func @transform_6(%arg0: i32) -> (i32, i32) {
    %c0_i32 = arith.constant 0 : i32
    %c0_i32_0 = arith.constant 0 : i32
    return %arg0, %c0_i32 : i32, i32
  }
}

module attributes {stable_mosaic.version = 14 : i64} {
  func.func @_tc_mid_body(%arg0: i32, %arg1: memref<2x512x128xf32, #tpu.memory_space<vmem>>, %arg2: memref<2x512x128xf32, #tpu.memory_space<vmem>>, %arg3: memref<512x128xf32, #tpu.memory_space<vmem>>, %arg4: memref<128x128xf32, #tpu.memory_space<vmem>>, %arg5: memref<1x128xf32, #tpu.memory_space<vmem>>, %arg6: memref<1x128xf32, #tpu.memory_space<vmem>>, %arg7: memref<1x128xf32, #tpu.memory_space<vmem>>, %arg8: memref<512x128xf32, #tpu.memory_space<vmem>>) attributes {dimension_semantics = [#tpu.dimension_semantics<arbitrary>], iteration_bounds = array<i64: 20>, scalar_prefetch = 0 : i64, scratch_operands = 0 : i64, tpu.core_type = #tpu.core_type<tc>, window_params = [{transform_indices = @transform_0, window_bounds = array<i64: 2, 512, 128>}, {transform_indices = @transform_1, window_bounds = array<i64: 2, 512, 128>}, {transform_indices = @transform_2, window_bounds = array<i64: 512, 128>}, {pipeline_mode = #tpu.pipeline_mode<synchronous>, transform_indices = @transform_3, window_bounds = array<i64: 128, 128>}, {pipeline_mode = #tpu.pipeline_mode<synchronous>, transform_indices = @transform_4, window_bounds = array<i64: 1, 128>}, {pipeline_mode = #tpu.pipeline_mode<synchronous>, transform_indices = @transform_5, window_bounds = array<i64: 1, 128>}, {pipeline_mode = #tpu.pipeline_mode<synchronous>, transform_indices = @transform_6, window_bounds = array<i64: 1, 128>}, {transform_indices = @transform_7, window_bounds = array<i64: 512, 128>}]} {
    %get3A = arith.constant 0 : index
    %get3A_0 = arith.constant 0 : index
    %get3A_1 = arith.constant 0 : index
    %get3A_2 = vector.load %arg1[%get3A, %get3A_0, %get3A_1] : memref<2x512x128xf32, #tpu.memory_space<vmem>>, vector<1x512x128xf32>
    %get3A_3 = vector.shape_cast %get3A_2 : vector<1x512x128xf32> to vector<512x128xf32>
    %get3A_4 = arith.constant 1 : index
    %get3A_5 = arith.constant 0 : index
    %get3A_6 = arith.constant 0 : index
    %get3A_7 = vector.load %arg1[%get3A_4, %get3A_5, %get3A_6] : memref<2x512x128xf32, #tpu.memory_space<vmem>>, vector<1x512x128xf32>
    %get3A_8 = vector.shape_cast %get3A_7 : vector<1x512x128xf32> to vector<512x128xf32>
    %add3A = arith.addf %get3A_3, %get3A_8 : vector<512x128xf32>
    %add3A_9 = arith.constant 1.000000e+00 : f32
    %add3A_10 = vector.broadcast %add3A_9 : f32 to vector<512x128xf32>
    %add3A_11 = arith.addf %add3A, %add3A_10 : vector<512x128xf32>
    %mul3A = arith.constant 512 : i32
    %mul3A_12 = arith.muli %arg0, %mul3A : i32
    %iota3A = tpu.iota {dimensions = array<i32: 0>} : vector<512x128xi32>
    %add3A_13 = vector.broadcast %mul3A_12 : i32 to vector<512x128xi32>
    %add3A_14 = arith.addi %add3A_13, %iota3A : vector<512x128xi32>
    %lt3A = arith.constant 10000 : i32
    %lt3A_15 = vector.broadcast %lt3A : i32 to vector<512x128xi32>
    %lt3A_16 = arith.cmpi slt, %add3A_14, %lt3A_15 : vector<512x128xi32>
    %rsqrt3A = math.rsqrt %add3A_11 : vector<512x128xf32>
    %jit3A = arith.constant 0.000000e+00 : f32
    %broadcast_in_dim3A = vector.broadcast %jit3A : f32 to vector<512x128xf32>
    %select_n3A = arith.select %lt3A_16, %rsqrt3A, %broadcast_in_dim3A : vector<512x128xi1>, vector<512x128xf32>
    %slice3A = vector.extract_strided_slice %select_n3A {offsets = [0, 0], sizes = [512, 1], strides = [1, 1]} : vector<512x128xf32> to vector<512x1xf32>
    %get3A_17 = arith.constant 0 : index
    %get3A_18 = arith.constant 0 : index
    %get3A_19 = arith.constant 0 : index
    %get3A_20 = vector.load %arg2[%get3A_17, %get3A_18, %get3A_19] : memref<2x512x128xf32, #tpu.memory_space<vmem>>, vector<1x512x128xf32>
    %get3A_21 = vector.shape_cast %get3A_20 : vector<1x512x128xf32> to vector<512x128xf32>
    %get3A_22 = arith.constant 1 : index
    %get3A_23 = arith.constant 0 : index
    %get3A_24 = arith.constant 0 : index
    %get3A_25 = vector.load %arg2[%get3A_22, %get3A_23, %get3A_24] : memref<2x512x128xf32, #tpu.memory_space<vmem>>, vector<1x512x128xf32>
    %get3A_26 = vector.shape_cast %get3A_25 : vector<1x512x128xf32> to vector<512x128xf32>
    %add3A_27 = arith.addf %get3A_21, %get3A_26 : vector<512x128xf32>
    %get3A_28 = arith.constant 0 : index
    %get3A_29 = arith.constant 0 : index
    %get3A_30 = vector.load %arg3[%get3A_28, %get3A_29] : memref<512x128xf32, #tpu.memory_space<vmem>>, vector<512x128xf32>
    %add3A_31 = arith.addf %add3A_27, %get3A_30 : vector<512x128xf32>
    %mul3A_32 = vector.broadcast %slice3A : vector<512x1xf32> to vector<512x128xf32>
    %mul3A_33 = arith.mulf %add3A_31, %mul3A_32 : vector<512x128xf32>
    %get3A_34 = arith.constant 0 : index
    %get3A_35 = arith.constant 0 : index
    %get3A_36 = vector.load %arg5[%get3A_34, %get3A_35] : memref<1x128xf32, #tpu.memory_space<vmem>>, vector<1x128xf32>
    %add3A_37 = vector.broadcast %get3A_36 : vector<1x128xf32> to vector<512x128xf32>
    %add3A_38 = arith.addf %mul3A_33, %add3A_37 : vector<512x128xf32>
    %get3A_39 = arith.constant 0 : index
    %get3A_40 = arith.constant 0 : index
    %get3A_41 = vector.load %arg6[%get3A_39, %get3A_40] : memref<1x128xf32, #tpu.memory_space<vmem>>, vector<1x128xf32>
    %mul3A_42 = arith.constant 0.999994993 : f32
    %mul3A_43 = vector.broadcast %mul3A_42 : f32 to vector<1x128xf32>
    %mul3A_44 = arith.mulf %get3A_41, %mul3A_43 : vector<1x128xf32>
    %mul3A_45 = vector.broadcast %mul3A_44 : vector<1x128xf32> to vector<512x128xf32>
    %mul3A_46 = arith.mulf %add3A_38, %mul3A_45 : vector<512x128xf32>
    %get3A_47 = arith.constant 0 : index
    %get3A_48 = arith.constant 0 : index
    %get3A_49 = vector.load %arg7[%get3A_47, %get3A_48] : memref<1x128xf32, #tpu.memory_space<vmem>>, vector<1x128xf32>
    %add3A_50 = vector.broadcast %get3A_49 : vector<1x128xf32> to vector<512x128xf32>
    %add3A_51 = arith.addf %mul3A_46, %add3A_50 : vector<512x128xf32>
    %max3A = arith.constant 0.000000e+00 : f32
    %max3A_52 = vector.broadcast %max3A : f32 to vector<512x128xf32>
    %max3A_53 = arith.maximumf %add3A_51, %max3A_52 : vector<512x128xf32>
    %get3A_54 = arith.constant 0 : index
    %get3A_55 = arith.constant 0 : index
    %get3A_56 = vector.load %arg4[%get3A_54, %get3A_55] : memref<128x128xf32, #tpu.memory_space<vmem>>, vector<128x128xf32>
    %dot_general3A = arith.constant dense<0.000000e+00> : vector<512x128xf32>
    %dot_general3A_57 = tpu.matmul %max3A_53, %get3A_56, %dot_general3A {dimension_numbers = #tpu.dot_dimension_numbers<[1], [0], [0], [1], [0, 0, 1, 1], [], []>, transpose_lhs_hint = false} : vector<512x128xf32>, vector<128x128xf32>, vector<512x128xf32> -> vector<512x128xf32>
    %mul3A_58 = vector.broadcast %slice3A : vector<512x1xf32> to vector<512x128xf32>
    %mul3A_59 = arith.mulf %dot_general3A_57, %mul3A_58 : vector<512x128xf32>
    %swap3A = arith.constant 0 : index
    %swap3A_60 = arith.constant 0 : index
    %swap3A_61 = vector.load %arg8[%swap3A, %swap3A_60] : memref<512x128xf32, #tpu.memory_space<vmem>>, vector<512x128xf32>
    tpu.vector_store %arg8[%swap3A, %swap3A_60], %mul3A_59 {strides = array<i32>} : memref<512x128xf32, #tpu.memory_space<vmem>>, vector<512x128xf32>,
    return
  }
  func.func @transform_0(%arg0: i32) -> (i32, i32, i32) {
    %c0_i32 = arith.constant 0 : i32
    %c0_i32_0 = arith.constant 0 : i32
    %c0_i32_1 = arith.constant 0 : i32
    return %c0_i32, %arg0, %c0_i32_0 : i32, i32, i32
  }
  func.func @transform_1(%arg0: i32) -> (i32, i32, i32) {
    %c0_i32 = arith.constant 0 : i32
    %c0_i32_0 = arith.constant 0 : i32
    %c0_i32_1 = arith.constant 0 : i32
    return %c0_i32, %arg0, %c0_i32_0 : i32, i32, i32
  }
  func.func @transform_2(%arg0: i32) -> (i32, i32) {
    %c0_i32 = arith.constant 0 : i32
    %c0_i32_0 = arith.constant 0 : i32
    return %arg0, %c0_i32 : i32, i32
  }
  func.func @transform_3(%arg0: i32) -> (i32, i32) {
    %c0_i32 = arith.constant 0 : i32
    %c0_i32_0 = arith.constant 0 : i32
    %c0_i32_1 = arith.constant 0 : i32
    return %c0_i32, %c0_i32_0 : i32, i32
  }
  func.func @transform_4(%arg0: i32) -> (i32, i32) {
    %c0_i32 = arith.constant 0 : i32
    %c0_i32_0 = arith.constant 0 : i32
    %c0_i32_1 = arith.constant 0 : i32
    return %c0_i32, %c0_i32_0 : i32, i32
  }
  func.func @transform_5(%arg0: i32) -> (i32, i32) {
    %c0_i32 = arith.constant 0 : i32
    %c0_i32_0 = arith.constant 0 : i32
    %c0_i32_1 = arith.constant 0 : i32
    return %c0_i32, %c0_i32_0 : i32, i32
  }
  func.func @transform_6(%arg0: i32) -> (i32, i32) {
    %c0_i32 = arith.constant 0 : i32
    %c0_i32_0 = arith.constant 0 : i32
    %c0_i32_1 = arith.constant 0 : i32
    return %c0_i32, %c0_i32_0 : i32, i32
  }
  func.func @transform_7(%arg0: i32) -> (i32, i32) {
    %c0_i32 = arith.constant 0 : i32
    %c0_i32_0 = arith.constant 0 : i32
    return %arg0, %c0_i32 : i32, i32
  }
}

module attributes {stable_mosaic.version = 14 : i64} {
  func.func @_tc1_body(%arg0: i32, %arg1: memref<2x512x128xf32, #tpu.memory_space<vmem>>, %arg2: memref<512x128xf32, #tpu.memory_space<vmem>>, %arg3: memref<128x128xf32, #tpu.memory_space<vmem>>, %arg4: memref<512x128xf32, #tpu.memory_space<vmem>>) attributes {dimension_semantics = [#tpu.dimension_semantics<arbitrary>], iteration_bounds = array<i64: 20>, scalar_prefetch = 0 : i64, scratch_operands = 0 : i64, tpu.core_type = #tpu.core_type<tc>, window_params = [{transform_indices = @transform_0, window_bounds = array<i64: 2, 512, 128>}, {transform_indices = @transform_1, window_bounds = array<i64: 512, 128>}, {pipeline_mode = #tpu.pipeline_mode<synchronous>, transform_indices = @transform_2, window_bounds = array<i64: 128, 128>}, {transform_indices = @transform_3, window_bounds = array<i64: 512, 128>}]} {
    %get3A = arith.constant 0 : index
    %get3A_0 = arith.constant 0 : index
    %get3A_1 = arith.constant 0 : index
    %get3A_2 = vector.load %arg1[%get3A, %get3A_0, %get3A_1] : memref<2x512x128xf32, #tpu.memory_space<vmem>>, vector<1x512x128xf32>
    %get3A_3 = vector.shape_cast %get3A_2 : vector<1x512x128xf32> to vector<512x128xf32>
    %get3A_4 = arith.constant 1 : index
    %get3A_5 = arith.constant 0 : index
    %get3A_6 = arith.constant 0 : index
    %get3A_7 = vector.load %arg1[%get3A_4, %get3A_5, %get3A_6] : memref<2x512x128xf32, #tpu.memory_space<vmem>>, vector<1x512x128xf32>
    %get3A_8 = vector.shape_cast %get3A_7 : vector<1x512x128xf32> to vector<512x128xf32>
    %add3A = arith.addf %get3A_3, %get3A_8 : vector<512x128xf32>
    %add3A_9 = arith.constant 1.000000e+00 : f32
    %add3A_10 = vector.broadcast %add3A_9 : f32 to vector<512x128xf32>
    %add3A_11 = arith.addf %add3A, %add3A_10 : vector<512x128xf32>
    %mul3A = arith.constant 512 : i32
    %mul3A_12 = arith.muli %arg0, %mul3A : i32
    %iota3A = tpu.iota {dimensions = array<i32: 0>} : vector<512x128xi32>
    %add3A_13 = vector.broadcast %mul3A_12 : i32 to vector<512x128xi32>
    %add3A_14 = arith.addi %add3A_13, %iota3A : vector<512x128xi32>
    %lt3A = arith.constant 10000 : i32
    %lt3A_15 = vector.broadcast %lt3A : i32 to vector<512x128xi32>
    %lt3A_16 = arith.cmpi slt, %add3A_14, %lt3A_15 : vector<512x128xi32>
    %rsqrt3A = math.rsqrt %add3A_11 : vector<512x128xf32>
    %jit3A = arith.constant 0.000000e+00 : f32
    %broadcast_in_dim3A = vector.broadcast %jit3A : f32 to vector<512x128xf32>
    %select_n3A = arith.select %lt3A_16, %rsqrt3A, %broadcast_in_dim3A : vector<512x128xi1>, vector<512x128xf32>
    %slice3A = vector.extract_strided_slice %select_n3A {offsets = [0, 0], sizes = [512, 1], strides = [1, 1]} : vector<512x128xf32> to vector<512x1xf32>
    %get3A_17 = arith.constant 0 : index
    %get3A_18 = arith.constant 0 : index
    %get3A_19 = vector.load %arg2[%get3A_17, %get3A_18] : memref<512x128xf32, #tpu.memory_space<vmem>>, vector<512x128xf32>
    %get3A_20 = arith.constant 0 : index
    %get3A_21 = arith.constant 0 : index
    %get3A_22 = vector.load %arg3[%get3A_20, %get3A_21] : memref<128x128xf32, #tpu.memory_space<vmem>>, vector<128x128xf32>
    %dot_general3A = arith.constant dense<0.000000e+00> : vector<512x128xf32>
    %dot_general3A_23 = tpu.matmul %get3A_19, %get3A_22, %dot_general3A {dimension_numbers = #tpu.dot_dimension_numbers<[1], [0], [0], [1], [0, 0, 1, 1], [], []>, transpose_lhs_hint = false} : vector<512x128xf32>, vector<128x128xf32>, vector<512x128xf32> -> vector<512x128xf32>
    %mul3A_24 = arith.constant 512 : i32
    %mul3A_25 = arith.muli %arg0, %mul3A_24 : i32
    %iota3A_26 = tpu.iota {dimensions = array<i32: 0>} : vector<512x1xi32>
    %add3A_27 = vector.broadcast %mul3A_25 : i32 to vector<512x1xi32>
    %add3A_28 = arith.addi %add3A_27, %iota3A_26 : vector<512x1xi32>
    %lt3A_29 = arith.constant 10000 : i32
    %lt3A_30 = vector.broadcast %lt3A_29 : i32 to vector<512x1xi32>
    %lt3A_31 = arith.cmpi slt, %add3A_28, %lt3A_30 : vector<512x1xi32>
    %mul3A_32 = vector.broadcast %slice3A : vector<512x1xf32> to vector<512x128xf32>
    %mul3A_33 = arith.mulf %dot_general3A_23, %mul3A_32 : vector<512x128xf32>
    %jit3A_34 = arith.constant 0.000000e+00 : f32
    %broadcast_in_dim3A_35 = vector.shape_cast %lt3A_31 : vector<512x1xi1> to vector<512x1xi1>
    %broadcast_in_dim3A_36 = vector.broadcast %broadcast_in_dim3A_35 : vector<512x1xi1> to vector<512x128xi1>
    %broadcast_in_dim3A_37 = vector.broadcast %jit3A_34 : f32 to vector<512x128xf32>
    %select_n3A_38 = arith.select %broadcast_in_dim3A_36, %mul3A_33, %broadcast_in_dim3A_37 : vector<512x128xi1>, vector<512x128xf32>
    %swap3A = arith.constant 0 : index
    %swap3A_39 = arith.constant 0 : index
    %swap3A_40 = vector.load %arg4[%swap3A, %swap3A_39] : memref<512x128xf32, #tpu.memory_space<vmem>>, vector<512x128xf32>
    tpu.vector_store %arg4[%swap3A, %swap3A_39], %select_n3A_38 {strides = array<i32>} : memref<512x128xf32, #tpu.memory_space<vmem>>, vector<512x128xf32>,
    return
  }
  func.func @transform_0(%arg0: i32) -> (i32, i32, i32) {
    %c0_i32 = arith.constant 0 : i32
    %c0_i32_0 = arith.constant 0 : i32
    %c0_i32_1 = arith.constant 0 : i32
    return %c0_i32, %arg0, %c0_i32_0 : i32, i32, i32
  }
  func.func @transform_1(%arg0: i32) -> (i32, i32) {
    %c0_i32 = arith.constant 0 : i32
    %c0_i32_0 = arith.constant 0 : i32
    return %arg0, %c0_i32 : i32, i32
  }
  func.func @transform_2(%arg0: i32) -> (i32, i32) {
    %c0_i32 = arith.constant 0 : i32
    %c0_i32_0 = arith.constant 0 : i32
    %c0_i32_1 = arith.constant 0 : i32
    return %c0_i32, %c0_i32_0 : i32, i32
  }
  func.func @transform_3(%arg0: i32) -> (i32, i32) {
    %c0_i32 = arith.constant 0 : i32
    %c0_i32_0 = arith.constant 0 : i32
    return %arg0, %c0_i32 : i32, i32
  }
}

module attributes {stable_mosaic.version = 14 : i64} {
  func.func @_tc_out_body(%arg0: i32, %arg1: memref<2x512x128xf32, #tpu.memory_space<vmem>>, %arg2: memref<2x512x128xf32, #tpu.memory_space<vmem>>, %arg3: memref<512x128xf32, #tpu.memory_space<vmem>>, %arg4: memref<128x64xf32, #tpu.memory_space<vmem>>, %arg5: memref<1x64xf32, #tpu.memory_space<vmem>>, %arg6: memref<512x64xf32, #tpu.memory_space<vmem>>) attributes {dimension_semantics = [#tpu.dimension_semantics<arbitrary>], iteration_bounds = array<i64: 20>, scalar_prefetch = 0 : i64, scratch_operands = 0 : i64, tpu.core_type = #tpu.core_type<tc>, window_params = [{transform_indices = @transform_0, window_bounds = array<i64: 2, 512, 128>}, {transform_indices = @transform_1, window_bounds = array<i64: 2, 512, 128>}, {transform_indices = @transform_2, window_bounds = array<i64: 512, 128>}, {pipeline_mode = #tpu.pipeline_mode<synchronous>, transform_indices = @transform_3, window_bounds = array<i64: 128, 64>}, {pipeline_mode = #tpu.pipeline_mode<synchronous>, transform_indices = @transform_4, window_bounds = array<i64: 1, 64>}, {transform_indices = @transform_5, window_bounds = array<i64: 512, 64>}]} {
    %get3A = arith.constant 0 : index
    %get3A_0 = arith.constant 0 : index
    %get3A_1 = arith.constant 0 : index
    %get3A_2 = vector.load %arg1[%get3A, %get3A_0, %get3A_1] : memref<2x512x128xf32, #tpu.memory_space<vmem>>, vector<1x512x128xf32>
    %get3A_3 = vector.shape_cast %get3A_2 : vector<1x512x128xf32> to vector<512x128xf32>
    %get3A_4 = arith.constant 1 : index
    %get3A_5 = arith.constant 0 : index
    %get3A_6 = arith.constant 0 : index
    %get3A_7 = vector.load %arg1[%get3A_4, %get3A_5, %get3A_6] : memref<2x512x128xf32, #tpu.memory_space<vmem>>, vector<1x512x128xf32>
    %get3A_8 = vector.shape_cast %get3A_7 : vector<1x512x128xf32> to vector<512x128xf32>
    %add3A = arith.addf %get3A_3, %get3A_8 : vector<512x128xf32>
    %add3A_9 = arith.constant 1.000000e+00 : f32
    %add3A_10 = vector.broadcast %add3A_9 : f32 to vector<512x128xf32>
    %add3A_11 = arith.addf %add3A, %add3A_10 : vector<512x128xf32>
    %mul3A = arith.constant 512 : i32
    %mul3A_12 = arith.muli %arg0, %mul3A : i32
    %iota3A = tpu.iota {dimensions = array<i32: 0>} : vector<512x128xi32>
    %add3A_13 = vector.broadcast %mul3A_12 : i32 to vector<512x128xi32>
    %add3A_14 = arith.addi %add3A_13, %iota3A : vector<512x128xi32>
    %lt3A = arith.constant 10000 : i32
    %lt3A_15 = vector.broadcast %lt3A : i32 to vector<512x128xi32>
    %lt3A_16 = arith.cmpi slt, %add3A_14, %lt3A_15 : vector<512x128xi32>
    %rsqrt3A = math.rsqrt %add3A_11 : vector<512x128xf32>
    %jit3A = arith.constant 0.000000e+00 : f32
    %broadcast_in_dim3A = vector.broadcast %jit3A : f32 to vector<512x128xf32>
    %select_n3A = arith.select %lt3A_16, %rsqrt3A, %broadcast_in_dim3A : vector<512x128xi1>, vector<512x128xf32>
    %slice3A = vector.extract_strided_slice %select_n3A {offsets = [0, 0], sizes = [512, 1], strides = [1, 1]} : vector<512x128xf32> to vector<512x1xf32>
    %get3A_17 = arith.constant 0 : index
    %get3A_18 = arith.constant 0 : index
    %get3A_19 = arith.constant 0 : index
    %get3A_20 = vector.load %arg2[%get3A_17, %get3A_18, %get3A_19] : memref<2x512x128xf32, #tpu.memory_space<vmem>>, vector<1x512x128xf32>
    %get3A_21 = vector.shape_cast %get3A_20 : vector<1x512x128xf32> to vector<512x128xf32>
    %get3A_22 = arith.constant 1 : index
    %get3A_23 = arith.constant 0 : index
    %get3A_24 = arith.constant 0 : index
    %get3A_25 = vector.load %arg2[%get3A_22, %get3A_23, %get3A_24] : memref<2x512x128xf32, #tpu.memory_space<vmem>>, vector<1x512x128xf32>
    %get3A_26 = vector.shape_cast %get3A_25 : vector<1x512x128xf32> to vector<512x128xf32>
    %add3A_27 = arith.addf %get3A_21, %get3A_26 : vector<512x128xf32>
    %get3A_28 = arith.constant 0 : index
    %get3A_29 = arith.constant 0 : index
    %get3A_30 = vector.load %arg3[%get3A_28, %get3A_29] : memref<512x128xf32, #tpu.memory_space<vmem>>, vector<512x128xf32>
    %add3A_31 = arith.addf %add3A_27, %get3A_30 : vector<512x128xf32>
    %mul3A_32 = vector.broadcast %slice3A : vector<512x1xf32> to vector<512x128xf32>
    %mul3A_33 = arith.mulf %add3A_31, %mul3A_32 : vector<512x128xf32>
    %get3A_34 = arith.constant 0 : index
    %get3A_35 = arith.constant 0 : index
    %get3A_36 = vector.load %arg4[%get3A_34, %get3A_35] : memref<128x64xf32, #tpu.memory_space<vmem>>, vector<128x64xf32>
    %dot_general3A = arith.constant dense<0.000000e+00> : vector<512x64xf32>
    %dot_general3A_37 = tpu.matmul %mul3A_33, %get3A_36, %dot_general3A {dimension_numbers = #tpu.dot_dimension_numbers<[1], [0], [0], [1], [0, 0, 1, 1], [], []>, transpose_lhs_hint = false} : vector<512x128xf32>, vector<128x64xf32>, vector<512x64xf32> -> vector<512x64xf32>
    %get3A_38 = arith.constant 0 : index
    %get3A_39 = arith.constant 0 : index
    %get3A_40 = vector.load %arg5[%get3A_38, %get3A_39] : memref<1x64xf32, #tpu.memory_space<vmem>>, vector<1x64xf32>
    %add3A_41 = vector.broadcast %get3A_40 : vector<1x64xf32> to vector<512x64xf32>
    %add3A_42 = arith.addf %dot_general3A_37, %add3A_41 : vector<512x64xf32>
    %reduce_max3A = arith.constant dense<0xFF800000> : vector<512xf32>
    %reduce_max3A_43 = vector.multi_reduction <maximumf>, %add3A_42, %reduce_max3A [1] : vector<512x64xf32> to vector<512xf32>
    %broadcast_in_dim3A_44 = vector.shape_cast %reduce_max3A_43 : vector<512xf32> to vector<512x1xf32>
    %sub3A = vector.broadcast %broadcast_in_dim3A_44 : vector<512x1xf32> to vector<512x64xf32>
    %sub3A_45 = arith.subf %add3A_42, %sub3A : vector<512x64xf32>
    %exp3A = math.exp %sub3A_45 : vector<512x64xf32>
    %reduce_sum3A = arith.constant dense<0.000000e+00> : vector<512xf32>
    %reduce_sum3A_46 = vector.multi_reduction <add>, %exp3A, %reduce_sum3A [1] : vector<512x64xf32> to vector<512xf32>
    %broadcast_in_dim3A_47 = vector.shape_cast %reduce_sum3A_46 : vector<512xf32> to vector<512x1xf32>
    %log3A = math.log %broadcast_in_dim3A_47 : vector<512x1xf32>
    %add3A_48 = arith.addf %log3A, %broadcast_in_dim3A_44 : vector<512x1xf32>
    %sub3A_49 = vector.broadcast %add3A_48 : vector<512x1xf32> to vector<512x64xf32>
    %sub3A_50 = arith.subf %add3A_42, %sub3A_49 : vector<512x64xf32>
    %swap3A = arith.constant 0 : index
    %swap3A_51 = arith.constant 0 : index
    %swap3A_52 = vector.load %arg6[%swap3A, %swap3A_51] : memref<512x64xf32, #tpu.memory_space<vmem>>, vector<512x64xf32>
    tpu.vector_store %arg6[%swap3A, %swap3A_51], %sub3A_50 {strides = array<i32>} : memref<512x64xf32, #tpu.memory_space<vmem>>, vector<512x64xf32>,
    return
  }
  func.func @transform_0(%arg0: i32) -> (i32, i32, i32) {
    %c0_i32 = arith.constant 0 : i32
    %c0_i32_0 = arith.constant 0 : i32
    %c0_i32_1 = arith.constant 0 : i32
    return %c0_i32, %arg0, %c0_i32_0 : i32, i32, i32
  }
  func.func @transform_1(%arg0: i32) -> (i32, i32, i32) {
    %c0_i32 = arith.constant 0 : i32
    %c0_i32_0 = arith.constant 0 : i32
    %c0_i32_1 = arith.constant 0 : i32
    return %c0_i32, %arg0, %c0_i32_0 : i32, i32, i32
  }
  func.func @transform_2(%arg0: i32) -> (i32, i32) {
    %c0_i32 = arith.constant 0 : i32
    %c0_i32_0 = arith.constant 0 : i32
    return %arg0, %c0_i32 : i32, i32
  }
  func.func @transform_3(%arg0: i32) -> (i32, i32) {
    %c0_i32 = arith.constant 0 : i32
    %c0_i32_0 = arith.constant 0 : i32
    %c0_i32_1 = arith.constant 0 : i32
    return %c0_i32, %c0_i32_0 : i32, i32
  }
  func.func @transform_4(%arg0: i32) -> (i32, i32) {
    %c0_i32 = arith.constant 0 : i32
    %c0_i32_0 = arith.constant 0 : i32
    %c0_i32_1 = arith.constant 0 : i32
    return %c0_i32, %c0_i32_0 : i32, i32
  }
  func.func @transform_5(%arg0: i32) -> (i32, i32) {
    %c0_i32 = arith.constant 0 : i32
    %c0_i32_0 = arith.constant 0 : i32
    return %arg0, %c0_i32 : i32, i32
  }
}

</mosaic_0001>

<sc_bundles>
// kernel: kernel.10.cloned.1.call-start
scs
__scs_entry_jumppad:
0x0: {  	(pc) =	sbr.rel $0x88, $3  }
0x1: {  	(tag) =	ssettag $0x0;
	lr =	simm.s32 $0x1  }
0x2: {  	[smem:$0x3F95] =	sst lr;
	_ =	strace $0xD0000000  }
0x3: {  	_ = 	snop  }
0x4: {  	_ = 	snop  }
0x5: {  	_ = 	snop  }
0x6: {  	_ = 	snop  }
0x7: {  	_ = 	snop  }
__scs_overlays_trampoline_lowered:
0x8: {  	[smem:$0x3FA4] =	sst s0  }
0x9: {  	[smem:$0x3FA5] =	sst s1  }
0xa: {  	[smem:$0x3FA6] =	sst s2  }
0xb: {  	[smem:$0x3FA7] =	sst s3  }
0xc: {  	[smem:$0x3FA8] =	sst s4  }
0xd: {  	[smem:$0x3FA9] =	sst s5  }
0xe: {  	[smem:$0x3FAA] =	sst s6  }
0xf: {  	[smem:$0x3FAB] =	sst s7  }
0x10: {  	[smem:$0x3FAC] =	sst s8  }
0x11: {  	[smem:$0x3FAD] =	sst s9;
	s0 =	simm.s32 @!p0 $0x0  }
0x12: {  	s1 =	sld [smem:$0x3F93];
	s0 =	simm.s32 @p0 $0x1  }
0x13: {  	[smem:$0x3FAE] =	sst s0;
	s0 =	simm.s32 @!p1 $0x0  }
0x14: {  	s2 =	sld [smem:$0x3F92];
	s0 =	simm.s32 @p1 $0x1  }
0x15: {  	[smem:$0x3FAF] =	sst s0;
	s0 =	simm.s32 @!p2 $0x0  }
0x16: {  	s3 =	sld [smem:$0x3FDB];
	s0 =	simm.s32 @p2 $0x1  }
0x17: {  	s4 =	simm.s32 $0x1BF5;
	[smem:$0x3FB1] =	sst s0  }
0x18: {  	s0 =	sld [smem:$0x3F94];
	_ =	swait.ge [sflag:s4], $0x0  }
0x19: {  	s7 =	sld [smem:$0x3F95]  }
0x1a: {  	s8 =	sadd.s32 $0xFFFFE003, lr  }
0x1b: {  	s9 =	sadd.s32 $0xFFFFFEF7, lr;
	s5 =	simm.s32 $0xFFFFFFFF;
	p2 =	slt.u32 s8, $0xFFFFF086  }
0x1c: {  	p1 =	slt.u32 s9, $0xF7A;
	s5 =	simm.s32 @!p2 $0x0  }
0x1d: {  	s5 =	simm.s32 @p1 $0x1;
	p0 =	seq.s32 s7, s2  }
0x1e: {  	s7 =	smul.u32 @!p0 $0xF7A, s2;
	p2 =	seq.s32 @!p0 s5, $0x0  }
0x1f: {  	s9 =	smul.u32 $0xF7A, s1;
	s8 =	simm.s32 @!p0 $0x1BF5;
	p2 =	por !p2, p0  }
0x20: {  	[sflag:s8] =	ssyncset.s32 @!p0 $0xFFFFF086;
	s6 =	sadd.s32 @!p0 s3, s7;
	s7 =	simm.s32 @!p0 $0x108  }
0x21: {  	s3 =	sadd.s32 s3, s9;
	s6 =	sadd.s32 @!p0 $0x88, s6;
	s7 =	simm.s32 @p2 $0x1082  }
0x22: {  	[simem:s7], [sflag:s8] =	dma.local @!p0 [hbm:s6], $0xF7A  }
0x23: {  	s9 =	sor.u32 $0xD0000000, s2;
	s6 =	simm.s32 $0x108;
	_ =	swait.ge @!p0 [sflag:s8], $0x0  }
0x24: {  	s3 =	sadd.s32 $0x88, s3;
	s6 =	simm.s32 @!p1 $0x1082;
	[sflag:s4] =	ssyncset.s32 $0xFFFFF086  }
0x25: {  	[simem:s6], [sflag:s4] =	dma.local [hbm:s3], $0xF7A  }
0x26: {  	[smem:$0x3F95] =	sst s1;
	(tag) =	ssettag s2;
	_ =	strace s9  }
0x27: {  	s1 =	sld [smem:$0x3FA5]  }
0x28: {  	s2 =	sld [smem:$0x3FA6]  }
0x29: {  	s4 =	sld [smem:$0x3FA8]  }
0x2a: {  	p0 =	seq.s32 s5, $0x0;
	s5 =	sld [smem:$0x3FA9]  }
0x2b: {  	s6 =	sld [smem:$0x3FAA]  }
0x2c: {  	s7 =	sld [smem:$0x3FAB]  }
0x2d: {  	s3 =	simm.s32 $0x108;
	s8 =	sld [smem:$0x3FAC]  }
0x2e: {  	s3 =	simm.s32 @!p0 $0x1082;
	s9 =	sld [smem:$0x3FAD]  }
0x2f: {  	lr =	sadd.s32 s0, s3;
	s0 =	sld [smem:$0x3FA4]  }
0x30: {  	s3 =	sld [smem:$0x3FA7]  }
0x31: {  	[smem:$0x3FB0] =	sst s10  }
0x32: {  	s10 =	sld [smem:$0x3FAE];
	_ =	sdelay $0x3  }
0x33: {  	p0 =	seq.s32 s10, $0x1;
	s10 =	sld [smem:$0x3FB0];
	_ =	sdelay $0x3  }
0x34: {  	[smem:$0x3FB0] =	sst s10  }
0x35: {  	s10 =	sld [smem:$0x3FAF];
	_ =	sdelay $0x3  }
0x36: {  	p1 =	seq.s32 s10, $0x1;
	s10 =	sld [smem:$0x3FB0];
	_ =	sdelay $0x3  }
0x37: {  	[smem:$0x3FB0] =	sst s10  }
0x38: {  	s10 =	sld [smem:$0x3FB1]  }
0x39: {  	_ = 	snop;
	(pc) =	sbr.ind lr, $3  }
0x3a: {  	_ = 	snop  }
0x3b: {  	_ = 	snop  }
0x3c: {  	p2 =	seq.s32 s10, $0x1;
	s10 =	sld [smem:$0x3FB0]  }
0x3d: {  	_ =	shalt  }
0x3e: {  	_ =	shalt  }
0x3f: {  	_ =	shalt  }
0x40: {  	_ =	shalt  }
0x41: {  	_ =	shalt  }
0x42: {  	_ =	shalt  }
0x43: {  	_ =	shalt  }
0x44: {  	_ =	shalt  }
0x45: {  	_ =	shalt  }
0x46: {  	_ =	shalt  }
0x47: {  	_ =	shalt  }
0x48: {  	_ =	shalt  }
0x49: {  	_ =	shalt  }
0x4a: {  	_ =	shalt  }
0x4b: {  	_ =	shalt  }
0x4c: {  	_ =	shalt  }
0x4d: {  	_ =	shalt  }
0x4e: {  	_ =	shalt  }
0x4f: {  	_ =	shalt  }
0x50: {  	_ =	shalt  }
0x51: {  	_ =	shalt  }
0x52: {  	_ =	shalt  }
0x53: {  	_ =	shalt  }
0x54: {  	_ =	shalt  }
0x55: {  	_ =	shalt  }
0x56: {  	_ =	shalt  }
0x57: {  	_ =	shalt  }
0x58: {  	_ =	shalt  }
0x59: {  	_ =	shalt  }
0x5a: {  	_ =	shalt  }
0x5b: {  	_ =	shalt  }
0x5c: {  	_ =	shalt  }
0x5d: {  	_ =	shalt  }
0x5e: {  	_ =	shalt  }
0x5f: {  	_ =	shalt  }
0x60: {  	_ =	shalt  }
0x61: {  	_ =	shalt  }
0x62: {  	_ =	shalt  }
0x63: {  	_ =	shalt  }
0x64: {  	_ =	shalt  }
0x65: {  	_ =	shalt  }
0x66: {  	_ =	shalt  }
0x67: {  	_ =	shalt  }
0x68: {  	_ =	shalt  }
0x69: {  	_ =	shalt  }
0x6a: {  	_ =	shalt  }
0x6b: {  	_ =	shalt  }
0x6c: {  	_ =	shalt  }
0x6d: {  	_ =	shalt  }
0x6e: {  	_ =	shalt  }
0x6f: {  	_ =	shalt  }
0x70: {  	_ =	shalt  }
0x71: {  	_ =	shalt  }
0x72: {  	_ =	shalt  }
0x73: {  	_ =	shalt  }
0x74: {  	_ =	shalt  }
0x75: {  	_ =	shalt  }
0x76: {  	_ =	shalt  }
0x77: {  	_ =	shalt  }
0x78: {  	_ =	shalt  }
0x79: {  	_ =	shalt  }
0x7a: {  	_ =	shalt  }
0x7b: {  	_ =	shalt  }
0x7c: {  	_ =	shalt  }
0x7d: {  	_ =	shalt  }
0x7e: {  	_ =	shalt  }
0x7f: {  	_ =	shalt  }
0x80: {  	_ =	shalt  }
0x81: {  	_ =	shalt  }
0x82: {  	_ =	shalt  }
0x83: {  	_ =	shalt  }
0x84: {  	_ =	shalt  }
0x85: {  	_ =	shalt  }
0x86: {  	_ =	shalt  }
0x87: {  	_ =	shalt  }
.Lfunc_end0:
.L_simem_size_0:
called_computation_lowered:
.L_overlay_start_0:
0x88: {  	s2 =	sld [smem:$0x3FD9]  }
0x89: {  	s3 =	sld [smem:$0x3FFE];
	_ =	sdelay $0x1  }
0x8a: {  	s1 =	srdreg.scid  }
0x8b: {  	s0 =	sand.u32 $0x1, s1  }
0x8c: {  	s17 =	sshll.u32 s0, $0xA;
	s2 =	sadd.s32 s3, s2  }
0x8d: {  	s2 =	sadd.s32 s2, s17  }
0x8e: {  	[smem:$0x3FBC] =	sst s2  }
0x8f: {  	_ = 	snop  }
0x90: {  	s2 =	sld [smem:$0x3FD0];
	(tm) =	ssettm $0x1  }
0x91: {  	s18 =	sld [smem:$0x3FFB];
	_ =	sdelay $0x3  }
0x92: {  	_ =	strace s18  }
0x93: {  	s3 =	sld [smem:$0x3FFC];
	_ =	sdelay $0x3  }
0x94: {  	_ =	strace s3  }
0x95: {  	s3 =	sld [smem:$0x3FFD];
	_ =	sdelay $0x3  }
0x96: {  	_ =	strace s3  }
0x97: {  	_ =	strace $0x8FFFFFFF  }
0x98: {  	s19 =	sld [smem:$0x3FDB];
	_ =	sdelay $0x1  }
0x99: {  	s4 =	simm.s32 $_scs_section_size  }
0x9a: {  	s5 =	simm.s32 $_size__tile_overlayer_lowered;
	s6 =	simm.s32 $_tile_overlayer_lowered  }
0x9b: {  	s22 =	simm.s32 $0x1BFF;
	s21 =	sshll.u32 s6, $0x1;
	s3 =	sadd.s32 s4, s19  }
0x9c: {  	s7 =	simm.s32 $0x0;
	s20 =	sshll.u32 s5, $0x1;
	s5 =	sadd.s32 s21, s3  }
0x9d: {  	[timem:s7], [sflag:s22] =	dma.local [hbm:s5], s20  }
0x9e: {  	_ =	swait.ge [sflag:s22], s20  }
0x9f: {  	s4 =	ssub.s32 $0x0, s20;
	[sflag:s22] =	ssyncset.done $0x0  }
0xa0: {  	[sflag:s22] =	ssyncadd.s32 s4;
	_ =	sdelay $0x1  }
0xa1: {  	s23 =	simm.s32 $0x1B8B  }
0xa2: {  	_ =	swait.ge [sflag:s23], $0x1  }
0xa3: {  	[sflag:s23] =	ssyncset.done $0x0  }
0xa4: {  	s25 =	simm.s32 $0x1B8E;
	s24 =	sld [smem:$0x3FFE];
	[sflag:s23] =	ssyncadd.s32 $0xFFFFFFFF  }
0xa5: {  	s26 =	simm.s32 $execute0_lowered;
	[smem:$0x3FD2] =	sst s25  }
0xa6: {  	s5 =	sshll.u32 s26, $0x1;
	_ =	strace $0x80000046;
	[dreg:$0x1] =	wrdreg $0xFFFFFFFF  }
0xa7: {  	s28 =	simm.s32 $_size_execute0_lowered;
	s3 =	sadd.s32 s3, s5;
	[dreg:$0x0] =	wrdreg $0x0  }
0xa8: {  	s5 =	sshll.u32 s28, $0x1;
	[dreg:$0x2] =	wrdreg s3  }
0xa9: {  	[dreg:$0x3] =	wrdreg s5  }
0xaa: {  	[dreg:$0x4] =	wrdreg $0xC0  }
0xab: {  	_ =	task [dreg:s7], $0x5FFFF  }
0xac: {  	[dreg:$0x1] =	wrdreg $0xFFFFFFFF  }
0xad: {  	[dreg:$0x0] =	wrdreg $0x60  }
0xae: {  	[dreg:$0x2] =	wrdreg s2  }
0xaf: {  	[dreg:$0x3] =	wrdreg s24  }
0xb0: {  	[dreg:$0x4] =	wrdreg $0x94000  }
0xb1: {  	[dreg:$0x5] =	wrdreg $0x9  }
0xb2: {  	_ =	task.clear_ibuf [dreg:s7], $0x6FFFF;
	_ =	strace $0x90000046  }
0xb3: {  	s29 =	simm.s32 $0x9;
	_ =	strace $0x80000048  }
0xb4: {  	_ =	swait.ge [sflag:s29], $0x1  }
0xb5: {  	[sflag:s29] =	ssyncadd.s32 $0xFFFFFFFF  }
0xb6: {  	_ =	strace $0x90000048  }
0xb7: {  	_ =	sfence  }
0xb8: {  	s30 =	sld [smem:$0x0];
	_ =	sdelay $0x2  }
0xb9: {  	s31 =	sshll.u32 s1, $0xD;
	s1 =	sshrl.u32 s1, $0x2  }
0xba: {  	s3 =	sand.u32 $0x4000, s31;
	s1 =	sadd.s32 s1, s30  }
0xbb: {  	s0 =	sor.u32 s3, s0;
	s1 =	sshll.u32 s1, $0x11  }
0xbc: {  	s0 =	sor.u32 s1, s0  }
0xbd: {  	s0 =	sadd.s32 $0x8F2B, s0  }
0xbe: {  	[sflag:s0] =	ssyncadd.remote.s32 $0x1  }
0xbf: {  	_ =	sfence.sel $0xFFFF  }
0xc0: {  	[dreg:$0x0] =	wrdreg $0xFFFFFFFF;
	(pc) =	sbr.abs _section_cstart, $3  }
0xc1: {  	[dreg:$0x1] =	wrdreg $0xFFFFFFFF  }
0xc2: {  	_ =	task.clear_ibuf [dreg:s7], $0x2FFFF;
	_ =	strace $0x9FFFFFFF  }
0xc3: {  	(tm) =	ssettm $0x7FFFFFFF  }
tec
execute0_lowered:
.L_overlay_start_1:
0x0: {  	(tag) =	ssettag $0x1  }
0x1: {  	s9 =	rddreg [dreg:$0x0]  }
0x2: {  	s4 =	rddreg [dreg:$0x1]  }
0x3: {  	s1 =	rddreg [dreg:$0x2]  }
0x4: {  	s0 =	rddreg [dreg:$0x3];
	s2 =	simm.s32 $0x0  }
0x5: {  	s3 =	srdreg.scid;
	s13 =	simm.s32 $0x14;
	s16 =	simm.s32 $0x80  }
0x6: {  	s17 =	simm.s32 $0x5400;
	[smem:$0x7FF] =	sst s2;
	s5 =	sand.u32 $0x1, s3  }
0x7: {  	s3 =	stileid.u32;
	s19 =	sadd.s32 $0x9C80, s9;
	s6 =	smul.u32 $0x28000, s5  }
0x8: {  	_ =	strace $0x80000047;
	s7 =	ssub.s32 $0x2, s5;
	s8 =	smul.u32 $0x50000, s3  }
0x9: {  	s28 =	sshll.u32 s3, $0x1;
	s21 =	smul.u32 $0x2800, s3;
	s26 =	sshrl.u32 s7, $0x1  }
0xa: {  	s12 =	sor.u32 s5, s28;
	s10 =	sadd.s32 s6, s4;
	s11 =	ssub.s32 s7, s26  }
0xb: {  	s29 =	sshrl.u32 s8, $0x2;
	p0 =	seq.s32 s12, $0x1F;
	s14 =	smul.u32 $0x2800, s12  }
0xc: {  	s15 =	smul.u32 $0x500, s12;
	s12 =	simm.s32 $0x1400;
	s4 =	sadd.s32 s29, s1  }
0xd: {  	s13 =	simm.s32 @!p0 $0x50;
	s18 =	sadd.s32 $0x3A00, s10;
	s10 =	smax.u32 s11, $0x1  }
.Ltmp0:
0xe: {  	s5 =	sadd.s32 $0x4000, s4;
	s6 =	sadd.s32 $0x8000, s4;
	(pc) =	sbr.rel .LBB2_1-.Ltmp0, $4  }
0xf: {  	s7 =	sadd.s32 $0xC000, s4;
	s8 =	sadd.s32 $0x10000, s4;
	s30 =	sshrl.u32 s14, $0x3  }
0x10: {  	s9 =	smin.u32 s13, $0x28;
	s31 =	smax.u32 s13, $0x29;
	s13 =	simm.s32 $0x1  }
0x11: {  	s14 =	sadd.s32 @p0 $0x9B00, s19;
	s15 =	sadd.s32 @!p0 s15, s19;
	s20 =	sadd.s32 $0x280, s30  }
0x12: {  	v0 =	vimm.f32 $0.0e+00;
	v1 =	vimm.f32 $1.000000000e+00;
	s18 =	sadd.s32 s21, s18;
	s11 =	sadd.s32 $0xFFFFFFD8, s31;
	s19 =	sadd.s32 s20, s19  }
.LBB2_8:
0x13: {  	[sflag:s13] =	ssyncadd.s32 $0xFFFFC000  }
.LBB2_9:
0x14: {  	s2 =	sadd.s32 $0x1, s2  }
0x15: {  	s20 =	sshll.u32 s3, $0x6;
	[bflag:$0x0] =	sbarrier.arrive $0xFFFF;
	p1 =	sne.s32 s2, s10  }
.Ltmp1:
0x16: {  	s21 =	sshrl.u32 s4, $0x3;
	s20 =	sor.u32 $0x1C01, s20;
	(pc) =	sbr.rel @!p1 .LBB2_10-.Ltmp1, $4  }
0x17: {  	[hbm:s18], [sflag:s20] =	dma.local [spmem:s21], $0x2800  }
0x18: {  	_ =	swait.ge [sflag:s13], $0x2800  }
0x19: {  	[sflag:s13] =	ssyncset.done $0x0  }
0x1a: {  	[sflag:s13] =	ssyncadd.s32 $0xFFFFD800  }
.LBB2_1:
0x1b: {  	s20 =	simm.s32 $0x0;
	s21 =	simm.s32 $0x200  }
.LBB2_2:
0x1c: {  	p1 =	sne.s32 s21, $0xFE00;
	[tilespmem:s20+$0x5470] =	vst v1  }
0x1d: {  	[tilespmem:s20+$0x1400] =	vst v0  }
0x1e: {  	[tilespmem:s20+$0x5400] =	vst v1  }
0x1f: {  	[tilespmem:s20+$0x1410] =	vst v0  }
0x20: {  	[tilespmem:s20+$0x5410] =	vst v1  }
0x21: {  	[tilespmem:s20+$0x1420] =	vst v0  }
0x22: {  	[tilespmem:s20+$0x5420] =	vst v1  }
0x23: {  	[tilespmem:s20+$0x1430] =	vst v0  }
0x24: {  	[tilespmem:s20+$0x5430] =	vst v1  }
0x25: {  	[tilespmem:s20+$0x1440] =	vst v0  }
0x26: {  	[tilespmem:s20+$0x5440] =	vst v1  }
.Ltmp2:
0x27: {  	[tilespmem:s20+$0x1450] =	vst v0;
	(pc) =	sbr.rel @p1 .LBB2_2-.Ltmp2, $4  }
0x28: {  	[tilespmem:s20+$0x5450] =	vst v1  }
0x29: {  	[tilespmem:s20+$0x1460] =	vst v0  }
0x2a: {  	[tilespmem:s20+$0x5460] =	vst v1  }
0x2b: {  	[tilespmem:s20+$0x1470] =	vst v0;
	s20 =	sshra.s32 s21, $0x2;
	s21 =	sadd.s32 $0x200, s21  }
0x2c: {  	[tilespmem:s20+$0x5470] =	vst v1  }
0x2d: {  	[tilespmem:s20+$0x1400] =	vst v0  }
0x2e: {  	[tilespmem:s20+$0x5400] =	vst v1  }
0x2f: {  	[tilespmem:s20+$0x1410] =	vst v0  }
0x30: {  	[tilespmem:s20+$0x5410] =	vst v1  }
0x31: {  	[tilespmem:s20+$0x1420] =	vst v0  }
0x32: {  	[tilespmem:s20+$0x5420] =	vst v1  }
0x33: {  	[tilespmem:s20+$0x1430] =	vst v0  }
0x34: {  	[tilespmem:s20+$0x5430] =	vst v1  }
0x35: {  	[tilespmem:s20+$0x1440] =	vst v0  }
0x36: {  	[tilespmem:s20+$0x5440] =	vst v1  }
0x37: {  	[tilespmem:s20+$0x1450] =	vst v0  }
0x38: {  	[tilespmem:s20+$0x5450] =	vst v1  }
0x39: {  	[tilespmem:s20+$0x1460] =	vst v0  }
0x3a: {  	[tilespmem:s20+$0x5460] =	vst v1  }
0x3b: {  	[tilespmem:s20+$0x1470] =	vst v0  }
0x3c: {  	[spmem:s4] =	stream.linear.scatter [tilespmem:s12], [sflag:$0x1], $0x4000, $0x38;
	[tilespmem:$0x1D400] =	vst v63  }
0x3d: {  	_ =	swait.ge [sflag:s13], $0x4000  }
0x3e: {  	[sflag:s13] =	ssyncset.done $0x0  }
0x3f: {  	[sflag:s13] =	ssyncadd.s32 $0xFFFFC000  }
0x40: {  	[spmem:s5] =	stream.linear.scatter [tilespmem:s12], [sflag:$0x1], $0x4000, $0x38;
	[tilespmem:$0x1D400] =	vst v63  }
0x41: {  	_ =	swait.ge [sflag:s13], $0x4000  }
0x42: {  	[sflag:s13] =	ssyncset.done $0x0  }
0x43: {  	[sflag:s13] =	ssyncadd.s32 $0xFFFFC000  }
0x44: {  	[spmem:s6] =	stream.linear.scatter [tilespmem:s12], [sflag:$0x1], $0x4000, $0x38;
	[tilespmem:$0x1D400] =	vst v63  }
0x45: {  	_ =	swait.ge [sflag:s13], $0x4000  }
0x46: {  	[sflag:s13] =	ssyncset.done $0x0  }
0x47: {  	[sflag:s13] =	ssyncadd.s32 $0xFFFFC000  }
0x48: {  	[spmem:s7] =	stream.linear.scatter [tilespmem:s12], [sflag:$0x1], $0x4000, $0x38;
	[tilespmem:$0x1D400] =	vst v63  }
0x49: {  	_ =	swait.ge [sflag:s13], $0x4000  }
0x4a: {  	[sflag:s13] =	ssyncset.done $0x0  }
0x4b: {  	[sflag:s13] =	ssyncadd.s32 $0xFFFFC000  }
0x4c: {  	[spmem:s8] =	stream.linear.scatter [tilespmem:s12], [sflag:$0x1], $0x4000, $0x38;
	[tilespmem:$0x1D400] =	vst v63  }
0x4d: {  	_ =	swait.ge [sflag:s13], $0x4000  }
0x4e: {  	[sflag:s13] =	ssyncset.done $0x0  }
0x4f: {  	[sflag:s13] =	ssyncadd.s32 $0xFFFFC000  }
0x50: {  	s20 =	simm.s32 @p0 $0x0;
	[bflag:$0x0] =	sbarrier.arrive $0xFFFF  }
0x51: {  	[tilespmem:s20], [sflag:$0x1] =	stream.linear.gather @p0 [hbm4b:s14+s20], $0xA00, $0x38;
	[tilespmem:$0x1D400] =	vst v63  }
0x52: {  	s20 =	simm.s32 @p0 $0x1  }
0x53: {  	_ =	swait.ge @p0 [sflag:s20], $0xA00  }
0x54: {  	[sflag:s20] =	ssyncset.done @p0 $0x0  }
0x55: {  	[sflag:s20] =	ssyncadd.s32 @p0 $0xFFFFF600;
	s20 =	simm.s32 @!p0 $0x0  }
0x56: {  	[tilespmem:s20], [sflag:$0x1] =	stream.linear.gather @!p0 [hbm4b:s15+s20], $0x1400, $0x38;
	[tilespmem:$0x1D400] =	vst v63  }
0x57: {  	s20 =	simm.s32 @!p0 $0x1  }
0x58: {  	p1 =	sne.s32 s9, $0x1;
	_ =	swait.ge @!p0 [sflag:s20], $0x1400  }
.Ltmp3:
0x59: {  	[sflag:s20] =	ssyncset.done @!p0 $0x0;
	(pc) =	sbr.rel @!p1 .LBB2_5-.Ltmp3, $4  }
0x5a: {  	[sflag:s20] =	ssyncadd.s32 @!p0 $0xFFFFEC00;
	s20 =	simm.s32 $0x0  }
0x5b: {  	[spmem:s1] =	stream.indirect.scatter.add.f32 [tilespmem:s17], [sflag:$0x1], $0x80, s20, s16, $0xb8;
	[tilespmem:$0x1D400] =	vst v63  }
0x5c: {  	_ =	swait.ge [sflag:s13], $0x4000  }
0x5d: {  	s21 =	sadd.s32 $0xFFFFFFFF, s9;
	[sflag:s13] =	ssyncset.done $0x0  }
.LBB2_4:
0x5e: {  	p1 =	sne.s32 s21, $0x1;
	[sflag:s13] =	ssyncadd.s32 $0xFFFFC000;
	s20 =	sadd.s32 $0x80, s20  }
.Ltmp4:
0x5f: {  	s21 =	sadd.s32 $0xFFFFFFFF, s21;
	(pc) =	sbr.rel @p1 .LBB2_4-.Ltmp4, $4  }
0x60: {  	_ = 	snop  }
0x61: {  	[spmem:s1] =	stream.indirect.scatter.add.f32 [tilespmem:s17], [sflag:$0x1], $0x80, s20, s16, $0xb8;
	[tilespmem:$0x1D400] =	vst v63  }
0x62: {  	_ =	swait.ge [sflag:s13], $0x4000  }
0x63: {  	[sflag:s13] =	ssyncset.done $0x0  }
.LBB2_5:
.Ltmp5:
0x64: {  	(pc) =	sbr.rel @p0 .LBB2_9-.Ltmp5, $2  }
0x65: {  	_ =	sdelay $0x2  }
0x66: {  	[sflag:s13] =	ssyncadd.s32 $0xFFFFC000  }
0x67: {  	s20 =	simm.s32 $0x0  }
0x68: {  	[tilespmem:s20], [sflag:$0x1] =	stream.linear.gather [hbm4b:s19+s20], $0x1400, $0x38;
	[tilespmem:$0x1D400] =	vst v63  }
0x69: {  	p1 =	sne.s32 s11, $0x1;
	_ =	swait.ge [sflag:s13], $0x1400  }
.Ltmp6:
0x6a: {  	[sflag:s13] =	ssyncset.done $0x0;
	(pc) =	sbr.rel @!p1 .LBB2_8-.Ltmp6, $4  }
0x6b: {  	[sflag:s13] =	ssyncadd.s32 $0xFFFFEC00  }
0x6c: {  	[spmem:s1] =	stream.indirect.scatter.add.f32 [tilespmem:s17], [sflag:$0x1], $0x80, s20, s16, $0xb8;
	[tilespmem:$0x1D400] =	vst v63  }
0x6d: {  	_ =	swait.ge [sflag:s13], $0x4000  }
0x6e: {  	s21 =	sadd.s32 $0xFFFFFFFF, s11;
	[sflag:s13] =	ssyncset.done $0x0  }
.LBB2_7:
0x6f: {  	p1 =	sne.s32 s21, $0x1;
	[sflag:s13] =	ssyncadd.s32 $0xFFFFC000;
	s20 =	sadd.s32 $0x80, s20  }
.Ltmp7:
0x70: {  	s21 =	sadd.s32 $0xFFFFFFFF, s21;
	(pc) =	sbr.rel @p1 .LBB2_7-.Ltmp7, $4  }
0x71: {  	_ = 	snop  }
0x72: {  	[spmem:s1] =	stream.indirect.scatter.add.f32 [tilespmem:s17], [sflag:$0x1], $0x80, s20, s16, $0xb8;
	[tilespmem:$0x1D400] =	vst v63  }
0x73: {  	_ =	swait.ge [sflag:s13], $0x4000  }
0x74: {  	[sflag:s13] =	ssyncset.done $0x0  }
.Ltmp8:
0x75: {  	_ = 	snop;
	(pc) =	sbr.rel .LBB2_8-.Ltmp8, $1  }
0x76: {  	_ =	sdelay $0x3  }
.LBB2_10:
0x77: {  	_ =	sfence.sel $0x180000  }
0x78: {  	[bflag:$0x0] =	sbarrier.arrive $0xFFFF  }
0x79: {  	p0 =	sne.s32 s3, $0x0;
	_ =	strace $0x90000047  }
0x7a: {  	s0 =	sadd.s32 @!p0 $0x100000, s0;
	[bflag:$0x2] =	sbarrier.arrive $0xFFFF  }
0x7b: {  	[sflag:s0] =	ssyncadd.tile.s32 @!p0 $0x1;
	_ =	shalt  }
.Lfunc_end2:
_tile_overlayer_lowered:
.L_overlay_start_2:
0x7c: {  	(tag) =	ssettag $0x2  }
0x7d: {  	s0 =	rddreg [dreg:$0x0];
	s2 =	stileid.u32  }
0x7e: {  	s1 =	rddreg [dreg:$0x1];
	p0 =	sne.s32 s2, $0x0  }
0x7f: {  	s3 =	rddreg [dreg:$0x2];
	[bflag:$0x3] =	sbarrier.arrive $0xFFFF;
	s2 =	simm.s32 @!p0 $0x1C01  }
0x80: {  	[timem:s3], [sflag:s2] =	dma.local @!p0 [hbm:s0], s1  }
0x81: {  	s0 =	simm.s32 @!p0 $0x1  }
0x82: {  	_ =	swait.ge @!p0 [sflag:s0], s1  }
0x83: {  	s1 =	ssub.s32 @!p0 $0x0, s1;
	[sflag:s0] =	ssyncset.done @!p0 $0x0  }
0x84: {  	[sflag:s0] =	ssyncadd.s32 @!p0 s1  }
0x85: {  	[bflag:$0x3] =	sbarrier.arrive $0xFFFF  }
0x86: {  	_ =	shalt  }

// kernel: kernel.13.cloned.1.call-start
scs
__scs_entry_jumppad:
0x0: {  	(pc) =	sbr.rel $0x88, $3  }
0x1: {  	(tag) =	ssettag $0x0;
	lr =	simm.s32 $0x1  }
0x2: {  	[smem:$0x3F95] =	sst lr;
	_ =	strace $0xD0000000  }
0x3: {  	_ = 	snop  }
0x4: {  	_ = 	snop  }
0x5: {  	_ = 	snop  }
0x6: {  	_ = 	snop  }
0x7: {  	_ = 	snop  }
__scs_overlays_trampoline_lowered:
0x8: {  	[smem:$0x3FA4] =	sst s0  }
0x9: {  	[smem:$0x3FA5] =	sst s1  }
0xa: {  	[smem:$0x3FA6] =	sst s2  }
0xb: {  	[smem:$0x3FA7] =	sst s3  }
0xc: {  	[smem:$0x3FA8] =	sst s4  }
0xd: {  	[smem:$0x3FA9] =	sst s5  }
0xe: {  	[smem:$0x3FAA] =	sst s6  }
0xf: {  	[smem:$0x3FAB] =	sst s7  }
0x10: {  	[smem:$0x3FAC] =	sst s8  }
0x11: {  	[smem:$0x3FAD] =	sst s9;
	s0 =	simm.s32 @!p0 $0x0  }
0x12: {  	s1 =	sld [smem:$0x3F93];
	s0 =	simm.s32 @p0 $0x1  }
0x13: {  	[smem:$0x3FAE] =	sst s0;
	s0 =	simm.s32 @!p1 $0x0  }
0x14: {  	s2 =	sld [smem:$0x3F92];
	s0 =	simm.s32 @p1 $0x1  }
0x15: {  	[smem:$0x3FAF] =	sst s0;
	s0 =	simm.s32 @!p2 $0x0  }
0x16: {  	s3 =	sld [smem:$0x3FDB];
	s0 =	simm.s32 @p2 $0x1  }
0x17: {  	s4 =	simm.s32 $0x1BF5;
	[smem:$0x3FB1] =	sst s0  }
0x18: {  	s0 =	sld [smem:$0x3F94];
	_ =	swait.ge [sflag:s4], $0x0  }
0x19: {  	s7 =	sld [smem:$0x3F95]  }
0x1a: {  	s8 =	sadd.s32 $0xFFFFE003, lr  }
0x1b: {  	s9 =	sadd.s32 $0xFFFFFEF7, lr;
	s5 =	simm.s32 $0xFFFFFFFF;
	p2 =	slt.u32 s8, $0xFFFFF086  }
0x1c: {  	p1 =	slt.u32 s9, $0xF7A;
	s5 =	simm.s32 @!p2 $0x0  }
0x1d: {  	s5 =	simm.s32 @p1 $0x1;
	p0 =	seq.s32 s7, s2  }
0x1e: {  	s7 =	smul.u32 @!p0 $0xF7A, s2;
	p2 =	seq.s32 @!p0 s5, $0x0  }
0x1f: {  	s9 =	smul.u32 $0xF7A, s1;
	s8 =	simm.s32 @!p0 $0x1BF5;
	p2 =	por !p2, p0  }
0x20: {  	[sflag:s8] =	ssyncset.s32 @!p0 $0xFFFFF086;
	s6 =	sadd.s32 @!p0 s3, s7;
	s7 =	simm.s32 @!p0 $0x108  }
0x21: {  	s3 =	sadd.s32 s3, s9;
	s6 =	sadd.s32 @!p0 $0x88, s6;
	s7 =	simm.s32 @p2 $0x1082  }
0x22: {  	[simem:s7], [sflag:s8] =	dma.local @!p0 [hbm:s6], $0xF7A  }
0x23: {  	s9 =	sor.u32 $0xD0000000, s2;
	s6 =	simm.s32 $0x108;
	_ =	swait.ge @!p0 [sflag:s8], $0x0  }
0x24: {  	s3 =	sadd.s32 $0x88, s3;
	s6 =	simm.s32 @!p1 $0x1082;
	[sflag:s4] =	ssyncset.s32 $0xFFFFF086  }
0x25: {  	[simem:s6], [sflag:s4] =	dma.local [hbm:s3], $0xF7A  }
0x26: {  	[smem:$0x3F95] =	sst s1;
	(tag) =	ssettag s2;
	_ =	strace s9  }
0x27: {  	s1 =	sld [smem:$0x3FA5]  }
0x28: {  	s2 =	sld [smem:$0x3FA6]  }
0x29: {  	s4 =	sld [smem:$0x3FA8]  }
0x2a: {  	p0 =	seq.s32 s5, $0x0;
	s5 =	sld [smem:$0x3FA9]  }
0x2b: {  	s6 =	sld [smem:$0x3FAA]  }
0x2c: {  	s7 =	sld [smem:$0x3FAB]  }
0x2d: {  	s3 =	simm.s32 $0x108;
	s8 =	sld [smem:$0x3FAC]  }
0x2e: {  	s3 =	simm.s32 @!p0 $0x1082;
	s9 =	sld [smem:$0x3FAD]  }
0x2f: {  	lr =	sadd.s32 s0, s3;
	s0 =	sld [smem:$0x3FA4]  }
0x30: {  	s3 =	sld [smem:$0x3FA7]  }
0x31: {  	[smem:$0x3FB0] =	sst s10  }
0x32: {  	s10 =	sld [smem:$0x3FAE];
	_ =	sdelay $0x3  }
0x33: {  	p0 =	seq.s32 s10, $0x1;
	s10 =	sld [smem:$0x3FB0];
	_ =	sdelay $0x3  }
0x34: {  	[smem:$0x3FB0] =	sst s10  }
0x35: {  	s10 =	sld [smem:$0x3FAF];
	_ =	sdelay $0x3  }
0x36: {  	p1 =	seq.s32 s10, $0x1;
	s10 =	sld [smem:$0x3FB0];
	_ =	sdelay $0x3  }
0x37: {  	[smem:$0x3FB0] =	sst s10  }
0x38: {  	s10 =	sld [smem:$0x3FB1]  }
0x39: {  	_ = 	snop;
	(pc) =	sbr.ind lr, $3  }
0x3a: {  	_ = 	snop  }
0x3b: {  	_ = 	snop  }
0x3c: {  	p2 =	seq.s32 s10, $0x1;
	s10 =	sld [smem:$0x3FB0]  }
0x3d: {  	_ =	shalt  }
0x3e: {  	_ =	shalt  }
0x3f: {  	_ =	shalt  }
0x40: {  	_ =	shalt  }
0x41: {  	_ =	shalt  }
0x42: {  	_ =	shalt  }
0x43: {  	_ =	shalt  }
0x44: {  	_ =	shalt  }
0x45: {  	_ =	shalt  }
0x46: {  	_ =	shalt  }
0x47: {  	_ =	shalt  }
0x48: {  	_ =	shalt  }
0x49: {  	_ =	shalt  }
0x4a: {  	_ =	shalt  }
0x4b: {  	_ =	shalt  }
0x4c: {  	_ =	shalt  }
0x4d: {  	_ =	shalt  }
0x4e: {  	_ =	shalt  }
0x4f: {  	_ =	shalt  }
0x50: {  	_ =	shalt  }
0x51: {  	_ =	shalt  }
0x52: {  	_ =	shalt  }
0x53: {  	_ =	shalt  }
0x54: {  	_ =	shalt  }
0x55: {  	_ =	shalt  }
0x56: {  	_ =	shalt  }
0x57: {  	_ =	shalt  }
0x58: {  	_ =	shalt  }
0x59: {  	_ =	shalt  }
0x5a: {  	_ =	shalt  }
0x5b: {  	_ =	shalt  }
0x5c: {  	_ =	shalt  }
0x5d: {  	_ =	shalt  }
0x5e: {  	_ =	shalt  }
0x5f: {  	_ =	shalt  }
0x60: {  	_ =	shalt  }
0x61: {  	_ =	shalt  }
0x62: {  	_ =	shalt  }
0x63: {  	_ =	shalt  }
0x64: {  	_ =	shalt  }
0x65: {  	_ =	shalt  }
0x66: {  	_ =	shalt  }
0x67: {  	_ =	shalt  }
0x68: {  	_ =	shalt  }
0x69: {  	_ =	shalt  }
0x6a: {  	_ =	shalt  }
0x6b: {  	_ =	shalt  }
0x6c: {  	_ =	shalt  }
0x6d: {  	_ =	shalt  }
0x6e: {  	_ =	shalt  }
0x6f: {  	_ =	shalt  }
0x70: {  	_ =	shalt  }
0x71: {  	_ =	shalt  }
0x72: {  	_ =	shalt  }
0x73: {  	_ =	shalt  }
0x74: {  	_ =	shalt  }
0x75: {  	_ =	shalt  }
0x76: {  	_ =	shalt  }
0x77: {  	_ =	shalt  }
0x78: {  	_ =	shalt  }
0x79: {  	_ =	shalt  }
0x7a: {  	_ =	shalt  }
0x7b: {  	_ =	shalt  }
0x7c: {  	_ =	shalt  }
0x7d: {  	_ =	shalt  }
0x7e: {  	_ =	shalt  }
0x7f: {  	_ =	shalt  }
0x80: {  	_ =	shalt  }
0x81: {  	_ =	shalt  }
0x82: {  	_ =	shalt  }
0x83: {  	_ =	shalt  }
0x84: {  	_ =	shalt  }
0x85: {  	_ =	shalt  }
0x86: {  	_ =	shalt  }
0x87: {  	_ =	shalt  }
.Lfunc_end0:
.L_simem_size_0:
called_computation.1_lowered:
.L_overlay_start_0:
0x88: {  	s2 =	sld [smem:$0x3FD9]  }
0x89: {  	s3 =	sld [smem:$0x3FFE];
	_ =	sdelay $0x1  }
0x8a: {  	s1 =	srdreg.scid  }
0x8b: {  	s0 =	sand.u32 $0x1, s1  }
0x8c: {  	s17 =	sshll.u32 s0, $0xA;
	s2 =	sadd.s32 s3, s2  }
0x8d: {  	s2 =	sadd.s32 s2, s17  }
0x8e: {  	[smem:$0x3FBC] =	sst s2  }
0x8f: {  	_ = 	snop  }
0x90: {  	s2 =	sld [smem:$0x3FD0];
	(tm) =	ssettm $0x1  }
0x91: {  	s18 =	sld [smem:$0x3FFB];
	_ =	sdelay $0x3  }
0x92: {  	_ =	strace s18  }
0x93: {  	s3 =	sld [smem:$0x3FFC];
	_ =	sdelay $0x3  }
0x94: {  	_ =	strace s3  }
0x95: {  	s3 =	sld [smem:$0x3FFD];
	_ =	sdelay $0x3  }
0x96: {  	_ =	strace s3  }
0x97: {  	_ =	strace $0x8FFFFFFF  }
0x98: {  	s19 =	sld [smem:$0x3FDB];
	_ =	sdelay $0x1  }
0x99: {  	s4 =	simm.s32 $_scs_section_size  }
0x9a: {  	s5 =	simm.s32 $_size__tile_overlayer_lowered;
	s6 =	simm.s32 $_tile_overlayer_lowered  }
0x9b: {  	s22 =	simm.s32 $0x1BFF;
	s21 =	sshll.u32 s6, $0x1;
	s3 =	sadd.s32 s4, s19  }
0x9c: {  	s7 =	simm.s32 $0x0;
	s20 =	sshll.u32 s5, $0x1;
	s5 =	sadd.s32 s21, s3  }
0x9d: {  	[timem:s7], [sflag:s22] =	dma.local [hbm:s5], s20  }
0x9e: {  	_ =	swait.ge [sflag:s22], s20  }
0x9f: {  	s4 =	ssub.s32 $0x0, s20;
	[sflag:s22] =	ssyncset.done $0x0  }
0xa0: {  	[sflag:s22] =	ssyncadd.s32 s4;
	_ =	sdelay $0x1  }
0xa1: {  	s23 =	simm.s32 $0x1B8B  }
0xa2: {  	_ =	swait.ge [sflag:s23], $0x1  }
0xa3: {  	[sflag:s23] =	ssyncset.done $0x0  }
0xa4: {  	s25 =	simm.s32 $0x1B8E;
	s24 =	sld [smem:$0x3FFE];
	[sflag:s23] =	ssyncadd.s32 $0xFFFFFFFF  }
0xa5: {  	s26 =	simm.s32 $execute0_lowered;
	[smem:$0x3FD2] =	sst s25  }
0xa6: {  	s5 =	sshll.u32 s26, $0x1;
	_ =	strace $0x80000049;
	[dreg:$0x1] =	wrdreg $0xFFFFFFFF  }
0xa7: {  	s28 =	simm.s32 $_size_execute0_lowered;
	s3 =	sadd.s32 s3, s5;
	[dreg:$0x0] =	wrdreg $0x0  }
0xa8: {  	s5 =	sshll.u32 s28, $0x1;
	[dreg:$0x2] =	wrdreg s3  }
0xa9: {  	[dreg:$0x3] =	wrdreg s5  }
0xaa: {  	[dreg:$0x4] =	wrdreg $0xC0  }
0xab: {  	_ =	task [dreg:s7], $0x5FFFF  }
0xac: {  	[dreg:$0x1] =	wrdreg $0xFFFFFFFF  }
0xad: {  	[dreg:$0x0] =	wrdreg $0x60  }
0xae: {  	[dreg:$0x2] =	wrdreg s2  }
0xaf: {  	[dreg:$0x3] =	wrdreg s24  }
0xb0: {  	[dreg:$0x4] =	wrdreg $0xA8000  }
0xb1: {  	[dreg:$0x5] =	wrdreg $0x9  }
0xb2: {  	_ =	task.clear_ibuf [dreg:s7], $0x6FFFF;
	_ =	strace $0x90000049  }
0xb3: {  	s29 =	simm.s32 $0x9;
	_ =	strace $0x8000004B  }
0xb4: {  	_ =	swait.ge [sflag:s29], $0x1  }
0xb5: {  	[sflag:s29] =	ssyncadd.s32 $0xFFFFFFFF  }
0xb6: {  	_ =	strace $0x9000004B  }
0xb7: {  	_ =	sfence  }
0xb8: {  	s30 =	sld [smem:$0x0];
	_ =	sdelay $0x2  }
0xb9: {  	s31 =	sshll.u32 s1, $0xD;
	s1 =	sshrl.u32 s1, $0x2  }
0xba: {  	s3 =	sand.u32 $0x4000, s31;
	s1 =	sadd.s32 s1, s30  }
0xbb: {  	s0 =	sor.u32 s3, s0;
	s1 =	sshll.u32 s1, $0x11  }
0xbc: {  	s0 =	sor.u32 s1, s0  }
0xbd: {  	s0 =	sadd.s32 $0x8F2B, s0  }
0xbe: {  	[sflag:s0] =	ssyncadd.remote.s32 $0x1  }
0xbf: {  	_ =	sfence.sel $0xFFFF  }
0xc0: {  	[dreg:$0x0] =	wrdreg $0xFFFFFFFF;
	(pc) =	sbr.abs _section_cstart, $3  }
0xc1: {  	[dreg:$0x1] =	wrdreg $0xFFFFFFFF  }
0xc2: {  	_ =	task.clear_ibuf [dreg:s7], $0x2FFFF;
	_ =	strace $0x9FFFFFFF  }
0xc3: {  	(tm) =	ssettm $0x7FFFFFFF  }
tec
execute0_lowered:
.L_overlay_start_1:
0x0: {  	(tag) =	ssettag $0x1  }
0x1: {  	s0 =	rddreg [dreg:$0x0]  }
0x2: {  	s5 =	rddreg [dreg:$0x1]  }
0x3: {  	s1 =	rddreg [dreg:$0x2];
	s2 =	simm.s32 $0x0  }
0x4: {  	s3 =	srdreg.scid;
	s19 =	simm.s32 $0x80;
	s20 =	simm.s32 $0x6800  }
0x5: {  	s21 =	simm.s32 $0x1;
	[smem:$0x7FF] =	sst s2;
	s6 =	sand.u32 $0x1, s3  }
0x6: {  	s3 =	stileid.u32;
	s4 =	sadd.s32 $0x3A00, s5;
	s12 =	sadd.s32 $0x9C80, s0  }
0x7: {  	s14 =	sadd.s32 $0x9B00, s0;
	s7 =	smul.u32 $0x28000, s6;
	_ =	strace $0x8000004A  }
0x8: {  	s8 =	smul.u32 $0x50000, s3;
	s28 =	ssub.s32 $0x2, s6;
	s29 =	sshll.u32 s3, $0x1  }
0x9: {  	s22 =	smul.u32 $0x2800, s3;
	s9 =	sshrl.u32 s28, $0x1;
	s17 =	sor.u32 s6, s29  }
0xa: {  	s16 =	sadd.s32 s7, s5;
	s30 =	sshrl.u32 s8, $0x2;
	s11 =	smul.u32 $0x2800, s17  }
0xb: {  	s18 =	ssub.s32 s28, s9;
	s8 =	smul.u32 $0x500, s17;
	p0 =	seq.s32 s17, $0x1F  }
.Ltmp0:
0xc: {  	s17 =	simm.s32 $0x2800;
	s5 =	sadd.s32 s30, s1;
	(pc) =	sbr.rel .LBB2_1-.Ltmp0, $4  }
0xd: {  	s31 =	sadd.s32 $0x2BA00, s16;
	s16 =	smax.u32 s18, $0x1;
	s18 =	simm.s32 $0x2  }
0xe: {  	s6 =	sadd.s32 $0x4000, s5;
	s7 =	sadd.s32 $0x8000, s5;
	s13 =	sshrl.u32 s11, $0x3  }
0xf: {  	s9 =	sadd.s32 $0xC000, s5;
	s10 =	sadd.s32 $0x10000, s5;
	s13 =	sadd.s32 $0x280, s13  }
0x10: {  	v0 =	vimm.f32 $0.0e+00;
	s11 =	sadd.s32 s0, s8;
	s22 =	sadd.s32 s22, s31;
	s15 =	sadd.s32 s0, s13  }
.LBB2_8:
0x11: {  	[tilespmem:s26], [sflag:$0x1] =	stream.indirect.gather @!p2 [hbm4b:s4+s0], $0x80, s29, s0, $0xb8;
	[tilespmem:$0x1E800] =	vst v63  }
.LBB2_9:
0x12: {  	s2 =	sadd.s32 $0x1, s2  }
0x13: {  	s0 =	sshll.u32 s3, $0x6;
	[bflag:$0x0] =	sbarrier.arrive $0xFFFF;
	p1 =	sne.s32 s2, s16  }
.Ltmp1:
0x14: {  	s23 =	sshrl.u32 s5, $0x3;
	s0 =	sor.u32 $0x1C02, s0;
	(pc) =	sbr.rel @!p1 .LBB2_10-.Ltmp1, $4  }
0x15: {  	[hbm:s22], [sflag:s0] =	dma.local [spmem:s23], $0x2800  }
0x16: {  	_ =	swait.ge [sflag:s18], $0x2800  }
0x17: {  	[sflag:s18] =	ssyncset.done $0x0  }
0x18: {  	[sflag:s18] =	ssyncadd.s32 $0xFFFFD800  }
.LBB2_1:
0x19: {  	s23 =	simm.s32 $0x0;
	s24 =	simm.s32 $0x200  }
.LBB2_2:
0x1a: {  	p1 =	sne.s32 s24, $0xFE00;
	[tilespmem:s23+$0x2870] =	vst v0  }
0x1b: {  	[tilespmem:s23+$0x2800] =	vst v0  }
0x1c: {  	[tilespmem:s23+$0x2810] =	vst v0  }
.Ltmp2:
0x1d: {  	[tilespmem:s23+$0x2820] =	vst v0;
	(pc) =	sbr.rel @p1 .LBB2_2-.Ltmp2, $4  }
0x1e: {  	[tilespmem:s23+$0x2830] =	vst v0  }
0x1f: {  	[tilespmem:s23+$0x2840] =	vst v0  }
0x20: {  	[tilespmem:s23+$0x2850] =	vst v0  }
0x21: {  	[tilespmem:s23+$0x2860] =	vst v0;
	s23 =	sshra.s32 s24, $0x2;
	s24 =	sadd.s32 $0x200, s24  }
0x22: {  	[tilespmem:s23+$0x2870] =	vst v0  }
0x23: {  	[tilespmem:s23+$0x2800] =	vst v0  }
0x24: {  	[tilespmem:s23+$0x2810] =	vst v0  }
0x25: {  	[tilespmem:s23+$0x2820] =	vst v0  }
0x26: {  	[tilespmem:s23+$0x2830] =	vst v0  }
0x27: {  	[tilespmem:s23+$0x2840] =	vst v0  }
0x28: {  	[tilespmem:s23+$0x2850] =	vst v0  }
0x29: {  	[tilespmem:s23+$0x2860] =	vst v0  }
0x2a: {  	[spmem:s5] =	stream.linear.scatter [tilespmem:s17], [sflag:$0x2], $0x4000, $0x38;
	[tilespmem:$0x1E800] =	vst v63  }
0x2b: {  	_ =	swait.ge [sflag:s18], $0x4000  }
0x2c: {  	[sflag:s18] =	ssyncset.done $0x0  }
0x2d: {  	[sflag:s18] =	ssyncadd.s32 $0xFFFFC000  }
0x2e: {  	[spmem:s6] =	stream.linear.scatter [tilespmem:s17], [sflag:$0x2], $0x4000, $0x38;
	[tilespmem:$0x1E800] =	vst v63  }
0x2f: {  	_ =	swait.ge [sflag:s18], $0x4000  }
0x30: {  	[sflag:s18] =	ssyncset.done $0x0  }
0x31: {  	[sflag:s18] =	ssyncadd.s32 $0xFFFFC000  }
0x32: {  	[spmem:s7] =	stream.linear.scatter [tilespmem:s17], [sflag:$0x2], $0x4000, $0x38;
	[tilespmem:$0x1E800] =	vst v63  }
0x33: {  	_ =	swait.ge [sflag:s18], $0x4000  }
0x34: {  	[sflag:s18] =	ssyncset.done $0x0  }
0x35: {  	[sflag:s18] =	ssyncadd.s32 $0xFFFFC000  }
0x36: {  	[spmem:s9] =	stream.linear.scatter [tilespmem:s17], [sflag:$0x2], $0x4000, $0x38;
	[tilespmem:$0x1E800] =	vst v63  }
0x37: {  	_ =	swait.ge [sflag:s18], $0x4000  }
0x38: {  	[sflag:s18] =	ssyncset.done $0x0  }
0x39: {  	[sflag:s18] =	ssyncadd.s32 $0xFFFFC000  }
0x3a: {  	[spmem:s10] =	stream.linear.scatter [tilespmem:s17], [sflag:$0x2], $0x4000, $0x38;
	[tilespmem:$0x1E800] =	vst v63  }
0x3b: {  	_ =	swait.ge [sflag:s18], $0x4000  }
0x3c: {  	[sflag:s18] =	ssyncset.done $0x0  }
0x3d: {  	[sflag:s18] =	ssyncadd.s32 $0xFFFFC000  }
0x3e: {  	s0 =	simm.s32 @p0 $0x0;
	s23 =	simm.s32 @p0 $0x2;
	[bflag:$0x0] =	sbarrier.arrive $0xFFFF  }
0x3f: {  	[tilespmem:s0], [sflag:$0x2] =	stream.linear.gather @p0 [hbm4b:s14+s0], $0xA00, $0x38;
	[tilespmem:$0x1E800] =	vst v63  }
0x40: {  	_ =	swait.ge @p0 [sflag:s23], $0xA00  }
0x41: {  	[sflag:s23] =	ssyncset.done @p0 $0x0  }
0x42: {  	s24 =	sadd.s32 @p0 $0x9B00, s12;
	s25 =	simm.s32 @p0 $0x1400;
	[sflag:s23] =	ssyncadd.s32 @p0 $0xFFFFF600  }
0x43: {  	[tilespmem:s25], [sflag:$0x2] =	stream.linear.gather @p0 [hbm4b:s24+s0], $0xA00, $0x38;
	[tilespmem:$0x1E800] =	vst v63  }
0x44: {  	_ =	swait.ge @p0 [sflag:s23], $0xA00  }
0x45: {  	[sflag:s23] =	ssyncset.done @p0 $0x0  }
0x46: {  	s0 =	simm.s32 @!p0 $0x0;
	[sflag:s23] =	ssyncadd.s32 @p0 $0xFFFFF600;
	s23 =	simm.s32 @!p0 $0x2  }
0x47: {  	[tilespmem:s0], [sflag:$0x2] =	stream.linear.gather @!p0 [hbm4b:s11+s0], $0x1400, $0x38;
	[tilespmem:$0x1E800] =	vst v63  }
0x48: {  	_ =	swait.ge @!p0 [sflag:s23], $0x1400  }
0x49: {  	[sflag:s23] =	ssyncset.done @!p0 $0x0  }
0x4a: {  	s24 =	sadd.s32 @!p0 s8, s12;
	s25 =	simm.s32 @!p0 $0x1400;
	[sflag:s23] =	ssyncadd.s32 @!p0 $0xFFFFEC00  }
0x4b: {  	[tilespmem:s25], [sflag:$0x2] =	stream.linear.gather @!p0 [hbm4b:s24+s0], $0x1400, $0x38;
	[tilespmem:$0x1E800] =	vst v63  }
0x4c: {  	_ =	swait.ge @!p0 [sflag:s23], $0x1400  }
0x4d: {  	[sflag:s23] =	ssyncset.done @!p0 $0x0  }
0x4e: {  	s25 =	simm.s32 $0x0;
	[sflag:s23] =	ssyncadd.s32 @!p0 $0xFFFFEC00;
	s23 =	simm.s32 @!p0 $0x28  }
0x4f: {  	[tilespmem:s17], [sflag:$0x1] =	stream.indirect.gather [hbm4b:s4+s19], $0x80, s25, s19, $0xb8;
	[tilespmem:$0x1E800] =	vst v63  }
0x50: {  	s30 =	simm.s32 $0x100;
	s23 =	simm.s32 @p0 $0x14  }
0x51: {  	[tilespmem:s20], [sflag:$0x1] =	stream.indirect.gather [hbm4b:s4+s19], $0x80, s19, s19, $0xb8;
	[tilespmem:$0x1E800] =	vst v63  }
0x52: {  	s26 =	simm.s32 $0x1400;
	s24 =	sshll.u32 s23, $0xE;
	_ =	swait.ge [sflag:s21], $0x4000  }
0x53: {  	s0 =	sand.u32 $0x4000, s25;
	p1 =	sne.s32 s24, $0x4000;
	[sflag:s21] =	ssyncset.done $0x0  }
.Ltmp3:
0x54: {  	s29 =	sor.u32 $0x2800, s0;
	[sflag:s21] =	ssyncadd.s32 $0xFFFFC000;
	(pc) =	sbr.rel @!p1 .LBB2_5-.Ltmp3, $4  }
0x55: {  	[spmem:s1] =	stream.indirect.scatter.add.f32 [tilespmem:s29], [sflag:$0x2], $0x80, s26, s19, $0xb8;
	[tilespmem:$0x1E800] =	vst v63  }
0x56: {  	s28 =	simm.s32 $0x3;
	s31 =	simm.s32 $0x180;
	_ =	swait.ge [sflag:s18], $0x4000  }
0x57: {  	s25 =	simm.s32 $0x4000;
	p2 =	sle.u32 s23, $0x2;
	[sflag:s18] =	ssyncset.done $0x0  }
0x58: {  	s0 =	simm.s32 @!p2 $0x80;
	s26 =	simm.s32 $0x1480;
	[sflag:s18] =	ssyncadd.s32 $0xFFFFC000  }
.LBB2_4:
0x59: {  	[tilespmem:s29], [sflag:$0x1] =	stream.indirect.gather @!p2 [hbm4b:s4+s0], $0x80, s30, s0, $0xb8;
	[tilespmem:$0x1E800] =	vst v63  }
0x5a: {  	s0 =	smov.u32 s25;
	s25 =	sadd.s32 $0x4000, s25;
	_ =	swait.ge [sflag:s21], $0x4000  }
0x5b: {  	s0 =	sand.u32 $0x4000, s0;
	p1 =	sne.s32 s24, s25;
	[sflag:s21] =	ssyncset.done $0x0  }
.Ltmp4:
0x5c: {  	s29 =	sor.u32 $0x2800, s0;
	[sflag:s21] =	ssyncadd.s32 $0xFFFFC000;
	(pc) =	sbr.rel @p1 .LBB2_4-.Ltmp4, $4  }
0x5d: {  	[spmem:s1] =	stream.indirect.scatter.add.f32 [tilespmem:s29], [sflag:$0x2], $0x80, s26, s19, $0xb8;
	[tilespmem:$0x1E800] =	vst v63  }
0x5e: {  	s30 =	smov.u32 s31;
	s26 =	sadd.s32 $0x80, s26;
	_ =	swait.ge [sflag:s18], $0x4000  }
0x5f: {  	p2 =	sge.u32 s28, s23;
	s28 =	sadd.s32 $0x1, s28;
	[sflag:s18] =	ssyncset.done $0x0  }
0x60: {  	s31 =	sadd.s32 $0x80, s31;
	s0 =	simm.s32 @!p2 $0x80;
	[sflag:s18] =	ssyncadd.s32 $0xFFFFC000  }
.LBB2_5:
.Ltmp5:
0x61: {  	(pc) =	sbr.rel @p0 .LBB2_9-.Ltmp5, $2  }
0x62: {  	_ =	sdelay $0x2  }
0x63: {  	[tilespmem:s29], [sflag:$0x1] =	stream.indirect.gather @!p2 [hbm4b:s4+s0], $0x80, s30, s0, $0xb8;
	[tilespmem:$0x1E800] =	vst v63  }
0x64: {  	s0 =	simm.s32 $0x0  }
0x65: {  	[tilespmem:s0], [sflag:$0x2] =	stream.linear.gather [hbm4b:s15+s0], $0x1400, $0x38;
	[tilespmem:$0x1E800] =	vst v63  }
0x66: {  	_ =	swait.ge [sflag:s18], $0x1400  }
0x67: {  	[sflag:s18] =	ssyncset.done $0x0  }
0x68: {  	s23 =	sadd.s32 s13, s12;
	s24 =	simm.s32 $0x1400;
	[sflag:s18] =	ssyncadd.s32 $0xFFFFEC00  }
0x69: {  	[tilespmem:s24], [sflag:$0x2] =	stream.linear.gather [hbm4b:s23+s0], $0x1400, $0x38;
	[tilespmem:$0x1E800] =	vst v63  }
0x6a: {  	_ =	swait.ge [sflag:s18], $0x1400  }
0x6b: {  	[sflag:s18] =	ssyncset.done $0x0  }
0x6c: {  	[sflag:s18] =	ssyncadd.s32 $0xFFFFEC00  }
0x6d: {  	[tilespmem:s17], [sflag:$0x1] =	stream.indirect.gather [hbm4b:s4+s19], $0x80, s0, s19, $0xb8;
	[tilespmem:$0x1E800] =	vst v63  }
0x6e: {  	_ = 	snop  }
0x6f: {  	[tilespmem:s20], [sflag:$0x1] =	stream.indirect.gather [hbm4b:s4+s19], $0x80, s19, s19, $0xb8;
	[tilespmem:$0x1E800] =	vst v63  }
0x70: {  	_ =	swait.ge [sflag:s21], $0x4000  }
0x71: {  	s0 =	sand.u32 $0x4000, s0;
	[sflag:s21] =	ssyncset.done $0x0  }
0x72: {  	s29 =	simm.s32 $0x100;
	s26 =	sor.u32 $0x2800, s0;
	[sflag:s21] =	ssyncadd.s32 $0xFFFFC000  }
0x73: {  	[spmem:s1] =	stream.indirect.scatter.add.f32 [tilespmem:s26], [sflag:$0x2], $0x80, s24, s19, $0xb8;
	[tilespmem:$0x1E800] =	vst v63  }
0x74: {  	p2 =	por $0x0, $0x0;
	s25 =	simm.s32 $0x1480;
	_ =	swait.ge [sflag:s18], $0x4000  }
0x75: {  	s28 =	simm.s32 $0x180;
	s23 =	simm.s32 $0x1;
	[sflag:s18] =	ssyncset.done $0x0  }
0x76: {  	s0 =	simm.s32 @!p2 $0x80;
	s24 =	simm.s32 $0x4000;
	[sflag:s18] =	ssyncadd.s32 $0xFFFFC000  }
.LBB2_7:
0x77: {  	[tilespmem:s26], [sflag:$0x1] =	stream.indirect.gather @!p2 [hbm4b:s4+s0], $0x80, s29, s0, $0xb8;
	[tilespmem:$0x1E800] =	vst v63  }
0x78: {  	s0 =	smov.u32 s23;
	s23 =	sadd.s32 $0x1, s23;
	_ =	swait.ge [sflag:s21], $0x4000  }
0x79: {  	s26 =	sand.u32 $0x4000, s24;
	p1 =	sne.s32 s23, $0x28;
	[sflag:s21] =	ssyncset.done $0x0  }
.Ltmp6:
0x7a: {  	s26 =	sor.u32 $0x2800, s26;
	[sflag:s21] =	ssyncadd.s32 $0xFFFFC000;
	(pc) =	sbr.rel @p1 .LBB2_7-.Ltmp6, $4  }
0x7b: {  	[spmem:s1] =	stream.indirect.scatter.add.f32 [tilespmem:s26], [sflag:$0x2], $0x80, s25, s19, $0xb8;
	[tilespmem:$0x1E800] =	vst v63  }
0x7c: {  	s24 =	sadd.s32 $0x4000, s24;
	s29 =	smov.u32 s28;
	_ =	swait.ge [sflag:s18], $0x4000  }
0x7d: {  	p2 =	sgt.u32 s0, $0x25;
	s25 =	sadd.s32 $0x80, s25;
	[sflag:s18] =	ssyncset.done $0x0  }
0x7e: {  	s28 =	sadd.s32 $0x80, s28;
	s0 =	simm.s32 @!p2 $0x80;
	[sflag:s18] =	ssyncadd.s32 $0xFFFFC000  }
.Ltmp7:
0x7f: {  	_ = 	snop;
	(pc) =	sbr.rel .LBB2_8-.Ltmp7, $1  }
0x80: {  	_ =	sdelay $0x3  }
.LBB2_10:
0x81: {  	_ =	sfence.sel $0x180000  }
0x82: {  	[bflag:$0x0] =	sbarrier.arrive $0xFFFF  }
0x83: {  	_ =	strace $0x9000004A  }
0x84: {  	[bflag:$0x2] =	sbarrier.arrive $0xFFFF  }
0x85: {  	p0 =	sne.s32 s3, $0x0;
	s0 =	rddreg [dreg:$0x3]  }
0x86: {  	s0 =	sadd.s32 @!p0 $0x100000, s0  }
0x87: {  	[sflag:s0] =	ssyncadd.tile.s32 @!p0 $0x1;
	_ =	shalt  }
.Lfunc_end2:
_tile_overlayer_lowered:
.L_overlay_start_2:
0x88: {  	(tag) =	ssettag $0x2  }
0x89: {  	s0 =	rddreg [dreg:$0x0];
	s2 =	stileid.u32  }
0x8a: {  	s1 =	rddreg [dreg:$0x1];
	p0 =	sne.s32 s2, $0x0  }
0x8b: {  	s3 =	rddreg [dreg:$0x2];
	[bflag:$0x3] =	sbarrier.arrive $0xFFFF;
	s2 =	simm.s32 @!p0 $0x1C02  }
0x8c: {  	[timem:s3], [sflag:s2] =	dma.local @!p0 [hbm:s0], s1  }
0x8d: {  	s0 =	simm.s32 @!p0 $0x2  }
0x8e: {  	_ =	swait.ge @!p0 [sflag:s0], s1  }
0x8f: {  	s1 =	ssub.s32 @!p0 $0x0, s1;
	[sflag:s0] =	ssyncset.done @!p0 $0x0  }
0x90: {  	[sflag:s0] =	ssyncadd.s32 @!p0 s1  }
0x91: {  	[bflag:$0x3] =	sbarrier.arrive $0xFFFF  }
0x92: {  	_ =	shalt  }

// kernel: kernel.16.cloned.1.call-start
scs
__scs_entry_jumppad:
0x0: {  	(pc) =	sbr.rel $0x88, $3  }
0x1: {  	(tag) =	ssettag $0x0;
	lr =	simm.s32 $0x1  }
0x2: {  	[smem:$0x3F95] =	sst lr;
	_ =	strace $0xD0000000  }
0x3: {  	_ = 	snop  }
0x4: {  	_ = 	snop  }
0x5: {  	_ = 	snop  }
0x6: {  	_ = 	snop  }
0x7: {  	_ = 	snop  }
__scs_overlays_trampoline_lowered:
0x8: {  	[smem:$0x3FA4] =	sst s0  }
0x9: {  	[smem:$0x3FA5] =	sst s1  }
0xa: {  	[smem:$0x3FA6] =	sst s2  }
0xb: {  	[smem:$0x3FA7] =	sst s3  }
0xc: {  	[smem:$0x3FA8] =	sst s4  }
0xd: {  	[smem:$0x3FA9] =	sst s5  }
0xe: {  	[smem:$0x3FAA] =	sst s6  }
0xf: {  	[smem:$0x3FAB] =	sst s7  }
0x10: {  	[smem:$0x3FAC] =	sst s8  }
0x11: {  	[smem:$0x3FAD] =	sst s9;
	s0 =	simm.s32 @!p0 $0x0  }
0x12: {  	s1 =	sld [smem:$0x3F93];
	s0 =	simm.s32 @p0 $0x1  }
0x13: {  	[smem:$0x3FAE] =	sst s0;
	s0 =	simm.s32 @!p1 $0x0  }
0x14: {  	s2 =	sld [smem:$0x3F92];
	s0 =	simm.s32 @p1 $0x1  }
0x15: {  	[smem:$0x3FAF] =	sst s0;
	s0 =	simm.s32 @!p2 $0x0  }
0x16: {  	s3 =	sld [smem:$0x3FDB];
	s0 =	simm.s32 @p2 $0x1  }
0x17: {  	s4 =	simm.s32 $0x1BF5;
	[smem:$0x3FB1] =	sst s0  }
0x18: {  	s0 =	sld [smem:$0x3F94];
	_ =	swait.ge [sflag:s4], $0x0  }
0x19: {  	s7 =	sld [smem:$0x3F95]  }
0x1a: {  	s8 =	sadd.s32 $0xFFFFE003, lr  }
0x1b: {  	s9 =	sadd.s32 $0xFFFFFEF7, lr;
	s5 =	simm.s32 $0xFFFFFFFF;
	p2 =	slt.u32 s8, $0xFFFFF086  }
0x1c: {  	p1 =	slt.u32 s9, $0xF7A;
	s5 =	simm.s32 @!p2 $0x0  }
0x1d: {  	s5 =	simm.s32 @p1 $0x1;
	p0 =	seq.s32 s7, s2  }
0x1e: {  	s7 =	smul.u32 @!p0 $0xF7A, s2;
	p2 =	seq.s32 @!p0 s5, $0x0  }
0x1f: {  	s9 =	smul.u32 $0xF7A, s1;
	s8 =	simm.s32 @!p0 $0x1BF5;
	p2 =	por !p2, p0  }
0x20: {  	[sflag:s8] =	ssyncset.s32 @!p0 $0xFFFFF086;
	s6 =	sadd.s32 @!p0 s3, s7;
	s7 =	simm.s32 @!p0 $0x108  }
0x21: {  	s3 =	sadd.s32 s3, s9;
	s6 =	sadd.s32 @!p0 $0x88, s6;
	s7 =	simm.s32 @p2 $0x1082  }
0x22: {  	[simem:s7], [sflag:s8] =	dma.local @!p0 [hbm:s6], $0xF7A  }
0x23: {  	s9 =	sor.u32 $0xD0000000, s2;
	s6 =	simm.s32 $0x108;
	_ =	swait.ge @!p0 [sflag:s8], $0x0  }
0x24: {  	s3 =	sadd.s32 $0x88, s3;
	s6 =	simm.s32 @!p1 $0x1082;
	[sflag:s4] =	ssyncset.s32 $0xFFFFF086  }
0x25: {  	[simem:s6], [sflag:s4] =	dma.local [hbm:s3], $0xF7A  }
0x26: {  	[smem:$0x3F95] =	sst s1;
	(tag) =	ssettag s2;
	_ =	strace s9  }
0x27: {  	s1 =	sld [smem:$0x3FA5]  }
0x28: {  	s2 =	sld [smem:$0x3FA6]  }
0x29: {  	s4 =	sld [smem:$0x3FA8]  }
0x2a: {  	p0 =	seq.s32 s5, $0x0;
	s5 =	sld [smem:$0x3FA9]  }
0x2b: {  	s6 =	sld [smem:$0x3FAA]  }
0x2c: {  	s7 =	sld [smem:$0x3FAB]  }
0x2d: {  	s3 =	simm.s32 $0x108;
	s8 =	sld [smem:$0x3FAC]  }
0x2e: {  	s3 =	simm.s32 @!p0 $0x1082;
	s9 =	sld [smem:$0x3FAD]  }
0x2f: {  	lr =	sadd.s32 s0, s3;
	s0 =	sld [smem:$0x3FA4]  }
0x30: {  	s3 =	sld [smem:$0x3FA7]  }
0x31: {  	[smem:$0x3FB0] =	sst s10  }
0x32: {  	s10 =	sld [smem:$0x3FAE];
	_ =	sdelay $0x3  }
0x33: {  	p0 =	seq.s32 s10, $0x1;
	s10 =	sld [smem:$0x3FB0];
	_ =	sdelay $0x3  }
0x34: {  	[smem:$0x3FB0] =	sst s10  }
0x35: {  	s10 =	sld [smem:$0x3FAF];
	_ =	sdelay $0x3  }
0x36: {  	p1 =	seq.s32 s10, $0x1;
	s10 =	sld [smem:$0x3FB0];
	_ =	sdelay $0x3  }
0x37: {  	[smem:$0x3FB0] =	sst s10  }
0x38: {  	s10 =	sld [smem:$0x3FB1]  }
0x39: {  	_ = 	snop;
	(pc) =	sbr.ind lr, $3  }
0x3a: {  	_ = 	snop  }
0x3b: {  	_ = 	snop  }
0x3c: {  	p2 =	seq.s32 s10, $0x1;
	s10 =	sld [smem:$0x3FB0]  }
0x3d: {  	_ =	shalt  }
0x3e: {  	_ =	shalt  }
0x3f: {  	_ =	shalt  }
0x40: {  	_ =	shalt  }
0x41: {  	_ =	shalt  }
0x42: {  	_ =	shalt  }
0x43: {  	_ =	shalt  }
0x44: {  	_ =	shalt  }
0x45: {  	_ =	shalt  }
0x46: {  	_ =	shalt  }
0x47: {  	_ =	shalt  }
0x48: {  	_ =	shalt  }
0x49: {  	_ =	shalt  }
0x4a: {  	_ =	shalt  }
0x4b: {  	_ =	shalt  }
0x4c: {  	_ =	shalt  }
0x4d: {  	_ =	shalt  }
0x4e: {  	_ =	shalt  }
0x4f: {  	_ =	shalt  }
0x50: {  	_ =	shalt  }
0x51: {  	_ =	shalt  }
0x52: {  	_ =	shalt  }
0x53: {  	_ =	shalt  }
0x54: {  	_ =	shalt  }
0x55: {  	_ =	shalt  }
0x56: {  	_ =	shalt  }
0x57: {  	_ =	shalt  }
0x58: {  	_ =	shalt  }
0x59: {  	_ =	shalt  }
0x5a: {  	_ =	shalt  }
0x5b: {  	_ =	shalt  }
0x5c: {  	_ =	shalt  }
0x5d: {  	_ =	shalt  }
0x5e: {  	_ =	shalt  }
0x5f: {  	_ =	shalt  }
0x60: {  	_ =	shalt  }
0x61: {  	_ =	shalt  }
0x62: {  	_ =	shalt  }
0x63: {  	_ =	shalt  }
0x64: {  	_ =	shalt  }
0x65: {  	_ =	shalt  }
0x66: {  	_ =	shalt  }
0x67: {  	_ =	shalt  }
0x68: {  	_ =	shalt  }
0x69: {  	_ =	shalt  }
0x6a: {  	_ =	shalt  }
0x6b: {  	_ =	shalt  }
0x6c: {  	_ =	shalt  }
0x6d: {  	_ =	shalt  }
0x6e: {  	_ =	shalt  }
0x6f: {  	_ =	shalt  }
0x70: {  	_ =	shalt  }
0x71: {  	_ =	shalt  }
0x72: {  	_ =	shalt  }
0x73: {  	_ =	shalt  }
0x74: {  	_ =	shalt  }
0x75: {  	_ =	shalt  }
0x76: {  	_ =	shalt  }
0x77: {  	_ =	shalt  }
0x78: {  	_ =	shalt  }
0x79: {  	_ =	shalt  }
0x7a: {  	_ =	shalt  }
0x7b: {  	_ =	shalt  }
0x7c: {  	_ =	shalt  }
0x7d: {  	_ =	shalt  }
0x7e: {  	_ =	shalt  }
0x7f: {  	_ =	shalt  }
0x80: {  	_ =	shalt  }
0x81: {  	_ =	shalt  }
0x82: {  	_ =	shalt  }
0x83: {  	_ =	shalt  }
0x84: {  	_ =	shalt  }
0x85: {  	_ =	shalt  }
0x86: {  	_ =	shalt  }
0x87: {  	_ =	shalt  }
.Lfunc_end0:
.L_simem_size_0:
called_computation.2_lowered:
.L_overlay_start_0:
0x88: {  	s2 =	sld [smem:$0x3FD9]  }
0x89: {  	s3 =	sld [smem:$0x3FFE];
	_ =	sdelay $0x1  }
0x8a: {  	s1 =	srdreg.scid  }
0x8b: {  	s0 =	sand.u32 $0x1, s1  }
0x8c: {  	s17 =	sshll.u32 s0, $0xA;
	s2 =	sadd.s32 s3, s2  }
0x8d: {  	s2 =	sadd.s32 s2, s17  }
0x8e: {  	[smem:$0x3FBC] =	sst s2  }
0x8f: {  	_ = 	snop  }
0x90: {  	s2 =	sld [smem:$0x3FD0];
	(tm) =	ssettm $0x1  }
0x91: {  	s18 =	sld [smem:$0x3FFB];
	_ =	sdelay $0x3  }
0x92: {  	_ =	strace s18  }
0x93: {  	s3 =	sld [smem:$0x3FFC];
	_ =	sdelay $0x3  }
0x94: {  	_ =	strace s3  }
0x95: {  	s3 =	sld [smem:$0x3FFD];
	_ =	sdelay $0x3  }
0x96: {  	_ =	strace s3  }
0x97: {  	_ =	strace $0x8FFFFFFF  }
0x98: {  	s19 =	sld [smem:$0x3FDB];
	_ =	sdelay $0x1  }
0x99: {  	s4 =	simm.s32 $_scs_section_size  }
0x9a: {  	s5 =	simm.s32 $_size__tile_overlayer_lowered;
	s6 =	simm.s32 $_tile_overlayer_lowered  }
0x9b: {  	s22 =	simm.s32 $0x1BFF;
	s21 =	sshll.u32 s6, $0x1;
	s3 =	sadd.s32 s4, s19  }
0x9c: {  	s7 =	simm.s32 $0x0;
	s20 =	sshll.u32 s5, $0x1;
	s5 =	sadd.s32 s21, s3  }
0x9d: {  	[timem:s7], [sflag:s22] =	dma.local [hbm:s5], s20  }
0x9e: {  	_ =	swait.ge [sflag:s22], s20  }
0x9f: {  	s4 =	ssub.s32 $0x0, s20;
	[sflag:s22] =	ssyncset.done $0x0  }
0xa0: {  	[sflag:s22] =	ssyncadd.s32 s4;
	_ =	sdelay $0x1  }
0xa1: {  	s23 =	simm.s32 $0x1B8B  }
0xa2: {  	_ =	swait.ge [sflag:s23], $0x1  }
0xa3: {  	[sflag:s23] =	ssyncset.done $0x0  }
0xa4: {  	s25 =	simm.s32 $0x1B8E;
	s24 =	sld [smem:$0x3FFE];
	[sflag:s23] =	ssyncadd.s32 $0xFFFFFFFF  }
0xa5: {  	s26 =	simm.s32 $execute0_lowered;
	[smem:$0x3FD2] =	sst s25  }
0xa6: {  	s5 =	sshll.u32 s26, $0x1;
	_ =	strace $0x8000004C;
	[dreg:$0x1] =	wrdreg $0xFFFFFFFF  }
0xa7: {  	s28 =	simm.s32 $_size_execute0_lowered;
	s3 =	sadd.s32 s3, s5;
	[dreg:$0x0] =	wrdreg $0x0  }
0xa8: {  	s5 =	sshll.u32 s28, $0x1;
	[dreg:$0x2] =	wrdreg s3  }
0xa9: {  	[dreg:$0x3] =	wrdreg s5  }
0xaa: {  	[dreg:$0x4] =	wrdreg $0xC0  }
0xab: {  	_ =	task [dreg:s7], $0x5FFFF  }
0xac: {  	[dreg:$0x1] =	wrdreg $0xFFFFFFFF  }
0xad: {  	[dreg:$0x0] =	wrdreg $0x60  }
0xae: {  	[dreg:$0x2] =	wrdreg s2  }
0xaf: {  	[dreg:$0x3] =	wrdreg s24  }
0xb0: {  	[dreg:$0x4] =	wrdreg $0xA8000  }
0xb1: {  	[dreg:$0x5] =	wrdreg $0x9  }
0xb2: {  	_ =	task.clear_ibuf [dreg:s7], $0x6FFFF;
	_ =	strace $0x9000004C  }
0xb3: {  	s29 =	simm.s32 $0x9;
	_ =	strace $0x8000004E  }
0xb4: {  	_ =	swait.ge [sflag:s29], $0x1  }
0xb5: {  	[sflag:s29] =	ssyncadd.s32 $0xFFFFFFFF  }
0xb6: {  	_ =	strace $0x9000004E  }
0xb7: {  	_ =	sfence  }
0xb8: {  	s30 =	sld [smem:$0x0];
	_ =	sdelay $0x2  }
0xb9: {  	s31 =	sshll.u32 s1, $0xD;
	s1 =	sshrl.u32 s1, $0x2  }
0xba: {  	s3 =	sand.u32 $0x4000, s31;
	s1 =	sadd.s32 s1, s30  }
0xbb: {  	s0 =	sor.u32 s3, s0;
	s1 =	sshll.u32 s1, $0x11  }
0xbc: {  	s0 =	sor.u32 s1, s0  }
0xbd: {  	s0 =	sadd.s32 $0x8F2B, s0  }
0xbe: {  	[sflag:s0] =	ssyncadd.remote.s32 $0x1  }
0xbf: {  	_ =	sfence.sel $0xFFFF  }
0xc0: {  	[dreg:$0x0] =	wrdreg $0xFFFFFFFF;
	(pc) =	sbr.abs _section_cstart, $3  }
0xc1: {  	[dreg:$0x1] =	wrdreg $0xFFFFFFFF  }
0xc2: {  	_ =	task.clear_ibuf [dreg:s7], $0x2FFFF;
	_ =	strace $0x9FFFFFFF  }
0xc3: {  	(tm) =	ssettm $0x7FFFFFFF  }
tec
execute0_lowered:
.L_overlay_start_1:
0x0: {  	(tag) =	ssettag $0x1  }
0x1: {  	s0 =	rddreg [dreg:$0x0]  }
0x2: {  	s5 =	rddreg [dreg:$0x1]  }
0x3: {  	s1 =	rddreg [dreg:$0x2];
	s2 =	simm.s32 $0x0  }
0x4: {  	s3 =	srdreg.scid;
	s19 =	simm.s32 $0x80;
	s20 =	simm.s32 $0x6800  }
0x5: {  	s21 =	simm.s32 $0x1;
	[smem:$0x7FF] =	sst s2;
	s6 =	sand.u32 $0x1, s3  }
0x6: {  	s3 =	stileid.u32;
	s4 =	sadd.s32 $0x3A00, s5;
	s12 =	sadd.s32 $0x9C80, s0  }
0x7: {  	s14 =	sadd.s32 $0x9B00, s0;
	s7 =	smul.u32 $0x28000, s6;
	_ =	strace $0x8000004D  }
0x8: {  	s8 =	smul.u32 $0x50000, s3;
	s28 =	ssub.s32 $0x2, s6;
	s29 =	sshll.u32 s3, $0x1  }
0x9: {  	s22 =	smul.u32 $0x2800, s3;
	s9 =	sshrl.u32 s28, $0x1;
	s17 =	sor.u32 s6, s29  }
0xa: {  	s16 =	sadd.s32 s7, s5;
	s30 =	sshrl.u32 s8, $0x2;
	s11 =	smul.u32 $0x2800, s17  }
0xb: {  	s18 =	ssub.s32 s28, s9;
	s8 =	smul.u32 $0x500, s17;
	p0 =	seq.s32 s17, $0x1F  }
.Ltmp0:
0xc: {  	s17 =	simm.s32 $0x2800;
	s5 =	sadd.s32 s30, s1;
	(pc) =	sbr.rel .LBB2_1-.Ltmp0, $4  }
0xd: {  	s31 =	sadd.s32 $0x2BA00, s16;
	s16 =	smax.u32 s18, $0x1;
	s18 =	simm.s32 $0x2  }
0xe: {  	s6 =	sadd.s32 $0x4000, s5;
	s7 =	sadd.s32 $0x8000, s5;
	s13 =	sshrl.u32 s11, $0x3  }
0xf: {  	s9 =	sadd.s32 $0xC000, s5;
	s10 =	sadd.s32 $0x10000, s5;
	s13 =	sadd.s32 $0x280, s13  }
0x10: {  	v0 =	vimm.f32 $0.0e+00;
	s11 =	sadd.s32 s0, s8;
	s22 =	sadd.s32 s22, s31;
	s15 =	sadd.s32 s0, s13  }
.LBB2_8:
0x11: {  	[tilespmem:s26], [sflag:$0x1] =	stream.indirect.gather @!p2 [hbm4b:s4+s0], $0x80, s29, s0, $0xb8;
	[tilespmem:$0x1E800] =	vst v63  }
.LBB2_9:
0x12: {  	s2 =	sadd.s32 $0x1, s2  }
0x13: {  	s0 =	sshll.u32 s3, $0x6;
	[bflag:$0x0] =	sbarrier.arrive $0xFFFF;
	p1 =	sne.s32 s2, s16  }
.Ltmp1:
0x14: {  	s23 =	sshrl.u32 s5, $0x3;
	s0 =	sor.u32 $0x1C02, s0;
	(pc) =	sbr.rel @!p1 .LBB2_10-.Ltmp1, $4  }
0x15: {  	[hbm:s22], [sflag:s0] =	dma.local [spmem:s23], $0x2800  }
0x16: {  	_ =	swait.ge [sflag:s18], $0x2800  }
0x17: {  	[sflag:s18] =	ssyncset.done $0x0  }
0x18: {  	[sflag:s18] =	ssyncadd.s32 $0xFFFFD800  }
.LBB2_1:
0x19: {  	s23 =	simm.s32 $0x0;
	s24 =	simm.s32 $0x200  }
.LBB2_2:
0x1a: {  	p1 =	sne.s32 s24, $0xFE00;
	[tilespmem:s23+$0x2870] =	vst v0  }
0x1b: {  	[tilespmem:s23+$0x2800] =	vst v0  }
0x1c: {  	[tilespmem:s23+$0x2810] =	vst v0  }
.Ltmp2:
0x1d: {  	[tilespmem:s23+$0x2820] =	vst v0;
	(pc) =	sbr.rel @p1 .LBB2_2-.Ltmp2, $4  }
0x1e: {  	[tilespmem:s23+$0x2830] =	vst v0  }
0x1f: {  	[tilespmem:s23+$0x2840] =	vst v0  }
0x20: {  	[tilespmem:s23+$0x2850] =	vst v0  }
0x21: {  	[tilespmem:s23+$0x2860] =	vst v0;
	s23 =	sshra.s32 s24, $0x2;
	s24 =	sadd.s32 $0x200, s24  }
0x22: {  	[tilespmem:s23+$0x2870] =	vst v0  }
0x23: {  	[tilespmem:s23+$0x2800] =	vst v0  }
0x24: {  	[tilespmem:s23+$0x2810] =	vst v0  }
0x25: {  	[tilespmem:s23+$0x2820] =	vst v0  }
0x26: {  	[tilespmem:s23+$0x2830] =	vst v0  }
0x27: {  	[tilespmem:s23+$0x2840] =	vst v0  }
0x28: {  	[tilespmem:s23+$0x2850] =	vst v0  }
0x29: {  	[tilespmem:s23+$0x2860] =	vst v0  }
0x2a: {  	[spmem:s5] =	stream.linear.scatter [tilespmem:s17], [sflag:$0x2], $0x4000, $0x38;
	[tilespmem:$0x1E800] =	vst v63  }
0x2b: {  	_ =	swait.ge [sflag:s18], $0x4000  }
0x2c: {  	[sflag:s18] =	ssyncset.done $0x0  }
0x2d: {  	[sflag:s18] =	ssyncadd.s32 $0xFFFFC000  }
0x2e: {  	[spmem:s6] =	stream.linear.scatter [tilespmem:s17], [sflag:$0x2], $0x4000, $0x38;
	[tilespmem:$0x1E800] =	vst v63  }
0x2f: {  	_ =	swait.ge [sflag:s18], $0x4000  }
0x30: {  	[sflag:s18] =	ssyncset.done $0x0  }
0x31: {  	[sflag:s18] =	ssyncadd.s32 $0xFFFFC000  }
0x32: {  	[spmem:s7] =	stream.linear.scatter [tilespmem:s17], [sflag:$0x2], $0x4000, $0x38;
	[tilespmem:$0x1E800] =	vst v63  }
0x33: {  	_ =	swait.ge [sflag:s18], $0x4000  }
0x34: {  	[sflag:s18] =	ssyncset.done $0x0  }
0x35: {  	[sflag:s18] =	ssyncadd.s32 $0xFFFFC000  }
0x36: {  	[spmem:s9] =	stream.linear.scatter [tilespmem:s17], [sflag:$0x2], $0x4000, $0x38;
	[tilespmem:$0x1E800] =	vst v63  }
0x37: {  	_ =	swait.ge [sflag:s18], $0x4000  }
0x38: {  	[sflag:s18] =	ssyncset.done $0x0  }
0x39: {  	[sflag:s18] =	ssyncadd.s32 $0xFFFFC000  }
0x3a: {  	[spmem:s10] =	stream.linear.scatter [tilespmem:s17], [sflag:$0x2], $0x4000, $0x38;
	[tilespmem:$0x1E800] =	vst v63  }
0x3b: {  	_ =	swait.ge [sflag:s18], $0x4000  }
0x3c: {  	[sflag:s18] =	ssyncset.done $0x0  }
0x3d: {  	[sflag:s18] =	ssyncadd.s32 $0xFFFFC000  }
0x3e: {  	s0 =	simm.s32 @p0 $0x0;
	s23 =	simm.s32 @p0 $0x2;
	[bflag:$0x0] =	sbarrier.arrive $0xFFFF  }
0x3f: {  	[tilespmem:s0], [sflag:$0x2] =	stream.linear.gather @p0 [hbm4b:s14+s0], $0xA00, $0x38;
	[tilespmem:$0x1E800] =	vst v63  }
0x40: {  	_ =	swait.ge @p0 [sflag:s23], $0xA00  }
0x41: {  	[sflag:s23] =	ssyncset.done @p0 $0x0  }
0x42: {  	s24 =	sadd.s32 @p0 $0x9B00, s12;
	s25 =	simm.s32 @p0 $0x1400;
	[sflag:s23] =	ssyncadd.s32 @p0 $0xFFFFF600  }
0x43: {  	[tilespmem:s25], [sflag:$0x2] =	stream.linear.gather @p0 [hbm4b:s24+s0], $0xA00, $0x38;
	[tilespmem:$0x1E800] =	vst v63  }
0x44: {  	_ =	swait.ge @p0 [sflag:s23], $0xA00  }
0x45: {  	[sflag:s23] =	ssyncset.done @p0 $0x0  }
0x46: {  	s0 =	simm.s32 @!p0 $0x0;
	[sflag:s23] =	ssyncadd.s32 @p0 $0xFFFFF600;
	s23 =	simm.s32 @!p0 $0x2  }
0x47: {  	[tilespmem:s0], [sflag:$0x2] =	stream.linear.gather @!p0 [hbm4b:s11+s0], $0x1400, $0x38;
	[tilespmem:$0x1E800] =	vst v63  }
0x48: {  	_ =	swait.ge @!p0 [sflag:s23], $0x1400  }
0x49: {  	[sflag:s23] =	ssyncset.done @!p0 $0x0  }
0x4a: {  	s24 =	sadd.s32 @!p0 s8, s12;
	s25 =	simm.s32 @!p0 $0x1400;
	[sflag:s23] =	ssyncadd.s32 @!p0 $0xFFFFEC00  }
0x4b: {  	[tilespmem:s25], [sflag:$0x2] =	stream.linear.gather @!p0 [hbm4b:s24+s0], $0x1400, $0x38;
	[tilespmem:$0x1E800] =	vst v63  }
0x4c: {  	_ =	swait.ge @!p0 [sflag:s23], $0x1400  }
0x4d: {  	[sflag:s23] =	ssyncset.done @!p0 $0x0  }
0x4e: {  	s25 =	simm.s32 $0x0;
	[sflag:s23] =	ssyncadd.s32 @!p0 $0xFFFFEC00;
	s23 =	simm.s32 @!p0 $0x28  }
0x4f: {  	[tilespmem:s17], [sflag:$0x1] =	stream.indirect.gather [hbm4b:s4+s19], $0x80, s25, s19, $0xb8;
	[tilespmem:$0x1E800] =	vst v63  }
0x50: {  	s30 =	simm.s32 $0x100;
	s23 =	simm.s32 @p0 $0x14  }
0x51: {  	[tilespmem:s20], [sflag:$0x1] =	stream.indirect.gather [hbm4b:s4+s19], $0x80, s19, s19, $0xb8;
	[tilespmem:$0x1E800] =	vst v63  }
0x52: {  	s26 =	simm.s32 $0x1400;
	s24 =	sshll.u32 s23, $0xE;
	_ =	swait.ge [sflag:s21], $0x4000  }
0x53: {  	s0 =	sand.u32 $0x4000, s25;
	p1 =	sne.s32 s24, $0x4000;
	[sflag:s21] =	ssyncset.done $0x0  }
.Ltmp3:
0x54: {  	s29 =	sor.u32 $0x2800, s0;
	[sflag:s21] =	ssyncadd.s32 $0xFFFFC000;
	(pc) =	sbr.rel @!p1 .LBB2_5-.Ltmp3, $4  }
0x55: {  	[spmem:s1] =	stream.indirect.scatter.add.f32 [tilespmem:s29], [sflag:$0x2], $0x80, s26, s19, $0xb8;
	[tilespmem:$0x1E800] =	vst v63  }
0x56: {  	s28 =	simm.s32 $0x3;
	s31 =	simm.s32 $0x180;
	_ =	swait.ge [sflag:s18], $0x4000  }
0x57: {  	s25 =	simm.s32 $0x4000;
	p2 =	sle.u32 s23, $0x2;
	[sflag:s18] =	ssyncset.done $0x0  }
0x58: {  	s0 =	simm.s32 @!p2 $0x80;
	s26 =	simm.s32 $0x1480;
	[sflag:s18] =	ssyncadd.s32 $0xFFFFC000  }
.LBB2_4:
0x59: {  	[tilespmem:s29], [sflag:$0x1] =	stream.indirect.gather @!p2 [hbm4b:s4+s0], $0x80, s30, s0, $0xb8;
	[tilespmem:$0x1E800] =	vst v63  }
0x5a: {  	s0 =	smov.u32 s25;
	s25 =	sadd.s32 $0x4000, s25;
	_ =	swait.ge [sflag:s21], $0x4000  }
0x5b: {  	s0 =	sand.u32 $0x4000, s0;
	p1 =	sne.s32 s24, s25;
	[sflag:s21] =	ssyncset.done $0x0  }
.Ltmp4:
0x5c: {  	s29 =	sor.u32 $0x2800, s0;
	[sflag:s21] =	ssyncadd.s32 $0xFFFFC000;
	(pc) =	sbr.rel @p1 .LBB2_4-.Ltmp4, $4  }
0x5d: {  	[spmem:s1] =	stream.indirect.scatter.add.f32 [tilespmem:s29], [sflag:$0x2], $0x80, s26, s19, $0xb8;
	[tilespmem:$0x1E800] =	vst v63  }
0x5e: {  	s30 =	smov.u32 s31;
	s26 =	sadd.s32 $0x80, s26;
	_ =	swait.ge [sflag:s18], $0x4000  }
0x5f: {  	p2 =	sge.u32 s28, s23;
	s28 =	sadd.s32 $0x1, s28;
	[sflag:s18] =	ssyncset.done $0x0  }
0x60: {  	s31 =	sadd.s32 $0x80, s31;
	s0 =	simm.s32 @!p2 $0x80;
	[sflag:s18] =	ssyncadd.s32 $0xFFFFC000  }
.LBB2_5:
.Ltmp5:
0x61: {  	(pc) =	sbr.rel @p0 .LBB2_9-.Ltmp5, $2  }
0x62: {  	_ =	sdelay $0x2  }
0x63: {  	[tilespmem:s29], [sflag:$0x1] =	stream.indirect.gather @!p2 [hbm4b:s4+s0], $0x80, s30, s0, $0xb8;
	[tilespmem:$0x1E800] =	vst v63  }
0x64: {  	s0 =	simm.s32 $0x0  }
0x65: {  	[tilespmem:s0], [sflag:$0x2] =	stream.linear.gather [hbm4b:s15+s0], $0x1400, $0x38;
	[tilespmem:$0x1E800] =	vst v63  }
0x66: {  	_ =	swait.ge [sflag:s18], $0x1400  }
0x67: {  	[sflag:s18] =	ssyncset.done $0x0  }
0x68: {  	s23 =	sadd.s32 s13, s12;
	s24 =	simm.s32 $0x1400;
	[sflag:s18] =	ssyncadd.s32 $0xFFFFEC00  }
0x69: {  	[tilespmem:s24], [sflag:$0x2] =	stream.linear.gather [hbm4b:s23+s0], $0x1400, $0x38;
	[tilespmem:$0x1E800] =	vst v63  }
0x6a: {  	_ =	swait.ge [sflag:s18], $0x1400  }
0x6b: {  	[sflag:s18] =	ssyncset.done $0x0  }
0x6c: {  	[sflag:s18] =	ssyncadd.s32 $0xFFFFEC00  }
0x6d: {  	[tilespmem:s17], [sflag:$0x1] =	stream.indirect.gather [hbm4b:s4+s19], $0x80, s0, s19, $0xb8;
	[tilespmem:$0x1E800] =	vst v63  }
0x6e: {  	_ = 	snop  }
0x6f: {  	[tilespmem:s20], [sflag:$0x1] =	stream.indirect.gather [hbm4b:s4+s19], $0x80, s19, s19, $0xb8;
	[tilespmem:$0x1E800] =	vst v63  }
0x70: {  	_ =	swait.ge [sflag:s21], $0x4000  }
0x71: {  	s0 =	sand.u32 $0x4000, s0;
	[sflag:s21] =	ssyncset.done $0x0  }
0x72: {  	s29 =	simm.s32 $0x100;
	s26 =	sor.u32 $0x2800, s0;
	[sflag:s21] =	ssyncadd.s32 $0xFFFFC000  }
0x73: {  	[spmem:s1] =	stream.indirect.scatter.add.f32 [tilespmem:s26], [sflag:$0x2], $0x80, s24, s19, $0xb8;
	[tilespmem:$0x1E800] =	vst v63  }
0x74: {  	p2 =	por $0x0, $0x0;
	s25 =	simm.s32 $0x1480;
	_ =	swait.ge [sflag:s18], $0x4000  }
0x75: {  	s28 =	simm.s32 $0x180;
	s23 =	simm.s32 $0x1;
	[sflag:s18] =	ssyncset.done $0x0  }
0x76: {  	s0 =	simm.s32 @!p2 $0x80;
	s24 =	simm.s32 $0x4000;
	[sflag:s18] =	ssyncadd.s32 $0xFFFFC000  }
.LBB2_7:
0x77: {  	[tilespmem:s26], [sflag:$0x1] =	stream.indirect.gather @!p2 [hbm4b:s4+s0], $0x80, s29, s0, $0xb8;
	[tilespmem:$0x1E800] =	vst v63  }
0x78: {  	s0 =	smov.u32 s23;
	s23 =	sadd.s32 $0x1, s23;
	_ =	swait.ge [sflag:s21], $0x4000  }
0x79: {  	s26 =	sand.u32 $0x4000, s24;
	p1 =	sne.s32 s23, $0x28;
	[sflag:s21] =	ssyncset.done $0x0  }
.Ltmp6:
0x7a: {  	s26 =	sor.u32 $0x2800, s26;
	[sflag:s21] =	ssyncadd.s32 $0xFFFFC000;
	(pc) =	sbr.rel @p1 .LBB2_7-.Ltmp6, $4  }
0x7b: {  	[spmem:s1] =	stream.indirect.scatter.add.f32 [tilespmem:s26], [sflag:$0x2], $0x80, s25, s19, $0xb8;
	[tilespmem:$0x1E800] =	vst v63  }
0x7c: {  	s24 =	sadd.s32 $0x4000, s24;
	s29 =	smov.u32 s28;
	_ =	swait.ge [sflag:s18], $0x4000  }
0x7d: {  	p2 =	sgt.u32 s0, $0x25;
	s25 =	sadd.s32 $0x80, s25;
	[sflag:s18] =	ssyncset.done $0x0  }
0x7e: {  	s28 =	sadd.s32 $0x80, s28;
	s0 =	simm.s32 @!p2 $0x80;
	[sflag:s18] =	ssyncadd.s32 $0xFFFFC000  }
.Ltmp7:
0x7f: {  	_ = 	snop;
	(pc) =	sbr.rel .LBB2_8-.Ltmp7, $1  }
0x80: {  	_ =	sdelay $0x3  }
.LBB2_10:
0x81: {  	_ =	sfence.sel $0x180000  }
0x82: {  	[bflag:$0x0] =	sbarrier.arrive $0xFFFF  }
0x83: {  	_ =	strace $0x9000004D  }
0x84: {  	[bflag:$0x2] =	sbarrier.arrive $0xFFFF  }
0x85: {  	p0 =	sne.s32 s3, $0x0;
	s0 =	rddreg [dreg:$0x3]  }
0x86: {  	s0 =	sadd.s32 @!p0 $0x100000, s0  }
0x87: {  	[sflag:s0] =	ssyncadd.tile.s32 @!p0 $0x1;
	_ =	shalt  }
.Lfunc_end2:
_tile_overlayer_lowered:
.L_overlay_start_2:
0x88: {  	(tag) =	ssettag $0x2  }
0x89: {  	s0 =	rddreg [dreg:$0x0];
	s2 =	stileid.u32  }
0x8a: {  	s1 =	rddreg [dreg:$0x1];
	p0 =	sne.s32 s2, $0x0  }
0x8b: {  	s3 =	rddreg [dreg:$0x2];
	[bflag:$0x3] =	sbarrier.arrive $0xFFFF;
	s2 =	simm.s32 @!p0 $0x1C02  }
0x8c: {  	[timem:s3], [sflag:s2] =	dma.local @!p0 [hbm:s0], s1  }
0x8d: {  	s0 =	simm.s32 @!p0 $0x2  }
0x8e: {  	_ =	swait.ge @!p0 [sflag:s0], s1  }
0x8f: {  	s1 =	ssub.s32 @!p0 $0x0, s1;
	[sflag:s0] =	ssyncset.done @!p0 $0x0  }
0x90: {  	[sflag:s0] =	ssyncadd.s32 @!p0 s1  }
0x91: {  	[bflag:$0x3] =	sbarrier.arrive $0xFFFF  }
0x92: {  	_ =	shalt  }

// kernel: kernel.19.cloned.1.call-start
scs
__scs_entry_jumppad:
0x0: {  	(pc) =	sbr.rel $0x88, $3  }
0x1: {  	(tag) =	ssettag $0x0;
	lr =	simm.s32 $0x1  }
0x2: {  	[smem:$0x3F95] =	sst lr;
	_ =	strace $0xD0000000  }
0x3: {  	_ = 	snop  }
0x4: {  	_ = 	snop  }
0x5: {  	_ = 	snop  }
0x6: {  	_ = 	snop  }
0x7: {  	_ = 	snop  }
__scs_overlays_trampoline_lowered:
0x8: {  	[smem:$0x3FA4] =	sst s0  }
0x9: {  	[smem:$0x3FA5] =	sst s1  }
0xa: {  	[smem:$0x3FA6] =	sst s2  }
0xb: {  	[smem:$0x3FA7] =	sst s3  }
0xc: {  	[smem:$0x3FA8] =	sst s4  }
0xd: {  	[smem:$0x3FA9] =	sst s5  }
0xe: {  	[smem:$0x3FAA] =	sst s6  }
0xf: {  	[smem:$0x3FAB] =	sst s7  }
0x10: {  	[smem:$0x3FAC] =	sst s8  }
0x11: {  	[smem:$0x3FAD] =	sst s9;
	s0 =	simm.s32 @!p0 $0x0  }
0x12: {  	s1 =	sld [smem:$0x3F93];
	s0 =	simm.s32 @p0 $0x1  }
0x13: {  	[smem:$0x3FAE] =	sst s0;
	s0 =	simm.s32 @!p1 $0x0  }
0x14: {  	s2 =	sld [smem:$0x3F92];
	s0 =	simm.s32 @p1 $0x1  }
0x15: {  	[smem:$0x3FAF] =	sst s0;
	s0 =	simm.s32 @!p2 $0x0  }
0x16: {  	s3 =	sld [smem:$0x3FDB];
	s0 =	simm.s32 @p2 $0x1  }
0x17: {  	s4 =	simm.s32 $0x1BF5;
	[smem:$0x3FB1] =	sst s0  }
0x18: {  	s0 =	sld [smem:$0x3F94];
	_ =	swait.ge [sflag:s4], $0x0  }
0x19: {  	s7 =	sld [smem:$0x3F95]  }
0x1a: {  	s8 =	sadd.s32 $0xFFFFE003, lr  }
0x1b: {  	s9 =	sadd.s32 $0xFFFFFEF7, lr;
	s5 =	simm.s32 $0xFFFFFFFF;
	p2 =	slt.u32 s8, $0xFFFFF086  }
0x1c: {  	p1 =	slt.u32 s9, $0xF7A;
	s5 =	simm.s32 @!p2 $0x0  }
0x1d: {  	s5 =	simm.s32 @p1 $0x1;
	p0 =	seq.s32 s7, s2  }
0x1e: {  	s7 =	smul.u32 @!p0 $0xF7A, s2;
	p2 =	seq.s32 @!p0 s5, $0x0  }
0x1f: {  	s9 =	smul.u32 $0xF7A, s1;
	s8 =	simm.s32 @!p0 $0x1BF5;
	p2 =	por !p2, p0  }
0x20: {  	[sflag:s8] =	ssyncset.s32 @!p0 $0xFFFFF086;
	s6 =	sadd.s32 @!p0 s3, s7;
	s7 =	simm.s32 @!p0 $0x108  }
0x21: {  	s3 =	sadd.s32 s3, s9;
	s6 =	sadd.s32 @!p0 $0x88, s6;
	s7 =	simm.s32 @p2 $0x1082  }
0x22: {  	[simem:s7], [sflag:s8] =	dma.local @!p0 [hbm:s6], $0xF7A  }
0x23: {  	s9 =	sor.u32 $0xD0000000, s2;
	s6 =	simm.s32 $0x108;
	_ =	swait.ge @!p0 [sflag:s8], $0x0  }
0x24: {  	s3 =	sadd.s32 $0x88, s3;
	s6 =	simm.s32 @!p1 $0x1082;
	[sflag:s4] =	ssyncset.s32 $0xFFFFF086  }
0x25: {  	[simem:s6], [sflag:s4] =	dma.local [hbm:s3], $0xF7A  }
0x26: {  	[smem:$0x3F95] =	sst s1;
	(tag) =	ssettag s2;
	_ =	strace s9  }
0x27: {  	s1 =	sld [smem:$0x3FA5]  }
0x28: {  	s2 =	sld [smem:$0x3FA6]  }
0x29: {  	s4 =	sld [smem:$0x3FA8]  }
0x2a: {  	p0 =	seq.s32 s5, $0x0;
	s5 =	sld [smem:$0x3FA9]  }
0x2b: {  	s6 =	sld [smem:$0x3FAA]  }
0x2c: {  	s7 =	sld [smem:$0x3FAB]  }
0x2d: {  	s3 =	simm.s32 $0x108;
	s8 =	sld [smem:$0x3FAC]  }
0x2e: {  	s3 =	simm.s32 @!p0 $0x1082;
	s9 =	sld [smem:$0x3FAD]  }
0x2f: {  	lr =	sadd.s32 s0, s3;
	s0 =	sld [smem:$0x3FA4]  }
0x30: {  	s3 =	sld [smem:$0x3FA7]  }
0x31: {  	[smem:$0x3FB0] =	sst s10  }
0x32: {  	s10 =	sld [smem:$0x3FAE];
	_ =	sdelay $0x3  }
0x33: {  	p0 =	seq.s32 s10, $0x1;
	s10 =	sld [smem:$0x3FB0];
	_ =	sdelay $0x3  }
0x34: {  	[smem:$0x3FB0] =	sst s10  }
0x35: {  	s10 =	sld [smem:$0x3FAF];
	_ =	sdelay $0x3  }
0x36: {  	p1 =	seq.s32 s10, $0x1;
	s10 =	sld [smem:$0x3FB0];
	_ =	sdelay $0x3  }
0x37: {  	[smem:$0x3FB0] =	sst s10  }
0x38: {  	s10 =	sld [smem:$0x3FB1]  }
0x39: {  	_ = 	snop;
	(pc) =	sbr.ind lr, $3  }
0x3a: {  	_ = 	snop  }
0x3b: {  	_ = 	snop  }
0x3c: {  	p2 =	seq.s32 s10, $0x1;
	s10 =	sld [smem:$0x3FB0]  }
0x3d: {  	_ =	shalt  }
0x3e: {  	_ =	shalt  }
0x3f: {  	_ =	shalt  }
0x40: {  	_ =	shalt  }
0x41: {  	_ =	shalt  }
0x42: {  	_ =	shalt  }
0x43: {  	_ =	shalt  }
0x44: {  	_ =	shalt  }
0x45: {  	_ =	shalt  }
0x46: {  	_ =	shalt  }
0x47: {  	_ =	shalt  }
0x48: {  	_ =	shalt  }
0x49: {  	_ =	shalt  }
0x4a: {  	_ =	shalt  }
0x4b: {  	_ =	shalt  }
0x4c: {  	_ =	shalt  }
0x4d: {  	_ =	shalt  }
0x4e: {  	_ =	shalt  }
0x4f: {  	_ =	shalt  }
0x50: {  	_ =	shalt  }
0x51: {  	_ =	shalt  }
0x52: {  	_ =	shalt  }
0x53: {  	_ =	shalt  }
0x54: {  	_ =	shalt  }
0x55: {  	_ =	shalt  }
0x56: {  	_ =	shalt  }
0x57: {  	_ =	shalt  }
0x58: {  	_ =	shalt  }
0x59: {  	_ =	shalt  }
0x5a: {  	_ =	shalt  }
0x5b: {  	_ =	shalt  }
0x5c: {  	_ =	shalt  }
0x5d: {  	_ =	shalt  }
0x5e: {  	_ =	shalt  }
0x5f: {  	_ =	shalt  }
0x60: {  	_ =	shalt  }
0x61: {  	_ =	shalt  }
0x62: {  	_ =	shalt  }
0x63: {  	_ =	shalt  }
0x64: {  	_ =	shalt  }
0x65: {  	_ =	shalt  }
0x66: {  	_ =	shalt  }
0x67: {  	_ =	shalt  }
0x68: {  	_ =	shalt  }
0x69: {  	_ =	shalt  }
0x6a: {  	_ =	shalt  }
0x6b: {  	_ =	shalt  }
0x6c: {  	_ =	shalt  }
0x6d: {  	_ =	shalt  }
0x6e: {  	_ =	shalt  }
0x6f: {  	_ =	shalt  }
0x70: {  	_ =	shalt  }
0x71: {  	_ =	shalt  }
0x72: {  	_ =	shalt  }
0x73: {  	_ =	shalt  }
0x74: {  	_ =	shalt  }
0x75: {  	_ =	shalt  }
0x76: {  	_ =	shalt  }
0x77: {  	_ =	shalt  }
0x78: {  	_ =	shalt  }
0x79: {  	_ =	shalt  }
0x7a: {  	_ =	shalt  }
0x7b: {  	_ =	shalt  }
0x7c: {  	_ =	shalt  }
0x7d: {  	_ =	shalt  }
0x7e: {  	_ =	shalt  }
0x7f: {  	_ =	shalt  }
0x80: {  	_ =	shalt  }
0x81: {  	_ =	shalt  }
0x82: {  	_ =	shalt  }
0x83: {  	_ =	shalt  }
0x84: {  	_ =	shalt  }
0x85: {  	_ =	shalt  }
0x86: {  	_ =	shalt  }
0x87: {  	_ =	shalt  }
.Lfunc_end0:
.L_simem_size_0:
called_computation.3_lowered:
.L_overlay_start_0:
0x88: {  	s2 =	sld [smem:$0x3FD9]  }
0x89: {  	s3 =	sld [smem:$0x3FFE];
	_ =	sdelay $0x1  }
0x8a: {  	s1 =	srdreg.scid  }
0x8b: {  	s0 =	sand.u32 $0x1, s1  }
0x8c: {  	s17 =	sshll.u32 s0, $0xA;
	s2 =	sadd.s32 s3, s2  }
0x8d: {  	s2 =	sadd.s32 s2, s17  }
0x8e: {  	[smem:$0x3FBC] =	sst s2  }
0x8f: {  	_ = 	snop  }
0x90: {  	s2 =	sld [smem:$0x3FD0];
	(tm) =	ssettm $0x1  }
0x91: {  	s18 =	sld [smem:$0x3FFB];
	_ =	sdelay $0x3  }
0x92: {  	_ =	strace s18  }
0x93: {  	s3 =	sld [smem:$0x3FFC];
	_ =	sdelay $0x3  }
0x94: {  	_ =	strace s3  }
0x95: {  	s3 =	sld [smem:$0x3FFD];
	_ =	sdelay $0x3  }
0x96: {  	_ =	strace s3  }
0x97: {  	_ =	strace $0x8FFFFFFF  }
0x98: {  	s19 =	sld [smem:$0x3FDB];
	_ =	sdelay $0x1  }
0x99: {  	s4 =	simm.s32 $_scs_section_size  }
0x9a: {  	s5 =	simm.s32 $_size__tile_overlayer_lowered;
	s6 =	simm.s32 $_tile_overlayer_lowered  }
0x9b: {  	s22 =	simm.s32 $0x1BFF;
	s21 =	sshll.u32 s6, $0x1;
	s3 =	sadd.s32 s4, s19  }
0x9c: {  	s7 =	simm.s32 $0x0;
	s20 =	sshll.u32 s5, $0x1;
	s5 =	sadd.s32 s21, s3  }
0x9d: {  	[timem:s7], [sflag:s22] =	dma.local [hbm:s5], s20  }
0x9e: {  	_ =	swait.ge [sflag:s22], s20  }
0x9f: {  	s4 =	ssub.s32 $0x0, s20;
	[sflag:s22] =	ssyncset.done $0x0  }
0xa0: {  	[sflag:s22] =	ssyncadd.s32 s4;
	_ =	sdelay $0x1  }
0xa1: {  	s23 =	simm.s32 $0x1B8B  }
0xa2: {  	_ =	swait.ge [sflag:s23], $0x1  }
0xa3: {  	[sflag:s23] =	ssyncset.done $0x0  }
0xa4: {  	s25 =	simm.s32 $0x1B8E;
	s24 =	sld [smem:$0x3FFE];
	[sflag:s23] =	ssyncadd.s32 $0xFFFFFFFF  }
0xa5: {  	s26 =	simm.s32 $execute0_lowered;
	[smem:$0x3FD2] =	sst s25  }
0xa6: {  	s5 =	sshll.u32 s26, $0x1;
	_ =	strace $0x8000004F;
	[dreg:$0x1] =	wrdreg $0xFFFFFFFF  }
0xa7: {  	s28 =	simm.s32 $_size_execute0_lowered;
	s3 =	sadd.s32 s3, s5;
	[dreg:$0x0] =	wrdreg $0x0  }
0xa8: {  	s5 =	sshll.u32 s28, $0x1;
	[dreg:$0x2] =	wrdreg s3  }
0xa9: {  	[dreg:$0x3] =	wrdreg s5  }
0xaa: {  	[dreg:$0x4] =	wrdreg $0xC0  }
0xab: {  	_ =	task [dreg:s7], $0x5FFFF  }
0xac: {  	[dreg:$0x1] =	wrdreg $0xFFFFFFFF  }
0xad: {  	[dreg:$0x0] =	wrdreg $0x60  }
0xae: {  	[dreg:$0x2] =	wrdreg s2  }
0xaf: {  	[dreg:$0x3] =	wrdreg s24  }
0xb0: {  	[dreg:$0x4] =	wrdreg $0xA8000  }
0xb1: {  	[dreg:$0x5] =	wrdreg $0x9  }
0xb2: {  	_ =	task.clear_ibuf [dreg:s7], $0x6FFFF;
	_ =	strace $0x9000004F  }
0xb3: {  	s29 =	simm.s32 $0x9;
	_ =	strace $0x80000051  }
0xb4: {  	_ =	swait.ge [sflag:s29], $0x1  }
0xb5: {  	[sflag:s29] =	ssyncadd.s32 $0xFFFFFFFF  }
0xb6: {  	_ =	strace $0x90000051  }
0xb7: {  	_ =	sfence  }
0xb8: {  	s30 =	sld [smem:$0x0];
	_ =	sdelay $0x2  }
0xb9: {  	s31 =	sshll.u32 s1, $0xD;
	s1 =	sshrl.u32 s1, $0x2  }
0xba: {  	s3 =	sand.u32 $0x4000, s31;
	s1 =	sadd.s32 s1, s30  }
0xbb: {  	s0 =	sor.u32 s3, s0;
	s1 =	sshll.u32 s1, $0x11  }
0xbc: {  	s0 =	sor.u32 s1, s0  }
0xbd: {  	s0 =	sadd.s32 $0x8F2B, s0  }
0xbe: {  	[sflag:s0] =	ssyncadd.remote.s32 $0x1  }
0xbf: {  	_ =	sfence.sel $0xFFFF  }
0xc0: {  	[dreg:$0x0] =	wrdreg $0xFFFFFFFF;
	(pc) =	sbr.abs _section_cstart, $3  }
0xc1: {  	[dreg:$0x1] =	wrdreg $0xFFFFFFFF  }
0xc2: {  	_ =	task.clear_ibuf [dreg:s7], $0x2FFFF;
	_ =	strace $0x9FFFFFFF  }
0xc3: {  	(tm) =	ssettm $0x7FFFFFFF  }
tec
execute0_lowered:
.L_overlay_start_1:
0x0: {  	(tag) =	ssettag $0x1  }
0x1: {  	s0 =	rddreg [dreg:$0x0]  }
0x2: {  	s5 =	rddreg [dreg:$0x1]  }
0x3: {  	s1 =	rddreg [dreg:$0x2];
	s2 =	simm.s32 $0x0  }
0x4: {  	s3 =	srdreg.scid;
	s19 =	simm.s32 $0x80;
	s20 =	simm.s32 $0x6800  }
0x5: {  	s21 =	simm.s32 $0x1;
	[smem:$0x7FF] =	sst s2;
	s6 =	sand.u32 $0x1, s3  }
0x6: {  	s3 =	stileid.u32;
	s4 =	sadd.s32 $0x3A00, s5;
	s12 =	sadd.s32 $0x9C80, s0  }
0x7: {  	s14 =	sadd.s32 $0x9B00, s0;
	s7 =	smul.u32 $0x28000, s6;
	_ =	strace $0x80000050  }
0x8: {  	s8 =	smul.u32 $0x50000, s3;
	s28 =	ssub.s32 $0x2, s6;
	s29 =	sshll.u32 s3, $0x1  }
0x9: {  	s22 =	smul.u32 $0x2800, s3;
	s9 =	sshrl.u32 s28, $0x1;
	s17 =	sor.u32 s6, s29  }
0xa: {  	s16 =	sadd.s32 s7, s5;
	s30 =	sshrl.u32 s8, $0x2;
	s11 =	smul.u32 $0x2800, s17  }
0xb: {  	s18 =	ssub.s32 s28, s9;
	s8 =	smul.u32 $0x500, s17;
	p0 =	seq.s32 s17, $0x1F  }
.Ltmp0:
0xc: {  	s17 =	simm.s32 $0x2800;
	s5 =	sadd.s32 s30, s1;
	(pc) =	sbr.rel .LBB2_1-.Ltmp0, $4  }
0xd: {  	s31 =	sadd.s32 $0x2BA00, s16;
	s16 =	smax.u32 s18, $0x1;
	s18 =	simm.s32 $0x2  }
0xe: {  	s6 =	sadd.s32 $0x4000, s5;
	s7 =	sadd.s32 $0x8000, s5;
	s13 =	sshrl.u32 s11, $0x3  }
0xf: {  	s9 =	sadd.s32 $0xC000, s5;
	s10 =	sadd.s32 $0x10000, s5;
	s13 =	sadd.s32 $0x280, s13  }
0x10: {  	v0 =	vimm.f32 $0.0e+00;
	s11 =	sadd.s32 s0, s8;
	s22 =	sadd.s32 s22, s31;
	s15 =	sadd.s32 s0, s13  }
.LBB2_8:
0x11: {  	[tilespmem:s26], [sflag:$0x1] =	stream.indirect.gather @!p2 [hbm4b:s4+s0], $0x80, s29, s0, $0xb8;
	[tilespmem:$0x1E800] =	vst v63  }
.LBB2_9:
0x12: {  	s2 =	sadd.s32 $0x1, s2  }
0x13: {  	s0 =	sshll.u32 s3, $0x6;
	[bflag:$0x0] =	sbarrier.arrive $0xFFFF;
	p1 =	sne.s32 s2, s16  }
.Ltmp1:
0x14: {  	s23 =	sshrl.u32 s5, $0x3;
	s0 =	sor.u32 $0x1C02, s0;
	(pc) =	sbr.rel @!p1 .LBB2_10-.Ltmp1, $4  }
0x15: {  	[hbm:s22], [sflag:s0] =	dma.local [spmem:s23], $0x2800  }
0x16: {  	_ =	swait.ge [sflag:s18], $0x2800  }
0x17: {  	[sflag:s18] =	ssyncset.done $0x0  }
0x18: {  	[sflag:s18] =	ssyncadd.s32 $0xFFFFD800  }
.LBB2_1:
0x19: {  	s23 =	simm.s32 $0x0;
	s24 =	simm.s32 $0x200  }
.LBB2_2:
0x1a: {  	p1 =	sne.s32 s24, $0xFE00;
	[tilespmem:s23+$0x2870] =	vst v0  }
0x1b: {  	[tilespmem:s23+$0x2800] =	vst v0  }
0x1c: {  	[tilespmem:s23+$0x2810] =	vst v0  }
.Ltmp2:
0x1d: {  	[tilespmem:s23+$0x2820] =	vst v0;
	(pc) =	sbr.rel @p1 .LBB2_2-.Ltmp2, $4  }
0x1e: {  	[tilespmem:s23+$0x2830] =	vst v0  }
0x1f: {  	[tilespmem:s23+$0x2840] =	vst v0  }
0x20: {  	[tilespmem:s23+$0x2850] =	vst v0  }
0x21: {  	[tilespmem:s23+$0x2860] =	vst v0;
	s23 =	sshra.s32 s24, $0x2;
	s24 =	sadd.s32 $0x200, s24  }
0x22: {  	[tilespmem:s23+$0x2870] =	vst v0  }
0x23: {  	[tilespmem:s23+$0x2800] =	vst v0  }
0x24: {  	[tilespmem:s23+$0x2810] =	vst v0  }
0x25: {  	[tilespmem:s23+$0x2820] =	vst v0  }
0x26: {  	[tilespmem:s23+$0x2830] =	vst v0  }
0x27: {  	[tilespmem:s23+$0x2840] =	vst v0  }
0x28: {  	[tilespmem:s23+$0x2850] =	vst v0  }
0x29: {  	[tilespmem:s23+$0x2860] =	vst v0  }
0x2a: {  	[spmem:s5] =	stream.linear.scatter [tilespmem:s17], [sflag:$0x2], $0x4000, $0x38;
	[tilespmem:$0x1E800] =	vst v63  }
0x2b: {  	_ =	swait.ge [sflag:s18], $0x4000  }
0x2c: {  	[sflag:s18] =	ssyncset.done $0x0  }
0x2d: {  	[sflag:s18] =	ssyncadd.s32 $0xFFFFC000  }
0x2e: {  	[spmem:s6] =	stream.linear.scatter [tilespmem:s17], [sflag:$0x2], $0x4000, $0x38;
	[tilespmem:$0x1E800] =	vst v63  }
0x2f: {  	_ =	swait.ge [sflag:s18], $0x4000  }
0x30: {  	[sflag:s18] =	ssyncset.done $0x0  }
0x31: {  	[sflag:s18] =	ssyncadd.s32 $0xFFFFC000  }
0x32: {  	[spmem:s7] =	stream.linear.scatter [tilespmem:s17], [sflag:$0x2], $0x4000, $0x38;
	[tilespmem:$0x1E800] =	vst v63  }
0x33: {  	_ =	swait.ge [sflag:s18], $0x4000  }
0x34: {  	[sflag:s18] =	ssyncset.done $0x0  }
0x35: {  	[sflag:s18] =	ssyncadd.s32 $0xFFFFC000  }
0x36: {  	[spmem:s9] =	stream.linear.scatter [tilespmem:s17], [sflag:$0x2], $0x4000, $0x38;
	[tilespmem:$0x1E800] =	vst v63  }
0x37: {  	_ =	swait.ge [sflag:s18], $0x4000  }
0x38: {  	[sflag:s18] =	ssyncset.done $0x0  }
0x39: {  	[sflag:s18] =	ssyncadd.s32 $0xFFFFC000  }
0x3a: {  	[spmem:s10] =	stream.linear.scatter [tilespmem:s17], [sflag:$0x2], $0x4000, $0x38;
	[tilespmem:$0x1E800] =	vst v63  }
0x3b: {  	_ =	swait.ge [sflag:s18], $0x4000  }
0x3c: {  	[sflag:s18] =	ssyncset.done $0x0  }
0x3d: {  	[sflag:s18] =	ssyncadd.s32 $0xFFFFC000  }
0x3e: {  	s0 =	simm.s32 @p0 $0x0;
	s23 =	simm.s32 @p0 $0x2;
	[bflag:$0x0] =	sbarrier.arrive $0xFFFF  }
0x3f: {  	[tilespmem:s0], [sflag:$0x2] =	stream.linear.gather @p0 [hbm4b:s14+s0], $0xA00, $0x38;
	[tilespmem:$0x1E800] =	vst v63  }
0x40: {  	_ =	swait.ge @p0 [sflag:s23], $0xA00  }
0x41: {  	[sflag:s23] =	ssyncset.done @p0 $0x0  }
0x42: {  	s24 =	sadd.s32 @p0 $0x9B00, s12;
	s25 =	simm.s32 @p0 $0x1400;
	[sflag:s23] =	ssyncadd.s32 @p0 $0xFFFFF600  }
0x43: {  	[tilespmem:s25], [sflag:$0x2] =	stream.linear.gather @p0 [hbm4b:s24+s0], $0xA00, $0x38;
	[tilespmem:$0x1E800] =	vst v63  }
0x44: {  	_ =	swait.ge @p0 [sflag:s23], $0xA00  }
0x45: {  	[sflag:s23] =	ssyncset.done @p0 $0x0  }
0x46: {  	s0 =	simm.s32 @!p0 $0x0;
	[sflag:s23] =	ssyncadd.s32 @p0 $0xFFFFF600;
	s23 =	simm.s32 @!p0 $0x2  }
0x47: {  	[tilespmem:s0], [sflag:$0x2] =	stream.linear.gather @!p0 [hbm4b:s11+s0], $0x1400, $0x38;
	[tilespmem:$0x1E800] =	vst v63  }
0x48: {  	_ =	swait.ge @!p0 [sflag:s23], $0x1400  }
0x49: {  	[sflag:s23] =	ssyncset.done @!p0 $0x0  }
0x4a: {  	s24 =	sadd.s32 @!p0 s8, s12;
	s25 =	simm.s32 @!p0 $0x1400;
	[sflag:s23] =	ssyncadd.s32 @!p0 $0xFFFFEC00  }
0x4b: {  	[tilespmem:s25], [sflag:$0x2] =	stream.linear.gather @!p0 [hbm4b:s24+s0], $0x1400, $0x38;
	[tilespmem:$0x1E800] =	vst v63  }
0x4c: {  	_ =	swait.ge @!p0 [sflag:s23], $0x1400  }
0x4d: {  	[sflag:s23] =	ssyncset.done @!p0 $0x0  }
0x4e: {  	s25 =	simm.s32 $0x0;
	[sflag:s23] =	ssyncadd.s32 @!p0 $0xFFFFEC00;
	s23 =	simm.s32 @!p0 $0x28  }
0x4f: {  	[tilespmem:s17], [sflag:$0x1] =	stream.indirect.gather [hbm4b:s4+s19], $0x80, s25, s19, $0xb8;
	[tilespmem:$0x1E800] =	vst v63  }
0x50: {  	s30 =	simm.s32 $0x100;
	s23 =	simm.s32 @p0 $0x14  }
0x51: {  	[tilespmem:s20], [sflag:$0x1] =	stream.indirect.gather [hbm4b:s4+s19], $0x80, s19, s19, $0xb8;
	[tilespmem:$0x1E800] =	vst v63  }
0x52: {  	s26 =	simm.s32 $0x1400;
	s24 =	sshll.u32 s23, $0xE;
	_ =	swait.ge [sflag:s21], $0x4000  }
0x53: {  	s0 =	sand.u32 $0x4000, s25;
	p1 =	sne.s32 s24, $0x4000;
	[sflag:s21] =	ssyncset.done $0x0  }
.Ltmp3:
0x54: {  	s29 =	sor.u32 $0x2800, s0;
	[sflag:s21] =	ssyncadd.s32 $0xFFFFC000;
	(pc) =	sbr.rel @!p1 .LBB2_5-.Ltmp3, $4  }
0x55: {  	[spmem:s1] =	stream.indirect.scatter.add.f32 [tilespmem:s29], [sflag:$0x2], $0x80, s26, s19, $0xb8;
	[tilespmem:$0x1E800] =	vst v63  }
0x56: {  	s28 =	simm.s32 $0x3;
	s31 =	simm.s32 $0x180;
	_ =	swait.ge [sflag:s18], $0x4000  }
0x57: {  	s25 =	simm.s32 $0x4000;
	p2 =	sle.u32 s23, $0x2;
	[sflag:s18] =	ssyncset.done $0x0  }
0x58: {  	s0 =	simm.s32 @!p2 $0x80;
	s26 =	simm.s32 $0x1480;
	[sflag:s18] =	ssyncadd.s32 $0xFFFFC000  }
.LBB2_4:
0x59: {  	[tilespmem:s29], [sflag:$0x1] =	stream.indirect.gather @!p2 [hbm4b:s4+s0], $0x80, s30, s0, $0xb8;
	[tilespmem:$0x1E800] =	vst v63  }
0x5a: {  	s0 =	smov.u32 s25;
	s25 =	sadd.s32 $0x4000, s25;
	_ =	swait.ge [sflag:s21], $0x4000  }
0x5b: {  	s0 =	sand.u32 $0x4000, s0;
	p1 =	sne.s32 s24, s25;
	[sflag:s21] =	ssyncset.done $0x0  }
.Ltmp4:
0x5c: {  	s29 =	sor.u32 $0x2800, s0;
	[sflag:s21] =	ssyncadd.s32 $0xFFFFC000;
	(pc) =	sbr.rel @p1 .LBB2_4-.Ltmp4, $4  }
0x5d: {  	[spmem:s1] =	stream.indirect.scatter.add.f32 [tilespmem:s29], [sflag:$0x2], $0x80, s26, s19, $0xb8;
	[tilespmem:$0x1E800] =	vst v63  }
0x5e: {  	s30 =	smov.u32 s31;
	s26 =	sadd.s32 $0x80, s26;
	_ =	swait.ge [sflag:s18], $0x4000  }
0x5f: {  	p2 =	sge.u32 s28, s23;
	s28 =	sadd.s32 $0x1, s28;
	[sflag:s18] =	ssyncset.done $0x0  }
0x60: {  	s31 =	sadd.s32 $0x80, s31;
	s0 =	simm.s32 @!p2 $0x80;
	[sflag:s18] =	ssyncadd.s32 $0xFFFFC000  }
.LBB2_5:
.Ltmp5:
0x61: {  	(pc) =	sbr.rel @p0 .LBB2_9-.Ltmp5, $2  }
0x62: {  	_ =	sdelay $0x2  }
0x63: {  	[tilespmem:s29], [sflag:$0x1] =	stream.indirect.gather @!p2 [hbm4b:s4+s0], $0x80, s30, s0, $0xb8;
	[tilespmem:$0x1E800] =	vst v63  }
0x64: {  	s0 =	simm.s32 $0x0  }
0x65: {  	[tilespmem:s0], [sflag:$0x2] =	stream.linear.gather [hbm4b:s15+s0], $0x1400, $0x38;
	[tilespmem:$0x1E800] =	vst v63  }
0x66: {  	_ =	swait.ge [sflag:s18], $0x1400  }
0x67: {  	[sflag:s18] =	ssyncset.done $0x0  }
0x68: {  	s23 =	sadd.s32 s13, s12;
	s24 =	simm.s32 $0x1400;
	[sflag:s18] =	ssyncadd.s32 $0xFFFFEC00  }
0x69: {  	[tilespmem:s24], [sflag:$0x2] =	stream.linear.gather [hbm4b:s23+s0], $0x1400, $0x38;
	[tilespmem:$0x1E800] =	vst v63  }
0x6a: {  	_ =	swait.ge [sflag:s18], $0x1400  }
0x6b: {  	[sflag:s18] =	ssyncset.done $0x0  }
0x6c: {  	[sflag:s18] =	ssyncadd.s32 $0xFFFFEC00  }
0x6d: {  	[tilespmem:s17], [sflag:$0x1] =	stream.indirect.gather [hbm4b:s4+s19], $0x80, s0, s19, $0xb8;
	[tilespmem:$0x1E800] =	vst v63  }
0x6e: {  	_ = 	snop  }
0x6f: {  	[tilespmem:s20], [sflag:$0x1] =	stream.indirect.gather [hbm4b:s4+s19], $0x80, s19, s19, $0xb8;
	[tilespmem:$0x1E800] =	vst v63  }
0x70: {  	_ =	swait.ge [sflag:s21], $0x4000  }
0x71: {  	s0 =	sand.u32 $0x4000, s0;
	[sflag:s21] =	ssyncset.done $0x0  }
0x72: {  	s29 =	simm.s32 $0x100;
	s26 =	sor.u32 $0x2800, s0;
	[sflag:s21] =	ssyncadd.s32 $0xFFFFC000  }
0x73: {  	[spmem:s1] =	stream.indirect.scatter.add.f32 [tilespmem:s26], [sflag:$0x2], $0x80, s24, s19, $0xb8;
	[tilespmem:$0x1E800] =	vst v63  }
0x74: {  	p2 =	por $0x0, $0x0;
	s25 =	simm.s32 $0x1480;
	_ =	swait.ge [sflag:s18], $0x4000  }
0x75: {  	s28 =	simm.s32 $0x180;
	s23 =	simm.s32 $0x1;
	[sflag:s18] =	ssyncset.done $0x0  }
0x76: {  	s0 =	simm.s32 @!p2 $0x80;
	s24 =	simm.s32 $0x4000;
	[sflag:s18] =	ssyncadd.s32 $0xFFFFC000  }
.LBB2_7:
0x77: {  	[tilespmem:s26], [sflag:$0x1] =	stream.indirect.gather @!p2 [hbm4b:s4+s0], $0x80, s29, s0, $0xb8;
	[tilespmem:$0x1E800] =	vst v63  }
0x78: {  	s0 =	smov.u32 s23;
	s23 =	sadd.s32 $0x1, s23;
	_ =	swait.ge [sflag:s21], $0x4000  }
0x79: {  	s26 =	sand.u32 $0x4000, s24;
	p1 =	sne.s32 s23, $0x28;
	[sflag:s21] =	ssyncset.done $0x0  }
.Ltmp6:
0x7a: {  	s26 =	sor.u32 $0x2800, s26;
	[sflag:s21] =	ssyncadd.s32 $0xFFFFC000;
	(pc) =	sbr.rel @p1 .LBB2_7-.Ltmp6, $4  }
0x7b: {  	[spmem:s1] =	stream.indirect.scatter.add.f32 [tilespmem:s26], [sflag:$0x2], $0x80, s25, s19, $0xb8;
	[tilespmem:$0x1E800] =	vst v63  }
0x7c: {  	s24 =	sadd.s32 $0x4000, s24;
	s29 =	smov.u32 s28;
	_ =	swait.ge [sflag:s18], $0x4000  }
0x7d: {  	p2 =	sgt.u32 s0, $0x25;
	s25 =	sadd.s32 $0x80, s25;
	[sflag:s18] =	ssyncset.done $0x0  }
0x7e: {  	s28 =	sadd.s32 $0x80, s28;
	s0 =	simm.s32 @!p2 $0x80;
	[sflag:s18] =	ssyncadd.s32 $0xFFFFC000  }
.Ltmp7:
0x7f: {  	_ = 	snop;
	(pc) =	sbr.rel .LBB2_8-.Ltmp7, $1  }
0x80: {  	_ =	sdelay $0x3  }
.LBB2_10:
0x81: {  	_ =	sfence.sel $0x180000  }
0x82: {  	[bflag:$0x0] =	sbarrier.arrive $0xFFFF  }
0x83: {  	_ =	strace $0x90000050  }
0x84: {  	[bflag:$0x2] =	sbarrier.arrive $0xFFFF  }
0x85: {  	p0 =	sne.s32 s3, $0x0;
	s0 =	rddreg [dreg:$0x3]  }
0x86: {  	s0 =	sadd.s32 @!p0 $0x100000, s0  }
0x87: {  	[sflag:s0] =	ssyncadd.tile.s32 @!p0 $0x1;
	_ =	shalt  }
.Lfunc_end2:
_tile_overlayer_lowered:
.L_overlay_start_2:
0x88: {  	(tag) =	ssettag $0x2  }
0x89: {  	s0 =	rddreg [dreg:$0x0];
	s2 =	stileid.u32  }
0x8a: {  	s1 =	rddreg [dreg:$0x1];
	p0 =	sne.s32 s2, $0x0  }
0x8b: {  	s3 =	rddreg [dreg:$0x2];
	[bflag:$0x3] =	sbarrier.arrive $0xFFFF;
	s2 =	simm.s32 @!p0 $0x1C02  }
0x8c: {  	[timem:s3], [sflag:s2] =	dma.local @!p0 [hbm:s0], s1  }
0x8d: {  	s0 =	simm.s32 @!p0 $0x2  }
0x8e: {  	_ =	swait.ge @!p0 [sflag:s0], s1  }
0x8f: {  	s1 =	ssub.s32 @!p0 $0x0, s1;
	[sflag:s0] =	ssyncset.done @!p0 $0x0  }
0x90: {  	[sflag:s0] =	ssyncadd.s32 @!p0 s1  }
0x91: {  	[bflag:$0x3] =	sbarrier.arrive $0xFFFF  }
0x92: {  	_ =	shalt  }

</sc_bundles>
